<compile_context>
chip_gen: v7x
topology: tpu7x:2x2x1
jax: 0.10.2.dev20260603
libtpu: 0.0.44.dev20260713+nightly
codegen_flags: <defaults>
</compile_context>

<pallas_src>
import functools

import numpy as np
import jax
import jax.numpy as jnp
from jax import lax
from jax.experimental import pallas as pl
from jax.experimental.pallas import tpu as pltpu
from jax.experimental.pallas import tpu_sc as plsc

NN = 10000
EE = 320000
DD = 128
DE = 16
NPAD = 10240
EPAD = 327680
EPT = 10240
NPT = 320
EPTS = EPAD // 16
CE = 64
NCH0 = 224
NCH1 = 96
TRASH = 10200

_OFF = np.linspace(np.float32(0.0), np.float32(10.0), DE).astype(np.float32)
_COEFF = float(np.float32(-0.5) / np.float32(_OFF[1] - _OFF[0]) ** 2)

_MESH = dict(core_axis_name="c", subcore_axis_name="s")


def _sc_prep(posP, atp1, srcA, dstA, emb):
    @functools.partial(
        pl.kernel,
        out_type=(jax.ShapeDtypeStruct((EPAD, DE), jnp.float32),
                  jax.ShapeDtypeStruct((NPAD, DD), jnp.float32)),
        mesh=plsc.VectorSubcoreMesh(**_MESH),
        scratch_types=[
            pltpu.VMEM((CE,), jnp.int32), pltpu.VMEM((CE,), jnp.int32),
            pltpu.VMEM((CE,), jnp.int32), pltpu.VMEM((CE,), jnp.int32),
            pltpu.VMEM((CE, DD), jnp.float32),
            pltpu.VMEM((CE, DD), jnp.float32),
            pltpu.VMEM((CE, DD), jnp.float32),
            pltpu.VMEM((CE, DD), jnp.float32),
            pltpu.VMEM((CE, DE), jnp.float32),
            pltpu.VMEM((CE, DE), jnp.float32),
            pltpu.VMEM((NPT,), jnp.int32),
            pltpu.VMEM((64, DD), jnp.float32),
            pltpu.SemaphoreType.DMA, pltpu.SemaphoreType.DMA,
            pltpu.SemaphoreType.DMA, pltpu.SemaphoreType.DMA,
            pltpu.SemaphoreType.DMA, pltpu.SemaphoreType.DMA,
        ],
    )
    def k(pos_h, atp_h, src_h, dst_h, emb_h, sq_h, hout_h,
          siA, diA, siB, diB, paA, pbA, paB, pbB, sqA, sqB, ai, hr,
          smiA, smiB, smgA, smgB, smhA, smhB):
        cid = lax.axis_index("c")
        sid = lax.axis_index("s")
        wid = sid * 2 + cid
        ebase = jnp.where(cid == 0, sid * (NCH0 * CE),
                          16 * (NCH0 * CE) + sid * (NCH1 * CE))
        nch2 = jnp.where(cid == 0, NCH0 // 2, NCH1 // 2)

        pltpu.sync_copy(atp_h.at[pl.ds(wid * NPT, NPT)], ai)
        for j in range(NPT // 64):
            pltpu.sync_copy(emb_h.at[ai.at[pl.ds(j * 64, 64)]], hr)
            pltpu.sync_copy(
                hr, hout_h.at[pl.ds(pl.multiple_of(wid * NPT + j * 64, 64),
                                    64)])

        def cb(c):
            return pl.ds(pl.multiple_of(ebase + c * CE, CE), CE)

        def issue_idx(c, si, di, sm):
            pltpu.async_copy(src_h.at[cb(c)], si, sm)
            pltpu.async_copy(dst_h.at[cb(c)], di, sm)

        def wait_idx(si, di, sm):
            pltpu.make_async_copy(src_h.at[cb(0)], si, sm).wait()
            pltpu.make_async_copy(dst_h.at[cb(0)], di, sm).wait()

        def issue_g(si, di, pa, pb, sm, sm2):
            pltpu.async_copy(pos_h.at[si], pa, sm)
            pltpu.async_copy(pos_h.at[di], pb, sm2)

        def wait_g(si, di, pa, pb, sm, sm2):
            pltpu.make_async_copy(pos_h.at[si], pa, sm).wait()
            pltpu.make_async_copy(pos_h.at[di], pb, sm2).wait()

        def process(c, pa, pb, sqv):
            @plsc.parallel_loop(0, CE, unroll=8)
            def sqr(e):
                d = pa[e, pl.ds(0, DE)] - pb[e, pl.ds(0, DE)]
                sqv[e, pl.ds(0, DE)] = d * d
            pltpu.sync_copy(sqv, sq_h.at[cb(c)])

        issue_idx(0, siA, diA, smiA)
        issue_idx(1, siB, diB, smiB)
        wait_idx(siA, diA, smiA)
        issue_g(siA, diA, paA, pbA, smgA, smhA)

        def pair(p, carry):
            c0 = 2 * p
            wait_idx(siB, diB, smiB)
            issue_g(siB, diB, paB, pbB, smgB, smhB)
            wait_g(siA, diA, paA, pbA, smgA, smhA)
            process(c0, paA, pbA, sqA)

            @pl.when(p + 1 < nch2)
            def _():
                issue_idx(c0 + 2, siA, diA, smiA)
                wait_idx(siA, diA, smiA)
                issue_g(siA, diA, paA, pbA, smgA, smhA)

            wait_g(siB, diB, paB, pbB, smgB, smhB)
            process(c0 + 1, paB, pbB, sqB)

            @pl.when(p + 1 < nch2)
            def _():
                issue_idx(c0 + 3, siB, diB, smiB)

            return carry

        lax.fori_loop(0, nch2, pair, 0)

    return k(posP, atp1, srcA, dstA, emb)


def _edge_mlp(sq, ew):
    TE = 2048
    full = lambda s: pl.BlockSpec(s, lambda i: (0, 0))
    step = float(_OFF[1])

    def body(sq_ref, w00, b00, g0, t0, w10, b10,
             w01, b01, g1, t1, w11, b11, o0, o1):
        d2 = jnp.sum(sq_ref[...], axis=-1, keepdims=True)
        d = jnp.sqrt(d2)
        offs = lax.broadcasted_iota(
            jnp.int32, (TE, DE), 1).astype(jnp.float32) * step
        t = d - offs
        x = jnp.exp(_COEFF * (t * t))
        for (w0, b0, g, t, w1, b1, o) in (
                (w00, b00, g0, t0, w10, b10, o0),
                (w01, b01, g1, t1, w11, b11, o1)):
            a = jnp.dot(x.astype(jnp.bfloat16), w0[...].astype(jnp.bfloat16),
                        preferred_element_type=jnp.float32)
            a = a + b0[...]
            mu = jnp.mean(a, axis=-1, keepdims=True)
            v = jnp.mean((a - mu) ** 2, axis=-1, keepdims=True)
            a = (a - mu) / jnp.sqrt(v + 1e-5) * g[...] + t[...]
            a = a * jax.nn.sigmoid(a)
            a = jnp.dot(a.astype(jnp.bfloat16), w1[...].astype(jnp.bfloat16),
                        preferred_element_type=jnp.float32)
            o[...] = a + b1[...]

    wspecs = []
    for _ in range(2):
        wspecs += [full((DE, DD)), full((1, DD)), full((1, DD)),
                   full((1, DD)), full((DD, DD)), full((1, DD))]
    return pl.pallas_call(
        body,
        grid=(EPAD // TE,),
        in_specs=[pl.BlockSpec((TE, DE), lambda i: (i, 0))] + wspecs,
        out_specs=[pl.BlockSpec((TE, DD), lambda i: (i, 0))] * 2,
        out_shape=[jax.ShapeDtypeStruct((EPAD, DD), jnp.float32)] * 2,
    )(sq, *ew)


def _msg_scatter(h, ea, srcA, dstC):
    @functools.partial(
        pl.kernel,
        out_type=jax.ShapeDtypeStruct((2, NPAD, DD), jnp.float32),
        mesh=plsc.VectorSubcoreMesh(**_MESH),
        scratch_types=[
            pltpu.VMEM((CE,), jnp.int32), pltpu.VMEM((CE,), jnp.int32),
            pltpu.VMEM((CE,), jnp.int32), pltpu.VMEM((CE,), jnp.int32),
            pltpu.VMEM((CE, DD), jnp.float32),
            pltpu.VMEM((CE, DD), jnp.float32),
            pltpu.VMEM((CE, DD), jnp.float32),
            pltpu.VMEM((CE, DD), jnp.float32),
            pltpu.VMEM_SHARED((NPAD, DD), jnp.float32),
            pltpu.SemaphoreType.DMA, pltpu.SemaphoreType.DMA,
            pltpu.SemaphoreType.DMA, pltpu.SemaphoreType.DMA,
            pltpu.SemaphoreType.DMA, pltpu.SemaphoreType.DMA,
        ],
    )
    def k(h_h, ea_h, src_h, dst_h, out_h,
          siA, diA, siB, diB, hbA, eaA, hbB, eaB, acc,
          smiA, smiB, smgA, smgB, smeA, smeB):
        cid = lax.axis_index("c")
        sid = lax.axis_index("s")
        ebase = jnp.where(cid == 0, sid * (NCH0 * CE),
                          16 * (NCH0 * CE) + sid * (NCH1 * CE))
        nch2 = jnp.where(cid == 0, NCH0 // 2, NCH1 // 2)
        row0 = pl.multiple_of(sid * (NPAD // 16), NPAD // 16)

        @plsc.parallel_loop(0, CE, unroll=4)
        def zb(i):
            for r in range(8):
                eaA[i, pl.ds(r * 16, 16)] = jnp.zeros((16,), jnp.float32)
        for j in range(NPAD // 16 // CE):
            pltpu.sync_copy(eaA, acc.at[pl.ds(row0 + j * CE, CE)])
        plsc.subcore_barrier()

        def cb(c):
            return pl.ds(pl.multiple_of(ebase + c * CE, CE), CE)

        def issue_idx(c, si, di, sm):
            pltpu.async_copy(src_h.at[cb(c)], si, sm)
            pltpu.async_copy(dst_h.at[cb(c)], di, sm)

        def wait_idx(si, di, sm):
            pltpu.make_async_copy(src_h.at[cb(0)], si, sm).wait()
            pltpu.make_async_copy(dst_h.at[cb(0)], di, sm).wait()

        def issue_g(c, si, hb, eab, smg, sme):
            pltpu.async_copy(h_h.at[si], hb, smg)
            pltpu.async_copy(ea_h.at[cb(c)], eab, sme)

        def wait_g(si, hb, eab, smg, sme):
            pltpu.make_async_copy(h_h.at[si], hb, smg).wait()
            pltpu.make_async_copy(ea_h.at[cb(0)], eab, sme).wait()

        def process(hb, eab, di):
            @plsc.parallel_loop(0, CE, unroll=4)
            def mul(e):
                for r in range(8):
                    s = pl.ds(r * 16, 16)
                    eab[e, s] = eab[e, s] * hb[e, s]
            pltpu.sync_copy(eab, acc.at[di], add=True)

        issue_idx(0, siA, diA, smiA)
        issue_idx(1, siB, diB, smiB)
        wait_idx(siA, diA, smiA)
        issue_g(0, siA, hbA, eaA, smgA, smeA)

        def pair(p, carry):
            c0 = 2 * p
            wait_idx(siB, diB, smiB)
            issue_g(c0 + 1, siB, hbB, eaB, smgB, smeB)
            wait_g(siA, hbA, eaA, smgA, smeA)
            process(hbA, eaA, diA)

            @pl.when(p + 1 < nch2)
            def _():
                issue_idx(c0 + 2, siA, diA, smiA)
                wait_idx(siA, diA, smiA)
                issue_g(c0 + 2, siA, hbA, eaA, smgA, smeA)

            wait_g(siB, hbB, eaB, smgB, smeB)
            process(hbB, eaB, diB)

            @pl.when(p + 1 < nch2)
            def _():
                issue_idx(c0 + 3, siB, diB, smiB)

            return carry

        lax.fori_loop(0, nch2, pair, 0)
        plsc.subcore_barrier()
        pltpu.sync_copy(acc.at[pl.ds(row0, NPAD // 16)],
                        out_h.at[cid].at[pl.ds(row0, NPAD // 16)])

    return k(h, ea, srcA, dstC)


def _node_mlp(hp0, hp1, h, nw, first):
    TR = 1024
    full = lambda s: pl.BlockSpec(s, lambda i: (0, 0))
    row = pl.BlockSpec((TR, DD), lambda i: (i, 0))

    def body(hp0_r, hp1_r, h_r, ca_r, w0_r, b0_r, g_r, t_r, w1_r, b1_r,
             fg_r, fb_r, z_r, s_r):
        pi = pl.program_id(0)
        zin = ca_r[...] * (hp0_r[...] + hp1_r[...]) + h_r[...]
        a = jnp.dot(zin, w0_r[...], preferred_element_type=jnp.float32)
        a = a + b0_r[...]
        mu = jnp.mean(a, axis=-1, keepdims=True)
        v = jnp.mean((a - mu) ** 2, axis=-1, keepdims=True)
        a = (a - mu) / jnp.sqrt(v + 1e-5) * g_r[...] + t_r[...]
        a = a * jax.nn.sigmoid(a)
        z = jnp.dot(a, w1_r[...], preferred_element_type=jnp.float32)
        z = z + b1_r[...]
        if first:
            mu2 = jnp.mean(z, axis=-1, keepdims=True)
            v2 = jnp.mean((z - mu2) ** 2, axis=-1, keepdims=True)
            z = (z - mu2) / jnp.sqrt(v2 + 1e-5) * fg_r[...] + fb_r[...]
            z = z * jax.nn.sigmoid(z)
        z_r[...] = z
        rows = pi * TR + lax.broadcasted_iota(jnp.int32, (TR, DD), 0)
        zm = jnp.where(rows < NN, z, 0.0)
        part = jnp.concatenate(
            [jnp.sum(zm, axis=0, keepdims=True),
             jnp.sum(zm * zm, axis=0, keepdims=True),
             jnp.zeros((6, DD), jnp.float32)], axis=0)

        @pl.when(pi == 0)
        def _():
            s_r[...] = part

        @pl.when(pi != 0)
        def _():
            s_r[...] = s_r[...] + part

    return pl.pallas_call(
        body,
        grid=(NPAD // TR,),
        in_specs=[row, row, row, full((1, DD)), full((DD, DD)),
                  full((1, DD)), full((1, DD)), full((1, DD)),
                  full((DD, DD)), full((1, DD)), full((1, DD)),
                  full((1, DD))],
        out_specs=[row, pl.BlockSpec((8, DD), lambda i: (0, 0))],
        out_shape=[jax.ShapeDtypeStruct((NPAD, DD), jnp.float32),
                   jax.ShapeDtypeStruct((8, DD), jnp.float32)],
    )(hp0, hp1, h, *nw)


def _gnorm_resid(z, sums, h, gw, gb, gms, ga, first):
    TR = 1024
    full = lambda s: pl.BlockSpec(s, lambda i: (0, 0))
    row = pl.BlockSpec((TR, DD), lambda i: (i, 0))

    def body(z_r, s_r, h_r, gw_r, gb_r, gms_r, ga_r, o_r):
        s = s_r[...]
        mean = s[0:1, :] * (1.0 / NN)
        m2 = s[1:2, :] * (1.0 / NN)
        mm = mean * gms_r[...]
        var = m2 - 2.0 * mm * mean + mm * mm
        inv = 1.0 / jnp.sqrt(var + 1e-5)
        zf = (z_r[...] - mm) * (gw_r[...] * inv) + gb_r[...]
        if first:
            zf = zf * jax.nn.sigmoid(zf)
        o_r[...] = ga_r[...] * zf + h_r[...]

    return pl.pallas_call(
        body,
        grid=(NPAD // TR,),
        in_specs=[row, pl.BlockSpec((8, DD), lambda i: (0, 0)), row,
                  full((1, DD)), full((1, DD)), full((1, DD)),
                  full((1, DD))],
        out_specs=row,
        out_shape=jax.ShapeDtypeStruct((NPAD, DD), jnp.float32),
    )(z, sums, h, gw, gb, gms, ga)


def kernel(atom_type, pos, batch, edge_index, params):
    del batch
    p = params
    r1 = lambda a: a.reshape(1, DD)
    src = edge_index[0]
    dst = edge_index[1]
    pe = EPAD - EE
    srcA = jnp.concatenate([src, jnp.zeros((pe,), jnp.int32)])
    dstA = jnp.concatenate([dst, jnp.zeros((pe,), jnp.int32)])
    dstC = jnp.concatenate([dst, jnp.full((pe,), TRASH, jnp.int32)])
    atp1 = jnp.concatenate(
        [atom_type, jnp.zeros((NPAD - NN,), jnp.int32)])
    posP = jnp.pad(pos, ((0, 0), (0, DD - 3)))

    sq, h = _sc_prep(posP, atp1, srcA, dstA, p['emb'])

    ew = []
    for i in range(2):
        ew += [p['eW0_%d' % i], r1(p['eb0_%d' % i]), r1(p['eln_g_%d' % i]),
               r1(p['eln_b_%d' % i]), p['eW1_%d' % i], r1(p['eb1_%d' % i])]
    ea = _edge_mlp(sq, ew)

    for i in range(2):
        first = i == 0
        hp = _msg_scatter(h, ea[i], srcA, dstC)
        nw = [r1(p['ca_%d' % i]), p['nW0_%d' % i], r1(p['nb0_%d' % i]),
              r1(p['nln_g_%d' % i]), r1(p['nln_b_%d' % i]),
              p['nW1_%d' % i], r1(p['nb1_%d' % i]),
              r1(p['nfln_g_0']), r1(p['nfln_b_0'])]
        z, sums = _node_mlp(hp[0], hp[1], h, nw, first)
        ga = jnp.full((1, DD), 1.0, jnp.float32) * p['galpha'][i]
        h = _gnorm_resid(z, sums, h, r1(p['gn_w_%d' % i]),
                         r1(p['gn_b_%d' % i]), r1(p['gn_ms_%d' % i]),
                         ga, first)
    return h[:NN]

# --- scband reference (transcript-rebuilt; emitter-appended) ---
"""Pipeline reference for scband-vfinterpolator-13657996001995 (READ-ONLY COPY).

The authoritative reference and input builder live on the scoring server;
editing this copy changes nothing except your own understanding.
"""

import jax, jax.numpy as jnp
import numpy as np

N = 10000
E = 320000
D = 128
DE = 16
CUTOFF = 10.0
N_CONVS = 2


def silu(x):
    return x * jax.nn.sigmoid(x)


def layer_norm(x, g, b):
    mu = jnp.mean(x, axis=-1, keepdims=True)
    var = jnp.mean((x - mu) ** 2, axis=-1, keepdims=True)
    return (x - mu) / jnp.sqrt(var + 1e-5) * g + b


def setup_inputs(seed: int = 0):
    key = jax.random.key(seed)
    k_at, k_pos, k_ei = jax.random.split(key, 3)
    atom_type = jax.random.randint(k_at, (N,), 0, 200, dtype=jnp.int32)
    pos = jax.random.normal(k_pos, (N, 3), dtype=jnp.float32) * 5.0
    batch = jnp.zeros((N,), dtype=jnp.int32)
    edge_index = jax.random.randint(k_ei, (2, E), 0, N, dtype=jnp.int32)

    pk = jax.random.key(1)

    def w(c, shape):
        return jax.random.normal(jax.random.fold_in(pk, c), shape, dtype=jnp.float32) * 0.05

    params = {'emb': w(0, (200, D)), 'galpha': 0.8 * jnp.ones((N_CONVS,), jnp.float32)}
    c = 1
    for i in range(N_CONVS):
        params['eW0_%d' % i] = w(c, (DE, D)); c += 1
        params['eb0_%d' % i] = jnp.zeros((D,), jnp.float32)
        params['eln_g_%d' % i] = jnp.ones((D,), jnp.float32)
        params['eln_b_%d' % i] = jnp.zeros((D,), jnp.float32)
        params['eW1_%d' % i] = w(c, (D, D)); c += 1
        params['eb1_%d' % i] = jnp.zeros((D,), jnp.float32)
        params['nW0_%d' % i] = w(c, (D, D)); c += 1
        params['nb0_%d' % i] = jnp.zeros((D,), jnp.float32)
        params['nln_g_%d' % i] = jnp.ones((D,), jnp.float32)
        params['nln_b_%d' % i] = jnp.zeros((D,), jnp.float32)
        params['nW1_%d' % i] = w(c, (D, D)); c += 1
        params['nb1_%d' % i] = jnp.zeros((D,), jnp.float32)
        params['ca_%d' % i] = 0.8 * jnp.ones((D,), jnp.float32)
        params['gn_w_%d' % i] = jnp.ones((D,), jnp.float32)
        params['gn_b_%d' % i] = jnp.zeros((D,), jnp.float32)
        params['gn_ms_%d' % i] = jnp.ones((D,), jnp.float32)
    params['nfln_g_0'] = jnp.ones((D,), jnp.float32)
    params['nfln_b_0'] = jnp.zeros((D,), jnp.float32)
    return {'atom_type': atom_type, 'pos': pos, 'batch': batch, 'edge_index': edge_index, 'params': params}


def _forward(atom_type, pos, batch, edge_index, params):
    src = edge_index[0]
    dst = edge_index[1]
    # RadiusInteractionGraph edge weights (graph structure precomputed as edge_index input)
    d = jnp.linalg.norm(pos[src] - pos[dst], axis=-1)
    # GaussianSmearing(0, cutoff, num_gaussians=DE)
    offset = jnp.linspace(0.0, CUTOFF, DE)
    coeff = -0.5 / (offset[1] - offset[0]) ** 2
    edge_attr_raw = jnp.exp(coeff * (d[:, None] - offset[None, :]) ** 2)
    # atom type embedding
    h = params['emb'][atom_type]
    num_graphs = 1
    cnt = jax.ops.segment_sum(jnp.ones((h.shape[0],), jnp.float32), batch, num_segments=num_graphs)
    for i in range(N_CONVS):
        # ConvLayer.edge_mlp: Linear -> LN -> SiLU -> Linear
        ea = edge_attr_raw @ params['eW0_%d' % i] + params['eb0_%d' % i]
        ea = silu(layer_norm(ea, params['eln_g_%d' % i], params['eln_b_%d' % i]))
        ea = ea @ params['eW1_%d' % i] + params['eb1_%d' % i]
        # message = x_j * edge_attr ; aggregate sum at dst
        msg = h[src] * ea
        h0 = jax.ops.segment_sum(msg, dst, num_segments=h.shape[0])
        # node_mlp(alpha * h0 + x_dst)
        z = params['ca_%d' % i][None, :] * h0 + h
        z = z @ params['nW0_%d' % i] + params['nb0_%d' % i]
        z = silu(layer_norm(z, params['nln_g_%d' % i], params['nln_b_%d' % i]))
        z = z @ params['nW1_%d' % i] + params['nb1_%d' % i]
        if i + 1 < N_CONVS:
            z = silu(layer_norm(z, params['nfln_g_0'], params['nfln_b_0']))
        # GraphNorm (PyG): per-graph mean/std with learned mean_scale
        mean = jax.ops.segment_sum(z, batch, num_segments=num_graphs) / cnt[:, None]
        out0 = z - mean[batch] * params['gn_ms_%d' % i]
        var = jax.ops.segment_sum(out0 ** 2, batch, num_segments=num_graphs) / cnt[:, None]
        z = params['gn_w_%d' % i] * out0 / jnp.sqrt(var + 1e-5)[batch] + params['gn_b_%d' % i]
        if i + 1 < N_CONVS:
            z = silu(z)
        # global residual mixing with learned alpha
        h = params['galpha'][i] * z + h
    return h


def reference(atom_type, pos, batch, edge_index, params):
    return _forward(atom_type, pos, batch, edge_index, params)

if __name__ == "__main__":
    import jax
    _d = setup_inputs()
    print(jax.jit(kernel)(*tuple(_d.values())))

</pallas_src>

<mosaic_0001>
#map = affine_map<(d0, d1) -> (0, 0)>
#map1 = affine_map<(d0, d1) -> (0)>
#map2 = affine_map<(d0, d1) -> (0, 0, 0)>
module attributes {stable_mosaic.version = 14 : i64} {
  func.func @k(%arg0: i32, %arg1: i32, %arg2: memref<10240x128xf32, #tpu.memory_space<hbm>>, %arg3: memref<327680x128xf32, #tpu.memory_space<hbm>>, %arg4: memref<327680xi32, #tpu.memory_space<hbm>>, %arg5: memref<327680xi32, #tpu.memory_space<hbm>>, %arg6: memref<2x10240x128xf32, #tpu.memory_space<hbm>>, %arg7: memref<64xi32, #tpu.memory_space<vmem>>, %arg8: memref<64xi32, #tpu.memory_space<vmem>>, %arg9: memref<64xi32, #tpu.memory_space<vmem>>, %arg10: memref<64xi32, #tpu.memory_space<vmem>>, %arg11: memref<64x128xf32, #tpu.memory_space<vmem>>, %arg12: memref<64x128xf32, #tpu.memory_space<vmem>>, %arg13: memref<64x128xf32, #tpu.memory_space<vmem>>, %arg14: memref<64x128xf32, #tpu.memory_space<vmem>>, %arg15: memref<10240x128xf32, #tpu.memory_space<vmem_shared>>, %arg16: memref<!tpu.dma_semaphore, #tpu.memory_space<semaphore_mem>>, %arg17: memref<!tpu.dma_semaphore, #tpu.memory_space<semaphore_mem>>, %arg18: memref<!tpu.dma_semaphore, #tpu.memory_space<semaphore_mem>>, %arg19: memref<!tpu.dma_semaphore, #tpu.memory_space<semaphore_mem>>, %arg20: memref<!tpu.dma_semaphore, #tpu.memory_space<semaphore_mem>>, %arg21: memref<!tpu.dma_semaphore, #tpu.memory_space<semaphore_mem>>) attributes {dimension_semantics = [#tpu.dimension_semantics<core_parallel>, #tpu.dimension_semantics<subcore_parallel>], iteration_bounds = array<i64: 2, 16>, scalar_prefetch = 0 : i64, scratch_operands = 15 : i64, tpu.core_type = #tpu.core_type<sc_vector_subcore>, window_params = [{transform_indices = #map}, {transform_indices = #map}, {transform_indices = #map1}, {transform_indices = #map1}, {transform_indices = #map2}]} {
    %eq3A = arith.constant 0 : i32
    %eq3A_0 = arith.cmpi eq, %arg0, %eq3A : i32
    %mul3A = arith.constant 14336 : i32
    %mul3A_1 = arith.muli %arg1, %mul3A : i32
    %mul3A_2 = arith.constant 6144 : i32
    %mul3A_3 = arith.muli %arg1, %mul3A_2 : i32
    %add3A = arith.constant 229376 : i32
    %add3A_4 = arith.addi %add3A, %mul3A_3 : i32
    %select_n3A = arith.select %eq3A_0, %mul3A_1, %add3A_4 : i32
    %eq3A_5 = arith.constant 0 : i32
    %eq3A_6 = arith.cmpi eq, %arg0, %eq3A_5 : i32
    %jit3A = arith.constant 112 : i32
    %jit3A_7 = arith.constant 48 : i32
    %select_n3A_8 = arith.select %eq3A_6, %jit3A, %jit3A_7 : i32
    %mul3A_9 = arith.constant 640 : i32
    %mul3A_10 = arith.muli %arg1, %mul3A_9 : i32
    %multiple_of3A = tpu.assume_multiple %mul3A_10, 640 : i32
    %parallel_loop3A = arith.constant 0 : i32
    %parallel_loop3A_11 = arith.constant 64 : i32
    %parallel_loop3A_12 = arith.constant 1 : i32
    scf.for %parallel_loop3A_81 = %parallel_loop3A to %parallel_loop3A_11 step %parallel_loop3A_12  : i32 {
      %parallel_loop3A_82 = arith.constant 0.000000e+00 : f32
      %parallel_loop3A_83 = vector.broadcast %parallel_loop3A_82 : f32 to vector<16xf32>
      %parallel_loop3A_84 = arith.index_cast %parallel_loop3A_81 : i32 to index
      %parallel_loop3A_85 = arith.constant 0 : index
      %parallel_loop3A_86 = tpu.vector_load %arg12[%parallel_loop3A_84, %parallel_loop3A_85] {strides = array<i32>} : memref<64x128xf32, #tpu.memory_space<vmem>>, vector<1x16xf32>,
      %parallel_loop3A_87 = vector.shape_cast %parallel_loop3A_86 : vector<1x16xf32> to vector<16xf32>
      %parallel_loop3A_88 = vector.shape_cast %parallel_loop3A_83 : vector<16xf32> to vector<1x16xf32>
      tpu.vector_store %arg12[%parallel_loop3A_84, %parallel_loop3A_85], %parallel_loop3A_88 {strides = array<i32>} : memref<64x128xf32, #tpu.memory_space<vmem>>, vector<1x16xf32>,
      %parallel_loop3A_89 = arith.constant 0.000000e+00 : f32
      %parallel_loop3A_90 = vector.broadcast %parallel_loop3A_89 : f32 to vector<16xf32>
      %parallel_loop3A_91 = arith.index_cast %parallel_loop3A_81 : i32 to index
      %parallel_loop3A_92 = arith.constant 16 : index
      %parallel_loop3A_93 = tpu.vector_load %arg12[%parallel_loop3A_91, %parallel_loop3A_92] {strides = array<i32>} : memref<64x128xf32, #tpu.memory_space<vmem>>, vector<1x16xf32>,
      %parallel_loop3A_94 = vector.shape_cast %parallel_loop3A_93 : vector<1x16xf32> to vector<16xf32>
      %parallel_loop3A_95 = vector.shape_cast %parallel_loop3A_90 : vector<16xf32> to vector<1x16xf32>
      tpu.vector_store %arg12[%parallel_loop3A_91, %parallel_loop3A_92], %parallel_loop3A_95 {strides = array<i32>} : memref<64x128xf32, #tpu.memory_space<vmem>>, vector<1x16xf32>,
      %parallel_loop3A_96 = arith.constant 0.000000e+00 : f32
      %parallel_loop3A_97 = vector.broadcast %parallel_loop3A_96 : f32 to vector<16xf32>
      %parallel_loop3A_98 = arith.index_cast %parallel_loop3A_81 : i32 to index
      %parallel_loop3A_99 = arith.constant 32 : index
      %parallel_loop3A_100 = tpu.vector_load %arg12[%parallel_loop3A_98, %parallel_loop3A_99] {strides = array<i32>} : memref<64x128xf32, #tpu.memory_space<vmem>>, vector<1x16xf32>,
      %parallel_loop3A_101 = vector.shape_cast %parallel_loop3A_100 : vector<1x16xf32> to vector<16xf32>
      %parallel_loop3A_102 = vector.shape_cast %parallel_loop3A_97 : vector<16xf32> to vector<1x16xf32>
      tpu.vector_store %arg12[%parallel_loop3A_98, %parallel_loop3A_99], %parallel_loop3A_102 {strides = array<i32>} : memref<64x128xf32, #tpu.memory_space<vmem>>, vector<1x16xf32>,
      %parallel_loop3A_103 = arith.constant 0.000000e+00 : f32
      %parallel_loop3A_104 = vector.broadcast %parallel_loop3A_103 : f32 to vector<16xf32>
      %parallel_loop3A_105 = arith.index_cast %parallel_loop3A_81 : i32 to index
      %parallel_loop3A_106 = arith.constant 48 : index
      %parallel_loop3A_107 = tpu.vector_load %arg12[%parallel_loop3A_105, %parallel_loop3A_106] {strides = array<i32>} : memref<64x128xf32, #tpu.memory_space<vmem>>, vector<1x16xf32>,
      %parallel_loop3A_108 = vector.shape_cast %parallel_loop3A_107 : vector<1x16xf32> to vector<16xf32>
      %parallel_loop3A_109 = vector.shape_cast %parallel_loop3A_104 : vector<16xf32> to vector<1x16xf32>
      tpu.vector_store %arg12[%parallel_loop3A_105, %parallel_loop3A_106], %parallel_loop3A_109 {strides = array<i32>} : memref<64x128xf32, #tpu.memory_space<vmem>>, vector<1x16xf32>,
      %parallel_loop3A_110 = arith.constant 0.000000e+00 : f32
      %parallel_loop3A_111 = vector.broadcast %parallel_loop3A_110 : f32 to vector<16xf32>
      %parallel_loop3A_112 = arith.index_cast %parallel_loop3A_81 : i32 to index
      %parallel_loop3A_113 = arith.constant 64 : index
      %parallel_loop3A_114 = tpu.vector_load %arg12[%parallel_loop3A_112, %parallel_loop3A_113] {strides = array<i32>} : memref<64x128xf32, #tpu.memory_space<vmem>>, vector<1x16xf32>,
      %parallel_loop3A_115 = vector.shape_cast %parallel_loop3A_114 : vector<1x16xf32> to vector<16xf32>
      %parallel_loop3A_116 = vector.shape_cast %parallel_loop3A_111 : vector<16xf32> to vector<1x16xf32>
      tpu.vector_store %arg12[%parallel_loop3A_112, %parallel_loop3A_113], %parallel_loop3A_116 {strides = array<i32>} : memref<64x128xf32, #tpu.memory_space<vmem>>, vector<1x16xf32>,
      %parallel_loop3A_117 = arith.constant 0.000000e+00 : f32
      %parallel_loop3A_118 = vector.broadcast %parallel_loop3A_117 : f32 to vector<16xf32>
      %parallel_loop3A_119 = arith.index_cast %parallel_loop3A_81 : i32 to index
      %parallel_loop3A_120 = arith.constant 80 : index
      %parallel_loop3A_121 = tpu.vector_load %arg12[%parallel_loop3A_119, %parallel_loop3A_120] {strides = array<i32>} : memref<64x128xf32, #tpu.memory_space<vmem>>, vector<1x16xf32>,
      %parallel_loop3A_122 = vector.shape_cast %parallel_loop3A_121 : vector<1x16xf32> to vector<16xf32>
      %parallel_loop3A_123 = vector.shape_cast %parallel_loop3A_118 : vector<16xf32> to vector<1x16xf32>
      tpu.vector_store %arg12[%parallel_loop3A_119, %parallel_loop3A_120], %parallel_loop3A_123 {strides = array<i32>} : memref<64x128xf32, #tpu.memory_space<vmem>>, vector<1x16xf32>,
      %parallel_loop3A_124 = arith.constant 0.000000e+00 : f32
      %parallel_loop3A_125 = vector.broadcast %parallel_loop3A_124 : f32 to vector<16xf32>
      %parallel_loop3A_126 = arith.index_cast %parallel_loop3A_81 : i32 to index
      %parallel_loop3A_127 = arith.constant 96 : index
      %parallel_loop3A_128 = tpu.vector_load %arg12[%parallel_loop3A_126, %parallel_loop3A_127] {strides = array<i32>} : memref<64x128xf32, #tpu.memory_space<vmem>>, vector<1x16xf32>,
      %parallel_loop3A_129 = vector.shape_cast %parallel_loop3A_128 : vector<1x16xf32> to vector<16xf32>
      %parallel_loop3A_130 = vector.shape_cast %parallel_loop3A_125 : vector<16xf32> to vector<1x16xf32>
      tpu.vector_store %arg12[%parallel_loop3A_126, %parallel_loop3A_127], %parallel_loop3A_130 {strides = array<i32>} : memref<64x128xf32, #tpu.memory_space<vmem>>, vector<1x16xf32>,
      %parallel_loop3A_131 = arith.constant 0.000000e+00 : f32
      %parallel_loop3A_132 = vector.broadcast %parallel_loop3A_131 : f32 to vector<16xf32>
      %parallel_loop3A_133 = arith.index_cast %parallel_loop3A_81 : i32 to index
      %parallel_loop3A_134 = arith.constant 112 : index
      %parallel_loop3A_135 = tpu.vector_load %arg12[%parallel_loop3A_133, %parallel_loop3A_134] {strides = array<i32>} : memref<64x128xf32, #tpu.memory_space<vmem>>, vector<1x16xf32>,
      %parallel_loop3A_136 = vector.shape_cast %parallel_loop3A_135 : vector<1x16xf32> to vector<16xf32>
      %parallel_loop3A_137 = vector.shape_cast %parallel_loop3A_132 : vector<16xf32> to vector<1x16xf32>
      tpu.vector_store %arg12[%parallel_loop3A_133, %parallel_loop3A_134], %parallel_loop3A_137 {strides = array<i32>} : memref<64x128xf32, #tpu.memory_space<vmem>>, vector<1x16xf32>,
    } {sc.loop_unroll_factor = 4 : i64, sc.parallel_access}
    %add3A_13 = arith.constant 0 : i32
    %add3A_14 = arith.addi %multiple_of3A, %add3A_13 : i32
    "tpu.region"() ({
      %run_scoped3A = tpu.sem_alloc : memref<!tpu.dma_semaphore, #tpu.memory_space<semaphore_mem>>
      %dma_start3A_81 = arith.constant 0 : i32
      %dma_start3A_82 = tpu.memref_slice %arg15[%add3A_14, %dma_start3A_81] : memref<10240x128xf32, #tpu.memory_space<vmem_shared>> -> memref<64x128xf32, #tpu.memory_space<vmem_shared>>
      %dma_start3A_83 = arith.constant 0 : i32
      %dma_start3A_84 = tpu.memref_slice %arg15[%add3A_14, %dma_start3A_83] : memref<10240x128xf32, #tpu.memory_space<vmem_shared>> -> memref<64x128xf32, #tpu.memory_space<vmem_shared>>
      tpu.enqueue_dma source(%arg12 : memref<64x128xf32, #tpu.memory_space<vmem>>) target(%dma_start3A_84 : memref<64x128xf32, #tpu.memory_space<vmem_shared>>) target_semaphore(%run_scoped3A : memref<!tpu.dma_semaphore, #tpu.memory_space<semaphore_mem>>)
      %dma_wait3A_85 = arith.constant 0 : i32
      %dma_wait3A_86 = tpu.memref_slice %arg15[%add3A_14, %dma_wait3A_85] : memref<10240x128xf32, #tpu.memory_space<vmem_shared>> -> memref<64x128xf32, #tpu.memory_space<vmem_shared>>
      %dma_wait3A_87 = arith.constant 0 : i32
      %dma_wait3A_88 = tpu.memref_slice %arg15[%add3A_14, %dma_wait3A_87] : memref<10240x128xf32, #tpu.memory_space<vmem_shared>> -> memref<64x128xf32, #tpu.memory_space<vmem_shared>>
      tpu.wait_dma2 semaphore(%run_scoped3A : memref<!tpu.dma_semaphore, #tpu.memory_space<semaphore_mem>>) src(%arg12 : memref<64x128xf32, #tpu.memory_space<vmem>>) dst(%dma_wait3A_88 : memref<64x128xf32, #tpu.memory_space<vmem_shared>>)
      tpu.yield
    }) : () -> ()
    %add3A_15 = arith.constant 64 : i32
    %add3A_16 = arith.addi %multiple_of3A, %add3A_15 : i32
    "tpu.region"() ({
      %run_scoped3A = tpu.sem_alloc : memref<!tpu.dma_semaphore, #tpu.memory_space<semaphore_mem>>
      %dma_start3A_81 = arith.constant 0 : i32
      %dma_start3A_82 = tpu.memref_slice %arg15[%add3A_16, %dma_start3A_81] : memref<10240x128xf32, #tpu.memory_space<vmem_shared>> -> memref<64x128xf32, #tpu.memory_space<vmem_shared>>
      %dma_start3A_83 = arith.constant 0 : i32
      %dma_start3A_84 = tpu.memref_slice %arg15[%add3A_16, %dma_start3A_83] : memref<10240x128xf32, #tpu.memory_space<vmem_shared>> -> memref<64x128xf32, #tpu.memory_space<vmem_shared>>
      tpu.enqueue_dma source(%arg12 : memref<64x128xf32, #tpu.memory_space<vmem>>) target(%dma_start3A_84 : memref<64x128xf32, #tpu.memory_space<vmem_shared>>) target_semaphore(%run_scoped3A : memref<!tpu.dma_semaphore, #tpu.memory_space<semaphore_mem>>)
      %dma_wait3A_85 = arith.constant 0 : i32
      %dma_wait3A_86 = tpu.memref_slice %arg15[%add3A_16, %dma_wait3A_85] : memref<10240x128xf32, #tpu.memory_space<vmem_shared>> -> memref<64x128xf32, #tpu.memory_space<vmem_shared>>
      %dma_wait3A_87 = arith.constant 0 : i32
      %dma_wait3A_88 = tpu.memref_slice %arg15[%add3A_16, %dma_wait3A_87] : memref<10240x128xf32, #tpu.memory_space<vmem_shared>> -> memref<64x128xf32, #tpu.memory_space<vmem_shared>>
      tpu.wait_dma2 semaphore(%run_scoped3A : memref<!tpu.dma_semaphore, #tpu.memory_space<semaphore_mem>>) src(%arg12 : memref<64x128xf32, #tpu.memory_space<vmem>>) dst(%dma_wait3A_88 : memref<64x128xf32, #tpu.memory_space<vmem_shared>>)
      tpu.yield
    }) : () -> ()
    %add3A_17 = arith.constant 128 : i32
    %add3A_18 = arith.addi %multiple_of3A, %add3A_17 : i32
    "tpu.region"() ({
      %run_scoped3A = tpu.sem_alloc : memref<!tpu.dma_semaphore, #tpu.memory_space<semaphore_mem>>
      %dma_start3A_81 = arith.constant 0 : i32
      %dma_start3A_82 = tpu.memref_slice %arg15[%add3A_18, %dma_start3A_81] : memref<10240x128xf32, #tpu.memory_space<vmem_shared>> -> memref<64x128xf32, #tpu.memory_space<vmem_shared>>
      %dma_start3A_83 = arith.constant 0 : i32
      %dma_start3A_84 = tpu.memref_slice %arg15[%add3A_18, %dma_start3A_83] : memref<10240x128xf32, #tpu.memory_space<vmem_shared>> -> memref<64x128xf32, #tpu.memory_space<vmem_shared>>
      tpu.enqueue_dma source(%arg12 : memref<64x128xf32, #tpu.memory_space<vmem>>) target(%dma_start3A_84 : memref<64x128xf32, #tpu.memory_space<vmem_shared>>) target_semaphore(%run_scoped3A : memref<!tpu.dma_semaphore, #tpu.memory_space<semaphore_mem>>)
      %dma_wait3A_85 = arith.constant 0 : i32
      %dma_wait3A_86 = tpu.memref_slice %arg15[%add3A_18, %dma_wait3A_85] : memref<10240x128xf32, #tpu.memory_space<vmem_shared>> -> memref<64x128xf32, #tpu.memory_space<vmem_shared>>
      %dma_wait3A_87 = arith.constant 0 : i32
      %dma_wait3A_88 = tpu.memref_slice %arg15[%add3A_18, %dma_wait3A_87] : memref<10240x128xf32, #tpu.memory_space<vmem_shared>> -> memref<64x128xf32, #tpu.memory_space<vmem_shared>>
      tpu.wait_dma2 semaphore(%run_scoped3A : memref<!tpu.dma_semaphore, #tpu.memory_space<semaphore_mem>>) src(%arg12 : memref<64x128xf32, #tpu.memory_space<vmem>>) dst(%dma_wait3A_88 : memref<64x128xf32, #tpu.memory_space<vmem_shared>>)
      tpu.yield
    }) : () -> ()
    %add3A_19 = arith.constant 192 : i32
    %add3A_20 = arith.addi %multiple_of3A, %add3A_19 : i32
    "tpu.region"() ({
      %run_scoped3A = tpu.sem_alloc : memref<!tpu.dma_semaphore, #tpu.memory_space<semaphore_mem>>
      %dma_start3A_81 = arith.constant 0 : i32
      %dma_start3A_82 = tpu.memref_slice %arg15[%add3A_20, %dma_start3A_81] : memref<10240x128xf32, #tpu.memory_space<vmem_shared>> -> memref<64x128xf32, #tpu.memory_space<vmem_shared>>
      %dma_start3A_83 = arith.constant 0 : i32
      %dma_start3A_84 = tpu.memref_slice %arg15[%add3A_20, %dma_start3A_83] : memref<10240x128xf32, #tpu.memory_space<vmem_shared>> -> memref<64x128xf32, #tpu.memory_space<vmem_shared>>
      tpu.enqueue_dma source(%arg12 : memref<64x128xf32, #tpu.memory_space<vmem>>) target(%dma_start3A_84 : memref<64x128xf32, #tpu.memory_space<vmem_shared>>) target_semaphore(%run_scoped3A : memref<!tpu.dma_semaphore, #tpu.memory_space<semaphore_mem>>)
      %dma_wait3A_85 = arith.constant 0 : i32
      %dma_wait3A_86 = tpu.memref_slice %arg15[%add3A_20, %dma_wait3A_85] : memref<10240x128xf32, #tpu.memory_space<vmem_shared>> -> memref<64x128xf32, #tpu.memory_space<vmem_shared>>
      %dma_wait3A_87 = arith.constant 0 : i32
      %dma_wait3A_88 = tpu.memref_slice %arg15[%add3A_20, %dma_wait3A_87] : memref<10240x128xf32, #tpu.memory_space<vmem_shared>> -> memref<64x128xf32, #tpu.memory_space<vmem_shared>>
      tpu.wait_dma2 semaphore(%run_scoped3A : memref<!tpu.dma_semaphore, #tpu.memory_space<semaphore_mem>>) src(%arg12 : memref<64x128xf32, #tpu.memory_space<vmem>>) dst(%dma_wait3A_88 : memref<64x128xf32, #tpu.memory_space<vmem_shared>>)
      tpu.yield
    }) : () -> ()
    %add3A_21 = arith.constant 256 : i32
    %add3A_22 = arith.addi %multiple_of3A, %add3A_21 : i32
    "tpu.region"() ({
      %run_scoped3A = tpu.sem_alloc : memref<!tpu.dma_semaphore, #tpu.memory_space<semaphore_mem>>
      %dma_start3A_81 = arith.constant 0 : i32
      %dma_start3A_82 = tpu.memref_slice %arg15[%add3A_22, %dma_start3A_81] : memref<10240x128xf32, #tpu.memory_space<vmem_shared>> -> memref<64x128xf32, #tpu.memory_space<vmem_shared>>
      %dma_start3A_83 = arith.constant 0 : i32
      %dma_start3A_84 = tpu.memref_slice %arg15[%add3A_22, %dma_start3A_83] : memref<10240x128xf32, #tpu.memory_space<vmem_shared>> -> memref<64x128xf32, #tpu.memory_space<vmem_shared>>
      tpu.enqueue_dma source(%arg12 : memref<64x128xf32, #tpu.memory_space<vmem>>) target(%dma_start3A_84 : memref<64x128xf32, #tpu.memory_space<vmem_shared>>) target_semaphore(%run_scoped3A : memref<!tpu.dma_semaphore, #tpu.memory_space<semaphore_mem>>)
      %dma_wait3A_85 = arith.constant 0 : i32
      %dma_wait3A_86 = tpu.memref_slice %arg15[%add3A_22, %dma_wait3A_85] : memref<10240x128xf32, #tpu.memory_space<vmem_shared>> -> memref<64x128xf32, #tpu.memory_space<vmem_shared>>
      %dma_wait3A_87 = arith.constant 0 : i32
      %dma_wait3A_88 = tpu.memref_slice %arg15[%add3A_22, %dma_wait3A_87] : memref<10240x128xf32, #tpu.memory_space<vmem_shared>> -> memref<64x128xf32, #tpu.memory_space<vmem_shared>>
      tpu.wait_dma2 semaphore(%run_scoped3A : memref<!tpu.dma_semaphore, #tpu.memory_space<semaphore_mem>>) src(%arg12 : memref<64x128xf32, #tpu.memory_space<vmem>>) dst(%dma_wait3A_88 : memref<64x128xf32, #tpu.memory_space<vmem_shared>>)
      tpu.yield
    }) : () -> ()
    %add3A_23 = arith.constant 320 : i32
    %add3A_24 = arith.addi %multiple_of3A, %add3A_23 : i32
    "tpu.region"() ({
      %run_scoped3A = tpu.sem_alloc : memref<!tpu.dma_semaphore, #tpu.memory_space<semaphore_mem>>
      %dma_start3A_81 = arith.constant 0 : i32
      %dma_start3A_82 = tpu.memref_slice %arg15[%add3A_24, %dma_start3A_81] : memref<10240x128xf32, #tpu.memory_space<vmem_shared>> -> memref<64x128xf32, #tpu.memory_space<vmem_shared>>
      %dma_start3A_83 = arith.constant 0 : i32
      %dma_start3A_84 = tpu.memref_slice %arg15[%add3A_24, %dma_start3A_83] : memref<10240x128xf32, #tpu.memory_space<vmem_shared>> -> memref<64x128xf32, #tpu.memory_space<vmem_shared>>
      tpu.enqueue_dma source(%arg12 : memref<64x128xf32, #tpu.memory_space<vmem>>) target(%dma_start3A_84 : memref<64x128xf32, #tpu.memory_space<vmem_shared>>) target_semaphore(%run_scoped3A : memref<!tpu.dma_semaphore, #tpu.memory_space<semaphore_mem>>)
      %dma_wait3A_85 = arith.constant 0 : i32
      %dma_wait3A_86 = tpu.memref_slice %arg15[%add3A_24, %dma_wait3A_85] : memref<10240x128xf32, #tpu.memory_space<vmem_shared>> -> memref<64x128xf32, #tpu.memory_space<vmem_shared>>
      %dma_wait3A_87 = arith.constant 0 : i32
      %dma_wait3A_88 = tpu.memref_slice %arg15[%add3A_24, %dma_wait3A_87] : memref<10240x128xf32, #tpu.memory_space<vmem_shared>> -> memref<64x128xf32, #tpu.memory_space<vmem_shared>>
      tpu.wait_dma2 semaphore(%run_scoped3A : memref<!tpu.dma_semaphore, #tpu.memory_space<semaphore_mem>>) src(%arg12 : memref<64x128xf32, #tpu.memory_space<vmem>>) dst(%dma_wait3A_88 : memref<64x128xf32, #tpu.memory_space<vmem_shared>>)
      tpu.yield
    }) : () -> ()
    %add3A_25 = arith.constant 384 : i32
    %add3A_26 = arith.addi %multiple_of3A, %add3A_25 : i32
    "tpu.region"() ({
      %run_scoped3A = tpu.sem_alloc : memref<!tpu.dma_semaphore, #tpu.memory_space<semaphore_mem>>
      %dma_start3A_81 = arith.constant 0 : i32
      %dma_start3A_82 = tpu.memref_slice %arg15[%add3A_26, %dma_start3A_81] : memref<10240x128xf32, #tpu.memory_space<vmem_shared>> -> memref<64x128xf32, #tpu.memory_space<vmem_shared>>
      %dma_start3A_83 = arith.constant 0 : i32
      %dma_start3A_84 = tpu.memref_slice %arg15[%add3A_26, %dma_start3A_83] : memref<10240x128xf32, #tpu.memory_space<vmem_shared>> -> memref<64x128xf32, #tpu.memory_space<vmem_shared>>
      tpu.enqueue_dma source(%arg12 : memref<64x128xf32, #tpu.memory_space<vmem>>) target(%dma_start3A_84 : memref<64x128xf32, #tpu.memory_space<vmem_shared>>) target_semaphore(%run_scoped3A : memref<!tpu.dma_semaphore, #tpu.memory_space<semaphore_mem>>)
      %dma_wait3A_85 = arith.constant 0 : i32
      %dma_wait3A_86 = tpu.memref_slice %arg15[%add3A_26, %dma_wait3A_85] : memref<10240x128xf32, #tpu.memory_space<vmem_shared>> -> memref<64x128xf32, #tpu.memory_space<vmem_shared>>
      %dma_wait3A_87 = arith.constant 0 : i32
      %dma_wait3A_88 = tpu.memref_slice %arg15[%add3A_26, %dma_wait3A_87] : memref<10240x128xf32, #tpu.memory_space<vmem_shared>> -> memref<64x128xf32, #tpu.memory_space<vmem_shared>>
      tpu.wait_dma2 semaphore(%run_scoped3A : memref<!tpu.dma_semaphore, #tpu.memory_space<semaphore_mem>>) src(%arg12 : memref<64x128xf32, #tpu.memory_space<vmem>>) dst(%dma_wait3A_88 : memref<64x128xf32, #tpu.memory_space<vmem_shared>>)
      tpu.yield
    }) : () -> ()
    %add3A_27 = arith.constant 448 : i32
    %add3A_28 = arith.addi %multiple_of3A, %add3A_27 : i32
    "tpu.region"() ({
      %run_scoped3A = tpu.sem_alloc : memref<!tpu.dma_semaphore, #tpu.memory_space<semaphore_mem>>
      %dma_start3A_81 = arith.constant 0 : i32
      %dma_start3A_82 = tpu.memref_slice %arg15[%add3A_28, %dma_start3A_81] : memref<10240x128xf32, #tpu.memory_space<vmem_shared>> -> memref<64x128xf32, #tpu.memory_space<vmem_shared>>
      %dma_start3A_83 = arith.constant 0 : i32
      %dma_start3A_84 = tpu.memref_slice %arg15[%add3A_28, %dma_start3A_83] : memref<10240x128xf32, #tpu.memory_space<vmem_shared>> -> memref<64x128xf32, #tpu.memory_space<vmem_shared>>
      tpu.enqueue_dma source(%arg12 : memref<64x128xf32, #tpu.memory_space<vmem>>) target(%dma_start3A_84 : memref<64x128xf32, #tpu.memory_space<vmem_shared>>) target_semaphore(%run_scoped3A : memref<!tpu.dma_semaphore, #tpu.memory_space<semaphore_mem>>)
      %dma_wait3A_85 = arith.constant 0 : i32
      %dma_wait3A_86 = tpu.memref_slice %arg15[%add3A_28, %dma_wait3A_85] : memref<10240x128xf32, #tpu.memory_space<vmem_shared>> -> memref<64x128xf32, #tpu.memory_space<vmem_shared>>
      %dma_wait3A_87 = arith.constant 0 : i32
      %dma_wait3A_88 = tpu.memref_slice %arg15[%add3A_28, %dma_wait3A_87] : memref<10240x128xf32, #tpu.memory_space<vmem_shared>> -> memref<64x128xf32, #tpu.memory_space<vmem_shared>>
      tpu.wait_dma2 semaphore(%run_scoped3A : memref<!tpu.dma_semaphore, #tpu.memory_space<semaphore_mem>>) src(%arg12 : memref<64x128xf32, #tpu.memory_space<vmem>>) dst(%dma_wait3A_88 : memref<64x128xf32, #tpu.memory_space<vmem_shared>>)
      tpu.yield
    }) : () -> ()
    %add3A_29 = arith.constant 512 : i32
    %add3A_30 = arith.addi %multiple_of3A, %add3A_29 : i32
    "tpu.region"() ({
      %run_scoped3A = tpu.sem_alloc : memref<!tpu.dma_semaphore, #tpu.memory_space<semaphore_mem>>
      %dma_start3A_81 = arith.constant 0 : i32
      %dma_start3A_82 = tpu.memref_slice %arg15[%add3A_30, %dma_start3A_81] : memref<10240x128xf32, #tpu.memory_space<vmem_shared>> -> memref<64x128xf32, #tpu.memory_space<vmem_shared>>
      %dma_start3A_83 = arith.constant 0 : i32
      %dma_start3A_84 = tpu.memref_slice %arg15[%add3A_30, %dma_start3A_83] : memref<10240x128xf32, #tpu.memory_space<vmem_shared>> -> memref<64x128xf32, #tpu.memory_space<vmem_shared>>
      tpu.enqueue_dma source(%arg12 : memref<64x128xf32, #tpu.memory_space<vmem>>) target(%dma_start3A_84 : memref<64x128xf32, #tpu.memory_space<vmem_shared>>) target_semaphore(%run_scoped3A : memref<!tpu.dma_semaphore, #tpu.memory_space<semaphore_mem>>)
      %dma_wait3A_85 = arith.constant 0 : i32
      %dma_wait3A_86 = tpu.memref_slice %arg15[%add3A_30, %dma_wait3A_85] : memref<10240x128xf32, #tpu.memory_space<vmem_shared>> -> memref<64x128xf32, #tpu.memory_space<vmem_shared>>
      %dma_wait3A_87 = arith.constant 0 : i32
      %dma_wait3A_88 = tpu.memref_slice %arg15[%add3A_30, %dma_wait3A_87] : memref<10240x128xf32, #tpu.memory_space<vmem_shared>> -> memref<64x128xf32, #tpu.memory_space<vmem_shared>>
      tpu.wait_dma2 semaphore(%run_scoped3A : memref<!tpu.dma_semaphore, #tpu.memory_space<semaphore_mem>>) src(%arg12 : memref<64x128xf32, #tpu.memory_space<vmem>>) dst(%dma_wait3A_88 : memref<64x128xf32, #tpu.memory_space<vmem_shared>>)
      tpu.yield
    }) : () -> ()
    %add3A_31 = arith.constant 576 : i32
    %add3A_32 = arith.addi %multiple_of3A, %add3A_31 : i32
    "tpu.region"() ({
      %run_scoped3A = tpu.sem_alloc : memref<!tpu.dma_semaphore, #tpu.memory_space<semaphore_mem>>
      %dma_start3A_81 = arith.constant 0 : i32
      %dma_start3A_82 = tpu.memref_slice %arg15[%add3A_32, %dma_start3A_81] : memref<10240x128xf32, #tpu.memory_space<vmem_shared>> -> memref<64x128xf32, #tpu.memory_space<vmem_shared>>
      %dma_start3A_83 = arith.constant 0 : i32
      %dma_start3A_84 = tpu.memref_slice %arg15[%add3A_32, %dma_start3A_83] : memref<10240x128xf32, #tpu.memory_space<vmem_shared>> -> memref<64x128xf32, #tpu.memory_space<vmem_shared>>
      tpu.enqueue_dma source(%arg12 : memref<64x128xf32, #tpu.memory_space<vmem>>) target(%dma_start3A_84 : memref<64x128xf32, #tpu.memory_space<vmem_shared>>) target_semaphore(%run_scoped3A : memref<!tpu.dma_semaphore, #tpu.memory_space<semaphore_mem>>)
      %dma_wait3A_85 = arith.constant 0 : i32
      %dma_wait3A_86 = tpu.memref_slice %arg15[%add3A_32, %dma_wait3A_85] : memref<10240x128xf32, #tpu.memory_space<vmem_shared>> -> memref<64x128xf32, #tpu.memory_space<vmem_shared>>
      %dma_wait3A_87 = arith.constant 0 : i32
      %dma_wait3A_88 = tpu.memref_slice %arg15[%add3A_32, %dma_wait3A_87] : memref<10240x128xf32, #tpu.memory_space<vmem_shared>> -> memref<64x128xf32, #tpu.memory_space<vmem_shared>>
      tpu.wait_dma2 semaphore(%run_scoped3A : memref<!tpu.dma_semaphore, #tpu.memory_space<semaphore_mem>>) src(%arg12 : memref<64x128xf32, #tpu.memory_space<vmem>>) dst(%dma_wait3A_88 : memref<64x128xf32, #tpu.memory_space<vmem_shared>>)
      tpu.yield
    }) : () -> ()
    %barrier3A = arith.constant 0 : index
    tpu.barrier barrier_id(%barrier3A)
    %add3A_33 = arith.constant 0 : i32
    %add3A_34 = arith.addi %select_n3A, %add3A_33 : i32
    %multiple_of3A_35 = tpu.assume_multiple %add3A_34, 64 : i32
    %dma_start3A = tpu.memref_slice %arg4[%multiple_of3A_35] : memref<327680xi32, #tpu.memory_space<hbm>> -> memref<64xi32, #tpu.memory_space<hbm>>
    %dma_start3A_36 = tpu.memref_slice %arg4[%multiple_of3A_35] : memref<327680xi32, #tpu.memory_space<hbm>> -> memref<64xi32, #tpu.memory_space<hbm>>
    tpu.enqueue_dma source(%dma_start3A_36 : memref<64xi32, #tpu.memory_space<hbm>>) target(%arg7 : memref<64xi32, #tpu.memory_space<vmem>>) target_semaphore(%arg16 : memref<!tpu.dma_semaphore, #tpu.memory_space<semaphore_mem>>)
    %add3A_37 = arith.constant 0 : i32
    %add3A_38 = arith.addi %select_n3A, %add3A_37 : i32
    %multiple_of3A_39 = tpu.assume_multiple %add3A_38, 64 : i32
    %dma_start3A_40 = tpu.memref_slice %arg5[%multiple_of3A_39] : memref<327680xi32, #tpu.memory_space<hbm>> -> memref<64xi32, #tpu.memory_space<hbm>>
    %dma_start3A_41 = tpu.memref_slice %arg5[%multiple_of3A_39] : memref<327680xi32, #tpu.memory_space<hbm>> -> memref<64xi32, #tpu.memory_space<hbm>>
    tpu.enqueue_dma source(%dma_start3A_41 : memref<64xi32, #tpu.memory_space<hbm>>) target(%arg8 : memref<64xi32, #tpu.memory_space<vmem>>) target_semaphore(%arg16 : memref<!tpu.dma_semaphore, #tpu.memory_space<semaphore_mem>>)
    %add3A_42 = arith.constant 64 : i32
    %add3A_43 = arith.addi %select_n3A, %add3A_42 : i32
    %multiple_of3A_44 = tpu.assume_multiple %add3A_43, 64 : i32
    %dma_start3A_45 = tpu.memref_slice %arg4[%multiple_of3A_44] : memref<327680xi32, #tpu.memory_space<hbm>> -> memref<64xi32, #tpu.memory_space<hbm>>
    %dma_start3A_46 = tpu.memref_slice %arg4[%multiple_of3A_44] : memref<327680xi32, #tpu.memory_space<hbm>> -> memref<64xi32, #tpu.memory_space<hbm>>
    tpu.enqueue_dma source(%dma_start3A_46 : memref<64xi32, #tpu.memory_space<hbm>>) target(%arg9 : memref<64xi32, #tpu.memory_space<vmem>>) target_semaphore(%arg17 : memref<!tpu.dma_semaphore, #tpu.memory_space<semaphore_mem>>)
    %add3A_47 = arith.constant 64 : i32
    %add3A_48 = arith.addi %select_n3A, %add3A_47 : i32
    %multiple_of3A_49 = tpu.assume_multiple %add3A_48, 64 : i32
    %dma_start3A_50 = tpu.memref_slice %arg5[%multiple_of3A_49] : memref<327680xi32, #tpu.memory_space<hbm>> -> memref<64xi32, #tpu.memory_space<hbm>>
    %dma_start3A_51 = tpu.memref_slice %arg5[%multiple_of3A_49] : memref<327680xi32, #tpu.memory_space<hbm>> -> memref<64xi32, #tpu.memory_space<hbm>>
    tpu.enqueue_dma source(%dma_start3A_51 : memref<64xi32, #tpu.memory_space<hbm>>) target(%arg10 : memref<64xi32, #tpu.memory_space<vmem>>) target_semaphore(%arg17 : memref<!tpu.dma_semaphore, #tpu.memory_space<semaphore_mem>>)
    %add3A_52 = arith.constant 0 : i32
    %add3A_53 = arith.addi %select_n3A, %add3A_52 : i32
    %multiple_of3A_54 = tpu.assume_multiple %add3A_53, 64 : i32
    %dma_wait3A = tpu.memref_slice %arg4[%multiple_of3A_54] : memref<327680xi32, #tpu.memory_space<hbm>> -> memref<64xi32, #tpu.memory_space<hbm>>
    %dma_wait3A_55 = tpu.memref_slice %arg4[%multiple_of3A_54] : memref<327680xi32, #tpu.memory_space<hbm>> -> memref<64xi32, #tpu.memory_space<hbm>>
    tpu.wait_dma2 semaphore(%arg16 : memref<!tpu.dma_semaphore, #tpu.memory_space<semaphore_mem>>) src(%dma_wait3A_55 : memref<64xi32, #tpu.memory_space<hbm>>) dst(%arg7 : memref<64xi32, #tpu.memory_space<vmem>>)
    %add3A_56 = arith.constant 0 : i32
    %add3A_57 = arith.addi %select_n3A, %add3A_56 : i32
    %multiple_of3A_58 = tpu.assume_multiple %add3A_57, 64 : i32
    %dma_wait3A_59 = tpu.memref_slice %arg5[%multiple_of3A_58] : memref<327680xi32, #tpu.memory_space<hbm>> -> memref<64xi32, #tpu.memory_space<hbm>>
    %dma_wait3A_60 = tpu.memref_slice %arg5[%multiple_of3A_58] : memref<327680xi32, #tpu.memory_space<hbm>> -> memref<64xi32, #tpu.memory_space<hbm>>
    tpu.wait_dma2 semaphore(%arg16 : memref<!tpu.dma_semaphore, #tpu.memory_space<semaphore_mem>>) src(%dma_wait3A_60 : memref<64xi32, #tpu.memory_space<hbm>>) dst(%arg8 : memref<64xi32, #tpu.memory_space<vmem>>)
    %dma_start3A_61 = arith.constant 0 : i32
    %dma_start3A_62 = arith.constant 0 : i32
    %dma_start3A_63 = tpu.memref_slice %arg2[%dma_start3A_61, %dma_start3A_62] : memref<10240x128xf32, #tpu.memory_space<hbm>> -> memref<10240x128xf32, #tpu.memory_space<hbm>>
    tpu.enqueue_indirect_dma source(%dma_start3A_63 : memref<10240x128xf32, #tpu.memory_space<hbm>>) target(%arg11 : memref<64x128xf32, #tpu.memory_space<vmem>>) offsets(%arg7 : memref<64xi32, #tpu.memory_space<vmem>>) semaphore(%arg18 : memref<!tpu.dma_semaphore, #tpu.memory_space<semaphore_mem>>)
    %add3A_64 = arith.constant 0 : i32
    %add3A_65 = arith.addi %select_n3A, %add3A_64 : i32
    %multiple_of3A_66 = tpu.assume_multiple %add3A_65, 64 : i32
    %dma_start3A_67 = arith.constant 0 : i32
    %dma_start3A_68 = tpu.memref_slice %arg3[%multiple_of3A_66, %dma_start3A_67] : memref<327680x128xf32, #tpu.memory_space<hbm>> -> memref<64x128xf32, #tpu.memory_space<hbm>>
    %dma_start3A_69 = arith.constant 0 : i32
    %dma_start3A_70 = tpu.memref_slice %arg3[%multiple_of3A_66, %dma_start3A_69] : memref<327680x128xf32, #tpu.memory_space<hbm>> -> memref<64x128xf32, #tpu.memory_space<hbm>>
    tpu.enqueue_dma source(%dma_start3A_70 : memref<64x128xf32, #tpu.memory_space<hbm>>) target(%arg12 : memref<64x128xf32, #tpu.memory_space<vmem>>) target_semaphore(%arg20 : memref<!tpu.dma_semaphore, #tpu.memory_space<semaphore_mem>>)
    %while3A = arith.constant 0 : i32
    %while3A_71 = arith.constant 0 : i32
    %while3A_72 = arith.subi %select_n3A_8, %while3A_71 : i32
    %while3A_73 = arith.addi %while3A_71, %while3A_72 : i32
    %while3A_74 = arith.constant 1 : i32
    %while3A_75 = arith.divsi %while3A_72, %while3A_74 : i32
    %while3A_76 = arith.muli %while3A_75, %while3A_74 : i32
    %while3A_77 = arith.addi %while3A_71, %while3A_76 : i32
    %while3A_78 = arith.constant 1 : i32
    scf.for %while3A_81 = %while3A_71 to %while3A_77 step %while3A_78  : i32 {
      %mul3A_82 = arith.constant 2 : i32
      %mul3A_83 = arith.muli %mul3A_82, %while3A_81 : i32
      %add3A_84 = arith.constant 0 : i32
      %add3A_85 = arith.addi %select_n3A, %add3A_84 : i32
      %multiple_of3A_86 = tpu.assume_multiple %add3A_85, 64 : i32
      %dma_wait3A_87 = tpu.memref_slice %arg4[%multiple_of3A_86] : memref<327680xi32, #tpu.memory_space<hbm>> -> memref<64xi32, #tpu.memory_space<hbm>>
      %dma_wait3A_88 = tpu.memref_slice %arg4[%multiple_of3A_86] : memref<327680xi32, #tpu.memory_space<hbm>> -> memref<64xi32, #tpu.memory_space<hbm>>
      tpu.wait_dma2 semaphore(%arg17 : memref<!tpu.dma_semaphore, #tpu.memory_space<semaphore_mem>>) src(%dma_wait3A_88 : memref<64xi32, #tpu.memory_space<hbm>>) dst(%arg9 : memref<64xi32, #tpu.memory_space<vmem>>)
      %add3A_89 = arith.constant 0 : i32
      %add3A_90 = arith.addi %select_n3A, %add3A_89 : i32
      %multiple_of3A_91 = tpu.assume_multiple %add3A_90, 64 : i32
      %dma_wait3A_92 = tpu.memref_slice %arg5[%multiple_of3A_91] : memref<327680xi32, #tpu.memory_space<hbm>> -> memref<64xi32, #tpu.memory_space<hbm>>
      %dma_wait3A_93 = tpu.memref_slice %arg5[%multiple_of3A_91] : memref<327680xi32, #tpu.memory_space<hbm>> -> memref<64xi32, #tpu.memory_space<hbm>>
      tpu.wait_dma2 semaphore(%arg17 : memref<!tpu.dma_semaphore, #tpu.memory_space<semaphore_mem>>) src(%dma_wait3A_93 : memref<64xi32, #tpu.memory_space<hbm>>) dst(%arg10 : memref<64xi32, #tpu.memory_space<vmem>>)
      %add3A_94 = arith.constant 1 : i32
      %add3A_95 = arith.addi %mul3A_83, %add3A_94 : i32
      %dma_start3A_96 = arith.constant 0 : i32
      %dma_start3A_97 = arith.constant 0 : i32
      %dma_start3A_98 = tpu.memref_slice %arg2[%dma_start3A_96, %dma_start3A_97] : memref<10240x128xf32, #tpu.memory_space<hbm>> -> memref<10240x128xf32, #tpu.memory_space<hbm>>
      tpu.enqueue_indirect_dma source(%dma_start3A_98 : memref<10240x128xf32, #tpu.memory_space<hbm>>) target(%arg13 : memref<64x128xf32, #tpu.memory_space<vmem>>) offsets(%arg9 : memref<64xi32, #tpu.memory_space<vmem>>) semaphore(%arg19 : memref<!tpu.dma_semaphore, #tpu.memory_space<semaphore_mem>>)
      %mul3A_99 = arith.constant 64 : i32
      %mul3A_100 = arith.muli %add3A_95, %mul3A_99 : i32
      %add3A_101 = arith.addi %select_n3A, %mul3A_100 : i32
      %multiple_of3A_102 = tpu.assume_multiple %add3A_101, 64 : i32
      %dma_start3A_103 = arith.constant 0 : i32
      %dma_start3A_104 = tpu.memref_slice %arg3[%multiple_of3A_102, %dma_start3A_103] : memref<327680x128xf32, #tpu.memory_space<hbm>> -> memref<64x128xf32, #tpu.memory_space<hbm>>
      %dma_start3A_105 = arith.constant 0 : i32
      %dma_start3A_106 = tpu.memref_slice %arg3[%multiple_of3A_102, %dma_start3A_105] : memref<327680x128xf32, #tpu.memory_space<hbm>> -> memref<64x128xf32, #tpu.memory_space<hbm>>
      tpu.enqueue_dma source(%dma_start3A_106 : memref<64x128xf32, #tpu.memory_space<hbm>>) target(%arg14 : memref<64x128xf32, #tpu.memory_space<vmem>>) target_semaphore(%arg21 : memref<!tpu.dma_semaphore, #tpu.memory_space<semaphore_mem>>)
      %dma_wait3A_107 = arith.constant 0 : i32
      %dma_wait3A_108 = arith.constant 0 : i32
      %dma_wait3A_109 = tpu.memref_slice %arg2[%dma_wait3A_107, %dma_wait3A_108] : memref<10240x128xf32, #tpu.memory_space<hbm>> -> memref<10240x128xf32, #tpu.memory_space<hbm>>
      tpu.wait_indirect_dma semaphore(%arg18 : memref<!tpu.dma_semaphore, #tpu.memory_space<semaphore_mem>>) src(%dma_wait3A_109 : memref<10240x128xf32, #tpu.memory_space<hbm>>) dst(%arg11 : memref<64x128xf32, #tpu.memory_space<vmem>>)
      %add3A_110 = arith.constant 0 : i32
      %add3A_111 = arith.addi %select_n3A, %add3A_110 : i32
      %multiple_of3A_112 = tpu.assume_multiple %add3A_111, 64 : i32
      %dma_wait3A_113 = arith.constant 0 : i32
      %dma_wait3A_114 = tpu.memref_slice %arg3[%multiple_of3A_112, %dma_wait3A_113] : memref<327680x128xf32, #tpu.memory_space<hbm>> -> memref<64x128xf32, #tpu.memory_space<hbm>>
      %dma_wait3A_115 = arith.constant 0 : i32
      %dma_wait3A_116 = tpu.memref_slice %arg3[%multiple_of3A_112, %dma_wait3A_115] : memref<327680x128xf32, #tpu.memory_space<hbm>> -> memref<64x128xf32, #tpu.memory_space<hbm>>
      tpu.wait_dma2 semaphore(%arg20 : memref<!tpu.dma_semaphore, #tpu.memory_space<semaphore_mem>>) src(%dma_wait3A_116 : memref<64x128xf32, #tpu.memory_space<hbm>>) dst(%arg12 : memref<64x128xf32, #tpu.memory_space<vmem>>)
      %parallel_loop3A_117 = arith.constant 0 : i32
      %parallel_loop3A_118 = arith.constant 64 : i32
      %parallel_loop3A_119 = arith.constant 1 : i32
      scf.for %parallel_loop3A_142 = %parallel_loop3A_117 to %parallel_loop3A_118 step %parallel_loop3A_119  : i32 {
        %parallel_loop3A_143 = arith.index_cast %parallel_loop3A_142 : i32 to index
        %parallel_loop3A_144 = arith.constant 0 : index
        %parallel_loop3A_145 = tpu.vector_load %arg12[%parallel_loop3A_143, %parallel_loop3A_144] {strides = array<i32>} : memref<64x128xf32, #tpu.memory_space<vmem>>, vector<1x16xf32>,
        %parallel_loop3A_146 = vector.shape_cast %parallel_loop3A_145 : vector<1x16xf32> to vector<16xf32>
        %parallel_loop3A_147 = arith.index_cast %parallel_loop3A_142 : i32 to index
        %parallel_loop3A_148 = arith.constant 0 : index
        %parallel_loop3A_149 = tpu.vector_load %arg11[%parallel_loop3A_147, %parallel_loop3A_148] {strides = array<i32>} : memref<64x128xf32, #tpu.memory_space<vmem>>, vector<1x16xf32>,
        %parallel_loop3A_150 = vector.shape_cast %parallel_loop3A_149 : vector<1x16xf32> to vector<16xf32>
        %parallel_loop3A_151 = arith.mulf %parallel_loop3A_146, %parallel_loop3A_150 : vector<16xf32>
        %parallel_loop3A_152 = arith.index_cast %parallel_loop3A_142 : i32 to index
        %parallel_loop3A_153 = arith.constant 0 : index
        %parallel_loop3A_154 = tpu.vector_load %arg12[%parallel_loop3A_152, %parallel_loop3A_153] {strides = array<i32>} : memref<64x128xf32, #tpu.memory_space<vmem>>, vector<1x16xf32>,
        %parallel_loop3A_155 = vector.shape_cast %parallel_loop3A_154 : vector<1x16xf32> to vector<16xf32>
        %parallel_loop3A_156 = vector.shape_cast %parallel_loop3A_151 : vector<16xf32> to vector<1x16xf32>
        tpu.vector_store %arg12[%parallel_loop3A_152, %parallel_loop3A_153], %parallel_loop3A_156 {strides = array<i32>} : memref<64x128xf32, #tpu.memory_space<vmem>>, vector<1x16xf32>,
        %parallel_loop3A_157 = arith.index_cast %parallel_loop3A_142 : i32 to index
        %parallel_loop3A_158 = arith.constant 16 : index
        %parallel_loop3A_159 = tpu.vector_load %arg12[%parallel_loop3A_157, %parallel_loop3A_158] {strides = array<i32>} : memref<64x128xf32, #tpu.memory_space<vmem>>, vector<1x16xf32>,
        %parallel_loop3A_160 = vector.shape_cast %parallel_loop3A_159 : vector<1x16xf32> to vector<16xf32>
        %parallel_loop3A_161 = arith.index_cast %parallel_loop3A_142 : i32 to index
        %parallel_loop3A_162 = arith.constant 16 : index
        %parallel_loop3A_163 = tpu.vector_load %arg11[%parallel_loop3A_161, %parallel_loop3A_162] {strides = array<i32>} : memref<64x128xf32, #tpu.memory_space<vmem>>, vector<1x16xf32>,
        %parallel_loop3A_164 = vector.shape_cast %parallel_loop3A_163 : vector<1x16xf32> to vector<16xf32>
        %parallel_loop3A_165 = arith.mulf %parallel_loop3A_160, %parallel_loop3A_164 : vector<16xf32>
        %parallel_loop3A_166 = arith.index_cast %parallel_loop3A_142 : i32 to index
        %parallel_loop3A_167 = arith.constant 16 : index
        %parallel_loop3A_168 = tpu.vector_load %arg12[%parallel_loop3A_166, %parallel_loop3A_167] {strides = array<i32>} : memref<64x128xf32, #tpu.memory_space<vmem>>, vector<1x16xf32>,
        %parallel_loop3A_169 = vector.shape_cast %parallel_loop3A_168 : vector<1x16xf32> to vector<16xf32>
        %parallel_loop3A_170 = vector.shape_cast %parallel_loop3A_165 : vector<16xf32> to vector<1x16xf32>
        tpu.vector_store %arg12[%parallel_loop3A_166, %parallel_loop3A_167], %parallel_loop3A_170 {strides = array<i32>} : memref<64x128xf32, #tpu.memory_space<vmem>>, vector<1x16xf32>,
        %parallel_loop3A_171 = arith.index_cast %parallel_loop3A_142 : i32 to index
        %parallel_loop3A_172 = arith.constant 32 : index
        %parallel_loop3A_173 = tpu.vector_load %arg12[%parallel_loop3A_171, %parallel_loop3A_172] {strides = array<i32>} : memref<64x128xf32, #tpu.memory_space<vmem>>, vector<1x16xf32>,
        %parallel_loop3A_174 = vector.shape_cast %parallel_loop3A_173 : vector<1x16xf32> to vector<16xf32>
        %parallel_loop3A_175 = arith.index_cast %parallel_loop3A_142 : i32 to index
        %parallel_loop3A_176 = arith.constant 32 : index
        %parallel_loop3A_177 = tpu.vector_load %arg11[%parallel_loop3A_175, %parallel_loop3A_176] {strides = array<i32>} : memref<64x128xf32, #tpu.memory_space<vmem>>, vector<1x16xf32>,
        %parallel_loop3A_178 = vector.shape_cast %parallel_loop3A_177 : vector<1x16xf32> to vector<16xf32>
        %parallel_loop3A_179 = arith.mulf %parallel_loop3A_174, %parallel_loop3A_178 : vector<16xf32>
        %parallel_loop3A_180 = arith.index_cast %parallel_loop3A_142 : i32 to index
        %parallel_loop3A_181 = arith.constant 32 : index
        %parallel_loop3A_182 = tpu.vector_load %arg12[%parallel_loop3A_180, %parallel_loop3A_181] {strides = array<i32>} : memref<64x128xf32, #tpu.memory_space<vmem>>, vector<1x16xf32>,
        %parallel_loop3A_183 = vector.shape_cast %parallel_loop3A_182 : vector<1x16xf32> to vector<16xf32>
        %parallel_loop3A_184 = vector.shape_cast %parallel_loop3A_179 : vector<16xf32> to vector<1x16xf32>
        tpu.vector_store %arg12[%parallel_loop3A_180, %parallel_loop3A_181], %parallel_loop3A_184 {strides = array<i32>} : memref<64x128xf32, #tpu.memory_space<vmem>>, vector<1x16xf32>,
        %parallel_loop3A_185 = arith.index_cast %parallel_loop3A_142 : i32 to index
        %parallel_loop3A_186 = arith.constant 48 : index
        %parallel_loop3A_187 = tpu.vector_load %arg12[%parallel_loop3A_185, %parallel_loop3A_186] {strides = array<i32>} : memref<64x128xf32, #tpu.memory_space<vmem>>, vector<1x16xf32>,
        %parallel_loop3A_188 = vector.shape_cast %parallel_loop3A_187 : vector<1x16xf32> to vector<16xf32>
        %parallel_loop3A_189 = arith.index_cast %parallel_loop3A_142 : i32 to index
        %parallel_loop3A_190 = arith.constant 48 : index
        %parallel_loop3A_191 = tpu.vector_load %arg11[%parallel_loop3A_189, %parallel_loop3A_190] {strides = array<i32>} : memref<64x128xf32, #tpu.memory_space<vmem>>, vector<1x16xf32>,
        %parallel_loop3A_192 = vector.shape_cast %parallel_loop3A_191 : vector<1x16xf32> to vector<16xf32>
        %parallel_loop3A_193 = arith.mulf %parallel_loop3A_188, %parallel_loop3A_192 : vector<16xf32>
        %parallel_loop3A_194 = arith.index_cast %parallel_loop3A_142 : i32 to index
        %parallel_loop3A_195 = arith.constant 48 : index
        %parallel_loop3A_196 = tpu.vector_load %arg12[%parallel_loop3A_194, %parallel_loop3A_195] {strides = array<i32>} : memref<64x128xf32, #tpu.memory_space<vmem>>, vector<1x16xf32>,
        %parallel_loop3A_197 = vector.shape_cast %parallel_loop3A_196 : vector<1x16xf32> to vector<16xf32>
        %parallel_loop3A_198 = vector.shape_cast %parallel_loop3A_193 : vector<16xf32> to vector<1x16xf32>
        tpu.vector_store %arg12[%parallel_loop3A_194, %parallel_loop3A_195], %parallel_loop3A_198 {strides = array<i32>} : memref<64x128xf32, #tpu.memory_space<vmem>>, vector<1x16xf32>,
        %parallel_loop3A_199 = arith.index_cast %parallel_loop3A_142 : i32 to index
        %parallel_loop3A_200 = arith.constant 64 : index
        %parallel_loop3A_201 = tpu.vector_load %arg12[%parallel_loop3A_199, %parallel_loop3A_200] {strides = array<i32>} : memref<64x128xf32, #tpu.memory_space<vmem>>, vector<1x16xf32>,
        %parallel_loop3A_202 = vector.shape_cast %parallel_loop3A_201 : vector<1x16xf32> to vector<16xf32>
        %parallel_loop3A_203 = arith.index_cast %parallel_loop3A_142 : i32 to index
        %parallel_loop3A_204 = arith.constant 64 : index
        %parallel_loop3A_205 = tpu.vector_load %arg11[%parallel_loop3A_203, %parallel_loop3A_204] {strides = array<i32>} : memref<64x128xf32, #tpu.memory_space<vmem>>, vector<1x16xf32>,
        %parallel_loop3A_206 = vector.shape_cast %parallel_loop3A_205 : vector<1x16xf32> to vector<16xf32>
        %parallel_loop3A_207 = arith.mulf %parallel_loop3A_202, %parallel_loop3A_206 : vector<16xf32>
        %parallel_loop3A_208 = arith.index_cast %parallel_loop3A_142 : i32 to index
        %parallel_loop3A_209 = arith.constant 64 : index
        %parallel_loop3A_210 = tpu.vector_load %arg12[%parallel_loop3A_208, %parallel_loop3A_209] {strides = array<i32>} : memref<64x128xf32, #tpu.memory_space<vmem>>, vector<1x16xf32>,
        %parallel_loop3A_211 = vector.shape_cast %parallel_loop3A_210 : vector<1x16xf32> to vector<16xf32>
        %parallel_loop3A_212 = vector.shape_cast %parallel_loop3A_207 : vector<16xf32> to vector<1x16xf32>
        tpu.vector_store %arg12[%parallel_loop3A_208, %parallel_loop3A_209], %parallel_loop3A_212 {strides = array<i32>} : memref<64x128xf32, #tpu.memory_space<vmem>>, vector<1x16xf32>,
        %parallel_loop3A_213 = arith.index_cast %parallel_loop3A_142 : i32 to index
        %parallel_loop3A_214 = arith.constant 80 : index
        %parallel_loop3A_215 = tpu.vector_load %arg12[%parallel_loop3A_213, %parallel_loop3A_214] {strides = array<i32>} : memref<64x128xf32, #tpu.memory_space<vmem>>, vector<1x16xf32>,
        %parallel_loop3A_216 = vector.shape_cast %parallel_loop3A_215 : vector<1x16xf32> to vector<16xf32>
        %parallel_loop3A_217 = arith.index_cast %parallel_loop3A_142 : i32 to index
        %parallel_loop3A_218 = arith.constant 80 : index
        %parallel_loop3A_219 = tpu.vector_load %arg11[%parallel_loop3A_217, %parallel_loop3A_218] {strides = array<i32>} : memref<64x128xf32, #tpu.memory_space<vmem>>, vector<1x16xf32>,
        %parallel_loop3A_220 = vector.shape_cast %parallel_loop3A_219 : vector<1x16xf32> to vector<16xf32>
        %parallel_loop3A_221 = arith.mulf %parallel_loop3A_216, %parallel_loop3A_220 : vector<16xf32>
        %parallel_loop3A_222 = arith.index_cast %parallel_loop3A_142 : i32 to index
        %parallel_loop3A_223 = arith.constant 80 : index
        %parallel_loop3A_224 = tpu.vector_load %arg12[%parallel_loop3A_222, %parallel_loop3A_223] {strides = array<i32>} : memref<64x128xf32, #tpu.memory_space<vmem>>, vector<1x16xf32>,
        %parallel_loop3A_225 = vector.shape_cast %parallel_loop3A_224 : vector<1x16xf32> to vector<16xf32>
        %parallel_loop3A_226 = vector.shape_cast %parallel_loop3A_221 : vector<16xf32> to vector<1x16xf32>
        tpu.vector_store %arg12[%parallel_loop3A_222, %parallel_loop3A_223], %parallel_loop3A_226 {strides = array<i32>} : memref<64x128xf32, #tpu.memory_space<vmem>>, vector<1x16xf32>,
        %parallel_loop3A_227 = arith.index_cast %parallel_loop3A_142 : i32 to index
        %parallel_loop3A_228 = arith.constant 96 : index
        %parallel_loop3A_229 = tpu.vector_load %arg12[%parallel_loop3A_227, %parallel_loop3A_228] {strides = array<i32>} : memref<64x128xf32, #tpu.memory_space<vmem>>, vector<1x16xf32>,
        %parallel_loop3A_230 = vector.shape_cast %parallel_loop3A_229 : vector<1x16xf32> to vector<16xf32>
        %parallel_loop3A_231 = arith.index_cast %parallel_loop3A_142 : i32 to index
        %parallel_loop3A_232 = arith.constant 96 : index
        %parallel_loop3A_233 = tpu.vector_load %arg11[%parallel_loop3A_231, %parallel_loop3A_232] {strides = array<i32>} : memref<64x128xf32, #tpu.memory_space<vmem>>, vector<1x16xf32>,
        %parallel_loop3A_234 = vector.shape_cast %parallel_loop3A_233 : vector<1x16xf32> to vector<16xf32>
        %parallel_loop3A_235 = arith.mulf %parallel_loop3A_230, %parallel_loop3A_234 : vector<16xf32>
        %parallel_loop3A_236 = arith.index_cast %parallel_loop3A_142 : i32 to index
        %parallel_loop3A_237 = arith.constant 96 : index
        %parallel_loop3A_238 = tpu.vector_load %arg12[%parallel_loop3A_236, %parallel_loop3A_237] {strides = array<i32>} : memref<64x128xf32, #tpu.memory_space<vmem>>, vector<1x16xf32>,
        %parallel_loop3A_239 = vector.shape_cast %parallel_loop3A_238 : vector<1x16xf32> to vector<16xf32>
        %parallel_loop3A_240 = vector.shape_cast %parallel_loop3A_235 : vector<16xf32> to vector<1x16xf32>
        tpu.vector_store %arg12[%parallel_loop3A_236, %parallel_loop3A_237], %parallel_loop3A_240 {strides = array<i32>} : memref<64x128xf32, #tpu.memory_space<vmem>>, vector<1x16xf32>,
        %parallel_loop3A_241 = arith.index_cast %parallel_loop3A_142 : i32 to index
        %parallel_loop3A_242 = arith.constant 112 : index
        %parallel_loop3A_243 = tpu.vector_load %arg12[%parallel_loop3A_241, %parallel_loop3A_242] {strides = array<i32>} : memref<64x128xf32, #tpu.memory_space<vmem>>, vector<1x16xf32>,
        %parallel_loop3A_244 = vector.shape_cast %parallel_loop3A_243 : vector<1x16xf32> to vector<16xf32>
        %parallel_loop3A_245 = arith.index_cast %parallel_loop3A_142 : i32 to index
        %parallel_loop3A_246 = arith.constant 112 : index
        %parallel_loop3A_247 = tpu.vector_load %arg11[%parallel_loop3A_245, %parallel_loop3A_246] {strides = array<i32>} : memref<64x128xf32, #tpu.memory_space<vmem>>, vector<1x16xf32>,
        %parallel_loop3A_248 = vector.shape_cast %parallel_loop3A_247 : vector<1x16xf32> to vector<16xf32>
        %parallel_loop3A_249 = arith.mulf %parallel_loop3A_244, %parallel_loop3A_248 : vector<16xf32>
        %parallel_loop3A_250 = arith.index_cast %parallel_loop3A_142 : i32 to index
        %parallel_loop3A_251 = arith.constant 112 : index
        %parallel_loop3A_252 = tpu.vector_load %arg12[%parallel_loop3A_250, %parallel_loop3A_251] {strides = array<i32>} : memref<64x128xf32, #tpu.memory_space<vmem>>, vector<1x16xf32>,
        %parallel_loop3A_253 = vector.shape_cast %parallel_loop3A_252 : vector<1x16xf32> to vector<16xf32>
        %parallel_loop3A_254 = vector.shape_cast %parallel_loop3A_249 : vector<16xf32> to vector<1x16xf32>
        tpu.vector_store %arg12[%parallel_loop3A_250, %parallel_loop3A_251], %parallel_loop3A_254 {strides = array<i32>} : memref<64x128xf32, #tpu.memory_space<vmem>>, vector<1x16xf32>,
      } {sc.loop_unroll_factor = 4 : i64, sc.parallel_access}
      "tpu.region"() ({
        %run_scoped3A = tpu.sem_alloc : memref<!tpu.dma_semaphore, #tpu.memory_space<semaphore_mem>>
        %dma_start3A_142 = arith.constant 0 : i32
        %dma_start3A_143 = arith.constant 0 : i32
        %dma_start3A_144 = tpu.memref_slice %arg15[%dma_start3A_142, %dma_start3A_143] : memref<10240x128xf32, #tpu.memory_space<vmem_shared>> -> memref<10240x128xf32, #tpu.memory_space<vmem_shared>>
        tpu.enqueue_indirect_dma source(%arg12 : memref<64x128xf32, #tpu.memory_space<vmem>>) target(%dma_start3A_144 : memref<10240x128xf32, #tpu.memory_space<vmem_shared>>) offsets(%arg8 : memref<64xi32, #tpu.memory_space<vmem>>) semaphore(%run_scoped3A : memref<!tpu.dma_semaphore, #tpu.memory_space<semaphore_mem>>) {add = true}
        %dma_wait3A_145 = arith.constant 0 : i32
        %dma_wait3A_146 = arith.constant 0 : i32
        %dma_wait3A_147 = tpu.memref_slice %arg15[%dma_wait3A_145, %dma_wait3A_146] : memref<10240x128xf32, #tpu.memory_space<vmem_shared>> -> memref<10240x128xf32, #tpu.memory_space<vmem_shared>>
        tpu.wait_indirect_dma semaphore(%run_scoped3A : memref<!tpu.dma_semaphore, #tpu.memory_space<semaphore_mem>>) src(%arg12 : memref<64x128xf32, #tpu.memory_space<vmem>>) dst(%dma_wait3A_147 : memref<10240x128xf32, #tpu.memory_space<vmem_shared>>)
        tpu.yield
      }) : () -> ()
      %add3A_120 = arith.constant 1 : i32
      %add3A_121 = arith.addi %while3A_81, %add3A_120 : i32
      %lt3A = arith.cmpi slt, %add3A_121, %select_n3A_8 : i32
      %convert_element_type3A = arith.extui %lt3A : i1 to i32
      %cond3A = arith.constant 0 : i32
      %cond3A_122 = arith.cmpi ne, %convert_element_type3A, %cond3A : i32
      scf.if %cond3A_122 {
        %add3A_142 = arith.constant 2 : i32
        %add3A_143 = arith.addi %mul3A_83, %add3A_142 : i32
        %mul3A_144 = arith.constant 64 : i32
        %mul3A_145 = arith.muli %add3A_143, %mul3A_144 : i32
        %add3A_146 = arith.addi %select_n3A, %mul3A_145 : i32
        %multiple_of3A_147 = tpu.assume_multiple %add3A_146, 64 : i32
        %dma_start3A_148 = tpu.memref_slice %arg4[%multiple_of3A_147] : memref<327680xi32, #tpu.memory_space<hbm>> -> memref<64xi32, #tpu.memory_space<hbm>>
        %dma_start3A_149 = tpu.memref_slice %arg4[%multiple_of3A_147] : memref<327680xi32, #tpu.memory_space<hbm>> -> memref<64xi32, #tpu.memory_space<hbm>>
        tpu.enqueue_dma source(%dma_start3A_149 : memref<64xi32, #tpu.memory_space<hbm>>) target(%arg7 : memref<64xi32, #tpu.memory_space<vmem>>) target_semaphore(%arg16 : memref<!tpu.dma_semaphore, #tpu.memory_space<semaphore_mem>>)
        %mul3A_150 = arith.constant 64 : i32
        %mul3A_151 = arith.muli %add3A_143, %mul3A_150 : i32
        %add3A_152 = arith.addi %select_n3A, %mul3A_151 : i32
        %multiple_of3A_153 = tpu.assume_multiple %add3A_152, 64 : i32
        %dma_start3A_154 = tpu.memref_slice %arg5[%multiple_of3A_153] : memref<327680xi32, #tpu.memory_space<hbm>> -> memref<64xi32, #tpu.memory_space<hbm>>
        %dma_start3A_155 = tpu.memref_slice %arg5[%multiple_of3A_153] : memref<327680xi32, #tpu.memory_space<hbm>> -> memref<64xi32, #tpu.memory_space<hbm>>
        tpu.enqueue_dma source(%dma_start3A_155 : memref<64xi32, #tpu.memory_space<hbm>>) target(%arg8 : memref<64xi32, #tpu.memory_space<vmem>>) target_semaphore(%arg16 : memref<!tpu.dma_semaphore, #tpu.memory_space<semaphore_mem>>)
        %add3A_156 = arith.constant 0 : i32
        %add3A_157 = arith.addi %select_n3A, %add3A_156 : i32
        %multiple_of3A_158 = tpu.assume_multiple %add3A_157, 64 : i32
        %dma_wait3A_159 = tpu.memref_slice %arg4[%multiple_of3A_158] : memref<327680xi32, #tpu.memory_space<hbm>> -> memref<64xi32, #tpu.memory_space<hbm>>
        %dma_wait3A_160 = tpu.memref_slice %arg4[%multiple_of3A_158] : memref<327680xi32, #tpu.memory_space<hbm>> -> memref<64xi32, #tpu.memory_space<hbm>>
        tpu.wait_dma2 semaphore(%arg16 : memref<!tpu.dma_semaphore, #tpu.memory_space<semaphore_mem>>) src(%dma_wait3A_160 : memref<64xi32, #tpu.memory_space<hbm>>) dst(%arg7 : memref<64xi32, #tpu.memory_space<vmem>>)
        %add3A_161 = arith.constant 0 : i32
        %add3A_162 = arith.addi %select_n3A, %add3A_161 : i32
        %multiple_of3A_163 = tpu.assume_multiple %add3A_162, 64 : i32
        %dma_wait3A_164 = tpu.memref_slice %arg5[%multiple_of3A_163] : memref<327680xi32, #tpu.memory_space<hbm>> -> memref<64xi32, #tpu.memory_space<hbm>>
        %dma_wait3A_165 = tpu.memref_slice %arg5[%multiple_of3A_163] : memref<327680xi32, #tpu.memory_space<hbm>> -> memref<64xi32, #tpu.memory_space<hbm>>
        tpu.wait_dma2 semaphore(%arg16 : memref<!tpu.dma_semaphore, #tpu.memory_space<semaphore_mem>>) src(%dma_wait3A_165 : memref<64xi32, #tpu.memory_space<hbm>>) dst(%arg8 : memref<64xi32, #tpu.memory_space<vmem>>)
        %add3A_166 = arith.constant 2 : i32
        %add3A_167 = arith.addi %mul3A_83, %add3A_166 : i32
        %dma_start3A_168 = arith.constant 0 : i32
        %dma_start3A_169 = arith.constant 0 : i32
        %dma_start3A_170 = tpu.memref_slice %arg2[%dma_start3A_168, %dma_start3A_169] : memref<10240x128xf32, #tpu.memory_space<hbm>> -> memref<10240x128xf32, #tpu.memory_space<hbm>>
        tpu.enqueue_indirect_dma source(%dma_start3A_170 : memref<10240x128xf32, #tpu.memory_space<hbm>>) target(%arg11 : memref<64x128xf32, #tpu.memory_space<vmem>>) offsets(%arg7 : memref<64xi32, #tpu.memory_space<vmem>>) semaphore(%arg18 : memref<!tpu.dma_semaphore, #tpu.memory_space<semaphore_mem>>)
        %mul3A_171 = arith.constant 64 : i32
        %mul3A_172 = arith.muli %add3A_167, %mul3A_171 : i32
        %add3A_173 = arith.addi %select_n3A, %mul3A_172 : i32
        %multiple_of3A_174 = tpu.assume_multiple %add3A_173, 64 : i32
        %dma_start3A_175 = arith.constant 0 : i32
        %dma_start3A_176 = tpu.memref_slice %arg3[%multiple_of3A_174, %dma_start3A_175] : memref<327680x128xf32, #tpu.memory_space<hbm>> -> memref<64x128xf32, #tpu.memory_space<hbm>>
        %dma_start3A_177 = arith.constant 0 : i32
        %dma_start3A_178 = tpu.memref_slice %arg3[%multiple_of3A_174, %dma_start3A_177] : memref<327680x128xf32, #tpu.memory_space<hbm>> -> memref<64x128xf32, #tpu.memory_space<hbm>>
        tpu.enqueue_dma source(%dma_start3A_178 : memref<64x128xf32, #tpu.memory_space<hbm>>) target(%arg12 : memref<64x128xf32, #tpu.memory_space<vmem>>) target_semaphore(%arg20 : memref<!tpu.dma_semaphore, #tpu.memory_space<semaphore_mem>>)
      } else {
      }
      %dma_wait3A_123 = arith.constant 0 : i32
      %dma_wait3A_124 = arith.constant 0 : i32
      %dma_wait3A_125 = tpu.memref_slice %arg2[%dma_wait3A_123, %dma_wait3A_124] : memref<10240x128xf32, #tpu.memory_space<hbm>> -> memref<10240x128xf32, #tpu.memory_space<hbm>>
      tpu.wait_indirect_dma semaphore(%arg19 : memref<!tpu.dma_semaphore, #tpu.memory_space<semaphore_mem>>) src(%dma_wait3A_125 : memref<10240x128xf32, #tpu.memory_space<hbm>>) dst(%arg13 : memref<64x128xf32, #tpu.memory_space<vmem>>)
      %add3A_126 = arith.constant 0 : i32
      %add3A_127 = arith.addi %select_n3A, %add3A_126 : i32
      %multiple_of3A_128 = tpu.assume_multiple %add3A_127, 64 : i32
      %dma_wait3A_129 = arith.constant 0 : i32
      %dma_wait3A_130 = tpu.memref_slice %arg3[%multiple_of3A_128, %dma_wait3A_129] : memref<327680x128xf32, #tpu.memory_space<hbm>> -> memref<64x128xf32, #tpu.memory_space<hbm>>
      %dma_wait3A_131 = arith.constant 0 : i32
      %dma_wait3A_132 = tpu.memref_slice %arg3[%multiple_of3A_128, %dma_wait3A_131] : memref<327680x128xf32, #tpu.memory_space<hbm>> -> memref<64x128xf32, #tpu.memory_space<hbm>>
      tpu.wait_dma2 semaphore(%arg21 : memref<!tpu.dma_semaphore, #tpu.memory_space<semaphore_mem>>) src(%dma_wait3A_132 : memref<64x128xf32, #tpu.memory_space<hbm>>) dst(%arg14 : memref<64x128xf32, #tpu.memory_space<vmem>>)
      %parallel_loop3A_133 = arith.constant 0 : i32
      %parallel_loop3A_134 = arith.constant 64 : i32
      %parallel_loop3A_135 = arith.constant 1 : i32
      scf.for %parallel_loop3A_142 = %parallel_loop3A_133 to %parallel_loop3A_134 step %parallel_loop3A_135  : i32 {
        %parallel_loop3A_143 = arith.index_cast %parallel_loop3A_142 : i32 to index
        %parallel_loop3A_144 = arith.constant 0 : index
        %parallel_loop3A_145 = tpu.vector_load %arg14[%parallel_loop3A_143, %parallel_loop3A_144] {strides = array<i32>} : memref<64x128xf32, #tpu.memory_space<vmem>>, vector<1x16xf32>,
        %parallel_loop3A_146 = vector.shape_cast %parallel_loop3A_145 : vector<1x16xf32> to vector<16xf32>
        %parallel_loop3A_147 = arith.index_cast %parallel_loop3A_142 : i32 to index
        %parallel_loop3A_148 = arith.constant 0 : index
        %parallel_loop3A_149 = tpu.vector_load %arg13[%parallel_loop3A_147, %parallel_loop3A_148] {strides = array<i32>} : memref<64x128xf32, #tpu.memory_space<vmem>>, vector<1x16xf32>,
        %parallel_loop3A_150 = vector.shape_cast %parallel_loop3A_149 : vector<1x16xf32> to vector<16xf32>
        %parallel_loop3A_151 = arith.mulf %parallel_loop3A_146, %parallel_loop3A_150 : vector<16xf32>
        %parallel_loop3A_152 = arith.index_cast %parallel_loop3A_142 : i32 to index
        %parallel_loop3A_153 = arith.constant 0 : index
        %parallel_loop3A_154 = tpu.vector_load %arg14[%parallel_loop3A_152, %parallel_loop3A_153] {strides = array<i32>} : memref<64x128xf32, #tpu.memory_space<vmem>>, vector<1x16xf32>,
        %parallel_loop3A_155 = vector.shape_cast %parallel_loop3A_154 : vector<1x16xf32> to vector<16xf32>
        %parallel_loop3A_156 = vector.shape_cast %parallel_loop3A_151 : vector<16xf32> to vector<1x16xf32>
        tpu.vector_store %arg14[%parallel_loop3A_152, %parallel_loop3A_153], %parallel_loop3A_156 {strides = array<i32>} : memref<64x128xf32, #tpu.memory_space<vmem>>, vector<1x16xf32>,
        %parallel_loop3A_157 = arith.index_cast %parallel_loop3A_142 : i32 to index
        %parallel_loop3A_158 = arith.constant 16 : index
        %parallel_loop3A_159 = tpu.vector_load %arg14[%parallel_loop3A_157, %parallel_loop3A_158] {strides = array<i32>} : memref<64x128xf32, #tpu.memory_space<vmem>>, vector<1x16xf32>,
        %parallel_loop3A_160 = vector.shape_cast %parallel_loop3A_159 : vector<1x16xf32> to vector<16xf32>
        %parallel_loop3A_161 = arith.index_cast %parallel_loop3A_142 : i32 to index
        %parallel_loop3A_162 = arith.constant 16 : index
        %parallel_loop3A_163 = tpu.vector_load %arg13[%parallel_loop3A_161, %parallel_loop3A_162] {strides = array<i32>} : memref<64x128xf32, #tpu.memory_space<vmem>>, vector<1x16xf32>,
        %parallel_loop3A_164 = vector.shape_cast %parallel_loop3A_163 : vector<1x16xf32> to vector<16xf32>
        %parallel_loop3A_165 = arith.mulf %parallel_loop3A_160, %parallel_loop3A_164 : vector<16xf32>
        %parallel_loop3A_166 = arith.index_cast %parallel_loop3A_142 : i32 to index
        %parallel_loop3A_167 = arith.constant 16 : index
        %parallel_loop3A_168 = tpu.vector_load %arg14[%parallel_loop3A_166, %parallel_loop3A_167] {strides = array<i32>} : memref<64x128xf32, #tpu.memory_space<vmem>>, vector<1x16xf32>,
        %parallel_loop3A_169 = vector.shape_cast %parallel_loop3A_168 : vector<1x16xf32> to vector<16xf32>
        %parallel_loop3A_170 = vector.shape_cast %parallel_loop3A_165 : vector<16xf32> to vector<1x16xf32>
        tpu.vector_store %arg14[%parallel_loop3A_166, %parallel_loop3A_167], %parallel_loop3A_170 {strides = array<i32>} : memref<64x128xf32, #tpu.memory_space<vmem>>, vector<1x16xf32>,
        %parallel_loop3A_171 = arith.index_cast %parallel_loop3A_142 : i32 to index
        %parallel_loop3A_172 = arith.constant 32 : index
        %parallel_loop3A_173 = tpu.vector_load %arg14[%parallel_loop3A_171, %parallel_loop3A_172] {strides = array<i32>} : memref<64x128xf32, #tpu.memory_space<vmem>>, vector<1x16xf32>,
        %parallel_loop3A_174 = vector.shape_cast %parallel_loop3A_173 : vector<1x16xf32> to vector<16xf32>
        %parallel_loop3A_175 = arith.index_cast %parallel_loop3A_142 : i32 to index
        %parallel_loop3A_176 = arith.constant 32 : index
        %parallel_loop3A_177 = tpu.vector_load %arg13[%parallel_loop3A_175, %parallel_loop3A_176] {strides = array<i32>} : memref<64x128xf32, #tpu.memory_space<vmem>>, vector<1x16xf32>,
        %parallel_loop3A_178 = vector.shape_cast %parallel_loop3A_177 : vector<1x16xf32> to vector<16xf32>
        %parallel_loop3A_179 = arith.mulf %parallel_loop3A_174, %parallel_loop3A_178 : vector<16xf32>
        %parallel_loop3A_180 = arith.index_cast %parallel_loop3A_142 : i32 to index
        %parallel_loop3A_181 = arith.constant 32 : index
        %parallel_loop3A_182 = tpu.vector_load %arg14[%parallel_loop3A_180, %parallel_loop3A_181] {strides = array<i32>} : memref<64x128xf32, #tpu.memory_space<vmem>>, vector<1x16xf32>,
        %parallel_loop3A_183 = vector.shape_cast %parallel_loop3A_182 : vector<1x16xf32> to vector<16xf32>
        %parallel_loop3A_184 = vector.shape_cast %parallel_loop3A_179 : vector<16xf32> to vector<1x16xf32>
        tpu.vector_store %arg14[%parallel_loop3A_180, %parallel_loop3A_181], %parallel_loop3A_184 {strides = array<i32>} : memref<64x128xf32, #tpu.memory_space<vmem>>, vector<1x16xf32>,
        %parallel_loop3A_185 = arith.index_cast %parallel_loop3A_142 : i32 to index
        %parallel_loop3A_186 = arith.constant 48 : index
        %parallel_loop3A_187 = tpu.vector_load %arg14[%parallel_loop3A_185, %parallel_loop3A_186] {strides = array<i32>} : memref<64x128xf32, #tpu.memory_space<vmem>>, vector<1x16xf32>,
        %parallel_loop3A_188 = vector.shape_cast %parallel_loop3A_187 : vector<1x16xf32> to vector<16xf32>
        %parallel_loop3A_189 = arith.index_cast %parallel_loop3A_142 : i32 to index
        %parallel_loop3A_190 = arith.constant 48 : index
        %parallel_loop3A_191 = tpu.vector_load %arg13[%parallel_loop3A_189, %parallel_loop3A_190] {strides = array<i32>} : memref<64x128xf32, #tpu.memory_space<vmem>>, vector<1x16xf32>,
        %parallel_loop3A_192 = vector.shape_cast %parallel_loop3A_191 : vector<1x16xf32> to vector<16xf32>
        %parallel_loop3A_193 = arith.mulf %parallel_loop3A_188, %parallel_loop3A_192 : vector<16xf32>
        %parallel_loop3A_194 = arith.index_cast %parallel_loop3A_142 : i32 to index
        %parallel_loop3A_195 = arith.constant 48 : index
        %parallel_loop3A_196 = tpu.vector_load %arg14[%parallel_loop3A_194, %parallel_loop3A_195] {strides = array<i32>} : memref<64x128xf32, #tpu.memory_space<vmem>>, vector<1x16xf32>,
        %parallel_loop3A_197 = vector.shape_cast %parallel_loop3A_196 : vector<1x16xf32> to vector<16xf32>
        %parallel_loop3A_198 = vector.shape_cast %parallel_loop3A_193 : vector<16xf32> to vector<1x16xf32>
        tpu.vector_store %arg14[%parallel_loop3A_194, %parallel_loop3A_195], %parallel_loop3A_198 {strides = array<i32>} : memref<64x128xf32, #tpu.memory_space<vmem>>, vector<1x16xf32>,
        %parallel_loop3A_199 = arith.index_cast %parallel_loop3A_142 : i32 to index
        %parallel_loop3A_200 = arith.constant 64 : index
        %parallel_loop3A_201 = tpu.vector_load %arg14[%parallel_loop3A_199, %parallel_loop3A_200] {strides = array<i32>} : memref<64x128xf32, #tpu.memory_space<vmem>>, vector<1x16xf32>,
        %parallel_loop3A_202 = vector.shape_cast %parallel_loop3A_201 : vector<1x16xf32> to vector<16xf32>
        %parallel_loop3A_203 = arith.index_cast %parallel_loop3A_142 : i32 to index
        %parallel_loop3A_204 = arith.constant 64 : index
        %parallel_loop3A_205 = tpu.vector_load %arg13[%parallel_loop3A_203, %parallel_loop3A_204] {strides = array<i32>} : memref<64x128xf32, #tpu.memory_space<vmem>>, vector<1x16xf32>,
        %parallel_loop3A_206 = vector.shape_cast %parallel_loop3A_205 : vector<1x16xf32> to vector<16xf32>
        %parallel_loop3A_207 = arith.mulf %parallel_loop3A_202, %parallel_loop3A_206 : vector<16xf32>
        %parallel_loop3A_208 = arith.index_cast %parallel_loop3A_142 : i32 to index
        %parallel_loop3A_209 = arith.constant 64 : index
        %parallel_loop3A_210 = tpu.vector_load %arg14[%parallel_loop3A_208, %parallel_loop3A_209] {strides = array<i32>} : memref<64x128xf32, #tpu.memory_space<vmem>>, vector<1x16xf32>,
        %parallel_loop3A_211 = vector.shape_cast %parallel_loop3A_210 : vector<1x16xf32> to vector<16xf32>
        %parallel_loop3A_212 = vector.shape_cast %parallel_loop3A_207 : vector<16xf32> to vector<1x16xf32>
        tpu.vector_store %arg14[%parallel_loop3A_208, %parallel_loop3A_209], %parallel_loop3A_212 {strides = array<i32>} : memref<64x128xf32, #tpu.memory_space<vmem>>, vector<1x16xf32>,
        %parallel_loop3A_213 = arith.index_cast %parallel_loop3A_142 : i32 to index
        %parallel_loop3A_214 = arith.constant 80 : index
        %parallel_loop3A_215 = tpu.vector_load %arg14[%parallel_loop3A_213, %parallel_loop3A_214] {strides = array<i32>} : memref<64x128xf32, #tpu.memory_space<vmem>>, vector<1x16xf32>,
        %parallel_loop3A_216 = vector.shape_cast %parallel_loop3A_215 : vector<1x16xf32> to vector<16xf32>
        %parallel_loop3A_217 = arith.index_cast %parallel_loop3A_142 : i32 to index
        %parallel_loop3A_218 = arith.constant 80 : index
        %parallel_loop3A_219 = tpu.vector_load %arg13[%parallel_loop3A_217, %parallel_loop3A_218] {strides = array<i32>} : memref<64x128xf32, #tpu.memory_space<vmem>>, vector<1x16xf32>,
        %parallel_loop3A_220 = vector.shape_cast %parallel_loop3A_219 : vector<1x16xf32> to vector<16xf32>
        %parallel_loop3A_221 = arith.mulf %parallel_loop3A_216, %parallel_loop3A_220 : vector<16xf32>
        %parallel_loop3A_222 = arith.index_cast %parallel_loop3A_142 : i32 to index
        %parallel_loop3A_223 = arith.constant 80 : index
        %parallel_loop3A_224 = tpu.vector_load %arg14[%parallel_loop3A_222, %parallel_loop3A_223] {strides = array<i32>} : memref<64x128xf32, #tpu.memory_space<vmem>>, vector<1x16xf32>,
        %parallel_loop3A_225 = vector.shape_cast %parallel_loop3A_224 : vector<1x16xf32> to vector<16xf32>
        %parallel_loop3A_226 = vector.shape_cast %parallel_loop3A_221 : vector<16xf32> to vector<1x16xf32>
        tpu.vector_store %arg14[%parallel_loop3A_222, %parallel_loop3A_223], %parallel_loop3A_226 {strides = array<i32>} : memref<64x128xf32, #tpu.memory_space<vmem>>, vector<1x16xf32>,
        %parallel_loop3A_227 = arith.index_cast %parallel_loop3A_142 : i32 to index
        %parallel_loop3A_228 = arith.constant 96 : index
        %parallel_loop3A_229 = tpu.vector_load %arg14[%parallel_loop3A_227, %parallel_loop3A_228] {strides = array<i32>} : memref<64x128xf32, #tpu.memory_space<vmem>>, vector<1x16xf32>,
        %parallel_loop3A_230 = vector.shape_cast %parallel_loop3A_229 : vector<1x16xf32> to vector<16xf32>
        %parallel_loop3A_231 = arith.index_cast %parallel_loop3A_142 : i32 to index
        %parallel_loop3A_232 = arith.constant 96 : index
        %parallel_loop3A_233 = tpu.vector_load %arg13[%parallel_loop3A_231, %parallel_loop3A_232] {strides = array<i32>} : memref<64x128xf32, #tpu.memory_space<vmem>>, vector<1x16xf32>,
        %parallel_loop3A_234 = vector.shape_cast %parallel_loop3A_233 : vector<1x16xf32> to vector<16xf32>
        %parallel_loop3A_235 = arith.mulf %parallel_loop3A_230, %parallel_loop3A_234 : vector<16xf32>
        %parallel_loop3A_236 = arith.index_cast %parallel_loop3A_142 : i32 to index
        %parallel_loop3A_237 = arith.constant 96 : index
        %parallel_loop3A_238 = tpu.vector_load %arg14[%parallel_loop3A_236, %parallel_loop3A_237] {strides = array<i32>} : memref<64x128xf32, #tpu.memory_space<vmem>>, vector<1x16xf32>,
        %parallel_loop3A_239 = vector.shape_cast %parallel_loop3A_238 : vector<1x16xf32> to vector<16xf32>
        %parallel_loop3A_240 = vector.shape_cast %parallel_loop3A_235 : vector<16xf32> to vector<1x16xf32>
        tpu.vector_store %arg14[%parallel_loop3A_236, %parallel_loop3A_237], %parallel_loop3A_240 {strides = array<i32>} : memref<64x128xf32, #tpu.memory_space<vmem>>, vector<1x16xf32>,
        %parallel_loop3A_241 = arith.index_cast %parallel_loop3A_142 : i32 to index
        %parallel_loop3A_242 = arith.constant 112 : index
        %parallel_loop3A_243 = tpu.vector_load %arg14[%parallel_loop3A_241, %parallel_loop3A_242] {strides = array<i32>} : memref<64x128xf32, #tpu.memory_space<vmem>>, vector<1x16xf32>,
        %parallel_loop3A_244 = vector.shape_cast %parallel_loop3A_243 : vector<1x16xf32> to vector<16xf32>
        %parallel_loop3A_245 = arith.index_cast %parallel_loop3A_142 : i32 to index
        %parallel_loop3A_246 = arith.constant 112 : index
        %parallel_loop3A_247 = tpu.vector_load %arg13[%parallel_loop3A_245, %parallel_loop3A_246] {strides = array<i32>} : memref<64x128xf32, #tpu.memory_space<vmem>>, vector<1x16xf32>,
        %parallel_loop3A_248 = vector.shape_cast %parallel_loop3A_247 : vector<1x16xf32> to vector<16xf32>
        %parallel_loop3A_249 = arith.mulf %parallel_loop3A_244, %parallel_loop3A_248 : vector<16xf32>
        %parallel_loop3A_250 = arith.index_cast %parallel_loop3A_142 : i32 to index
        %parallel_loop3A_251 = arith.constant 112 : index
        %parallel_loop3A_252 = tpu.vector_load %arg14[%parallel_loop3A_250, %parallel_loop3A_251] {strides = array<i32>} : memref<64x128xf32, #tpu.memory_space<vmem>>, vector<1x16xf32>,
        %parallel_loop3A_253 = vector.shape_cast %parallel_loop3A_252 : vector<1x16xf32> to vector<16xf32>
        %parallel_loop3A_254 = vector.shape_cast %parallel_loop3A_249 : vector<16xf32> to vector<1x16xf32>
        tpu.vector_store %arg14[%parallel_loop3A_250, %parallel_loop3A_251], %parallel_loop3A_254 {strides = array<i32>} : memref<64x128xf32, #tpu.memory_space<vmem>>, vector<1x16xf32>,
      } {sc.loop_unroll_factor = 4 : i64, sc.parallel_access}
      "tpu.region"() ({
        %run_scoped3A = tpu.sem_alloc : memref<!tpu.dma_semaphore, #tpu.memory_space<semaphore_mem>>
        %dma_start3A_142 = arith.constant 0 : i32
        %dma_start3A_143 = arith.constant 0 : i32
        %dma_start3A_144 = tpu.memref_slice %arg15[%dma_start3A_142, %dma_start3A_143] : memref<10240x128xf32, #tpu.memory_space<vmem_shared>> -> memref<10240x128xf32, #tpu.memory_space<vmem_shared>>
        tpu.enqueue_indirect_dma source(%arg14 : memref<64x128xf32, #tpu.memory_space<vmem>>) target(%dma_start3A_144 : memref<10240x128xf32, #tpu.memory_space<vmem_shared>>) offsets(%arg10 : memref<64xi32, #tpu.memory_space<vmem>>) semaphore(%run_scoped3A : memref<!tpu.dma_semaphore, #tpu.memory_space<semaphore_mem>>) {add = true}
        %dma_wait3A_145 = arith.constant 0 : i32
        %dma_wait3A_146 = arith.constant 0 : i32
        %dma_wait3A_147 = tpu.memref_slice %arg15[%dma_wait3A_145, %dma_wait3A_146] : memref<10240x128xf32, #tpu.memory_space<vmem_shared>> -> memref<10240x128xf32, #tpu.memory_space<vmem_shared>>
        tpu.wait_indirect_dma semaphore(%run_scoped3A : memref<!tpu.dma_semaphore, #tpu.memory_space<semaphore_mem>>) src(%arg14 : memref<64x128xf32, #tpu.memory_space<vmem>>) dst(%dma_wait3A_147 : memref<10240x128xf32, #tpu.memory_space<vmem_shared>>)
        tpu.yield
      }) : () -> ()
      %add3A_136 = arith.constant 1 : i32
      %add3A_137 = arith.addi %while3A_81, %add3A_136 : i32
      %lt3A_138 = arith.cmpi slt, %add3A_137, %select_n3A_8 : i32
      %convert_element_type3A_139 = arith.extui %lt3A_138 : i1 to i32
      %cond3A_140 = arith.constant 0 : i32
      %cond3A_141 = arith.cmpi ne, %convert_element_type3A_139, %cond3A_140 : i32
      scf.if %cond3A_141 {
        %add3A_142 = arith.constant 3 : i32
        %add3A_143 = arith.addi %mul3A_83, %add3A_142 : i32
        %mul3A_144 = arith.constant 64 : i32
        %mul3A_145 = arith.muli %add3A_143, %mul3A_144 : i32
        %add3A_146 = arith.addi %select_n3A, %mul3A_145 : i32
        %multiple_of3A_147 = tpu.assume_multiple %add3A_146, 64 : i32
        %dma_start3A_148 = tpu.memref_slice %arg4[%multiple_of3A_147] : memref<327680xi32, #tpu.memory_space<hbm>> -> memref<64xi32, #tpu.memory_space<hbm>>
        %dma_start3A_149 = tpu.memref_slice %arg4[%multiple_of3A_147] : memref<327680xi32, #tpu.memory_space<hbm>> -> memref<64xi32, #tpu.memory_space<hbm>>
        tpu.enqueue_dma source(%dma_start3A_149 : memref<64xi32, #tpu.memory_space<hbm>>) target(%arg9 : memref<64xi32, #tpu.memory_space<vmem>>) target_semaphore(%arg17 : memref<!tpu.dma_semaphore, #tpu.memory_space<semaphore_mem>>)
        %mul3A_150 = arith.constant 64 : i32
        %mul3A_151 = arith.muli %add3A_143, %mul3A_150 : i32
        %add3A_152 = arith.addi %select_n3A, %mul3A_151 : i32
        %multiple_of3A_153 = tpu.assume_multiple %add3A_152, 64 : i32
        %dma_start3A_154 = tpu.memref_slice %arg5[%multiple_of3A_153] : memref<327680xi32, #tpu.memory_space<hbm>> -> memref<64xi32, #tpu.memory_space<hbm>>
        %dma_start3A_155 = tpu.memref_slice %arg5[%multiple_of3A_153] : memref<327680xi32, #tpu.memory_space<hbm>> -> memref<64xi32, #tpu.memory_space<hbm>>
        tpu.enqueue_dma source(%dma_start3A_155 : memref<64xi32, #tpu.memory_space<hbm>>) target(%arg10 : memref<64xi32, #tpu.memory_space<vmem>>) target_semaphore(%arg17 : memref<!tpu.dma_semaphore, #tpu.memory_space<semaphore_mem>>)
      } else {
      }
    }
    %while3A_79 = arith.constant 1 : i32
    scf.for %while3A_81 = %while3A_77 to %while3A_73 step %while3A_79  : i32 {
      %mul3A_82 = arith.constant 2 : i32
      %mul3A_83 = arith.muli %mul3A_82, %while3A_81 : i32
      %add3A_84 = arith.constant 0 : i32
      %add3A_85 = arith.addi %select_n3A, %add3A_84 : i32
      %multiple_of3A_86 = tpu.assume_multiple %add3A_85, 64 : i32
      %dma_wait3A_87 = tpu.memref_slice %arg4[%multiple_of3A_86] : memref<327680xi32, #tpu.memory_space<hbm>> -> memref<64xi32, #tpu.memory_space<hbm>>
      %dma_wait3A_88 = tpu.memref_slice %arg4[%multiple_of3A_86] : memref<327680xi32, #tpu.memory_space<hbm>> -> memref<64xi32, #tpu.memory_space<hbm>>
      tpu.wait_dma2 semaphore(%arg17 : memref<!tpu.dma_semaphore, #tpu.memory_space<semaphore_mem>>) src(%dma_wait3A_88 : memref<64xi32, #tpu.memory_space<hbm>>) dst(%arg9 : memref<64xi32, #tpu.memory_space<vmem>>)
      %add3A_89 = arith.constant 0 : i32
      %add3A_90 = arith.addi %select_n3A, %add3A_89 : i32
      %multiple_of3A_91 = tpu.assume_multiple %add3A_90, 64 : i32
      %dma_wait3A_92 = tpu.memref_slice %arg5[%multiple_of3A_91] : memref<327680xi32, #tpu.memory_space<hbm>> -> memref<64xi32, #tpu.memory_space<hbm>>
      %dma_wait3A_93 = tpu.memref_slice %arg5[%multiple_of3A_91] : memref<327680xi32, #tpu.memory_space<hbm>> -> memref<64xi32, #tpu.memory_space<hbm>>
      tpu.wait_dma2 semaphore(%arg17 : memref<!tpu.dma_semaphore, #tpu.memory_space<semaphore_mem>>) src(%dma_wait3A_93 : memref<64xi32, #tpu.memory_space<hbm>>) dst(%arg10 : memref<64xi32, #tpu.memory_space<vmem>>)
      %add3A_94 = arith.constant 1 : i32
      %add3A_95 = arith.addi %mul3A_83, %add3A_94 : i32
      %dma_start3A_96 = arith.constant 0 : i32
      %dma_start3A_97 = arith.constant 0 : i32
      %dma_start3A_98 = tpu.memref_slice %arg2[%dma_start3A_96, %dma_start3A_97] : memref<10240x128xf32, #tpu.memory_space<hbm>> -> memref<10240x128xf32, #tpu.memory_space<hbm>>
      tpu.enqueue_indirect_dma source(%dma_start3A_98 : memref<10240x128xf32, #tpu.memory_space<hbm>>) target(%arg13 : memref<64x128xf32, #tpu.memory_space<vmem>>) offsets(%arg9 : memref<64xi32, #tpu.memory_space<vmem>>) semaphore(%arg19 : memref<!tpu.dma_semaphore, #tpu.memory_space<semaphore_mem>>)
      %mul3A_99 = arith.constant 64 : i32
      %mul3A_100 = arith.muli %add3A_95, %mul3A_99 : i32
      %add3A_101 = arith.addi %select_n3A, %mul3A_100 : i32
      %multiple_of3A_102 = tpu.assume_multiple %add3A_101, 64 : i32
      %dma_start3A_103 = arith.constant 0 : i32
      %dma_start3A_104 = tpu.memref_slice %arg3[%multiple_of3A_102, %dma_start3A_103] : memref<327680x128xf32, #tpu.memory_space<hbm>> -> memref<64x128xf32, #tpu.memory_space<hbm>>
      %dma_start3A_105 = arith.constant 0 : i32
      %dma_start3A_106 = tpu.memref_slice %arg3[%multiple_of3A_102, %dma_start3A_105] : memref<327680x128xf32, #tpu.memory_space<hbm>> -> memref<64x128xf32, #tpu.memory_space<hbm>>
      tpu.enqueue_dma source(%dma_start3A_106 : memref<64x128xf32, #tpu.memory_space<hbm>>) target(%arg14 : memref<64x128xf32, #tpu.memory_space<vmem>>) target_semaphore(%arg21 : memref<!tpu.dma_semaphore, #tpu.memory_space<semaphore_mem>>)
      %dma_wait3A_107 = arith.constant 0 : i32
      %dma_wait3A_108 = arith.constant 0 : i32
      %dma_wait3A_109 = tpu.memref_slice %arg2[%dma_wait3A_107, %dma_wait3A_108] : memref<10240x128xf32, #tpu.memory_space<hbm>> -> memref<10240x128xf32, #tpu.memory_space<hbm>>
      tpu.wait_indirect_dma semaphore(%arg18 : memref<!tpu.dma_semaphore, #tpu.memory_space<semaphore_mem>>) src(%dma_wait3A_109 : memref<10240x128xf32, #tpu.memory_space<hbm>>) dst(%arg11 : memref<64x128xf32, #tpu.memory_space<vmem>>)
      %add3A_110 = arith.constant 0 : i32
      %add3A_111 = arith.addi %select_n3A, %add3A_110 : i32
      %multiple_of3A_112 = tpu.assume_multiple %add3A_111, 64 : i32
      %dma_wait3A_113 = arith.constant 0 : i32
      %dma_wait3A_114 = tpu.memref_slice %arg3[%multiple_of3A_112, %dma_wait3A_113] : memref<327680x128xf32, #tpu.memory_space<hbm>> -> memref<64x128xf32, #tpu.memory_space<hbm>>
      %dma_wait3A_115 = arith.constant 0 : i32
      %dma_wait3A_116 = tpu.memref_slice %arg3[%multiple_of3A_112, %dma_wait3A_115] : memref<327680x128xf32, #tpu.memory_space<hbm>> -> memref<64x128xf32, #tpu.memory_space<hbm>>
      tpu.wait_dma2 semaphore(%arg20 : memref<!tpu.dma_semaphore, #tpu.memory_space<semaphore_mem>>) src(%dma_wait3A_116 : memref<64x128xf32, #tpu.memory_space<hbm>>) dst(%arg12 : memref<64x128xf32, #tpu.memory_space<vmem>>)
      %parallel_loop3A_117 = arith.constant 0 : i32
      %parallel_loop3A_118 = arith.constant 64 : i32
      %parallel_loop3A_119 = arith.constant 1 : i32
      scf.for %parallel_loop3A_142 = %parallel_loop3A_117 to %parallel_loop3A_118 step %parallel_loop3A_119  : i32 {
        %parallel_loop3A_143 = arith.index_cast %parallel_loop3A_142 : i32 to index
        %parallel_loop3A_144 = arith.constant 0 : index
        %parallel_loop3A_145 = tpu.vector_load %arg12[%parallel_loop3A_143, %parallel_loop3A_144] {strides = array<i32>} : memref<64x128xf32, #tpu.memory_space<vmem>>, vector<1x16xf32>,
        %parallel_loop3A_146 = vector.shape_cast %parallel_loop3A_145 : vector<1x16xf32> to vector<16xf32>
        %parallel_loop3A_147 = arith.index_cast %parallel_loop3A_142 : i32 to index
        %parallel_loop3A_148 = arith.constant 0 : index
        %parallel_loop3A_149 = tpu.vector_load %arg11[%parallel_loop3A_147, %parallel_loop3A_148] {strides = array<i32>} : memref<64x128xf32, #tpu.memory_space<vmem>>, vector<1x16xf32>,
        %parallel_loop3A_150 = vector.shape_cast %parallel_loop3A_149 : vector<1x16xf32> to vector<16xf32>
        %parallel_loop3A_151 = arith.mulf %parallel_loop3A_146, %parallel_loop3A_150 : vector<16xf32>
        %parallel_loop3A_152 = arith.index_cast %parallel_loop3A_142 : i32 to index
        %parallel_loop3A_153 = arith.constant 0 : index
        %parallel_loop3A_154 = tpu.vector_load %arg12[%parallel_loop3A_152, %parallel_loop3A_153] {strides = array<i32>} : memref<64x128xf32, #tpu.memory_space<vmem>>, vector<1x16xf32>,
        %parallel_loop3A_155 = vector.shape_cast %parallel_loop3A_154 : vector<1x16xf32> to vector<16xf32>
        %parallel_loop3A_156 = vector.shape_cast %parallel_loop3A_151 : vector<16xf32> to vector<1x16xf32>
        tpu.vector_store %arg12[%parallel_loop3A_152, %parallel_loop3A_153], %parallel_loop3A_156 {strides = array<i32>} : memref<64x128xf32, #tpu.memory_space<vmem>>, vector<1x16xf32>,
        %parallel_loop3A_157 = arith.index_cast %parallel_loop3A_142 : i32 to index
        %parallel_loop3A_158 = arith.constant 16 : index
        %parallel_loop3A_159 = tpu.vector_load %arg12[%parallel_loop3A_157, %parallel_loop3A_158] {strides = array<i32>} : memref<64x128xf32, #tpu.memory_space<vmem>>, vector<1x16xf32>,
        %parallel_loop3A_160 = vector.shape_cast %parallel_loop3A_159 : vector<1x16xf32> to vector<16xf32>
        %parallel_loop3A_161 = arith.index_cast %parallel_loop3A_142 : i32 to index
        %parallel_loop3A_162 = arith.constant 16 : index
        %parallel_loop3A_163 = tpu.vector_load %arg11[%parallel_loop3A_161, %parallel_loop3A_162] {strides = array<i32>} : memref<64x128xf32, #tpu.memory_space<vmem>>, vector<1x16xf32>,
        %parallel_loop3A_164 = vector.shape_cast %parallel_loop3A_163 : vector<1x16xf32> to vector<16xf32>
        %parallel_loop3A_165 = arith.mulf %parallel_loop3A_160, %parallel_loop3A_164 : vector<16xf32>
        %parallel_loop3A_166 = arith.index_cast %parallel_loop3A_142 : i32 to index
        %parallel_loop3A_167 = arith.constant 16 : index
        %parallel_loop3A_168 = tpu.vector_load %arg12[%parallel_loop3A_166, %parallel_loop3A_167] {strides = array<i32>} : memref<64x128xf32, #tpu.memory_space<vmem>>, vector<1x16xf32>,
        %parallel_loop3A_169 = vector.shape_cast %parallel_loop3A_168 : vector<1x16xf32> to vector<16xf32>
        %parallel_loop3A_170 = vector.shape_cast %parallel_loop3A_165 : vector<16xf32> to vector<1x16xf32>
        tpu.vector_store %arg12[%parallel_loop3A_166, %parallel_loop3A_167], %parallel_loop3A_170 {strides = array<i32>} : memref<64x128xf32, #tpu.memory_space<vmem>>, vector<1x16xf32>,
        %parallel_loop3A_171 = arith.index_cast %parallel_loop3A_142 : i32 to index
        %parallel_loop3A_172 = arith.constant 32 : index
        %parallel_loop3A_173 = tpu.vector_load %arg12[%parallel_loop3A_171, %parallel_loop3A_172] {strides = array<i32>} : memref<64x128xf32, #tpu.memory_space<vmem>>, vector<1x16xf32>,
        %parallel_loop3A_174 = vector.shape_cast %parallel_loop3A_173 : vector<1x16xf32> to vector<16xf32>
        %parallel_loop3A_175 = arith.index_cast %parallel_loop3A_142 : i32 to index
        %parallel_loop3A_176 = arith.constant 32 : index
        %parallel_loop3A_177 = tpu.vector_load %arg11[%parallel_loop3A_175, %parallel_loop3A_176] {strides = array<i32>} : memref<64x128xf32, #tpu.memory_space<vmem>>, vector<1x16xf32>,
        %parallel_loop3A_178 = vector.shape_cast %parallel_loop3A_177 : vector<1x16xf32> to vector<16xf32>
        %parallel_loop3A_179 = arith.mulf %parallel_loop3A_174, %parallel_loop3A_178 : vector<16xf32>
        %parallel_loop3A_180 = arith.index_cast %parallel_loop3A_142 : i32 to index
        %parallel_loop3A_181 = arith.constant 32 : index
        %parallel_loop3A_182 = tpu.vector_load %arg12[%parallel_loop3A_180, %parallel_loop3A_181] {strides = array<i32>} : memref<64x128xf32, #tpu.memory_space<vmem>>, vector<1x16xf32>,
        %parallel_loop3A_183 = vector.shape_cast %parallel_loop3A_182 : vector<1x16xf32> to vector<16xf32>
        %parallel_loop3A_184 = vector.shape_cast %parallel_loop3A_179 : vector<16xf32> to vector<1x16xf32>
        tpu.vector_store %arg12[%parallel_loop3A_180, %parallel_loop3A_181], %parallel_loop3A_184 {strides = array<i32>} : memref<64x128xf32, #tpu.memory_space<vmem>>, vector<1x16xf32>,
        %parallel_loop3A_185 = arith.index_cast %parallel_loop3A_142 : i32 to index
        %parallel_loop3A_186 = arith.constant 48 : index
        %parallel_loop3A_187 = tpu.vector_load %arg12[%parallel_loop3A_185, %parallel_loop3A_186] {strides = array<i32>} : memref<64x128xf32, #tpu.memory_space<vmem>>, vector<1x16xf32>,
        %parallel_loop3A_188 = vector.shape_cast %parallel_loop3A_187 : vector<1x16xf32> to vector<16xf32>
        %parallel_loop3A_189 = arith.index_cast %parallel_loop3A_142 : i32 to index
        %parallel_loop3A_190 = arith.constant 48 : index
        %parallel_loop3A_191 = tpu.vector_load %arg11[%parallel_loop3A_189, %parallel_loop3A_190] {strides = array<i32>} : memref<64x128xf32, #tpu.memory_space<vmem>>, vector<1x16xf32>,
        %parallel_loop3A_192 = vector.shape_cast %parallel_loop3A_191 : vector<1x16xf32> to vector<16xf32>
        %parallel_loop3A_193 = arith.mulf %parallel_loop3A_188, %parallel_loop3A_192 : vector<16xf32>
        %parallel_loop3A_194 = arith.index_cast %parallel_loop3A_142 : i32 to index
        %parallel_loop3A_195 = arith.constant 48 : index
        %parallel_loop3A_196 = tpu.vector_load %arg12[%parallel_loop3A_194, %parallel_loop3A_195] {strides = array<i32>} : memref<64x128xf32, #tpu.memory_space<vmem>>, vector<1x16xf32>,
        %parallel_loop3A_197 = vector.shape_cast %parallel_loop3A_196 : vector<1x16xf32> to vector<16xf32>
        %parallel_loop3A_198 = vector.shape_cast %parallel_loop3A_193 : vector<16xf32> to vector<1x16xf32>
        tpu.vector_store %arg12[%parallel_loop3A_194, %parallel_loop3A_195], %parallel_loop3A_198 {strides = array<i32>} : memref<64x128xf32, #tpu.memory_space<vmem>>, vector<1x16xf32>,
        %parallel_loop3A_199 = arith.index_cast %parallel_loop3A_142 : i32 to index
        %parallel_loop3A_200 = arith.constant 64 : index
        %parallel_loop3A_201 = tpu.vector_load %arg12[%parallel_loop3A_199, %parallel_loop3A_200] {strides = array<i32>} : memref<64x128xf32, #tpu.memory_space<vmem>>, vector<1x16xf32>,
        %parallel_loop3A_202 = vector.shape_cast %parallel_loop3A_201 : vector<1x16xf32> to vector<16xf32>
        %parallel_loop3A_203 = arith.index_cast %parallel_loop3A_142 : i32 to index
        %parallel_loop3A_204 = arith.constant 64 : index
        %parallel_loop3A_205 = tpu.vector_load %arg11[%parallel_loop3A_203, %parallel_loop3A_204] {strides = array<i32>} : memref<64x128xf32, #tpu.memory_space<vmem>>, vector<1x16xf32>,
        %parallel_loop3A_206 = vector.shape_cast %parallel_loop3A_205 : vector<1x16xf32> to vector<16xf32>
        %parallel_loop3A_207 = arith.mulf %parallel_loop3A_202, %parallel_loop3A_206 : vector<16xf32>
        %parallel_loop3A_208 = arith.index_cast %parallel_loop3A_142 : i32 to index
        %parallel_loop3A_209 = arith.constant 64 : index
        %parallel_loop3A_210 = tpu.vector_load %arg12[%parallel_loop3A_208, %parallel_loop3A_209] {strides = array<i32>} : memref<64x128xf32, #tpu.memory_space<vmem>>, vector<1x16xf32>,
        %parallel_loop3A_211 = vector.shape_cast %parallel_loop3A_210 : vector<1x16xf32> to vector<16xf32>
        %parallel_loop3A_212 = vector.shape_cast %parallel_loop3A_207 : vector<16xf32> to vector<1x16xf32>
        tpu.vector_store %arg12[%parallel_loop3A_208, %parallel_loop3A_209], %parallel_loop3A_212 {strides = array<i32>} : memref<64x128xf32, #tpu.memory_space<vmem>>, vector<1x16xf32>,
        %parallel_loop3A_213 = arith.index_cast %parallel_loop3A_142 : i32 to index
        %parallel_loop3A_214 = arith.constant 80 : index
        %parallel_loop3A_215 = tpu.vector_load %arg12[%parallel_loop3A_213, %parallel_loop3A_214] {strides = array<i32>} : memref<64x128xf32, #tpu.memory_space<vmem>>, vector<1x16xf32>,
        %parallel_loop3A_216 = vector.shape_cast %parallel_loop3A_215 : vector<1x16xf32> to vector<16xf32>
        %parallel_loop3A_217 = arith.index_cast %parallel_loop3A_142 : i32 to index
        %parallel_loop3A_218 = arith.constant 80 : index
        %parallel_loop3A_219 = tpu.vector_load %arg11[%parallel_loop3A_217, %parallel_loop3A_218] {strides = array<i32>} : memref<64x128xf32, #tpu.memory_space<vmem>>, vector<1x16xf32>,
        %parallel_loop3A_220 = vector.shape_cast %parallel_loop3A_219 : vector<1x16xf32> to vector<16xf32>
        %parallel_loop3A_221 = arith.mulf %parallel_loop3A_216, %parallel_loop3A_220 : vector<16xf32>
        %parallel_loop3A_222 = arith.index_cast %parallel_loop3A_142 : i32 to index
        %parallel_loop3A_223 = arith.constant 80 : index
        %parallel_loop3A_224 = tpu.vector_load %arg12[%parallel_loop3A_222, %parallel_loop3A_223] {strides = array<i32>} : memref<64x128xf32, #tpu.memory_space<vmem>>, vector<1x16xf32>,
        %parallel_loop3A_225 = vector.shape_cast %parallel_loop3A_224 : vector<1x16xf32> to vector<16xf32>
        %parallel_loop3A_226 = vector.shape_cast %parallel_loop3A_221 : vector<16xf32> to vector<1x16xf32>
        tpu.vector_store %arg12[%parallel_loop3A_222, %parallel_loop3A_223], %parallel_loop3A_226 {strides = array<i32>} : memref<64x128xf32, #tpu.memory_space<vmem>>, vector<1x16xf32>,
        %parallel_loop3A_227 = arith.index_cast %parallel_loop3A_142 : i32 to index
        %parallel_loop3A_228 = arith.constant 96 : index
        %parallel_loop3A_229 = tpu.vector_load %arg12[%parallel_loop3A_227, %parallel_loop3A_228] {strides = array<i32>} : memref<64x128xf32, #tpu.memory_space<vmem>>, vector<1x16xf32>,
        %parallel_loop3A_230 = vector.shape_cast %parallel_loop3A_229 : vector<1x16xf32> to vector<16xf32>
        %parallel_loop3A_231 = arith.index_cast %parallel_loop3A_142 : i32 to index
        %parallel_loop3A_232 = arith.constant 96 : index
        %parallel_loop3A_233 = tpu.vector_load %arg11[%parallel_loop3A_231, %parallel_loop3A_232] {strides = array<i32>} : memref<64x128xf32, #tpu.memory_space<vmem>>, vector<1x16xf32>,
        %parallel_loop3A_234 = vector.shape_cast %parallel_loop3A_233 : vector<1x16xf32> to vector<16xf32>
        %parallel_loop3A_235 = arith.mulf %parallel_loop3A_230, %parallel_loop3A_234 : vector<16xf32>
        %parallel_loop3A_236 = arith.index_cast %parallel_loop3A_142 : i32 to index
        %parallel_loop3A_237 = arith.constant 96 : index
        %parallel_loop3A_238 = tpu.vector_load %arg12[%parallel_loop3A_236, %parallel_loop3A_237] {strides = array<i32>} : memref<64x128xf32, #tpu.memory_space<vmem>>, vector<1x16xf32>,
        %parallel_loop3A_239 = vector.shape_cast %parallel_loop3A_238 : vector<1x16xf32> to vector<16xf32>
        %parallel_loop3A_240 = vector.shape_cast %parallel_loop3A_235 : vector<16xf32> to vector<1x16xf32>
        tpu.vector_store %arg12[%parallel_loop3A_236, %parallel_loop3A_237], %parallel_loop3A_240 {strides = array<i32>} : memref<64x128xf32, #tpu.memory_space<vmem>>, vector<1x16xf32>,
        %parallel_loop3A_241 = arith.index_cast %parallel_loop3A_142 : i32 to index
        %parallel_loop3A_242 = arith.constant 112 : index
        %parallel_loop3A_243 = tpu.vector_load %arg12[%parallel_loop3A_241, %parallel_loop3A_242] {strides = array<i32>} : memref<64x128xf32, #tpu.memory_space<vmem>>, vector<1x16xf32>,
        %parallel_loop3A_244 = vector.shape_cast %parallel_loop3A_243 : vector<1x16xf32> to vector<16xf32>
        %parallel_loop3A_245 = arith.index_cast %parallel_loop3A_142 : i32 to index
        %parallel_loop3A_246 = arith.constant 112 : index
        %parallel_loop3A_247 = tpu.vector_load %arg11[%parallel_loop3A_245, %parallel_loop3A_246] {strides = array<i32>} : memref<64x128xf32, #tpu.memory_space<vmem>>, vector<1x16xf32>,
        %parallel_loop3A_248 = vector.shape_cast %parallel_loop3A_247 : vector<1x16xf32> to vector<16xf32>
        %parallel_loop3A_249 = arith.mulf %parallel_loop3A_244, %parallel_loop3A_248 : vector<16xf32>
        %parallel_loop3A_250 = arith.index_cast %parallel_loop3A_142 : i32 to index
        %parallel_loop3A_251 = arith.constant 112 : index
        %parallel_loop3A_252 = tpu.vector_load %arg12[%parallel_loop3A_250, %parallel_loop3A_251] {strides = array<i32>} : memref<64x128xf32, #tpu.memory_space<vmem>>, vector<1x16xf32>,
        %parallel_loop3A_253 = vector.shape_cast %parallel_loop3A_252 : vector<1x16xf32> to vector<16xf32>
        %parallel_loop3A_254 = vector.shape_cast %parallel_loop3A_249 : vector<16xf32> to vector<1x16xf32>
        tpu.vector_store %arg12[%parallel_loop3A_250, %parallel_loop3A_251], %parallel_loop3A_254 {strides = array<i32>} : memref<64x128xf32, #tpu.memory_space<vmem>>, vector<1x16xf32>,
      } {sc.loop_unroll_factor = 4 : i64, sc.parallel_access}
      "tpu.region"() ({
        %run_scoped3A = tpu.sem_alloc : memref<!tpu.dma_semaphore, #tpu.memory_space<semaphore_mem>>
        %dma_start3A_142 = arith.constant 0 : i32
        %dma_start3A_143 = arith.constant 0 : i32
        %dma_start3A_144 = tpu.memref_slice %arg15[%dma_start3A_142, %dma_start3A_143] : memref<10240x128xf32, #tpu.memory_space<vmem_shared>> -> memref<10240x128xf32, #tpu.memory_space<vmem_shared>>
        tpu.enqueue_indirect_dma source(%arg12 : memref<64x128xf32, #tpu.memory_space<vmem>>) target(%dma_start3A_144 : memref<10240x128xf32, #tpu.memory_space<vmem_shared>>) offsets(%arg8 : memref<64xi32, #tpu.memory_space<vmem>>) semaphore(%run_scoped3A : memref<!tpu.dma_semaphore, #tpu.memory_space<semaphore_mem>>) {add = true}
        %dma_wait3A_145 = arith.constant 0 : i32
        %dma_wait3A_146 = arith.constant 0 : i32
        %dma_wait3A_147 = tpu.memref_slice %arg15[%dma_wait3A_145, %dma_wait3A_146] : memref<10240x128xf32, #tpu.memory_space<vmem_shared>> -> memref<10240x128xf32, #tpu.memory_space<vmem_shared>>
        tpu.wait_indirect_dma semaphore(%run_scoped3A : memref<!tpu.dma_semaphore, #tpu.memory_space<semaphore_mem>>) src(%arg12 : memref<64x128xf32, #tpu.memory_space<vmem>>) dst(%dma_wait3A_147 : memref<10240x128xf32, #tpu.memory_space<vmem_shared>>)
        tpu.yield
      }) : () -> ()
      %add3A_120 = arith.constant 1 : i32
      %add3A_121 = arith.addi %while3A_81, %add3A_120 : i32
      %lt3A = arith.cmpi slt, %add3A_121, %select_n3A_8 : i32
      %convert_element_type3A = arith.extui %lt3A : i1 to i32
      %cond3A = arith.constant 0 : i32
      %cond3A_122 = arith.cmpi ne, %convert_element_type3A, %cond3A : i32
      scf.if %cond3A_122 {
        %add3A_142 = arith.constant 2 : i32
        %add3A_143 = arith.addi %mul3A_83, %add3A_142 : i32
        %mul3A_144 = arith.constant 64 : i32
        %mul3A_145 = arith.muli %add3A_143, %mul3A_144 : i32
        %add3A_146 = arith.addi %select_n3A, %mul3A_145 : i32
        %multiple_of3A_147 = tpu.assume_multiple %add3A_146, 64 : i32
        %dma_start3A_148 = tpu.memref_slice %arg4[%multiple_of3A_147] : memref<327680xi32, #tpu.memory_space<hbm>> -> memref<64xi32, #tpu.memory_space<hbm>>
        %dma_start3A_149 = tpu.memref_slice %arg4[%multiple_of3A_147] : memref<327680xi32, #tpu.memory_space<hbm>> -> memref<64xi32, #tpu.memory_space<hbm>>
        tpu.enqueue_dma source(%dma_start3A_149 : memref<64xi32, #tpu.memory_space<hbm>>) target(%arg7 : memref<64xi32, #tpu.memory_space<vmem>>) target_semaphore(%arg16 : memref<!tpu.dma_semaphore, #tpu.memory_space<semaphore_mem>>)
        %mul3A_150 = arith.constant 64 : i32
        %mul3A_151 = arith.muli %add3A_143, %mul3A_150 : i32
        %add3A_152 = arith.addi %select_n3A, %mul3A_151 : i32
        %multiple_of3A_153 = tpu.assume_multiple %add3A_152, 64 : i32
        %dma_start3A_154 = tpu.memref_slice %arg5[%multiple_of3A_153] : memref<327680xi32, #tpu.memory_space<hbm>> -> memref<64xi32, #tpu.memory_space<hbm>>
        %dma_start3A_155 = tpu.memref_slice %arg5[%multiple_of3A_153] : memref<327680xi32, #tpu.memory_space<hbm>> -> memref<64xi32, #tpu.memory_space<hbm>>
        tpu.enqueue_dma source(%dma_start3A_155 : memref<64xi32, #tpu.memory_space<hbm>>) target(%arg8 : memref<64xi32, #tpu.memory_space<vmem>>) target_semaphore(%arg16 : memref<!tpu.dma_semaphore, #tpu.memory_space<semaphore_mem>>)
        %add3A_156 = arith.constant 0 : i32
        %add3A_157 = arith.addi %select_n3A, %add3A_156 : i32
        %multiple_of3A_158 = tpu.assume_multiple %add3A_157, 64 : i32
        %dma_wait3A_159 = tpu.memref_slice %arg4[%multiple_of3A_158] : memref<327680xi32, #tpu.memory_space<hbm>> -> memref<64xi32, #tpu.memory_space<hbm>>
        %dma_wait3A_160 = tpu.memref_slice %arg4[%multiple_of3A_158] : memref<327680xi32, #tpu.memory_space<hbm>> -> memref<64xi32, #tpu.memory_space<hbm>>
        tpu.wait_dma2 semaphore(%arg16 : memref<!tpu.dma_semaphore, #tpu.memory_space<semaphore_mem>>) src(%dma_wait3A_160 : memref<64xi32, #tpu.memory_space<hbm>>) dst(%arg7 : memref<64xi32, #tpu.memory_space<vmem>>)
        %add3A_161 = arith.constant 0 : i32
        %add3A_162 = arith.addi %select_n3A, %add3A_161 : i32
        %multiple_of3A_163 = tpu.assume_multiple %add3A_162, 64 : i32
        %dma_wait3A_164 = tpu.memref_slice %arg5[%multiple_of3A_163] : memref<327680xi32, #tpu.memory_space<hbm>> -> memref<64xi32, #tpu.memory_space<hbm>>
        %dma_wait3A_165 = tpu.memref_slice %arg5[%multiple_of3A_163] : memref<327680xi32, #tpu.memory_space<hbm>> -> memref<64xi32, #tpu.memory_space<hbm>>
        tpu.wait_dma2 semaphore(%arg16 : memref<!tpu.dma_semaphore, #tpu.memory_space<semaphore_mem>>) src(%dma_wait3A_165 : memref<64xi32, #tpu.memory_space<hbm>>) dst(%arg8 : memref<64xi32, #tpu.memory_space<vmem>>)
        %add3A_166 = arith.constant 2 : i32
        %add3A_167 = arith.addi %mul3A_83, %add3A_166 : i32
        %dma_start3A_168 = arith.constant 0 : i32
        %dma_start3A_169 = arith.constant 0 : i32
        %dma_start3A_170 = tpu.memref_slice %arg2[%dma_start3A_168, %dma_start3A_169] : memref<10240x128xf32, #tpu.memory_space<hbm>> -> memref<10240x128xf32, #tpu.memory_space<hbm>>
        tpu.enqueue_indirect_dma source(%dma_start3A_170 : memref<10240x128xf32, #tpu.memory_space<hbm>>) target(%arg11 : memref<64x128xf32, #tpu.memory_space<vmem>>) offsets(%arg7 : memref<64xi32, #tpu.memory_space<vmem>>) semaphore(%arg18 : memref<!tpu.dma_semaphore, #tpu.memory_space<semaphore_mem>>)
        %mul3A_171 = arith.constant 64 : i32
        %mul3A_172 = arith.muli %add3A_167, %mul3A_171 : i32
        %add3A_173 = arith.addi %select_n3A, %mul3A_172 : i32
        %multiple_of3A_174 = tpu.assume_multiple %add3A_173, 64 : i32
        %dma_start3A_175 = arith.constant 0 : i32
        %dma_start3A_176 = tpu.memref_slice %arg3[%multiple_of3A_174, %dma_start3A_175] : memref<327680x128xf32, #tpu.memory_space<hbm>> -> memref<64x128xf32, #tpu.memory_space<hbm>>
        %dma_start3A_177 = arith.constant 0 : i32
        %dma_start3A_178 = tpu.memref_slice %arg3[%multiple_of3A_174, %dma_start3A_177] : memref<327680x128xf32, #tpu.memory_space<hbm>> -> memref<64x128xf32, #tpu.memory_space<hbm>>
        tpu.enqueue_dma source(%dma_start3A_178 : memref<64x128xf32, #tpu.memory_space<hbm>>) target(%arg12 : memref<64x128xf32, #tpu.memory_space<vmem>>) target_semaphore(%arg20 : memref<!tpu.dma_semaphore, #tpu.memory_space<semaphore_mem>>)
      } else {
      }
      %dma_wait3A_123 = arith.constant 0 : i32
      %dma_wait3A_124 = arith.constant 0 : i32
      %dma_wait3A_125 = tpu.memref_slice %arg2[%dma_wait3A_123, %dma_wait3A_124] : memref<10240x128xf32, #tpu.memory_space<hbm>> -> memref<10240x128xf32, #tpu.memory_space<hbm>>
      tpu.wait_indirect_dma semaphore(%arg19 : memref<!tpu.dma_semaphore, #tpu.memory_space<semaphore_mem>>) src(%dma_wait3A_125 : memref<10240x128xf32, #tpu.memory_space<hbm>>) dst(%arg13 : memref<64x128xf32, #tpu.memory_space<vmem>>)
      %add3A_126 = arith.constant 0 : i32
      %add3A_127 = arith.addi %select_n3A, %add3A_126 : i32
      %multiple_of3A_128 = tpu.assume_multiple %add3A_127, 64 : i32
      %dma_wait3A_129 = arith.constant 0 : i32
      %dma_wait3A_130 = tpu.memref_slice %arg3[%multiple_of3A_128, %dma_wait3A_129] : memref<327680x128xf32, #tpu.memory_space<hbm>> -> memref<64x128xf32, #tpu.memory_space<hbm>>
      %dma_wait3A_131 = arith.constant 0 : i32
      %dma_wait3A_132 = tpu.memref_slice %arg3[%multiple_of3A_128, %dma_wait3A_131] : memref<327680x128xf32, #tpu.memory_space<hbm>> -> memref<64x128xf32, #tpu.memory_space<hbm>>
      tpu.wait_dma2 semaphore(%arg21 : memref<!tpu.dma_semaphore, #tpu.memory_space<semaphore_mem>>) src(%dma_wait3A_132 : memref<64x128xf32, #tpu.memory_space<hbm>>) dst(%arg14 : memref<64x128xf32, #tpu.memory_space<vmem>>)
      %parallel_loop3A_133 = arith.constant 0 : i32
      %parallel_loop3A_134 = arith.constant 64 : i32
      %parallel_loop3A_135 = arith.constant 1 : i32
      scf.for %parallel_loop3A_142 = %parallel_loop3A_133 to %parallel_loop3A_134 step %parallel_loop3A_135  : i32 {
        %parallel_loop3A_143 = arith.index_cast %parallel_loop3A_142 : i32 to index
        %parallel_loop3A_144 = arith.constant 0 : index
        %parallel_loop3A_145 = tpu.vector_load %arg14[%parallel_loop3A_143, %parallel_loop3A_144] {strides = array<i32>} : memref<64x128xf32, #tpu.memory_space<vmem>>, vector<1x16xf32>,
        %parallel_loop3A_146 = vector.shape_cast %parallel_loop3A_145 : vector<1x16xf32> to vector<16xf32>
        %parallel_loop3A_147 = arith.index_cast %parallel_loop3A_142 : i32 to index
        %parallel_loop3A_148 = arith.constant 0 : index
        %parallel_loop3A_149 = tpu.vector_load %arg13[%parallel_loop3A_147, %parallel_loop3A_148] {strides = array<i32>} : memref<64x128xf32, #tpu.memory_space<vmem>>, vector<1x16xf32>,
        %parallel_loop3A_150 = vector.shape_cast %parallel_loop3A_149 : vector<1x16xf32> to vector<16xf32>
        %parallel_loop3A_151 = arith.mulf %parallel_loop3A_146, %parallel_loop3A_150 : vector<16xf32>
        %parallel_loop3A_152 = arith.index_cast %parallel_loop3A_142 : i32 to index
        %parallel_loop3A_153 = arith.constant 0 : index
        %parallel_loop3A_154 = tpu.vector_load %arg14[%parallel_loop3A_152, %parallel_loop3A_153] {strides = array<i32>} : memref<64x128xf32, #tpu.memory_space<vmem>>, vector<1x16xf32>,
        %parallel_loop3A_155 = vector.shape_cast %parallel_loop3A_154 : vector<1x16xf32> to vector<16xf32>
        %parallel_loop3A_156 = vector.shape_cast %parallel_loop3A_151 : vector<16xf32> to vector<1x16xf32>
        tpu.vector_store %arg14[%parallel_loop3A_152, %parallel_loop3A_153], %parallel_loop3A_156 {strides = array<i32>} : memref<64x128xf32, #tpu.memory_space<vmem>>, vector<1x16xf32>,
        %parallel_loop3A_157 = arith.index_cast %parallel_loop3A_142 : i32 to index
        %parallel_loop3A_158 = arith.constant 16 : index
        %parallel_loop3A_159 = tpu.vector_load %arg14[%parallel_loop3A_157, %parallel_loop3A_158] {strides = array<i32>} : memref<64x128xf32, #tpu.memory_space<vmem>>, vector<1x16xf32>,
        %parallel_loop3A_160 = vector.shape_cast %parallel_loop3A_159 : vector<1x16xf32> to vector<16xf32>
        %parallel_loop3A_161 = arith.index_cast %parallel_loop3A_142 : i32 to index
        %parallel_loop3A_162 = arith.constant 16 : index
        %parallel_loop3A_163 = tpu.vector_load %arg13[%parallel_loop3A_161, %parallel_loop3A_162] {strides = array<i32>} : memref<64x128xf32, #tpu.memory_space<vmem>>, vector<1x16xf32>,
        %parallel_loop3A_164 = vector.shape_cast %parallel_loop3A_163 : vector<1x16xf32> to vector<16xf32>
        %parallel_loop3A_165 = arith.mulf %parallel_loop3A_160, %parallel_loop3A_164 : vector<16xf32>
        %parallel_loop3A_166 = arith.index_cast %parallel_loop3A_142 : i32 to index
        %parallel_loop3A_167 = arith.constant 16 : index
        %parallel_loop3A_168 = tpu.vector_load %arg14[%parallel_loop3A_166, %parallel_loop3A_167] {strides = array<i32>} : memref<64x128xf32, #tpu.memory_space<vmem>>, vector<1x16xf32>,
        %parallel_loop3A_169 = vector.shape_cast %parallel_loop3A_168 : vector<1x16xf32> to vector<16xf32>
        %parallel_loop3A_170 = vector.shape_cast %parallel_loop3A_165 : vector<16xf32> to vector<1x16xf32>
        tpu.vector_store %arg14[%parallel_loop3A_166, %parallel_loop3A_167], %parallel_loop3A_170 {strides = array<i32>} : memref<64x128xf32, #tpu.memory_space<vmem>>, vector<1x16xf32>,
        %parallel_loop3A_171 = arith.index_cast %parallel_loop3A_142 : i32 to index
        %parallel_loop3A_172 = arith.constant 32 : index
        %parallel_loop3A_173 = tpu.vector_load %arg14[%parallel_loop3A_171, %parallel_loop3A_172] {strides = array<i32>} : memref<64x128xf32, #tpu.memory_space<vmem>>, vector<1x16xf32>,
        %parallel_loop3A_174 = vector.shape_cast %parallel_loop3A_173 : vector<1x16xf32> to vector<16xf32>
        %parallel_loop3A_175 = arith.index_cast %parallel_loop3A_142 : i32 to index
        %parallel_loop3A_176 = arith.constant 32 : index
        %parallel_loop3A_177 = tpu.vector_load %arg13[%parallel_loop3A_175, %parallel_loop3A_176] {strides = array<i32>} : memref<64x128xf32, #tpu.memory_space<vmem>>, vector<1x16xf32>,
        %parallel_loop3A_178 = vector.shape_cast %parallel_loop3A_177 : vector<1x16xf32> to vector<16xf32>
        %parallel_loop3A_179 = arith.mulf %parallel_loop3A_174, %parallel_loop3A_178 : vector<16xf32>
        %parallel_loop3A_180 = arith.index_cast %parallel_loop3A_142 : i32 to index
        %parallel_loop3A_181 = arith.constant 32 : index
        %parallel_loop3A_182 = tpu.vector_load %arg14[%parallel_loop3A_180, %parallel_loop3A_181] {strides = array<i32>} : memref<64x128xf32, #tpu.memory_space<vmem>>, vector<1x16xf32>,
        %parallel_loop3A_183 = vector.shape_cast %parallel_loop3A_182 : vector<1x16xf32> to vector<16xf32>
        %parallel_loop3A_184 = vector.shape_cast %parallel_loop3A_179 : vector<16xf32> to vector<1x16xf32>
        tpu.vector_store %arg14[%parallel_loop3A_180, %parallel_loop3A_181], %parallel_loop3A_184 {strides = array<i32>} : memref<64x128xf32, #tpu.memory_space<vmem>>, vector<1x16xf32>,
        %parallel_loop3A_185 = arith.index_cast %parallel_loop3A_142 : i32 to index
        %parallel_loop3A_186 = arith.constant 48 : index
        %parallel_loop3A_187 = tpu.vector_load %arg14[%parallel_loop3A_185, %parallel_loop3A_186] {strides = array<i32>} : memref<64x128xf32, #tpu.memory_space<vmem>>, vector<1x16xf32>,
        %parallel_loop3A_188 = vector.shape_cast %parallel_loop3A_187 : vector<1x16xf32> to vector<16xf32>
        %parallel_loop3A_189 = arith.index_cast %parallel_loop3A_142 : i32 to index
        %parallel_loop3A_190 = arith.constant 48 : index
        %parallel_loop3A_191 = tpu.vector_load %arg13[%parallel_loop3A_189, %parallel_loop3A_190] {strides = array<i32>} : memref<64x128xf32, #tpu.memory_space<vmem>>, vector<1x16xf32>,
        %parallel_loop3A_192 = vector.shape_cast %parallel_loop3A_191 : vector<1x16xf32> to vector<16xf32>
        %parallel_loop3A_193 = arith.mulf %parallel_loop3A_188, %parallel_loop3A_192 : vector<16xf32>
        %parallel_loop3A_194 = arith.index_cast %parallel_loop3A_142 : i32 to index
        %parallel_loop3A_195 = arith.constant 48 : index
        %parallel_loop3A_196 = tpu.vector_load %arg14[%parallel_loop3A_194, %parallel_loop3A_195] {strides = array<i32>} : memref<64x128xf32, #tpu.memory_space<vmem>>, vector<1x16xf32>,
        %parallel_loop3A_197 = vector.shape_cast %parallel_loop3A_196 : vector<1x16xf32> to vector<16xf32>
        %parallel_loop3A_198 = vector.shape_cast %parallel_loop3A_193 : vector<16xf32> to vector<1x16xf32>
        tpu.vector_store %arg14[%parallel_loop3A_194, %parallel_loop3A_195], %parallel_loop3A_198 {strides = array<i32>} : memref<64x128xf32, #tpu.memory_space<vmem>>, vector<1x16xf32>,
        %parallel_loop3A_199 = arith.index_cast %parallel_loop3A_142 : i32 to index
        %parallel_loop3A_200 = arith.constant 64 : index
        %parallel_loop3A_201 = tpu.vector_load %arg14[%parallel_loop3A_199, %parallel_loop3A_200] {strides = array<i32>} : memref<64x128xf32, #tpu.memory_space<vmem>>, vector<1x16xf32>,
        %parallel_loop3A_202 = vector.shape_cast %parallel_loop3A_201 : vector<1x16xf32> to vector<16xf32>
        %parallel_loop3A_203 = arith.index_cast %parallel_loop3A_142 : i32 to index
        %parallel_loop3A_204 = arith.constant 64 : index
        %parallel_loop3A_205 = tpu.vector_load %arg13[%parallel_loop3A_203, %parallel_loop3A_204] {strides = array<i32>} : memref<64x128xf32, #tpu.memory_space<vmem>>, vector<1x16xf32>,
        %parallel_loop3A_206 = vector.shape_cast %parallel_loop3A_205 : vector<1x16xf32> to vector<16xf32>
        %parallel_loop3A_207 = arith.mulf %parallel_loop3A_202, %parallel_loop3A_206 : vector<16xf32>
        %parallel_loop3A_208 = arith.index_cast %parallel_loop3A_142 : i32 to index
        %parallel_loop3A_209 = arith.constant 64 : index
        %parallel_loop3A_210 = tpu.vector_load %arg14[%parallel_loop3A_208, %parallel_loop3A_209] {strides = array<i32>} : memref<64x128xf32, #tpu.memory_space<vmem>>, vector<1x16xf32>,
        %parallel_loop3A_211 = vector.shape_cast %parallel_loop3A_210 : vector<1x16xf32> to vector<16xf32>
        %parallel_loop3A_212 = vector.shape_cast %parallel_loop3A_207 : vector<16xf32> to vector<1x16xf32>
        tpu.vector_store %arg14[%parallel_loop3A_208, %parallel_loop3A_209], %parallel_loop3A_212 {strides = array<i32>} : memref<64x128xf32, #tpu.memory_space<vmem>>, vector<1x16xf32>,
        %parallel_loop3A_213 = arith.index_cast %parallel_loop3A_142 : i32 to index
        %parallel_loop3A_214 = arith.constant 80 : index
        %parallel_loop3A_215 = tpu.vector_load %arg14[%parallel_loop3A_213, %parallel_loop3A_214] {strides = array<i32>} : memref<64x128xf32, #tpu.memory_space<vmem>>, vector<1x16xf32>,
        %parallel_loop3A_216 = vector.shape_cast %parallel_loop3A_215 : vector<1x16xf32> to vector<16xf32>
        %parallel_loop3A_217 = arith.index_cast %parallel_loop3A_142 : i32 to index
        %parallel_loop3A_218 = arith.constant 80 : index
        %parallel_loop3A_219 = tpu.vector_load %arg13[%parallel_loop3A_217, %parallel_loop3A_218] {strides = array<i32>} : memref<64x128xf32, #tpu.memory_space<vmem>>, vector<1x16xf32>,
        %parallel_loop3A_220 = vector.shape_cast %parallel_loop3A_219 : vector<1x16xf32> to vector<16xf32>
        %parallel_loop3A_221 = arith.mulf %parallel_loop3A_216, %parallel_loop3A_220 : vector<16xf32>
        %parallel_loop3A_222 = arith.index_cast %parallel_loop3A_142 : i32 to index
        %parallel_loop3A_223 = arith.constant 80 : index
        %parallel_loop3A_224 = tpu.vector_load %arg14[%parallel_loop3A_222, %parallel_loop3A_223] {strides = array<i32>} : memref<64x128xf32, #tpu.memory_space<vmem>>, vector<1x16xf32>,
        %parallel_loop3A_225 = vector.shape_cast %parallel_loop3A_224 : vector<1x16xf32> to vector<16xf32>
        %parallel_loop3A_226 = vector.shape_cast %parallel_loop3A_221 : vector<16xf32> to vector<1x16xf32>
        tpu.vector_store %arg14[%parallel_loop3A_222, %parallel_loop3A_223], %parallel_loop3A_226 {strides = array<i32>} : memref<64x128xf32, #tpu.memory_space<vmem>>, vector<1x16xf32>,
        %parallel_loop3A_227 = arith.index_cast %parallel_loop3A_142 : i32 to index
        %parallel_loop3A_228 = arith.constant 96 : index
        %parallel_loop3A_229 = tpu.vector_load %arg14[%parallel_loop3A_227, %parallel_loop3A_228] {strides = array<i32>} : memref<64x128xf32, #tpu.memory_space<vmem>>, vector<1x16xf32>,
        %parallel_loop3A_230 = vector.shape_cast %parallel_loop3A_229 : vector<1x16xf32> to vector<16xf32>
        %parallel_loop3A_231 = arith.index_cast %parallel_loop3A_142 : i32 to index
        %parallel_loop3A_232 = arith.constant 96 : index
        %parallel_loop3A_233 = tpu.vector_load %arg13[%parallel_loop3A_231, %parallel_loop3A_232] {strides = array<i32>} : memref<64x128xf32, #tpu.memory_space<vmem>>, vector<1x16xf32>,
        %parallel_loop3A_234 = vector.shape_cast %parallel_loop3A_233 : vector<1x16xf32> to vector<16xf32>
        %parallel_loop3A_235 = arith.mulf %parallel_loop3A_230, %parallel_loop3A_234 : vector<16xf32>
        %parallel_loop3A_236 = arith.index_cast %parallel_loop3A_142 : i32 to index
        %parallel_loop3A_237 = arith.constant 96 : index
        %parallel_loop3A_238 = tpu.vector_load %arg14[%parallel_loop3A_236, %parallel_loop3A_237] {strides = array<i32>} : memref<64x128xf32, #tpu.memory_space<vmem>>, vector<1x16xf32>,
        %parallel_loop3A_239 = vector.shape_cast %parallel_loop3A_238 : vector<1x16xf32> to vector<16xf32>
        %parallel_loop3A_240 = vector.shape_cast %parallel_loop3A_235 : vector<16xf32> to vector<1x16xf32>
        tpu.vector_store %arg14[%parallel_loop3A_236, %parallel_loop3A_237], %parallel_loop3A_240 {strides = array<i32>} : memref<64x128xf32, #tpu.memory_space<vmem>>, vector<1x16xf32>,
        %parallel_loop3A_241 = arith.index_cast %parallel_loop3A_142 : i32 to index
        %parallel_loop3A_242 = arith.constant 112 : index
        %parallel_loop3A_243 = tpu.vector_load %arg14[%parallel_loop3A_241, %parallel_loop3A_242] {strides = array<i32>} : memref<64x128xf32, #tpu.memory_space<vmem>>, vector<1x16xf32>,
        %parallel_loop3A_244 = vector.shape_cast %parallel_loop3A_243 : vector<1x16xf32> to vector<16xf32>
        %parallel_loop3A_245 = arith.index_cast %parallel_loop3A_142 : i32 to index
        %parallel_loop3A_246 = arith.constant 112 : index
        %parallel_loop3A_247 = tpu.vector_load %arg13[%parallel_loop3A_245, %parallel_loop3A_246] {strides = array<i32>} : memref<64x128xf32, #tpu.memory_space<vmem>>, vector<1x16xf32>,
        %parallel_loop3A_248 = vector.shape_cast %parallel_loop3A_247 : vector<1x16xf32> to vector<16xf32>
        %parallel_loop3A_249 = arith.mulf %parallel_loop3A_244, %parallel_loop3A_248 : vector<16xf32>
        %parallel_loop3A_250 = arith.index_cast %parallel_loop3A_142 : i32 to index
        %parallel_loop3A_251 = arith.constant 112 : index
        %parallel_loop3A_252 = tpu.vector_load %arg14[%parallel_loop3A_250, %parallel_loop3A_251] {strides = array<i32>} : memref<64x128xf32, #tpu.memory_space<vmem>>, vector<1x16xf32>,
        %parallel_loop3A_253 = vector.shape_cast %parallel_loop3A_252 : vector<1x16xf32> to vector<16xf32>
        %parallel_loop3A_254 = vector.shape_cast %parallel_loop3A_249 : vector<16xf32> to vector<1x16xf32>
        tpu.vector_store %arg14[%parallel_loop3A_250, %parallel_loop3A_251], %parallel_loop3A_254 {strides = array<i32>} : memref<64x128xf32, #tpu.memory_space<vmem>>, vector<1x16xf32>,
      } {sc.loop_unroll_factor = 4 : i64, sc.parallel_access}
      "tpu.region"() ({
        %run_scoped3A = tpu.sem_alloc : memref<!tpu.dma_semaphore, #tpu.memory_space<semaphore_mem>>
        %dma_start3A_142 = arith.constant 0 : i32
        %dma_start3A_143 = arith.constant 0 : i32
        %dma_start3A_144 = tpu.memref_slice %arg15[%dma_start3A_142, %dma_start3A_143] : memref<10240x128xf32, #tpu.memory_space<vmem_shared>> -> memref<10240x128xf32, #tpu.memory_space<vmem_shared>>
        tpu.enqueue_indirect_dma source(%arg14 : memref<64x128xf32, #tpu.memory_space<vmem>>) target(%dma_start3A_144 : memref<10240x128xf32, #tpu.memory_space<vmem_shared>>) offsets(%arg10 : memref<64xi32, #tpu.memory_space<vmem>>) semaphore(%run_scoped3A : memref<!tpu.dma_semaphore, #tpu.memory_space<semaphore_mem>>) {add = true}
        %dma_wait3A_145 = arith.constant 0 : i32
        %dma_wait3A_146 = arith.constant 0 : i32
        %dma_wait3A_147 = tpu.memref_slice %arg15[%dma_wait3A_145, %dma_wait3A_146] : memref<10240x128xf32, #tpu.memory_space<vmem_shared>> -> memref<10240x128xf32, #tpu.memory_space<vmem_shared>>
        tpu.wait_indirect_dma semaphore(%run_scoped3A : memref<!tpu.dma_semaphore, #tpu.memory_space<semaphore_mem>>) src(%arg14 : memref<64x128xf32, #tpu.memory_space<vmem>>) dst(%dma_wait3A_147 : memref<10240x128xf32, #tpu.memory_space<vmem_shared>>)
        tpu.yield
      }) : () -> ()
      %add3A_136 = arith.constant 1 : i32
      %add3A_137 = arith.addi %while3A_81, %add3A_136 : i32
      %lt3A_138 = arith.cmpi slt, %add3A_137, %select_n3A_8 : i32
      %convert_element_type3A_139 = arith.extui %lt3A_138 : i1 to i32
      %cond3A_140 = arith.constant 0 : i32
      %cond3A_141 = arith.cmpi ne, %convert_element_type3A_139, %cond3A_140 : i32
      scf.if %cond3A_141 {
        %add3A_142 = arith.constant 3 : i32
        %add3A_143 = arith.addi %mul3A_83, %add3A_142 : i32
        %mul3A_144 = arith.constant 64 : i32
        %mul3A_145 = arith.muli %add3A_143, %mul3A_144 : i32
        %add3A_146 = arith.addi %select_n3A, %mul3A_145 : i32
        %multiple_of3A_147 = tpu.assume_multiple %add3A_146, 64 : i32
        %dma_start3A_148 = tpu.memref_slice %arg4[%multiple_of3A_147] : memref<327680xi32, #tpu.memory_space<hbm>> -> memref<64xi32, #tpu.memory_space<hbm>>
        %dma_start3A_149 = tpu.memref_slice %arg4[%multiple_of3A_147] : memref<327680xi32, #tpu.memory_space<hbm>> -> memref<64xi32, #tpu.memory_space<hbm>>
        tpu.enqueue_dma source(%dma_start3A_149 : memref<64xi32, #tpu.memory_space<hbm>>) target(%arg9 : memref<64xi32, #tpu.memory_space<vmem>>) target_semaphore(%arg17 : memref<!tpu.dma_semaphore, #tpu.memory_space<semaphore_mem>>)
        %mul3A_150 = arith.constant 64 : i32
        %mul3A_151 = arith.muli %add3A_143, %mul3A_150 : i32
        %add3A_152 = arith.addi %select_n3A, %mul3A_151 : i32
        %multiple_of3A_153 = tpu.assume_multiple %add3A_152, 64 : i32
        %dma_start3A_154 = tpu.memref_slice %arg5[%multiple_of3A_153] : memref<327680xi32, #tpu.memory_space<hbm>> -> memref<64xi32, #tpu.memory_space<hbm>>
        %dma_start3A_155 = tpu.memref_slice %arg5[%multiple_of3A_153] : memref<327680xi32, #tpu.memory_space<hbm>> -> memref<64xi32, #tpu.memory_space<hbm>>
        tpu.enqueue_dma source(%dma_start3A_155 : memref<64xi32, #tpu.memory_space<hbm>>) target(%arg10 : memref<64xi32, #tpu.memory_space<vmem>>) target_semaphore(%arg17 : memref<!tpu.dma_semaphore, #tpu.memory_space<semaphore_mem>>)
      } else {
      }
    }
    %barrier3A_80 = arith.constant 0 : index
    tpu.barrier barrier_id(%barrier3A_80)
    "tpu.region"() ({
      %run_scoped3A = tpu.sem_alloc : memref<!tpu.dma_semaphore, #tpu.memory_space<semaphore_mem>>
      %dma_start3A_81 = arith.constant 0 : i32
      %dma_start3A_82 = arith.constant 0 : i32
      %dma_start3A_83 = tpu.memref_slice %arg6[%arg0, %dma_start3A_81, %dma_start3A_82] : memref<2x10240x128xf32, #tpu.memory_space<hbm>> -> memref<1x10240x128xf32, #tpu.memory_space<hbm>>
      %dma_start3A_84 = tpu.memref_squeeze %dma_start3A_83 : memref<1x10240x128xf32, #tpu.memory_space<hbm>> -> memref<10240x128xf32, #tpu.memory_space<hbm>>
      %dma_start3A_85 = arith.constant 0 : i32
      %dma_start3A_86 = tpu.memref_slice %dma_start3A_84[%multiple_of3A, %dma_start3A_85] : memref<10240x128xf32, #tpu.memory_space<hbm>> -> memref<640x128xf32, #tpu.memory_space<hbm>>
      %dma_start3A_87 = arith.constant 0 : i32
      %dma_start3A_88 = tpu.memref_slice %arg15[%multiple_of3A, %dma_start3A_87] : memref<10240x128xf32, #tpu.memory_space<vmem_shared>> -> memref<640x128xf32, #tpu.memory_space<vmem_shared>>
      tpu.enqueue_dma source(%dma_start3A_88 : memref<640x128xf32, #tpu.memory_space<vmem_shared>>) target(%dma_start3A_86 : memref<640x128xf32, #tpu.memory_space<hbm>>) target_semaphore(%run_scoped3A : memref<!tpu.dma_semaphore, #tpu.memory_space<semaphore_mem>>)
      %dma_wait3A_89 = arith.constant 0 : i32
      %dma_wait3A_90 = arith.constant 0 : i32
      %dma_wait3A_91 = tpu.memref_slice %arg6[%arg0, %dma_wait3A_89, %dma_wait3A_90] : memref<2x10240x128xf32, #tpu.memory_space<hbm>> -> memref<1x10240x128xf32, #tpu.memory_space<hbm>>
      %dma_wait3A_92 = tpu.memref_squeeze %dma_wait3A_91 : memref<1x10240x128xf32, #tpu.memory_space<hbm>> -> memref<10240x128xf32, #tpu.memory_space<hbm>>
      %dma_wait3A_93 = arith.constant 0 : i32
      %dma_wait3A_94 = tpu.memref_slice %dma_wait3A_92[%multiple_of3A, %dma_wait3A_93] : memref<10240x128xf32, #tpu.memory_space<hbm>> -> memref<640x128xf32, #tpu.memory_space<hbm>>
      %dma_wait3A_95 = arith.constant 0 : i32
      %dma_wait3A_96 = tpu.memref_slice %arg15[%multiple_of3A, %dma_wait3A_95] : memref<10240x128xf32, #tpu.memory_space<vmem_shared>> -> memref<640x128xf32, #tpu.memory_space<vmem_shared>>
      tpu.wait_dma2 semaphore(%run_scoped3A : memref<!tpu.dma_semaphore, #tpu.memory_space<semaphore_mem>>) src(%dma_wait3A_96 : memref<640x128xf32, #tpu.memory_space<vmem_shared>>) dst(%dma_wait3A_94 : memref<640x128xf32, #tpu.memory_space<hbm>>)
      tpu.yield
    }) : () -> ()
    return
  }
}

#map = affine_map<(d0, d1) -> (0, 0)>
#map1 = affine_map<(d0, d1) -> (0)>
module attributes {stable_mosaic.version = 14 : i64} {
  func.func @k(%arg0: i32, %arg1: i32, %arg2: memref<10000x128xf32, #tpu.memory_space<hbm>>, %arg3: memref<10240xi32, #tpu.memory_space<hbm>>, %arg4: memref<327680xi32, #tpu.memory_space<hbm>>, %arg5: memref<327680xi32, #tpu.memory_space<hbm>>, %arg6: memref<200x128xf32, #tpu.memory_space<hbm>>, %arg7: memref<327680x16xf32, #tpu.memory_space<hbm>>, %arg8: memref<10240x128xf32, #tpu.memory_space<hbm>>, %arg9: memref<64xi32, #tpu.memory_space<vmem>>, %arg10: memref<64xi32, #tpu.memory_space<vmem>>, %arg11: memref<64xi32, #tpu.memory_space<vmem>>, %arg12: memref<64xi32, #tpu.memory_space<vmem>>, %arg13: memref<64x128xf32, #tpu.memory_space<vmem>>, %arg14: memref<64x128xf32, #tpu.memory_space<vmem>>, %arg15: memref<64x128xf32, #tpu.memory_space<vmem>>, %arg16: memref<64x128xf32, #tpu.memory_space<vmem>>, %arg17: memref<64x16xf32, #tpu.memory_space<vmem>>, %arg18: memref<64x16xf32, #tpu.memory_space<vmem>>, %arg19: memref<320xi32, #tpu.memory_space<vmem>>, %arg20: memref<64x128xf32, #tpu.memory_space<vmem>>, %arg21: memref<!tpu.dma_semaphore, #tpu.memory_space<semaphore_mem>>, %arg22: memref<!tpu.dma_semaphore, #tpu.memory_space<semaphore_mem>>, %arg23: memref<!tpu.dma_semaphore, #tpu.memory_space<semaphore_mem>>, %arg24: memref<!tpu.dma_semaphore, #tpu.memory_space<semaphore_mem>>, %arg25: memref<!tpu.dma_semaphore, #tpu.memory_space<semaphore_mem>>, %arg26: memref<!tpu.dma_semaphore, #tpu.memory_space<semaphore_mem>>) attributes {dimension_semantics = [#tpu.dimension_semantics<core_parallel>, #tpu.dimension_semantics<subcore_parallel>], iteration_bounds = array<i64: 2, 16>, scalar_prefetch = 0 : i64, scratch_operands = 18 : i64, tpu.core_type = #tpu.core_type<sc_vector_subcore>, window_params = [{transform_indices = #map}, {transform_indices = #map1}, {transform_indices = #map1}, {transform_indices = #map1}, {transform_indices = #map}, {transform_indices = #map}, {transform_indices = #map}]} {
    %mul3A = arith.constant 2 : i32
    %mul3A_0 = arith.muli %arg1, %mul3A : i32
    %add3A = arith.addi %mul3A_0, %arg0 : i32
    %eq3A = arith.constant 0 : i32
    %eq3A_1 = arith.cmpi eq, %arg0, %eq3A : i32
    %mul3A_2 = arith.constant 14336 : i32
    %mul3A_3 = arith.muli %arg1, %mul3A_2 : i32
    %mul3A_4 = arith.constant 6144 : i32
    %mul3A_5 = arith.muli %arg1, %mul3A_4 : i32
    %add3A_6 = arith.constant 229376 : i32
    %add3A_7 = arith.addi %add3A_6, %mul3A_5 : i32
    %select_n3A = arith.select %eq3A_1, %mul3A_3, %add3A_7 : i32
    %eq3A_8 = arith.constant 0 : i32
    %eq3A_9 = arith.cmpi eq, %arg0, %eq3A_8 : i32
    %jit3A = arith.constant 112 : i32
    %jit3A_10 = arith.constant 48 : i32
    %select_n3A_11 = arith.select %eq3A_9, %jit3A, %jit3A_10 : i32
    %mul3A_12 = arith.constant 320 : i32
    %mul3A_13 = arith.muli %add3A, %mul3A_12 : i32
    "tpu.region"() ({
      %run_scoped3A = tpu.sem_alloc : memref<!tpu.dma_semaphore, #tpu.memory_space<semaphore_mem>>
      %dma_start3A_81 = tpu.memref_slice %arg3[%mul3A_13] : memref<10240xi32, #tpu.memory_space<hbm>> -> memref<320xi32, #tpu.memory_space<hbm>>
      %dma_start3A_82 = tpu.memref_slice %arg3[%mul3A_13] : memref<10240xi32, #tpu.memory_space<hbm>> -> memref<320xi32, #tpu.memory_space<hbm>>
      tpu.enqueue_dma source(%dma_start3A_82 : memref<320xi32, #tpu.memory_space<hbm>>) target(%arg19 : memref<320xi32, #tpu.memory_space<vmem>>) target_semaphore(%run_scoped3A : memref<!tpu.dma_semaphore, #tpu.memory_space<semaphore_mem>>)
      %dma_wait3A_83 = tpu.memref_slice %arg3[%mul3A_13] : memref<10240xi32, #tpu.memory_space<hbm>> -> memref<320xi32, #tpu.memory_space<hbm>>
      %dma_wait3A_84 = tpu.memref_slice %arg3[%mul3A_13] : memref<10240xi32, #tpu.memory_space<hbm>> -> memref<320xi32, #tpu.memory_space<hbm>>
      tpu.wait_dma2 semaphore(%run_scoped3A : memref<!tpu.dma_semaphore, #tpu.memory_space<semaphore_mem>>) src(%dma_wait3A_84 : memref<320xi32, #tpu.memory_space<hbm>>) dst(%arg19 : memref<320xi32, #tpu.memory_space<vmem>>)
      tpu.yield
    }) : () -> ()
    "tpu.region"() ({
      %run_scoped3A = tpu.sem_alloc : memref<!tpu.dma_semaphore, #tpu.memory_space<semaphore_mem>>
      %dma_start3A_81 = arith.constant 0 : i32
      %dma_start3A_82 = tpu.memref_slice %arg19[%dma_start3A_81] : memref<320xi32, #tpu.memory_space<vmem>> -> memref<64xi32, #tpu.memory_space<vmem>>
      %dma_start3A_83 = arith.constant 0 : i32
      %dma_start3A_84 = arith.constant 0 : i32
      %dma_start3A_85 = tpu.memref_slice %arg6[%dma_start3A_83, %dma_start3A_84] : memref<200x128xf32, #tpu.memory_space<hbm>> -> memref<200x128xf32, #tpu.memory_space<hbm>>
      tpu.enqueue_indirect_dma source(%dma_start3A_85 : memref<200x128xf32, #tpu.memory_space<hbm>>) target(%arg20 : memref<64x128xf32, #tpu.memory_space<vmem>>) offsets(%dma_start3A_82 : memref<64xi32, #tpu.memory_space<vmem>>) semaphore(%run_scoped3A : memref<!tpu.dma_semaphore, #tpu.memory_space<semaphore_mem>>)
      %dma_wait3A_86 = arith.constant 0 : i32
      %dma_wait3A_87 = tpu.memref_slice %arg19[%dma_wait3A_86] : memref<320xi32, #tpu.memory_space<vmem>> -> memref<64xi32, #tpu.memory_space<vmem>>
      %dma_wait3A_88 = arith.constant 0 : i32
      %dma_wait3A_89 = arith.constant 0 : i32
      %dma_wait3A_90 = tpu.memref_slice %arg6[%dma_wait3A_88, %dma_wait3A_89] : memref<200x128xf32, #tpu.memory_space<hbm>> -> memref<200x128xf32, #tpu.memory_space<hbm>>
      tpu.wait_indirect_dma semaphore(%run_scoped3A : memref<!tpu.dma_semaphore, #tpu.memory_space<semaphore_mem>>) src(%dma_wait3A_90 : memref<200x128xf32, #tpu.memory_space<hbm>>) dst(%arg20 : memref<64x128xf32, #tpu.memory_space<vmem>>)
      tpu.yield
    }) : () -> ()
    %mul3A_14 = arith.constant 320 : i32
    %mul3A_15 = arith.muli %add3A, %mul3A_14 : i32
    %add3A_16 = arith.constant 0 : i32
    %add3A_17 = arith.addi %mul3A_15, %add3A_16 : i32
    %multiple_of3A = tpu.assume_multiple %add3A_17, 64 : i32
    "tpu.region"() ({
      %run_scoped3A = tpu.sem_alloc : memref<!tpu.dma_semaphore, #tpu.memory_space<semaphore_mem>>
      %dma_start3A_81 = arith.constant 0 : i32
      %dma_start3A_82 = tpu.memref_slice %arg8[%multiple_of3A, %dma_start3A_81] : memref<10240x128xf32, #tpu.memory_space<hbm>> -> memref<64x128xf32, #tpu.memory_space<hbm>>
      %dma_start3A_83 = arith.constant 0 : i32
      %dma_start3A_84 = tpu.memref_slice %arg8[%multiple_of3A, %dma_start3A_83] : memref<10240x128xf32, #tpu.memory_space<hbm>> -> memref<64x128xf32, #tpu.memory_space<hbm>>
      tpu.enqueue_dma source(%arg20 : memref<64x128xf32, #tpu.memory_space<vmem>>) target(%dma_start3A_84 : memref<64x128xf32, #tpu.memory_space<hbm>>) target_semaphore(%run_scoped3A : memref<!tpu.dma_semaphore, #tpu.memory_space<semaphore_mem>>)
      %dma_wait3A_85 = arith.constant 0 : i32
      %dma_wait3A_86 = tpu.memref_slice %arg8[%multiple_of3A, %dma_wait3A_85] : memref<10240x128xf32, #tpu.memory_space<hbm>> -> memref<64x128xf32, #tpu.memory_space<hbm>>
      %dma_wait3A_87 = arith.constant 0 : i32
      %dma_wait3A_88 = tpu.memref_slice %arg8[%multiple_of3A, %dma_wait3A_87] : memref<10240x128xf32, #tpu.memory_space<hbm>> -> memref<64x128xf32, #tpu.memory_space<hbm>>
      tpu.wait_dma2 semaphore(%run_scoped3A : memref<!tpu.dma_semaphore, #tpu.memory_space<semaphore_mem>>) src(%arg20 : memref<64x128xf32, #tpu.memory_space<vmem>>) dst(%dma_wait3A_88 : memref<64x128xf32, #tpu.memory_space<hbm>>)
      tpu.yield
    }) : () -> ()
    "tpu.region"() ({
      %run_scoped3A = tpu.sem_alloc : memref<!tpu.dma_semaphore, #tpu.memory_space<semaphore_mem>>
      %dma_start3A_81 = arith.constant 64 : i32
      %dma_start3A_82 = tpu.memref_slice %arg19[%dma_start3A_81] : memref<320xi32, #tpu.memory_space<vmem>> -> memref<64xi32, #tpu.memory_space<vmem>>
      %dma_start3A_83 = arith.constant 0 : i32
      %dma_start3A_84 = arith.constant 0 : i32
      %dma_start3A_85 = tpu.memref_slice %arg6[%dma_start3A_83, %dma_start3A_84] : memref<200x128xf32, #tpu.memory_space<hbm>> -> memref<200x128xf32, #tpu.memory_space<hbm>>
      tpu.enqueue_indirect_dma source(%dma_start3A_85 : memref<200x128xf32, #tpu.memory_space<hbm>>) target(%arg20 : memref<64x128xf32, #tpu.memory_space<vmem>>) offsets(%dma_start3A_82 : memref<64xi32, #tpu.memory_space<vmem>>) semaphore(%run_scoped3A : memref<!tpu.dma_semaphore, #tpu.memory_space<semaphore_mem>>)
      %dma_wait3A_86 = arith.constant 64 : i32
      %dma_wait3A_87 = tpu.memref_slice %arg19[%dma_wait3A_86] : memref<320xi32, #tpu.memory_space<vmem>> -> memref<64xi32, #tpu.memory_space<vmem>>
      %dma_wait3A_88 = arith.constant 0 : i32
      %dma_wait3A_89 = arith.constant 0 : i32
      %dma_wait3A_90 = tpu.memref_slice %arg6[%dma_wait3A_88, %dma_wait3A_89] : memref<200x128xf32, #tpu.memory_space<hbm>> -> memref<200x128xf32, #tpu.memory_space<hbm>>
      tpu.wait_indirect_dma semaphore(%run_scoped3A : memref<!tpu.dma_semaphore, #tpu.memory_space<semaphore_mem>>) src(%dma_wait3A_90 : memref<200x128xf32, #tpu.memory_space<hbm>>) dst(%arg20 : memref<64x128xf32, #tpu.memory_space<vmem>>)
      tpu.yield
    }) : () -> ()
    %mul3A_18 = arith.constant 320 : i32
    %mul3A_19 = arith.muli %add3A, %mul3A_18 : i32
    %add3A_20 = arith.constant 64 : i32
    %add3A_21 = arith.addi %mul3A_19, %add3A_20 : i32
    %multiple_of3A_22 = tpu.assume_multiple %add3A_21, 64 : i32
    "tpu.region"() ({
      %run_scoped3A = tpu.sem_alloc : memref<!tpu.dma_semaphore, #tpu.memory_space<semaphore_mem>>
      %dma_start3A_81 = arith.constant 0 : i32
      %dma_start3A_82 = tpu.memref_slice %arg8[%multiple_of3A_22, %dma_start3A_81] : memref<10240x128xf32, #tpu.memory_space<hbm>> -> memref<64x128xf32, #tpu.memory_space<hbm>>
      %dma_start3A_83 = arith.constant 0 : i32
      %dma_start3A_84 = tpu.memref_slice %arg8[%multiple_of3A_22, %dma_start3A_83] : memref<10240x128xf32, #tpu.memory_space<hbm>> -> memref<64x128xf32, #tpu.memory_space<hbm>>
      tpu.enqueue_dma source(%arg20 : memref<64x128xf32, #tpu.memory_space<vmem>>) target(%dma_start3A_84 : memref<64x128xf32, #tpu.memory_space<hbm>>) target_semaphore(%run_scoped3A : memref<!tpu.dma_semaphore, #tpu.memory_space<semaphore_mem>>)
      %dma_wait3A_85 = arith.constant 0 : i32
      %dma_wait3A_86 = tpu.memref_slice %arg8[%multiple_of3A_22, %dma_wait3A_85] : memref<10240x128xf32, #tpu.memory_space<hbm>> -> memref<64x128xf32, #tpu.memory_space<hbm>>
      %dma_wait3A_87 = arith.constant 0 : i32
      %dma_wait3A_88 = tpu.memref_slice %arg8[%multiple_of3A_22, %dma_wait3A_87] : memref<10240x128xf32, #tpu.memory_space<hbm>> -> memref<64x128xf32, #tpu.memory_space<hbm>>
      tpu.wait_dma2 semaphore(%run_scoped3A : memref<!tpu.dma_semaphore, #tpu.memory_space<semaphore_mem>>) src(%arg20 : memref<64x128xf32, #tpu.memory_space<vmem>>) dst(%dma_wait3A_88 : memref<64x128xf32, #tpu.memory_space<hbm>>)
      tpu.yield
    }) : () -> ()
    "tpu.region"() ({
      %run_scoped3A = tpu.sem_alloc : memref<!tpu.dma_semaphore, #tpu.memory_space<semaphore_mem>>
      %dma_start3A_81 = arith.constant 128 : i32
      %dma_start3A_82 = tpu.memref_slice %arg19[%dma_start3A_81] : memref<320xi32, #tpu.memory_space<vmem>> -> memref<64xi32, #tpu.memory_space<vmem>>
      %dma_start3A_83 = arith.constant 0 : i32
      %dma_start3A_84 = arith.constant 0 : i32
      %dma_start3A_85 = tpu.memref_slice %arg6[%dma_start3A_83, %dma_start3A_84] : memref<200x128xf32, #tpu.memory_space<hbm>> -> memref<200x128xf32, #tpu.memory_space<hbm>>
      tpu.enqueue_indirect_dma source(%dma_start3A_85 : memref<200x128xf32, #tpu.memory_space<hbm>>) target(%arg20 : memref<64x128xf32, #tpu.memory_space<vmem>>) offsets(%dma_start3A_82 : memref<64xi32, #tpu.memory_space<vmem>>) semaphore(%run_scoped3A : memref<!tpu.dma_semaphore, #tpu.memory_space<semaphore_mem>>)
      %dma_wait3A_86 = arith.constant 128 : i32
      %dma_wait3A_87 = tpu.memref_slice %arg19[%dma_wait3A_86] : memref<320xi32, #tpu.memory_space<vmem>> -> memref<64xi32, #tpu.memory_space<vmem>>
      %dma_wait3A_88 = arith.constant 0 : i32
      %dma_wait3A_89 = arith.constant 0 : i32
      %dma_wait3A_90 = tpu.memref_slice %arg6[%dma_wait3A_88, %dma_wait3A_89] : memref<200x128xf32, #tpu.memory_space<hbm>> -> memref<200x128xf32, #tpu.memory_space<hbm>>
      tpu.wait_indirect_dma semaphore(%run_scoped3A : memref<!tpu.dma_semaphore, #tpu.memory_space<semaphore_mem>>) src(%dma_wait3A_90 : memref<200x128xf32, #tpu.memory_space<hbm>>) dst(%arg20 : memref<64x128xf32, #tpu.memory_space<vmem>>)
      tpu.yield
    }) : () -> ()
    %mul3A_23 = arith.constant 320 : i32
    %mul3A_24 = arith.muli %add3A, %mul3A_23 : i32
    %add3A_25 = arith.constant 128 : i32
    %add3A_26 = arith.addi %mul3A_24, %add3A_25 : i32
    %multiple_of3A_27 = tpu.assume_multiple %add3A_26, 64 : i32
    "tpu.region"() ({
      %run_scoped3A = tpu.sem_alloc : memref<!tpu.dma_semaphore, #tpu.memory_space<semaphore_mem>>
      %dma_start3A_81 = arith.constant 0 : i32
      %dma_start3A_82 = tpu.memref_slice %arg8[%multiple_of3A_27, %dma_start3A_81] : memref<10240x128xf32, #tpu.memory_space<hbm>> -> memref<64x128xf32, #tpu.memory_space<hbm>>
      %dma_start3A_83 = arith.constant 0 : i32
      %dma_start3A_84 = tpu.memref_slice %arg8[%multiple_of3A_27, %dma_start3A_83] : memref<10240x128xf32, #tpu.memory_space<hbm>> -> memref<64x128xf32, #tpu.memory_space<hbm>>
      tpu.enqueue_dma source(%arg20 : memref<64x128xf32, #tpu.memory_space<vmem>>) target(%dma_start3A_84 : memref<64x128xf32, #tpu.memory_space<hbm>>) target_semaphore(%run_scoped3A : memref<!tpu.dma_semaphore, #tpu.memory_space<semaphore_mem>>)
      %dma_wait3A_85 = arith.constant 0 : i32
      %dma_wait3A_86 = tpu.memref_slice %arg8[%multiple_of3A_27, %dma_wait3A_85] : memref<10240x128xf32, #tpu.memory_space<hbm>> -> memref<64x128xf32, #tpu.memory_space<hbm>>
      %dma_wait3A_87 = arith.constant 0 : i32
      %dma_wait3A_88 = tpu.memref_slice %arg8[%multiple_of3A_27, %dma_wait3A_87] : memref<10240x128xf32, #tpu.memory_space<hbm>> -> memref<64x128xf32, #tpu.memory_space<hbm>>
      tpu.wait_dma2 semaphore(%run_scoped3A : memref<!tpu.dma_semaphore, #tpu.memory_space<semaphore_mem>>) src(%arg20 : memref<64x128xf32, #tpu.memory_space<vmem>>) dst(%dma_wait3A_88 : memref<64x128xf32, #tpu.memory_space<hbm>>)
      tpu.yield
    }) : () -> ()
    "tpu.region"() ({
      %run_scoped3A = tpu.sem_alloc : memref<!tpu.dma_semaphore, #tpu.memory_space<semaphore_mem>>
      %dma_start3A_81 = arith.constant 192 : i32
      %dma_start3A_82 = tpu.memref_slice %arg19[%dma_start3A_81] : memref<320xi32, #tpu.memory_space<vmem>> -> memref<64xi32, #tpu.memory_space<vmem>>
      %dma_start3A_83 = arith.constant 0 : i32
      %dma_start3A_84 = arith.constant 0 : i32
      %dma_start3A_85 = tpu.memref_slice %arg6[%dma_start3A_83, %dma_start3A_84] : memref<200x128xf32, #tpu.memory_space<hbm>> -> memref<200x128xf32, #tpu.memory_space<hbm>>
      tpu.enqueue_indirect_dma source(%dma_start3A_85 : memref<200x128xf32, #tpu.memory_space<hbm>>) target(%arg20 : memref<64x128xf32, #tpu.memory_space<vmem>>) offsets(%dma_start3A_82 : memref<64xi32, #tpu.memory_space<vmem>>) semaphore(%run_scoped3A : memref<!tpu.dma_semaphore, #tpu.memory_space<semaphore_mem>>)
      %dma_wait3A_86 = arith.constant 192 : i32
      %dma_wait3A_87 = tpu.memref_slice %arg19[%dma_wait3A_86] : memref<320xi32, #tpu.memory_space<vmem>> -> memref<64xi32, #tpu.memory_space<vmem>>
      %dma_wait3A_88 = arith.constant 0 : i32
      %dma_wait3A_89 = arith.constant 0 : i32
      %dma_wait3A_90 = tpu.memref_slice %arg6[%dma_wait3A_88, %dma_wait3A_89] : memref<200x128xf32, #tpu.memory_space<hbm>> -> memref<200x128xf32, #tpu.memory_space<hbm>>
      tpu.wait_indirect_dma semaphore(%run_scoped3A : memref<!tpu.dma_semaphore, #tpu.memory_space<semaphore_mem>>) src(%dma_wait3A_90 : memref<200x128xf32, #tpu.memory_space<hbm>>) dst(%arg20 : memref<64x128xf32, #tpu.memory_space<vmem>>)
      tpu.yield
    }) : () -> ()
    %mul3A_28 = arith.constant 320 : i32
    %mul3A_29 = arith.muli %add3A, %mul3A_28 : i32
    %add3A_30 = arith.constant 192 : i32
    %add3A_31 = arith.addi %mul3A_29, %add3A_30 : i32
    %multiple_of3A_32 = tpu.assume_multiple %add3A_31, 64 : i32
    "tpu.region"() ({
      %run_scoped3A = tpu.sem_alloc : memref<!tpu.dma_semaphore, #tpu.memory_space<semaphore_mem>>
      %dma_start3A_81 = arith.constant 0 : i32
      %dma_start3A_82 = tpu.memref_slice %arg8[%multiple_of3A_32, %dma_start3A_81] : memref<10240x128xf32, #tpu.memory_space<hbm>> -> memref<64x128xf32, #tpu.memory_space<hbm>>
      %dma_start3A_83 = arith.constant 0 : i32
      %dma_start3A_84 = tpu.memref_slice %arg8[%multiple_of3A_32, %dma_start3A_83] : memref<10240x128xf32, #tpu.memory_space<hbm>> -> memref<64x128xf32, #tpu.memory_space<hbm>>
      tpu.enqueue_dma source(%arg20 : memref<64x128xf32, #tpu.memory_space<vmem>>) target(%dma_start3A_84 : memref<64x128xf32, #tpu.memory_space<hbm>>) target_semaphore(%run_scoped3A : memref<!tpu.dma_semaphore, #tpu.memory_space<semaphore_mem>>)
      %dma_wait3A_85 = arith.constant 0 : i32
      %dma_wait3A_86 = tpu.memref_slice %arg8[%multiple_of3A_32, %dma_wait3A_85] : memref<10240x128xf32, #tpu.memory_space<hbm>> -> memref<64x128xf32, #tpu.memory_space<hbm>>
      %dma_wait3A_87 = arith.constant 0 : i32
      %dma_wait3A_88 = tpu.memref_slice %arg8[%multiple_of3A_32, %dma_wait3A_87] : memref<10240x128xf32, #tpu.memory_space<hbm>> -> memref<64x128xf32, #tpu.memory_space<hbm>>
      tpu.wait_dma2 semaphore(%run_scoped3A : memref<!tpu.dma_semaphore, #tpu.memory_space<semaphore_mem>>) src(%arg20 : memref<64x128xf32, #tpu.memory_space<vmem>>) dst(%dma_wait3A_88 : memref<64x128xf32, #tpu.memory_space<hbm>>)
      tpu.yield
    }) : () -> ()
    "tpu.region"() ({
      %run_scoped3A = tpu.sem_alloc : memref<!tpu.dma_semaphore, #tpu.memory_space<semaphore_mem>>
      %dma_start3A_81 = arith.constant 256 : i32
      %dma_start3A_82 = tpu.memref_slice %arg19[%dma_start3A_81] : memref<320xi32, #tpu.memory_space<vmem>> -> memref<64xi32, #tpu.memory_space<vmem>>
      %dma_start3A_83 = arith.constant 0 : i32
      %dma_start3A_84 = arith.constant 0 : i32
      %dma_start3A_85 = tpu.memref_slice %arg6[%dma_start3A_83, %dma_start3A_84] : memref<200x128xf32, #tpu.memory_space<hbm>> -> memref<200x128xf32, #tpu.memory_space<hbm>>
      tpu.enqueue_indirect_dma source(%dma_start3A_85 : memref<200x128xf32, #tpu.memory_space<hbm>>) target(%arg20 : memref<64x128xf32, #tpu.memory_space<vmem>>) offsets(%dma_start3A_82 : memref<64xi32, #tpu.memory_space<vmem>>) semaphore(%run_scoped3A : memref<!tpu.dma_semaphore, #tpu.memory_space<semaphore_mem>>)
      %dma_wait3A_86 = arith.constant 256 : i32
      %dma_wait3A_87 = tpu.memref_slice %arg19[%dma_wait3A_86] : memref<320xi32, #tpu.memory_space<vmem>> -> memref<64xi32, #tpu.memory_space<vmem>>
      %dma_wait3A_88 = arith.constant 0 : i32
      %dma_wait3A_89 = arith.constant 0 : i32
      %dma_wait3A_90 = tpu.memref_slice %arg6[%dma_wait3A_88, %dma_wait3A_89] : memref<200x128xf32, #tpu.memory_space<hbm>> -> memref<200x128xf32, #tpu.memory_space<hbm>>
      tpu.wait_indirect_dma semaphore(%run_scoped3A : memref<!tpu.dma_semaphore, #tpu.memory_space<semaphore_mem>>) src(%dma_wait3A_90 : memref<200x128xf32, #tpu.memory_space<hbm>>) dst(%arg20 : memref<64x128xf32, #tpu.memory_space<vmem>>)
      tpu.yield
    }) : () -> ()
    %mul3A_33 = arith.constant 320 : i32
    %mul3A_34 = arith.muli %add3A, %mul3A_33 : i32
    %add3A_35 = arith.constant 256 : i32
    %add3A_36 = arith.addi %mul3A_34, %add3A_35 : i32
    %multiple_of3A_37 = tpu.assume_multiple %add3A_36, 64 : i32
    "tpu.region"() ({
      %run_scoped3A = tpu.sem_alloc : memref<!tpu.dma_semaphore, #tpu.memory_space<semaphore_mem>>
      %dma_start3A_81 = arith.constant 0 : i32
      %dma_start3A_82 = tpu.memref_slice %arg8[%multiple_of3A_37, %dma_start3A_81] : memref<10240x128xf32, #tpu.memory_space<hbm>> -> memref<64x128xf32, #tpu.memory_space<hbm>>
      %dma_start3A_83 = arith.constant 0 : i32
      %dma_start3A_84 = tpu.memref_slice %arg8[%multiple_of3A_37, %dma_start3A_83] : memref<10240x128xf32, #tpu.memory_space<hbm>> -> memref<64x128xf32, #tpu.memory_space<hbm>>
      tpu.enqueue_dma source(%arg20 : memref<64x128xf32, #tpu.memory_space<vmem>>) target(%dma_start3A_84 : memref<64x128xf32, #tpu.memory_space<hbm>>) target_semaphore(%run_scoped3A : memref<!tpu.dma_semaphore, #tpu.memory_space<semaphore_mem>>)
      %dma_wait3A_85 = arith.constant 0 : i32
      %dma_wait3A_86 = tpu.memref_slice %arg8[%multiple_of3A_37, %dma_wait3A_85] : memref<10240x128xf32, #tpu.memory_space<hbm>> -> memref<64x128xf32, #tpu.memory_space<hbm>>
      %dma_wait3A_87 = arith.constant 0 : i32
      %dma_wait3A_88 = tpu.memref_slice %arg8[%multiple_of3A_37, %dma_wait3A_87] : memref<10240x128xf32, #tpu.memory_space<hbm>> -> memref<64x128xf32, #tpu.memory_space<hbm>>
      tpu.wait_dma2 semaphore(%run_scoped3A : memref<!tpu.dma_semaphore, #tpu.memory_space<semaphore_mem>>) src(%arg20 : memref<64x128xf32, #tpu.memory_space<vmem>>) dst(%dma_wait3A_88 : memref<64x128xf32, #tpu.memory_space<hbm>>)
      tpu.yield
    }) : () -> ()
    %add3A_38 = arith.constant 0 : i32
    %add3A_39 = arith.addi %select_n3A, %add3A_38 : i32
    %multiple_of3A_40 = tpu.assume_multiple %add3A_39, 64 : i32
    %dma_start3A = tpu.memref_slice %arg4[%multiple_of3A_40] : memref<327680xi32, #tpu.memory_space<hbm>> -> memref<64xi32, #tpu.memory_space<hbm>>
    %dma_start3A_41 = tpu.memref_slice %arg4[%multiple_of3A_40] : memref<327680xi32, #tpu.memory_space<hbm>> -> memref<64xi32, #tpu.memory_space<hbm>>
    tpu.enqueue_dma source(%dma_start3A_41 : memref<64xi32, #tpu.memory_space<hbm>>) target(%arg9 : memref<64xi32, #tpu.memory_space<vmem>>) target_semaphore(%arg21 : memref<!tpu.dma_semaphore, #tpu.memory_space<semaphore_mem>>)
    %add3A_42 = arith.constant 0 : i32
    %add3A_43 = arith.addi %select_n3A, %add3A_42 : i32
    %multiple_of3A_44 = tpu.assume_multiple %add3A_43, 64 : i32
    %dma_start3A_45 = tpu.memref_slice %arg5[%multiple_of3A_44] : memref<327680xi32, #tpu.memory_space<hbm>> -> memref<64xi32, #tpu.memory_space<hbm>>
    %dma_start3A_46 = tpu.memref_slice %arg5[%multiple_of3A_44] : memref<327680xi32, #tpu.memory_space<hbm>> -> memref<64xi32, #tpu.memory_space<hbm>>
    tpu.enqueue_dma source(%dma_start3A_46 : memref<64xi32, #tpu.memory_space<hbm>>) target(%arg10 : memref<64xi32, #tpu.memory_space<vmem>>) target_semaphore(%arg21 : memref<!tpu.dma_semaphore, #tpu.memory_space<semaphore_mem>>)
    %add3A_47 = arith.constant 64 : i32
    %add3A_48 = arith.addi %select_n3A, %add3A_47 : i32
    %multiple_of3A_49 = tpu.assume_multiple %add3A_48, 64 : i32
    %dma_start3A_50 = tpu.memref_slice %arg4[%multiple_of3A_49] : memref<327680xi32, #tpu.memory_space<hbm>> -> memref<64xi32, #tpu.memory_space<hbm>>
    %dma_start3A_51 = tpu.memref_slice %arg4[%multiple_of3A_49] : memref<327680xi32, #tpu.memory_space<hbm>> -> memref<64xi32, #tpu.memory_space<hbm>>
    tpu.enqueue_dma source(%dma_start3A_51 : memref<64xi32, #tpu.memory_space<hbm>>) target(%arg11 : memref<64xi32, #tpu.memory_space<vmem>>) target_semaphore(%arg22 : memref<!tpu.dma_semaphore, #tpu.memory_space<semaphore_mem>>)
    %add3A_52 = arith.constant 64 : i32
    %add3A_53 = arith.addi %select_n3A, %add3A_52 : i32
    %multiple_of3A_54 = tpu.assume_multiple %add3A_53, 64 : i32
    %dma_start3A_55 = tpu.memref_slice %arg5[%multiple_of3A_54] : memref<327680xi32, #tpu.memory_space<hbm>> -> memref<64xi32, #tpu.memory_space<hbm>>
    %dma_start3A_56 = tpu.memref_slice %arg5[%multiple_of3A_54] : memref<327680xi32, #tpu.memory_space<hbm>> -> memref<64xi32, #tpu.memory_space<hbm>>
    tpu.enqueue_dma source(%dma_start3A_56 : memref<64xi32, #tpu.memory_space<hbm>>) target(%arg12 : memref<64xi32, #tpu.memory_space<vmem>>) target_semaphore(%arg22 : memref<!tpu.dma_semaphore, #tpu.memory_space<semaphore_mem>>)
    %add3A_57 = arith.constant 0 : i32
    %add3A_58 = arith.addi %select_n3A, %add3A_57 : i32
    %multiple_of3A_59 = tpu.assume_multiple %add3A_58, 64 : i32
    %dma_wait3A = tpu.memref_slice %arg4[%multiple_of3A_59] : memref<327680xi32, #tpu.memory_space<hbm>> -> memref<64xi32, #tpu.memory_space<hbm>>
    %dma_wait3A_60 = tpu.memref_slice %arg4[%multiple_of3A_59] : memref<327680xi32, #tpu.memory_space<hbm>> -> memref<64xi32, #tpu.memory_space<hbm>>
    tpu.wait_dma2 semaphore(%arg21 : memref<!tpu.dma_semaphore, #tpu.memory_space<semaphore_mem>>) src(%dma_wait3A_60 : memref<64xi32, #tpu.memory_space<hbm>>) dst(%arg9 : memref<64xi32, #tpu.memory_space<vmem>>)
    %add3A_61 = arith.constant 0 : i32
    %add3A_62 = arith.addi %select_n3A, %add3A_61 : i32
    %multiple_of3A_63 = tpu.assume_multiple %add3A_62, 64 : i32
    %dma_wait3A_64 = tpu.memref_slice %arg5[%multiple_of3A_63] : memref<327680xi32, #tpu.memory_space<hbm>> -> memref<64xi32, #tpu.memory_space<hbm>>
    %dma_wait3A_65 = tpu.memref_slice %arg5[%multiple_of3A_63] : memref<327680xi32, #tpu.memory_space<hbm>> -> memref<64xi32, #tpu.memory_space<hbm>>
    tpu.wait_dma2 semaphore(%arg21 : memref<!tpu.dma_semaphore, #tpu.memory_space<semaphore_mem>>) src(%dma_wait3A_65 : memref<64xi32, #tpu.memory_space<hbm>>) dst(%arg10 : memref<64xi32, #tpu.memory_space<vmem>>)
    %dma_start3A_66 = arith.constant 0 : i32
    %dma_start3A_67 = arith.constant 0 : i32
    %dma_start3A_68 = tpu.memref_slice %arg2[%dma_start3A_66, %dma_start3A_67] : memref<10000x128xf32, #tpu.memory_space<hbm>> -> memref<10000x128xf32, #tpu.memory_space<hbm>>
    tpu.enqueue_indirect_dma source(%dma_start3A_68 : memref<10000x128xf32, #tpu.memory_space<hbm>>) target(%arg13 : memref<64x128xf32, #tpu.memory_space<vmem>>) offsets(%arg9 : memref<64xi32, #tpu.memory_space<vmem>>) semaphore(%arg23 : memref<!tpu.dma_semaphore, #tpu.memory_space<semaphore_mem>>)
    %dma_start3A_69 = arith.constant 0 : i32
    %dma_start3A_70 = arith.constant 0 : i32
    %dma_start3A_71 = tpu.memref_slice %arg2[%dma_start3A_69, %dma_start3A_70] : memref<10000x128xf32, #tpu.memory_space<hbm>> -> memref<10000x128xf32, #tpu.memory_space<hbm>>
    tpu.enqueue_indirect_dma source(%dma_start3A_71 : memref<10000x128xf32, #tpu.memory_space<hbm>>) target(%arg14 : memref<64x128xf32, #tpu.memory_space<vmem>>) offsets(%arg10 : memref<64xi32, #tpu.memory_space<vmem>>) semaphore(%arg25 : memref<!tpu.dma_semaphore, #tpu.memory_space<semaphore_mem>>)
    %while3A = arith.constant 0 : i32
    %while3A_72 = arith.constant 0 : i32
    %while3A_73 = arith.subi %select_n3A_11, %while3A_72 : i32
    %while3A_74 = arith.addi %while3A_72, %while3A_73 : i32
    %while3A_75 = arith.constant 1 : i32
    %while3A_76 = arith.divsi %while3A_73, %while3A_75 : i32
    %while3A_77 = arith.muli %while3A_76, %while3A_75 : i32
    %while3A_78 = arith.addi %while3A_72, %while3A_77 : i32
    %while3A_79 = arith.constant 1 : i32
    scf.for %while3A_81 = %while3A_72 to %while3A_78 step %while3A_79  : i32 {
      %mul3A_82 = arith.constant 2 : i32
      %mul3A_83 = arith.muli %mul3A_82, %while3A_81 : i32
      %add3A_84 = arith.constant 0 : i32
      %add3A_85 = arith.addi %select_n3A, %add3A_84 : i32
      %multiple_of3A_86 = tpu.assume_multiple %add3A_85, 64 : i32
      %dma_wait3A_87 = tpu.memref_slice %arg4[%multiple_of3A_86] : memref<327680xi32, #tpu.memory_space<hbm>> -> memref<64xi32, #tpu.memory_space<hbm>>
      %dma_wait3A_88 = tpu.memref_slice %arg4[%multiple_of3A_86] : memref<327680xi32, #tpu.memory_space<hbm>> -> memref<64xi32, #tpu.memory_space<hbm>>
      tpu.wait_dma2 semaphore(%arg22 : memref<!tpu.dma_semaphore, #tpu.memory_space<semaphore_mem>>) src(%dma_wait3A_88 : memref<64xi32, #tpu.memory_space<hbm>>) dst(%arg11 : memref<64xi32, #tpu.memory_space<vmem>>)
      %add3A_89 = arith.constant 0 : i32
      %add3A_90 = arith.addi %select_n3A, %add3A_89 : i32
      %multiple_of3A_91 = tpu.assume_multiple %add3A_90, 64 : i32
      %dma_wait3A_92 = tpu.memref_slice %arg5[%multiple_of3A_91] : memref<327680xi32, #tpu.memory_space<hbm>> -> memref<64xi32, #tpu.memory_space<hbm>>
      %dma_wait3A_93 = tpu.memref_slice %arg5[%multiple_of3A_91] : memref<327680xi32, #tpu.memory_space<hbm>> -> memref<64xi32, #tpu.memory_space<hbm>>
      tpu.wait_dma2 semaphore(%arg22 : memref<!tpu.dma_semaphore, #tpu.memory_space<semaphore_mem>>) src(%dma_wait3A_93 : memref<64xi32, #tpu.memory_space<hbm>>) dst(%arg12 : memref<64xi32, #tpu.memory_space<vmem>>)
      %dma_start3A_94 = arith.constant 0 : i32
      %dma_start3A_95 = arith.constant 0 : i32
      %dma_start3A_96 = tpu.memref_slice %arg2[%dma_start3A_94, %dma_start3A_95] : memref<10000x128xf32, #tpu.memory_space<hbm>> -> memref<10000x128xf32, #tpu.memory_space<hbm>>
      tpu.enqueue_indirect_dma source(%dma_start3A_96 : memref<10000x128xf32, #tpu.memory_space<hbm>>) target(%arg15 : memref<64x128xf32, #tpu.memory_space<vmem>>) offsets(%arg11 : memref<64xi32, #tpu.memory_space<vmem>>) semaphore(%arg24 : memref<!tpu.dma_semaphore, #tpu.memory_space<semaphore_mem>>)
      %dma_start3A_97 = arith.constant 0 : i32
      %dma_start3A_98 = arith.constant 0 : i32
      %dma_start3A_99 = tpu.memref_slice %arg2[%dma_start3A_97, %dma_start3A_98] : memref<10000x128xf32, #tpu.memory_space<hbm>> -> memref<10000x128xf32, #tpu.memory_space<hbm>>
      tpu.enqueue_indirect_dma source(%dma_start3A_99 : memref<10000x128xf32, #tpu.memory_space<hbm>>) target(%arg16 : memref<64x128xf32, #tpu.memory_space<vmem>>) offsets(%arg12 : memref<64xi32, #tpu.memory_space<vmem>>) semaphore(%arg26 : memref<!tpu.dma_semaphore, #tpu.memory_space<semaphore_mem>>)
      %dma_wait3A_100 = arith.constant 0 : i32
      %dma_wait3A_101 = arith.constant 0 : i32
      %dma_wait3A_102 = tpu.memref_slice %arg2[%dma_wait3A_100, %dma_wait3A_101] : memref<10000x128xf32, #tpu.memory_space<hbm>> -> memref<10000x128xf32, #tpu.memory_space<hbm>>
      tpu.wait_indirect_dma semaphore(%arg23 : memref<!tpu.dma_semaphore, #tpu.memory_space<semaphore_mem>>) src(%dma_wait3A_102 : memref<10000x128xf32, #tpu.memory_space<hbm>>) dst(%arg13 : memref<64x128xf32, #tpu.memory_space<vmem>>)
      %dma_wait3A_103 = arith.constant 0 : i32
      %dma_wait3A_104 = arith.constant 0 : i32
      %dma_wait3A_105 = tpu.memref_slice %arg2[%dma_wait3A_103, %dma_wait3A_104] : memref<10000x128xf32, #tpu.memory_space<hbm>> -> memref<10000x128xf32, #tpu.memory_space<hbm>>
      tpu.wait_indirect_dma semaphore(%arg25 : memref<!tpu.dma_semaphore, #tpu.memory_space<semaphore_mem>>) src(%dma_wait3A_105 : memref<10000x128xf32, #tpu.memory_space<hbm>>) dst(%arg14 : memref<64x128xf32, #tpu.memory_space<vmem>>)
      %parallel_loop3A = arith.constant 0 : i32
      %parallel_loop3A_106 = arith.constant 64 : i32
      %parallel_loop3A_107 = arith.constant 1 : i32
      scf.for %parallel_loop3A_136 = %parallel_loop3A to %parallel_loop3A_106 step %parallel_loop3A_107  : i32 {
        %parallel_loop3A_137 = arith.index_cast %parallel_loop3A_136 : i32 to index
        %parallel_loop3A_138 = arith.constant 0 : index
        %parallel_loop3A_139 = tpu.vector_load %arg13[%parallel_loop3A_137, %parallel_loop3A_138] {strides = array<i32>} : memref<64x128xf32, #tpu.memory_space<vmem>>, vector<1x16xf32>,
        %parallel_loop3A_140 = vector.shape_cast %parallel_loop3A_139 : vector<1x16xf32> to vector<16xf32>
        %parallel_loop3A_141 = arith.index_cast %parallel_loop3A_136 : i32 to index
        %parallel_loop3A_142 = arith.constant 0 : index
        %parallel_loop3A_143 = tpu.vector_load %arg14[%parallel_loop3A_141, %parallel_loop3A_142] {strides = array<i32>} : memref<64x128xf32, #tpu.memory_space<vmem>>, vector<1x16xf32>,
        %parallel_loop3A_144 = vector.shape_cast %parallel_loop3A_143 : vector<1x16xf32> to vector<16xf32>
        %parallel_loop3A_145 = arith.subf %parallel_loop3A_140, %parallel_loop3A_144 : vector<16xf32>
        %parallel_loop3A_146 = arith.mulf %parallel_loop3A_145, %parallel_loop3A_145 : vector<16xf32>
        %parallel_loop3A_147 = arith.index_cast %parallel_loop3A_136 : i32 to index
        %parallel_loop3A_148 = arith.constant 0 : index
        %parallel_loop3A_149 = tpu.vector_load %arg17[%parallel_loop3A_147, %parallel_loop3A_148] {strides = array<i32>} : memref<64x16xf32, #tpu.memory_space<vmem>>, vector<1x16xf32>,
        %parallel_loop3A_150 = vector.shape_cast %parallel_loop3A_149 : vector<1x16xf32> to vector<16xf32>
        %parallel_loop3A_151 = vector.shape_cast %parallel_loop3A_146 : vector<16xf32> to vector<1x16xf32>
        tpu.vector_store %arg17[%parallel_loop3A_147, %parallel_loop3A_148], %parallel_loop3A_151 {strides = array<i32>} : memref<64x16xf32, #tpu.memory_space<vmem>>, vector<1x16xf32>,
      } {sc.loop_unroll_factor = 8 : i64, sc.parallel_access}
      %mul3A_108 = arith.constant 64 : i32
      %mul3A_109 = arith.muli %mul3A_83, %mul3A_108 : i32
      %add3A_110 = arith.addi %select_n3A, %mul3A_109 : i32
      %multiple_of3A_111 = tpu.assume_multiple %add3A_110, 64 : i32
      "tpu.region"() ({
        %run_scoped3A = tpu.sem_alloc : memref<!tpu.dma_semaphore, #tpu.memory_space<semaphore_mem>>
        %dma_start3A_136 = arith.constant 0 : i32
        %dma_start3A_137 = tpu.memref_slice %arg7[%multiple_of3A_111, %dma_start3A_136] : memref<327680x16xf32, #tpu.memory_space<hbm>> -> memref<64x16xf32, #tpu.memory_space<hbm>>
        %dma_start3A_138 = arith.constant 0 : i32
        %dma_start3A_139 = tpu.memref_slice %arg7[%multiple_of3A_111, %dma_start3A_138] : memref<327680x16xf32, #tpu.memory_space<hbm>> -> memref<64x16xf32, #tpu.memory_space<hbm>>
        tpu.enqueue_dma source(%arg17 : memref<64x16xf32, #tpu.memory_space<vmem>>) target(%dma_start3A_139 : memref<64x16xf32, #tpu.memory_space<hbm>>) target_semaphore(%run_scoped3A : memref<!tpu.dma_semaphore, #tpu.memory_space<semaphore_mem>>)
        %dma_wait3A_140 = arith.constant 0 : i32
        %dma_wait3A_141 = tpu.memref_slice %arg7[%multiple_of3A_111, %dma_wait3A_140] : memref<327680x16xf32, #tpu.memory_space<hbm>> -> memref<64x16xf32, #tpu.memory_space<hbm>>
        %dma_wait3A_142 = arith.constant 0 : i32
        %dma_wait3A_143 = tpu.memref_slice %arg7[%multiple_of3A_111, %dma_wait3A_142] : memref<327680x16xf32, #tpu.memory_space<hbm>> -> memref<64x16xf32, #tpu.memory_space<hbm>>
        tpu.wait_dma2 semaphore(%run_scoped3A : memref<!tpu.dma_semaphore, #tpu.memory_space<semaphore_mem>>) src(%arg17 : memref<64x16xf32, #tpu.memory_space<vmem>>) dst(%dma_wait3A_143 : memref<64x16xf32, #tpu.memory_space<hbm>>)
        tpu.yield
      }) : () -> ()
      %add3A_112 = arith.constant 1 : i32
      %add3A_113 = arith.addi %while3A_81, %add3A_112 : i32
      %lt3A = arith.cmpi slt, %add3A_113, %select_n3A_11 : i32
      %convert_element_type3A = arith.extui %lt3A : i1 to i32
      %cond3A = arith.constant 0 : i32
      %cond3A_114 = arith.cmpi ne, %convert_element_type3A, %cond3A : i32
      scf.if %cond3A_114 {
        %add3A_136 = arith.constant 2 : i32
        %add3A_137 = arith.addi %mul3A_83, %add3A_136 : i32
        %mul3A_138 = arith.constant 64 : i32
        %mul3A_139 = arith.muli %add3A_137, %mul3A_138 : i32
        %add3A_140 = arith.addi %select_n3A, %mul3A_139 : i32
        %multiple_of3A_141 = tpu.assume_multiple %add3A_140, 64 : i32
        %dma_start3A_142 = tpu.memref_slice %arg4[%multiple_of3A_141] : memref<327680xi32, #tpu.memory_space<hbm>> -> memref<64xi32, #tpu.memory_space<hbm>>
        %dma_start3A_143 = tpu.memref_slice %arg4[%multiple_of3A_141] : memref<327680xi32, #tpu.memory_space<hbm>> -> memref<64xi32, #tpu.memory_space<hbm>>
        tpu.enqueue_dma source(%dma_start3A_143 : memref<64xi32, #tpu.memory_space<hbm>>) target(%arg9 : memref<64xi32, #tpu.memory_space<vmem>>) target_semaphore(%arg21 : memref<!tpu.dma_semaphore, #tpu.memory_space<semaphore_mem>>)
        %mul3A_144 = arith.constant 64 : i32
        %mul3A_145 = arith.muli %add3A_137, %mul3A_144 : i32
        %add3A_146 = arith.addi %select_n3A, %mul3A_145 : i32
        %multiple_of3A_147 = tpu.assume_multiple %add3A_146, 64 : i32
        %dma_start3A_148 = tpu.memref_slice %arg5[%multiple_of3A_147] : memref<327680xi32, #tpu.memory_space<hbm>> -> memref<64xi32, #tpu.memory_space<hbm>>
        %dma_start3A_149 = tpu.memref_slice %arg5[%multiple_of3A_147] : memref<327680xi32, #tpu.memory_space<hbm>> -> memref<64xi32, #tpu.memory_space<hbm>>
        tpu.enqueue_dma source(%dma_start3A_149 : memref<64xi32, #tpu.memory_space<hbm>>) target(%arg10 : memref<64xi32, #tpu.memory_space<vmem>>) target_semaphore(%arg21 : memref<!tpu.dma_semaphore, #tpu.memory_space<semaphore_mem>>)
        %add3A_150 = arith.constant 0 : i32
        %add3A_151 = arith.addi %select_n3A, %add3A_150 : i32
        %multiple_of3A_152 = tpu.assume_multiple %add3A_151, 64 : i32
        %dma_wait3A_153 = tpu.memref_slice %arg4[%multiple_of3A_152] : memref<327680xi32, #tpu.memory_space<hbm>> -> memref<64xi32, #tpu.memory_space<hbm>>
        %dma_wait3A_154 = tpu.memref_slice %arg4[%multiple_of3A_152] : memref<327680xi32, #tpu.memory_space<hbm>> -> memref<64xi32, #tpu.memory_space<hbm>>
        tpu.wait_dma2 semaphore(%arg21 : memref<!tpu.dma_semaphore, #tpu.memory_space<semaphore_mem>>) src(%dma_wait3A_154 : memref<64xi32, #tpu.memory_space<hbm>>) dst(%arg9 : memref<64xi32, #tpu.memory_space<vmem>>)
        %add3A_155 = arith.constant 0 : i32
        %add3A_156 = arith.addi %select_n3A, %add3A_155 : i32
        %multiple_of3A_157 = tpu.assume_multiple %add3A_156, 64 : i32
        %dma_wait3A_158 = tpu.memref_slice %arg5[%multiple_of3A_157] : memref<327680xi32, #tpu.memory_space<hbm>> -> memref<64xi32, #tpu.memory_space<hbm>>
        %dma_wait3A_159 = tpu.memref_slice %arg5[%multiple_of3A_157] : memref<327680xi32, #tpu.memory_space<hbm>> -> memref<64xi32, #tpu.memory_space<hbm>>
        tpu.wait_dma2 semaphore(%arg21 : memref<!tpu.dma_semaphore, #tpu.memory_space<semaphore_mem>>) src(%dma_wait3A_159 : memref<64xi32, #tpu.memory_space<hbm>>) dst(%arg10 : memref<64xi32, #tpu.memory_space<vmem>>)
        %dma_start3A_160 = arith.constant 0 : i32
        %dma_start3A_161 = arith.constant 0 : i32
        %dma_start3A_162 = tpu.memref_slice %arg2[%dma_start3A_160, %dma_start3A_161] : memref<10000x128xf32, #tpu.memory_space<hbm>> -> memref<10000x128xf32, #tpu.memory_space<hbm>>
        tpu.enqueue_indirect_dma source(%dma_start3A_162 : memref<10000x128xf32, #tpu.memory_space<hbm>>) target(%arg13 : memref<64x128xf32, #tpu.memory_space<vmem>>) offsets(%arg9 : memref<64xi32, #tpu.memory_space<vmem>>) semaphore(%arg23 : memref<!tpu.dma_semaphore, #tpu.memory_space<semaphore_mem>>)
        %dma_start3A_163 = arith.constant 0 : i32
        %dma_start3A_164 = arith.constant 0 : i32
        %dma_start3A_165 = tpu.memref_slice %arg2[%dma_start3A_163, %dma_start3A_164] : memref<10000x128xf32, #tpu.memory_space<hbm>> -> memref<10000x128xf32, #tpu.memory_space<hbm>>
        tpu.enqueue_indirect_dma source(%dma_start3A_165 : memref<10000x128xf32, #tpu.memory_space<hbm>>) target(%arg14 : memref<64x128xf32, #tpu.memory_space<vmem>>) offsets(%arg10 : memref<64xi32, #tpu.memory_space<vmem>>) semaphore(%arg25 : memref<!tpu.dma_semaphore, #tpu.memory_space<semaphore_mem>>)
      } else {
      }
      %dma_wait3A_115 = arith.constant 0 : i32
      %dma_wait3A_116 = arith.constant 0 : i32
      %dma_wait3A_117 = tpu.memref_slice %arg2[%dma_wait3A_115, %dma_wait3A_116] : memref<10000x128xf32, #tpu.memory_space<hbm>> -> memref<10000x128xf32, #tpu.memory_space<hbm>>
      tpu.wait_indirect_dma semaphore(%arg24 : memref<!tpu.dma_semaphore, #tpu.memory_space<semaphore_mem>>) src(%dma_wait3A_117 : memref<10000x128xf32, #tpu.memory_space<hbm>>) dst(%arg15 : memref<64x128xf32, #tpu.memory_space<vmem>>)
      %dma_wait3A_118 = arith.constant 0 : i32
      %dma_wait3A_119 = arith.constant 0 : i32
      %dma_wait3A_120 = tpu.memref_slice %arg2[%dma_wait3A_118, %dma_wait3A_119] : memref<10000x128xf32, #tpu.memory_space<hbm>> -> memref<10000x128xf32, #tpu.memory_space<hbm>>
      tpu.wait_indirect_dma semaphore(%arg26 : memref<!tpu.dma_semaphore, #tpu.memory_space<semaphore_mem>>) src(%dma_wait3A_120 : memref<10000x128xf32, #tpu.memory_space<hbm>>) dst(%arg16 : memref<64x128xf32, #tpu.memory_space<vmem>>)
      %add3A_121 = arith.constant 1 : i32
      %add3A_122 = arith.addi %mul3A_83, %add3A_121 : i32
      %parallel_loop3A_123 = arith.constant 0 : i32
      %parallel_loop3A_124 = arith.constant 64 : i32
      %parallel_loop3A_125 = arith.constant 1 : i32
      scf.for %parallel_loop3A_136 = %parallel_loop3A_123 to %parallel_loop3A_124 step %parallel_loop3A_125  : i32 {
        %parallel_loop3A_137 = arith.index_cast %parallel_loop3A_136 : i32 to index
        %parallel_loop3A_138 = arith.constant 0 : index
        %parallel_loop3A_139 = tpu.vector_load %arg15[%parallel_loop3A_137, %parallel_loop3A_138] {strides = array<i32>} : memref<64x128xf32, #tpu.memory_space<vmem>>, vector<1x16xf32>,
        %parallel_loop3A_140 = vector.shape_cast %parallel_loop3A_139 : vector<1x16xf32> to vector<16xf32>
        %parallel_loop3A_141 = arith.index_cast %parallel_loop3A_136 : i32 to index
        %parallel_loop3A_142 = arith.constant 0 : index
        %parallel_loop3A_143 = tpu.vector_load %arg16[%parallel_loop3A_141, %parallel_loop3A_142] {strides = array<i32>} : memref<64x128xf32, #tpu.memory_space<vmem>>, vector<1x16xf32>,
        %parallel_loop3A_144 = vector.shape_cast %parallel_loop3A_143 : vector<1x16xf32> to vector<16xf32>
        %parallel_loop3A_145 = arith.subf %parallel_loop3A_140, %parallel_loop3A_144 : vector<16xf32>
        %parallel_loop3A_146 = arith.mulf %parallel_loop3A_145, %parallel_loop3A_145 : vector<16xf32>
        %parallel_loop3A_147 = arith.index_cast %parallel_loop3A_136 : i32 to index
        %parallel_loop3A_148 = arith.constant 0 : index
        %parallel_loop3A_149 = tpu.vector_load %arg18[%parallel_loop3A_147, %parallel_loop3A_148] {strides = array<i32>} : memref<64x16xf32, #tpu.memory_space<vmem>>, vector<1x16xf32>,
        %parallel_loop3A_150 = vector.shape_cast %parallel_loop3A_149 : vector<1x16xf32> to vector<16xf32>
        %parallel_loop3A_151 = vector.shape_cast %parallel_loop3A_146 : vector<16xf32> to vector<1x16xf32>
        tpu.vector_store %arg18[%parallel_loop3A_147, %parallel_loop3A_148], %parallel_loop3A_151 {strides = array<i32>} : memref<64x16xf32, #tpu.memory_space<vmem>>, vector<1x16xf32>,
      } {sc.loop_unroll_factor = 8 : i64, sc.parallel_access}
      %mul3A_126 = arith.constant 64 : i32
      %mul3A_127 = arith.muli %add3A_122, %mul3A_126 : i32
      %add3A_128 = arith.addi %select_n3A, %mul3A_127 : i32
      %multiple_of3A_129 = tpu.assume_multiple %add3A_128, 64 : i32
      "tpu.region"() ({
        %run_scoped3A = tpu.sem_alloc : memref<!tpu.dma_semaphore, #tpu.memory_space<semaphore_mem>>
        %dma_start3A_136 = arith.constant 0 : i32
        %dma_start3A_137 = tpu.memref_slice %arg7[%multiple_of3A_129, %dma_start3A_136] : memref<327680x16xf32, #tpu.memory_space<hbm>> -> memref<64x16xf32, #tpu.memory_space<hbm>>
        %dma_start3A_138 = arith.constant 0 : i32
        %dma_start3A_139 = tpu.memref_slice %arg7[%multiple_of3A_129, %dma_start3A_138] : memref<327680x16xf32, #tpu.memory_space<hbm>> -> memref<64x16xf32, #tpu.memory_space<hbm>>
        tpu.enqueue_dma source(%arg18 : memref<64x16xf32, #tpu.memory_space<vmem>>) target(%dma_start3A_139 : memref<64x16xf32, #tpu.memory_space<hbm>>) target_semaphore(%run_scoped3A : memref<!tpu.dma_semaphore, #tpu.memory_space<semaphore_mem>>)
        %dma_wait3A_140 = arith.constant 0 : i32
        %dma_wait3A_141 = tpu.memref_slice %arg7[%multiple_of3A_129, %dma_wait3A_140] : memref<327680x16xf32, #tpu.memory_space<hbm>> -> memref<64x16xf32, #tpu.memory_space<hbm>>
        %dma_wait3A_142 = arith.constant 0 : i32
        %dma_wait3A_143 = tpu.memref_slice %arg7[%multiple_of3A_129, %dma_wait3A_142] : memref<327680x16xf32, #tpu.memory_space<hbm>> -> memref<64x16xf32, #tpu.memory_space<hbm>>
        tpu.wait_dma2 semaphore(%run_scoped3A : memref<!tpu.dma_semaphore, #tpu.memory_space<semaphore_mem>>) src(%arg18 : memref<64x16xf32, #tpu.memory_space<vmem>>) dst(%dma_wait3A_143 : memref<64x16xf32, #tpu.memory_space<hbm>>)
        tpu.yield
      }) : () -> ()
      %add3A_130 = arith.constant 1 : i32
      %add3A_131 = arith.addi %while3A_81, %add3A_130 : i32
      %lt3A_132 = arith.cmpi slt, %add3A_131, %select_n3A_11 : i32
      %convert_element_type3A_133 = arith.extui %lt3A_132 : i1 to i32
      %cond3A_134 = arith.constant 0 : i32
      %cond3A_135 = arith.cmpi ne, %convert_element_type3A_133, %cond3A_134 : i32
      scf.if %cond3A_135 {
        %add3A_136 = arith.constant 3 : i32
        %add3A_137 = arith.addi %mul3A_83, %add3A_136 : i32
        %mul3A_138 = arith.constant 64 : i32
        %mul3A_139 = arith.muli %add3A_137, %mul3A_138 : i32
        %add3A_140 = arith.addi %select_n3A, %mul3A_139 : i32
        %multiple_of3A_141 = tpu.assume_multiple %add3A_140, 64 : i32
        %dma_start3A_142 = tpu.memref_slice %arg4[%multiple_of3A_141] : memref<327680xi32, #tpu.memory_space<hbm>> -> memref<64xi32, #tpu.memory_space<hbm>>
        %dma_start3A_143 = tpu.memref_slice %arg4[%multiple_of3A_141] : memref<327680xi32, #tpu.memory_space<hbm>> -> memref<64xi32, #tpu.memory_space<hbm>>
        tpu.enqueue_dma source(%dma_start3A_143 : memref<64xi32, #tpu.memory_space<hbm>>) target(%arg11 : memref<64xi32, #tpu.memory_space<vmem>>) target_semaphore(%arg22 : memref<!tpu.dma_semaphore, #tpu.memory_space<semaphore_mem>>)
        %mul3A_144 = arith.constant 64 : i32
        %mul3A_145 = arith.muli %add3A_137, %mul3A_144 : i32
        %add3A_146 = arith.addi %select_n3A, %mul3A_145 : i32
        %multiple_of3A_147 = tpu.assume_multiple %add3A_146, 64 : i32
        %dma_start3A_148 = tpu.memref_slice %arg5[%multiple_of3A_147] : memref<327680xi32, #tpu.memory_space<hbm>> -> memref<64xi32, #tpu.memory_space<hbm>>
        %dma_start3A_149 = tpu.memref_slice %arg5[%multiple_of3A_147] : memref<327680xi32, #tpu.memory_space<hbm>> -> memref<64xi32, #tpu.memory_space<hbm>>
        tpu.enqueue_dma source(%dma_start3A_149 : memref<64xi32, #tpu.memory_space<hbm>>) target(%arg12 : memref<64xi32, #tpu.memory_space<vmem>>) target_semaphore(%arg22 : memref<!tpu.dma_semaphore, #tpu.memory_space<semaphore_mem>>)
      } else {
      }
    }
    %while3A_80 = arith.constant 1 : i32
    scf.for %while3A_81 = %while3A_78 to %while3A_74 step %while3A_80  : i32 {
      %mul3A_82 = arith.constant 2 : i32
      %mul3A_83 = arith.muli %mul3A_82, %while3A_81 : i32
      %add3A_84 = arith.constant 0 : i32
      %add3A_85 = arith.addi %select_n3A, %add3A_84 : i32
      %multiple_of3A_86 = tpu.assume_multiple %add3A_85, 64 : i32
      %dma_wait3A_87 = tpu.memref_slice %arg4[%multiple_of3A_86] : memref<327680xi32, #tpu.memory_space<hbm>> -> memref<64xi32, #tpu.memory_space<hbm>>
      %dma_wait3A_88 = tpu.memref_slice %arg4[%multiple_of3A_86] : memref<327680xi32, #tpu.memory_space<hbm>> -> memref<64xi32, #tpu.memory_space<hbm>>
      tpu.wait_dma2 semaphore(%arg22 : memref<!tpu.dma_semaphore, #tpu.memory_space<semaphore_mem>>) src(%dma_wait3A_88 : memref<64xi32, #tpu.memory_space<hbm>>) dst(%arg11 : memref<64xi32, #tpu.memory_space<vmem>>)
      %add3A_89 = arith.constant 0 : i32
      %add3A_90 = arith.addi %select_n3A, %add3A_89 : i32
      %multiple_of3A_91 = tpu.assume_multiple %add3A_90, 64 : i32
      %dma_wait3A_92 = tpu.memref_slice %arg5[%multiple_of3A_91] : memref<327680xi32, #tpu.memory_space<hbm>> -> memref<64xi32, #tpu.memory_space<hbm>>
      %dma_wait3A_93 = tpu.memref_slice %arg5[%multiple_of3A_91] : memref<327680xi32, #tpu.memory_space<hbm>> -> memref<64xi32, #tpu.memory_space<hbm>>
      tpu.wait_dma2 semaphore(%arg22 : memref<!tpu.dma_semaphore, #tpu.memory_space<semaphore_mem>>) src(%dma_wait3A_93 : memref<64xi32, #tpu.memory_space<hbm>>) dst(%arg12 : memref<64xi32, #tpu.memory_space<vmem>>)
      %dma_start3A_94 = arith.constant 0 : i32
      %dma_start3A_95 = arith.constant 0 : i32
      %dma_start3A_96 = tpu.memref_slice %arg2[%dma_start3A_94, %dma_start3A_95] : memref<10000x128xf32, #tpu.memory_space<hbm>> -> memref<10000x128xf32, #tpu.memory_space<hbm>>
      tpu.enqueue_indirect_dma source(%dma_start3A_96 : memref<10000x128xf32, #tpu.memory_space<hbm>>) target(%arg15 : memref<64x128xf32, #tpu.memory_space<vmem>>) offsets(%arg11 : memref<64xi32, #tpu.memory_space<vmem>>) semaphore(%arg24 : memref<!tpu.dma_semaphore, #tpu.memory_space<semaphore_mem>>)
      %dma_start3A_97 = arith.constant 0 : i32
      %dma_start3A_98 = arith.constant 0 : i32
      %dma_start3A_99 = tpu.memref_slice %arg2[%dma_start3A_97, %dma_start3A_98] : memref<10000x128xf32, #tpu.memory_space<hbm>> -> memref<10000x128xf32, #tpu.memory_space<hbm>>
      tpu.enqueue_indirect_dma source(%dma_start3A_99 : memref<10000x128xf32, #tpu.memory_space<hbm>>) target(%arg16 : memref<64x128xf32, #tpu.memory_space<vmem>>) offsets(%arg12 : memref<64xi32, #tpu.memory_space<vmem>>) semaphore(%arg26 : memref<!tpu.dma_semaphore, #tpu.memory_space<semaphore_mem>>)
      %dma_wait3A_100 = arith.constant 0 : i32
      %dma_wait3A_101 = arith.constant 0 : i32
      %dma_wait3A_102 = tpu.memref_slice %arg2[%dma_wait3A_100, %dma_wait3A_101] : memref<10000x128xf32, #tpu.memory_space<hbm>> -> memref<10000x128xf32, #tpu.memory_space<hbm>>
      tpu.wait_indirect_dma semaphore(%arg23 : memref<!tpu.dma_semaphore, #tpu.memory_space<semaphore_mem>>) src(%dma_wait3A_102 : memref<10000x128xf32, #tpu.memory_space<hbm>>) dst(%arg13 : memref<64x128xf32, #tpu.memory_space<vmem>>)
      %dma_wait3A_103 = arith.constant 0 : i32
      %dma_wait3A_104 = arith.constant 0 : i32
      %dma_wait3A_105 = tpu.memref_slice %arg2[%dma_wait3A_103, %dma_wait3A_104] : memref<10000x128xf32, #tpu.memory_space<hbm>> -> memref<10000x128xf32, #tpu.memory_space<hbm>>
      tpu.wait_indirect_dma semaphore(%arg25 : memref<!tpu.dma_semaphore, #tpu.memory_space<semaphore_mem>>) src(%dma_wait3A_105 : memref<10000x128xf32, #tpu.memory_space<hbm>>) dst(%arg14 : memref<64x128xf32, #tpu.memory_space<vmem>>)
      %parallel_loop3A = arith.constant 0 : i32
      %parallel_loop3A_106 = arith.constant 64 : i32
      %parallel_loop3A_107 = arith.constant 1 : i32
      scf.for %parallel_loop3A_136 = %parallel_loop3A to %parallel_loop3A_106 step %parallel_loop3A_107  : i32 {
        %parallel_loop3A_137 = arith.index_cast %parallel_loop3A_136 : i32 to index
        %parallel_loop3A_138 = arith.constant 0 : index
        %parallel_loop3A_139 = tpu.vector_load %arg13[%parallel_loop3A_137, %parallel_loop3A_138] {strides = array<i32>} : memref<64x128xf32, #tpu.memory_space<vmem>>, vector<1x16xf32>,
        %parallel_loop3A_140 = vector.shape_cast %parallel_loop3A_139 : vector<1x16xf32> to vector<16xf32>
        %parallel_loop3A_141 = arith.index_cast %parallel_loop3A_136 : i32 to index
        %parallel_loop3A_142 = arith.constant 0 : index
        %parallel_loop3A_143 = tpu.vector_load %arg14[%parallel_loop3A_141, %parallel_loop3A_142] {strides = array<i32>} : memref<64x128xf32, #tpu.memory_space<vmem>>, vector<1x16xf32>,
        %parallel_loop3A_144 = vector.shape_cast %parallel_loop3A_143 : vector<1x16xf32> to vector<16xf32>
        %parallel_loop3A_145 = arith.subf %parallel_loop3A_140, %parallel_loop3A_144 : vector<16xf32>
        %parallel_loop3A_146 = arith.mulf %parallel_loop3A_145, %parallel_loop3A_145 : vector<16xf32>
        %parallel_loop3A_147 = arith.index_cast %parallel_loop3A_136 : i32 to index
        %parallel_loop3A_148 = arith.constant 0 : index
        %parallel_loop3A_149 = tpu.vector_load %arg17[%parallel_loop3A_147, %parallel_loop3A_148] {strides = array<i32>} : memref<64x16xf32, #tpu.memory_space<vmem>>, vector<1x16xf32>,
        %parallel_loop3A_150 = vector.shape_cast %parallel_loop3A_149 : vector<1x16xf32> to vector<16xf32>
        %parallel_loop3A_151 = vector.shape_cast %parallel_loop3A_146 : vector<16xf32> to vector<1x16xf32>
        tpu.vector_store %arg17[%parallel_loop3A_147, %parallel_loop3A_148], %parallel_loop3A_151 {strides = array<i32>} : memref<64x16xf32, #tpu.memory_space<vmem>>, vector<1x16xf32>,
      } {sc.loop_unroll_factor = 8 : i64, sc.parallel_access}
      %mul3A_108 = arith.constant 64 : i32
      %mul3A_109 = arith.muli %mul3A_83, %mul3A_108 : i32
      %add3A_110 = arith.addi %select_n3A, %mul3A_109 : i32
      %multiple_of3A_111 = tpu.assume_multiple %add3A_110, 64 : i32
      "tpu.region"() ({
        %run_scoped3A = tpu.sem_alloc : memref<!tpu.dma_semaphore, #tpu.memory_space<semaphore_mem>>
        %dma_start3A_136 = arith.constant 0 : i32
        %dma_start3A_137 = tpu.memref_slice %arg7[%multiple_of3A_111, %dma_start3A_136] : memref<327680x16xf32, #tpu.memory_space<hbm>> -> memref<64x16xf32, #tpu.memory_space<hbm>>
        %dma_start3A_138 = arith.constant 0 : i32
        %dma_start3A_139 = tpu.memref_slice %arg7[%multiple_of3A_111, %dma_start3A_138] : memref<327680x16xf32, #tpu.memory_space<hbm>> -> memref<64x16xf32, #tpu.memory_space<hbm>>
        tpu.enqueue_dma source(%arg17 : memref<64x16xf32, #tpu.memory_space<vmem>>) target(%dma_start3A_139 : memref<64x16xf32, #tpu.memory_space<hbm>>) target_semaphore(%run_scoped3A : memref<!tpu.dma_semaphore, #tpu.memory_space<semaphore_mem>>)
        %dma_wait3A_140 = arith.constant 0 : i32
        %dma_wait3A_141 = tpu.memref_slice %arg7[%multiple_of3A_111, %dma_wait3A_140] : memref<327680x16xf32, #tpu.memory_space<hbm>> -> memref<64x16xf32, #tpu.memory_space<hbm>>
        %dma_wait3A_142 = arith.constant 0 : i32
        %dma_wait3A_143 = tpu.memref_slice %arg7[%multiple_of3A_111, %dma_wait3A_142] : memref<327680x16xf32, #tpu.memory_space<hbm>> -> memref<64x16xf32, #tpu.memory_space<hbm>>
        tpu.wait_dma2 semaphore(%run_scoped3A : memref<!tpu.dma_semaphore, #tpu.memory_space<semaphore_mem>>) src(%arg17 : memref<64x16xf32, #tpu.memory_space<vmem>>) dst(%dma_wait3A_143 : memref<64x16xf32, #tpu.memory_space<hbm>>)
        tpu.yield
      }) : () -> ()
      %add3A_112 = arith.constant 1 : i32
      %add3A_113 = arith.addi %while3A_81, %add3A_112 : i32
      %lt3A = arith.cmpi slt, %add3A_113, %select_n3A_11 : i32
      %convert_element_type3A = arith.extui %lt3A : i1 to i32
      %cond3A = arith.constant 0 : i32
      %cond3A_114 = arith.cmpi ne, %convert_element_type3A, %cond3A : i32
      scf.if %cond3A_114 {
        %add3A_136 = arith.constant 2 : i32
        %add3A_137 = arith.addi %mul3A_83, %add3A_136 : i32
        %mul3A_138 = arith.constant 64 : i32
        %mul3A_139 = arith.muli %add3A_137, %mul3A_138 : i32
        %add3A_140 = arith.addi %select_n3A, %mul3A_139 : i32
        %multiple_of3A_141 = tpu.assume_multiple %add3A_140, 64 : i32
        %dma_start3A_142 = tpu.memref_slice %arg4[%multiple_of3A_141] : memref<327680xi32, #tpu.memory_space<hbm>> -> memref<64xi32, #tpu.memory_space<hbm>>
        %dma_start3A_143 = tpu.memref_slice %arg4[%multiple_of3A_141] : memref<327680xi32, #tpu.memory_space<hbm>> -> memref<64xi32, #tpu.memory_space<hbm>>
        tpu.enqueue_dma source(%dma_start3A_143 : memref<64xi32, #tpu.memory_space<hbm>>) target(%arg9 : memref<64xi32, #tpu.memory_space<vmem>>) target_semaphore(%arg21 : memref<!tpu.dma_semaphore, #tpu.memory_space<semaphore_mem>>)
        %mul3A_144 = arith.constant 64 : i32
        %mul3A_145 = arith.muli %add3A_137, %mul3A_144 : i32
        %add3A_146 = arith.addi %select_n3A, %mul3A_145 : i32
        %multiple_of3A_147 = tpu.assume_multiple %add3A_146, 64 : i32
        %dma_start3A_148 = tpu.memref_slice %arg5[%multiple_of3A_147] : memref<327680xi32, #tpu.memory_space<hbm>> -> memref<64xi32, #tpu.memory_space<hbm>>
        %dma_start3A_149 = tpu.memref_slice %arg5[%multiple_of3A_147] : memref<327680xi32, #tpu.memory_space<hbm>> -> memref<64xi32, #tpu.memory_space<hbm>>
        tpu.enqueue_dma source(%dma_start3A_149 : memref<64xi32, #tpu.memory_space<hbm>>) target(%arg10 : memref<64xi32, #tpu.memory_space<vmem>>) target_semaphore(%arg21 : memref<!tpu.dma_semaphore, #tpu.memory_space<semaphore_mem>>)
        %add3A_150 = arith.constant 0 : i32
        %add3A_151 = arith.addi %select_n3A, %add3A_150 : i32
        %multiple_of3A_152 = tpu.assume_multiple %add3A_151, 64 : i32
        %dma_wait3A_153 = tpu.memref_slice %arg4[%multiple_of3A_152] : memref<327680xi32, #tpu.memory_space<hbm>> -> memref<64xi32, #tpu.memory_space<hbm>>
        %dma_wait3A_154 = tpu.memref_slice %arg4[%multiple_of3A_152] : memref<327680xi32, #tpu.memory_space<hbm>> -> memref<64xi32, #tpu.memory_space<hbm>>
        tpu.wait_dma2 semaphore(%arg21 : memref<!tpu.dma_semaphore, #tpu.memory_space<semaphore_mem>>) src(%dma_wait3A_154 : memref<64xi32, #tpu.memory_space<hbm>>) dst(%arg9 : memref<64xi32, #tpu.memory_space<vmem>>)
        %add3A_155 = arith.constant 0 : i32
        %add3A_156 = arith.addi %select_n3A, %add3A_155 : i32
        %multiple_of3A_157 = tpu.assume_multiple %add3A_156, 64 : i32
        %dma_wait3A_158 = tpu.memref_slice %arg5[%multiple_of3A_157] : memref<327680xi32, #tpu.memory_space<hbm>> -> memref<64xi32, #tpu.memory_space<hbm>>
        %dma_wait3A_159 = tpu.memref_slice %arg5[%multiple_of3A_157] : memref<327680xi32, #tpu.memory_space<hbm>> -> memref<64xi32, #tpu.memory_space<hbm>>
        tpu.wait_dma2 semaphore(%arg21 : memref<!tpu.dma_semaphore, #tpu.memory_space<semaphore_mem>>) src(%dma_wait3A_159 : memref<64xi32, #tpu.memory_space<hbm>>) dst(%arg10 : memref<64xi32, #tpu.memory_space<vmem>>)
        %dma_start3A_160 = arith.constant 0 : i32
        %dma_start3A_161 = arith.constant 0 : i32
        %dma_start3A_162 = tpu.memref_slice %arg2[%dma_start3A_160, %dma_start3A_161] : memref<10000x128xf32, #tpu.memory_space<hbm>> -> memref<10000x128xf32, #tpu.memory_space<hbm>>
        tpu.enqueue_indirect_dma source(%dma_start3A_162 : memref<10000x128xf32, #tpu.memory_space<hbm>>) target(%arg13 : memref<64x128xf32, #tpu.memory_space<vmem>>) offsets(%arg9 : memref<64xi32, #tpu.memory_space<vmem>>) semaphore(%arg23 : memref<!tpu.dma_semaphore, #tpu.memory_space<semaphore_mem>>)
        %dma_start3A_163 = arith.constant 0 : i32
        %dma_start3A_164 = arith.constant 0 : i32
        %dma_start3A_165 = tpu.memref_slice %arg2[%dma_start3A_163, %dma_start3A_164] : memref<10000x128xf32, #tpu.memory_space<hbm>> -> memref<10000x128xf32, #tpu.memory_space<hbm>>
        tpu.enqueue_indirect_dma source(%dma_start3A_165 : memref<10000x128xf32, #tpu.memory_space<hbm>>) target(%arg14 : memref<64x128xf32, #tpu.memory_space<vmem>>) offsets(%arg10 : memref<64xi32, #tpu.memory_space<vmem>>) semaphore(%arg25 : memref<!tpu.dma_semaphore, #tpu.memory_space<semaphore_mem>>)
      } else {
      }
      %dma_wait3A_115 = arith.constant 0 : i32
      %dma_wait3A_116 = arith.constant 0 : i32
      %dma_wait3A_117 = tpu.memref_slice %arg2[%dma_wait3A_115, %dma_wait3A_116] : memref<10000x128xf32, #tpu.memory_space<hbm>> -> memref<10000x128xf32, #tpu.memory_space<hbm>>
      tpu.wait_indirect_dma semaphore(%arg24 : memref<!tpu.dma_semaphore, #tpu.memory_space<semaphore_mem>>) src(%dma_wait3A_117 : memref<10000x128xf32, #tpu.memory_space<hbm>>) dst(%arg15 : memref<64x128xf32, #tpu.memory_space<vmem>>)
      %dma_wait3A_118 = arith.constant 0 : i32
      %dma_wait3A_119 = arith.constant 0 : i32
      %dma_wait3A_120 = tpu.memref_slice %arg2[%dma_wait3A_118, %dma_wait3A_119] : memref<10000x128xf32, #tpu.memory_space<hbm>> -> memref<10000x128xf32, #tpu.memory_space<hbm>>
      tpu.wait_indirect_dma semaphore(%arg26 : memref<!tpu.dma_semaphore, #tpu.memory_space<semaphore_mem>>) src(%dma_wait3A_120 : memref<10000x128xf32, #tpu.memory_space<hbm>>) dst(%arg16 : memref<64x128xf32, #tpu.memory_space<vmem>>)
      %add3A_121 = arith.constant 1 : i32
      %add3A_122 = arith.addi %mul3A_83, %add3A_121 : i32
      %parallel_loop3A_123 = arith.constant 0 : i32
      %parallel_loop3A_124 = arith.constant 64 : i32
      %parallel_loop3A_125 = arith.constant 1 : i32
      scf.for %parallel_loop3A_136 = %parallel_loop3A_123 to %parallel_loop3A_124 step %parallel_loop3A_125  : i32 {
        %parallel_loop3A_137 = arith.index_cast %parallel_loop3A_136 : i32 to index
        %parallel_loop3A_138 = arith.constant 0 : index
        %parallel_loop3A_139 = tpu.vector_load %arg15[%parallel_loop3A_137, %parallel_loop3A_138] {strides = array<i32>} : memref<64x128xf32, #tpu.memory_space<vmem>>, vector<1x16xf32>,
        %parallel_loop3A_140 = vector.shape_cast %parallel_loop3A_139 : vector<1x16xf32> to vector<16xf32>
        %parallel_loop3A_141 = arith.index_cast %parallel_loop3A_136 : i32 to index
        %parallel_loop3A_142 = arith.constant 0 : index
        %parallel_loop3A_143 = tpu.vector_load %arg16[%parallel_loop3A_141, %parallel_loop3A_142] {strides = array<i32>} : memref<64x128xf32, #tpu.memory_space<vmem>>, vector<1x16xf32>,
        %parallel_loop3A_144 = vector.shape_cast %parallel_loop3A_143 : vector<1x16xf32> to vector<16xf32>
        %parallel_loop3A_145 = arith.subf %parallel_loop3A_140, %parallel_loop3A_144 : vector<16xf32>
        %parallel_loop3A_146 = arith.mulf %parallel_loop3A_145, %parallel_loop3A_145 : vector<16xf32>
        %parallel_loop3A_147 = arith.index_cast %parallel_loop3A_136 : i32 to index
        %parallel_loop3A_148 = arith.constant 0 : index
        %parallel_loop3A_149 = tpu.vector_load %arg18[%parallel_loop3A_147, %parallel_loop3A_148] {strides = array<i32>} : memref<64x16xf32, #tpu.memory_space<vmem>>, vector<1x16xf32>,
        %parallel_loop3A_150 = vector.shape_cast %parallel_loop3A_149 : vector<1x16xf32> to vector<16xf32>
        %parallel_loop3A_151 = vector.shape_cast %parallel_loop3A_146 : vector<16xf32> to vector<1x16xf32>
        tpu.vector_store %arg18[%parallel_loop3A_147, %parallel_loop3A_148], %parallel_loop3A_151 {strides = array<i32>} : memref<64x16xf32, #tpu.memory_space<vmem>>, vector<1x16xf32>,
      } {sc.loop_unroll_factor = 8 : i64, sc.parallel_access}
      %mul3A_126 = arith.constant 64 : i32
      %mul3A_127 = arith.muli %add3A_122, %mul3A_126 : i32
      %add3A_128 = arith.addi %select_n3A, %mul3A_127 : i32
      %multiple_of3A_129 = tpu.assume_multiple %add3A_128, 64 : i32
      "tpu.region"() ({
        %run_scoped3A = tpu.sem_alloc : memref<!tpu.dma_semaphore, #tpu.memory_space<semaphore_mem>>
        %dma_start3A_136 = arith.constant 0 : i32
        %dma_start3A_137 = tpu.memref_slice %arg7[%multiple_of3A_129, %dma_start3A_136] : memref<327680x16xf32, #tpu.memory_space<hbm>> -> memref<64x16xf32, #tpu.memory_space<hbm>>
        %dma_start3A_138 = arith.constant 0 : i32
        %dma_start3A_139 = tpu.memref_slice %arg7[%multiple_of3A_129, %dma_start3A_138] : memref<327680x16xf32, #tpu.memory_space<hbm>> -> memref<64x16xf32, #tpu.memory_space<hbm>>
        tpu.enqueue_dma source(%arg18 : memref<64x16xf32, #tpu.memory_space<vmem>>) target(%dma_start3A_139 : memref<64x16xf32, #tpu.memory_space<hbm>>) target_semaphore(%run_scoped3A : memref<!tpu.dma_semaphore, #tpu.memory_space<semaphore_mem>>)
        %dma_wait3A_140 = arith.constant 0 : i32
        %dma_wait3A_141 = tpu.memref_slice %arg7[%multiple_of3A_129, %dma_wait3A_140] : memref<327680x16xf32, #tpu.memory_space<hbm>> -> memref<64x16xf32, #tpu.memory_space<hbm>>
        %dma_wait3A_142 = arith.constant 0 : i32
        %dma_wait3A_143 = tpu.memref_slice %arg7[%multiple_of3A_129, %dma_wait3A_142] : memref<327680x16xf32, #tpu.memory_space<hbm>> -> memref<64x16xf32, #tpu.memory_space<hbm>>
        tpu.wait_dma2 semaphore(%run_scoped3A : memref<!tpu.dma_semaphore, #tpu.memory_space<semaphore_mem>>) src(%arg18 : memref<64x16xf32, #tpu.memory_space<vmem>>) dst(%dma_wait3A_143 : memref<64x16xf32, #tpu.memory_space<hbm>>)
        tpu.yield
      }) : () -> ()
      %add3A_130 = arith.constant 1 : i32
      %add3A_131 = arith.addi %while3A_81, %add3A_130 : i32
      %lt3A_132 = arith.cmpi slt, %add3A_131, %select_n3A_11 : i32
      %convert_element_type3A_133 = arith.extui %lt3A_132 : i1 to i32
      %cond3A_134 = arith.constant 0 : i32
      %cond3A_135 = arith.cmpi ne, %convert_element_type3A_133, %cond3A_134 : i32
      scf.if %cond3A_135 {
        %add3A_136 = arith.constant 3 : i32
        %add3A_137 = arith.addi %mul3A_83, %add3A_136 : i32
        %mul3A_138 = arith.constant 64 : i32
        %mul3A_139 = arith.muli %add3A_137, %mul3A_138 : i32
        %add3A_140 = arith.addi %select_n3A, %mul3A_139 : i32
        %multiple_of3A_141 = tpu.assume_multiple %add3A_140, 64 : i32
        %dma_start3A_142 = tpu.memref_slice %arg4[%multiple_of3A_141] : memref<327680xi32, #tpu.memory_space<hbm>> -> memref<64xi32, #tpu.memory_space<hbm>>
        %dma_start3A_143 = tpu.memref_slice %arg4[%multiple_of3A_141] : memref<327680xi32, #tpu.memory_space<hbm>> -> memref<64xi32, #tpu.memory_space<hbm>>
        tpu.enqueue_dma source(%dma_start3A_143 : memref<64xi32, #tpu.memory_space<hbm>>) target(%arg11 : memref<64xi32, #tpu.memory_space<vmem>>) target_semaphore(%arg22 : memref<!tpu.dma_semaphore, #tpu.memory_space<semaphore_mem>>)
        %mul3A_144 = arith.constant 64 : i32
        %mul3A_145 = arith.muli %add3A_137, %mul3A_144 : i32
        %add3A_146 = arith.addi %select_n3A, %mul3A_145 : i32
        %multiple_of3A_147 = tpu.assume_multiple %add3A_146, 64 : i32
        %dma_start3A_148 = tpu.memref_slice %arg5[%multiple_of3A_147] : memref<327680xi32, #tpu.memory_space<hbm>> -> memref<64xi32, #tpu.memory_space<hbm>>
        %dma_start3A_149 = tpu.memref_slice %arg5[%multiple_of3A_147] : memref<327680xi32, #tpu.memory_space<hbm>> -> memref<64xi32, #tpu.memory_space<hbm>>
        tpu.enqueue_dma source(%dma_start3A_149 : memref<64xi32, #tpu.memory_space<hbm>>) target(%arg12 : memref<64xi32, #tpu.memory_space<vmem>>) target_semaphore(%arg22 : memref<!tpu.dma_semaphore, #tpu.memory_space<semaphore_mem>>)
      } else {
      }
    }
    return
  }
}

#map = affine_map<(d0, d1) -> (0, 0)>
#map1 = affine_map<(d0, d1) -> (0)>
#map2 = affine_map<(d0, d1) -> (0, 0, 0)>
module attributes {stable_mosaic.version = 14 : i64} {
  func.func @k(%arg0: i32, %arg1: i32, %arg2: memref<10240x128xf32, #tpu.memory_space<hbm>>, %arg3: memref<327680x128xf32, #tpu.memory_space<hbm>>, %arg4: memref<327680xi32, #tpu.memory_space<hbm>>, %arg5: memref<327680xi32, #tpu.memory_space<hbm>>, %arg6: memref<2x10240x128xf32, #tpu.memory_space<hbm>>, %arg7: memref<64xi32, #tpu.memory_space<vmem>>, %arg8: memref<64xi32, #tpu.memory_space<vmem>>, %arg9: memref<64xi32, #tpu.memory_space<vmem>>, %arg10: memref<64xi32, #tpu.memory_space<vmem>>, %arg11: memref<64x128xf32, #tpu.memory_space<vmem>>, %arg12: memref<64x128xf32, #tpu.memory_space<vmem>>, %arg13: memref<64x128xf32, #tpu.memory_space<vmem>>, %arg14: memref<64x128xf32, #tpu.memory_space<vmem>>, %arg15: memref<10240x128xf32, #tpu.memory_space<vmem_shared>>, %arg16: memref<!tpu.dma_semaphore, #tpu.memory_space<semaphore_mem>>, %arg17: memref<!tpu.dma_semaphore, #tpu.memory_space<semaphore_mem>>, %arg18: memref<!tpu.dma_semaphore, #tpu.memory_space<semaphore_mem>>, %arg19: memref<!tpu.dma_semaphore, #tpu.memory_space<semaphore_mem>>, %arg20: memref<!tpu.dma_semaphore, #tpu.memory_space<semaphore_mem>>, %arg21: memref<!tpu.dma_semaphore, #tpu.memory_space<semaphore_mem>>) attributes {dimension_semantics = [#tpu.dimension_semantics<core_parallel>, #tpu.dimension_semantics<subcore_parallel>], iteration_bounds = array<i64: 2, 16>, scalar_prefetch = 0 : i64, scratch_operands = 15 : i64, tpu.core_type = #tpu.core_type<sc_vector_subcore>, window_params = [{transform_indices = #map}, {transform_indices = #map}, {transform_indices = #map1}, {transform_indices = #map1}, {transform_indices = #map2}]} {
    %eq3A = arith.constant 0 : i32
    %eq3A_0 = arith.cmpi eq, %arg0, %eq3A : i32
    %mul3A = arith.constant 14336 : i32
    %mul3A_1 = arith.muli %arg1, %mul3A : i32
    %mul3A_2 = arith.constant 6144 : i32
    %mul3A_3 = arith.muli %arg1, %mul3A_2 : i32
    %add3A = arith.constant 229376 : i32
    %add3A_4 = arith.addi %add3A, %mul3A_3 : i32
    %select_n3A = arith.select %eq3A_0, %mul3A_1, %add3A_4 : i32
    %eq3A_5 = arith.constant 0 : i32
    %eq3A_6 = arith.cmpi eq, %arg0, %eq3A_5 : i32
    %jit3A = arith.constant 112 : i32
    %jit3A_7 = arith.constant 48 : i32
    %select_n3A_8 = arith.select %eq3A_6, %jit3A, %jit3A_7 : i32
    %mul3A_9 = arith.constant 640 : i32
    %mul3A_10 = arith.muli %arg1, %mul3A_9 : i32
    %multiple_of3A = tpu.assume_multiple %mul3A_10, 640 : i32
    %parallel_loop3A = arith.constant 0 : i32
    %parallel_loop3A_11 = arith.constant 64 : i32
    %parallel_loop3A_12 = arith.constant 1 : i32
    scf.for %parallel_loop3A_81 = %parallel_loop3A to %parallel_loop3A_11 step %parallel_loop3A_12  : i32 {
      %parallel_loop3A_82 = arith.constant 0.000000e+00 : f32
      %parallel_loop3A_83 = vector.broadcast %parallel_loop3A_82 : f32 to vector<16xf32>
      %parallel_loop3A_84 = arith.index_cast %parallel_loop3A_81 : i32 to index
      %parallel_loop3A_85 = arith.constant 0 : index
      %parallel_loop3A_86 = tpu.vector_load %arg12[%parallel_loop3A_84, %parallel_loop3A_85] {strides = array<i32>} : memref<64x128xf32, #tpu.memory_space<vmem>>, vector<1x16xf32>,
      %parallel_loop3A_87 = vector.shape_cast %parallel_loop3A_86 : vector<1x16xf32> to vector<16xf32>
      %parallel_loop3A_88 = vector.shape_cast %parallel_loop3A_83 : vector<16xf32> to vector<1x16xf32>
      tpu.vector_store %arg12[%parallel_loop3A_84, %parallel_loop3A_85], %parallel_loop3A_88 {strides = array<i32>} : memref<64x128xf32, #tpu.memory_space<vmem>>, vector<1x16xf32>,
      %parallel_loop3A_89 = arith.constant 0.000000e+00 : f32
      %parallel_loop3A_90 = vector.broadcast %parallel_loop3A_89 : f32 to vector<16xf32>
      %parallel_loop3A_91 = arith.index_cast %parallel_loop3A_81 : i32 to index
      %parallel_loop3A_92 = arith.constant 16 : index
      %parallel_loop3A_93 = tpu.vector_load %arg12[%parallel_loop3A_91, %parallel_loop3A_92] {strides = array<i32>} : memref<64x128xf32, #tpu.memory_space<vmem>>, vector<1x16xf32>,
      %parallel_loop3A_94 = vector.shape_cast %parallel_loop3A_93 : vector<1x16xf32> to vector<16xf32>
      %parallel_loop3A_95 = vector.shape_cast %parallel_loop3A_90 : vector<16xf32> to vector<1x16xf32>
      tpu.vector_store %arg12[%parallel_loop3A_91, %parallel_loop3A_92], %parallel_loop3A_95 {strides = array<i32>} : memref<64x128xf32, #tpu.memory_space<vmem>>, vector<1x16xf32>,
      %parallel_loop3A_96 = arith.constant 0.000000e+00 : f32
      %parallel_loop3A_97 = vector.broadcast %parallel_loop3A_96 : f32 to vector<16xf32>
      %parallel_loop3A_98 = arith.index_cast %parallel_loop3A_81 : i32 to index
      %parallel_loop3A_99 = arith.constant 32 : index
      %parallel_loop3A_100 = tpu.vector_load %arg12[%parallel_loop3A_98, %parallel_loop3A_99] {strides = array<i32>} : memref<64x128xf32, #tpu.memory_space<vmem>>, vector<1x16xf32>,
      %parallel_loop3A_101 = vector.shape_cast %parallel_loop3A_100 : vector<1x16xf32> to vector<16xf32>
      %parallel_loop3A_102 = vector.shape_cast %parallel_loop3A_97 : vector<16xf32> to vector<1x16xf32>
      tpu.vector_store %arg12[%parallel_loop3A_98, %parallel_loop3A_99], %parallel_loop3A_102 {strides = array<i32>} : memref<64x128xf32, #tpu.memory_space<vmem>>, vector<1x16xf32>,
      %parallel_loop3A_103 = arith.constant 0.000000e+00 : f32
      %parallel_loop3A_104 = vector.broadcast %parallel_loop3A_103 : f32 to vector<16xf32>
      %parallel_loop3A_105 = arith.index_cast %parallel_loop3A_81 : i32 to index
      %parallel_loop3A_106 = arith.constant 48 : index
      %parallel_loop3A_107 = tpu.vector_load %arg12[%parallel_loop3A_105, %parallel_loop3A_106] {strides = array<i32>} : memref<64x128xf32, #tpu.memory_space<vmem>>, vector<1x16xf32>,
      %parallel_loop3A_108 = vector.shape_cast %parallel_loop3A_107 : vector<1x16xf32> to vector<16xf32>
      %parallel_loop3A_109 = vector.shape_cast %parallel_loop3A_104 : vector<16xf32> to vector<1x16xf32>
      tpu.vector_store %arg12[%parallel_loop3A_105, %parallel_loop3A_106], %parallel_loop3A_109 {strides = array<i32>} : memref<64x128xf32, #tpu.memory_space<vmem>>, vector<1x16xf32>,
      %parallel_loop3A_110 = arith.constant 0.000000e+00 : f32
      %parallel_loop3A_111 = vector.broadcast %parallel_loop3A_110 : f32 to vector<16xf32>
      %parallel_loop3A_112 = arith.index_cast %parallel_loop3A_81 : i32 to index
      %parallel_loop3A_113 = arith.constant 64 : index
      %parallel_loop3A_114 = tpu.vector_load %arg12[%parallel_loop3A_112, %parallel_loop3A_113] {strides = array<i32>} : memref<64x128xf32, #tpu.memory_space<vmem>>, vector<1x16xf32>,
      %parallel_loop3A_115 = vector.shape_cast %parallel_loop3A_114 : vector<1x16xf32> to vector<16xf32>
      %parallel_loop3A_116 = vector.shape_cast %parallel_loop3A_111 : vector<16xf32> to vector<1x16xf32>
      tpu.vector_store %arg12[%parallel_loop3A_112, %parallel_loop3A_113], %parallel_loop3A_116 {strides = array<i32>} : memref<64x128xf32, #tpu.memory_space<vmem>>, vector<1x16xf32>,
      %parallel_loop3A_117 = arith.constant 0.000000e+00 : f32
      %parallel_loop3A_118 = vector.broadcast %parallel_loop3A_117 : f32 to vector<16xf32>
      %parallel_loop3A_119 = arith.index_cast %parallel_loop3A_81 : i32 to index
      %parallel_loop3A_120 = arith.constant 80 : index
      %parallel_loop3A_121 = tpu.vector_load %arg12[%parallel_loop3A_119, %parallel_loop3A_120] {strides = array<i32>} : memref<64x128xf32, #tpu.memory_space<vmem>>, vector<1x16xf32>,
      %parallel_loop3A_122 = vector.shape_cast %parallel_loop3A_121 : vector<1x16xf32> to vector<16xf32>
      %parallel_loop3A_123 = vector.shape_cast %parallel_loop3A_118 : vector<16xf32> to vector<1x16xf32>
      tpu.vector_store %arg12[%parallel_loop3A_119, %parallel_loop3A_120], %parallel_loop3A_123 {strides = array<i32>} : memref<64x128xf32, #tpu.memory_space<vmem>>, vector<1x16xf32>,
      %parallel_loop3A_124 = arith.constant 0.000000e+00 : f32
      %parallel_loop3A_125 = vector.broadcast %parallel_loop3A_124 : f32 to vector<16xf32>
      %parallel_loop3A_126 = arith.index_cast %parallel_loop3A_81 : i32 to index
      %parallel_loop3A_127 = arith.constant 96 : index
      %parallel_loop3A_128 = tpu.vector_load %arg12[%parallel_loop3A_126, %parallel_loop3A_127] {strides = array<i32>} : memref<64x128xf32, #tpu.memory_space<vmem>>, vector<1x16xf32>,
      %parallel_loop3A_129 = vector.shape_cast %parallel_loop3A_128 : vector<1x16xf32> to vector<16xf32>
      %parallel_loop3A_130 = vector.shape_cast %parallel_loop3A_125 : vector<16xf32> to vector<1x16xf32>
      tpu.vector_store %arg12[%parallel_loop3A_126, %parallel_loop3A_127], %parallel_loop3A_130 {strides = array<i32>} : memref<64x128xf32, #tpu.memory_space<vmem>>, vector<1x16xf32>,
      %parallel_loop3A_131 = arith.constant 0.000000e+00 : f32
      %parallel_loop3A_132 = vector.broadcast %parallel_loop3A_131 : f32 to vector<16xf32>
      %parallel_loop3A_133 = arith.index_cast %parallel_loop3A_81 : i32 to index
      %parallel_loop3A_134 = arith.constant 112 : index
      %parallel_loop3A_135 = tpu.vector_load %arg12[%parallel_loop3A_133, %parallel_loop3A_134] {strides = array<i32>} : memref<64x128xf32, #tpu.memory_space<vmem>>, vector<1x16xf32>,
      %parallel_loop3A_136 = vector.shape_cast %parallel_loop3A_135 : vector<1x16xf32> to vector<16xf32>
      %parallel_loop3A_137 = vector.shape_cast %parallel_loop3A_132 : vector<16xf32> to vector<1x16xf32>
      tpu.vector_store %arg12[%parallel_loop3A_133, %parallel_loop3A_134], %parallel_loop3A_137 {strides = array<i32>} : memref<64x128xf32, #tpu.memory_space<vmem>>, vector<1x16xf32>,
    } {sc.loop_unroll_factor = 4 : i64, sc.parallel_access}
    %add3A_13 = arith.constant 0 : i32
    %add3A_14 = arith.addi %multiple_of3A, %add3A_13 : i32
    "tpu.region"() ({
      %run_scoped3A = tpu.sem_alloc : memref<!tpu.dma_semaphore, #tpu.memory_space<semaphore_mem>>
      %dma_start3A_81 = arith.constant 0 : i32
      %dma_start3A_82 = tpu.memref_slice %arg15[%add3A_14, %dma_start3A_81] : memref<10240x128xf32, #tpu.memory_space<vmem_shared>> -> memref<64x128xf32, #tpu.memory_space<vmem_shared>>
      %dma_start3A_83 = arith.constant 0 : i32
      %dma_start3A_84 = tpu.memref_slice %arg15[%add3A_14, %dma_start3A_83] : memref<10240x128xf32, #tpu.memory_space<vmem_shared>> -> memref<64x128xf32, #tpu.memory_space<vmem_shared>>
      tpu.enqueue_dma source(%arg12 : memref<64x128xf32, #tpu.memory_space<vmem>>) target(%dma_start3A_84 : memref<64x128xf32, #tpu.memory_space<vmem_shared>>) target_semaphore(%run_scoped3A : memref<!tpu.dma_semaphore, #tpu.memory_space<semaphore_mem>>)
      %dma_wait3A_85 = arith.constant 0 : i32
      %dma_wait3A_86 = tpu.memref_slice %arg15[%add3A_14, %dma_wait3A_85] : memref<10240x128xf32, #tpu.memory_space<vmem_shared>> -> memref<64x128xf32, #tpu.memory_space<vmem_shared>>
      %dma_wait3A_87 = arith.constant 0 : i32
      %dma_wait3A_88 = tpu.memref_slice %arg15[%add3A_14, %dma_wait3A_87] : memref<10240x128xf32, #tpu.memory_space<vmem_shared>> -> memref<64x128xf32, #tpu.memory_space<vmem_shared>>
      tpu.wait_dma2 semaphore(%run_scoped3A : memref<!tpu.dma_semaphore, #tpu.memory_space<semaphore_mem>>) src(%arg12 : memref<64x128xf32, #tpu.memory_space<vmem>>) dst(%dma_wait3A_88 : memref<64x128xf32, #tpu.memory_space<vmem_shared>>)
      tpu.yield
    }) : () -> ()
    %add3A_15 = arith.constant 64 : i32
    %add3A_16 = arith.addi %multiple_of3A, %add3A_15 : i32
    "tpu.region"() ({
      %run_scoped3A = tpu.sem_alloc : memref<!tpu.dma_semaphore, #tpu.memory_space<semaphore_mem>>
      %dma_start3A_81 = arith.constant 0 : i32
      %dma_start3A_82 = tpu.memref_slice %arg15[%add3A_16, %dma_start3A_81] : memref<10240x128xf32, #tpu.memory_space<vmem_shared>> -> memref<64x128xf32, #tpu.memory_space<vmem_shared>>
      %dma_start3A_83 = arith.constant 0 : i32
      %dma_start3A_84 = tpu.memref_slice %arg15[%add3A_16, %dma_start3A_83] : memref<10240x128xf32, #tpu.memory_space<vmem_shared>> -> memref<64x128xf32, #tpu.memory_space<vmem_shared>>
      tpu.enqueue_dma source(%arg12 : memref<64x128xf32, #tpu.memory_space<vmem>>) target(%dma_start3A_84 : memref<64x128xf32, #tpu.memory_space<vmem_shared>>) target_semaphore(%run_scoped3A : memref<!tpu.dma_semaphore, #tpu.memory_space<semaphore_mem>>)
      %dma_wait3A_85 = arith.constant 0 : i32
      %dma_wait3A_86 = tpu.memref_slice %arg15[%add3A_16, %dma_wait3A_85] : memref<10240x128xf32, #tpu.memory_space<vmem_shared>> -> memref<64x128xf32, #tpu.memory_space<vmem_shared>>
      %dma_wait3A_87 = arith.constant 0 : i32
      %dma_wait3A_88 = tpu.memref_slice %arg15[%add3A_16, %dma_wait3A_87] : memref<10240x128xf32, #tpu.memory_space<vmem_shared>> -> memref<64x128xf32, #tpu.memory_space<vmem_shared>>
      tpu.wait_dma2 semaphore(%run_scoped3A : memref<!tpu.dma_semaphore, #tpu.memory_space<semaphore_mem>>) src(%arg12 : memref<64x128xf32, #tpu.memory_space<vmem>>) dst(%dma_wait3A_88 : memref<64x128xf32, #tpu.memory_space<vmem_shared>>)
      tpu.yield
    }) : () -> ()
    %add3A_17 = arith.constant 128 : i32
    %add3A_18 = arith.addi %multiple_of3A, %add3A_17 : i32
    "tpu.region"() ({
      %run_scoped3A = tpu.sem_alloc : memref<!tpu.dma_semaphore, #tpu.memory_space<semaphore_mem>>
      %dma_start3A_81 = arith.constant 0 : i32
      %dma_start3A_82 = tpu.memref_slice %arg15[%add3A_18, %dma_start3A_81] : memref<10240x128xf32, #tpu.memory_space<vmem_shared>> -> memref<64x128xf32, #tpu.memory_space<vmem_shared>>
      %dma_start3A_83 = arith.constant 0 : i32
      %dma_start3A_84 = tpu.memref_slice %arg15[%add3A_18, %dma_start3A_83] : memref<10240x128xf32, #tpu.memory_space<vmem_shared>> -> memref<64x128xf32, #tpu.memory_space<vmem_shared>>
      tpu.enqueue_dma source(%arg12 : memref<64x128xf32, #tpu.memory_space<vmem>>) target(%dma_start3A_84 : memref<64x128xf32, #tpu.memory_space<vmem_shared>>) target_semaphore(%run_scoped3A : memref<!tpu.dma_semaphore, #tpu.memory_space<semaphore_mem>>)
      %dma_wait3A_85 = arith.constant 0 : i32
      %dma_wait3A_86 = tpu.memref_slice %arg15[%add3A_18, %dma_wait3A_85] : memref<10240x128xf32, #tpu.memory_space<vmem_shared>> -> memref<64x128xf32, #tpu.memory_space<vmem_shared>>
      %dma_wait3A_87 = arith.constant 0 : i32
      %dma_wait3A_88 = tpu.memref_slice %arg15[%add3A_18, %dma_wait3A_87] : memref<10240x128xf32, #tpu.memory_space<vmem_shared>> -> memref<64x128xf32, #tpu.memory_space<vmem_shared>>
      tpu.wait_dma2 semaphore(%run_scoped3A : memref<!tpu.dma_semaphore, #tpu.memory_space<semaphore_mem>>) src(%arg12 : memref<64x128xf32, #tpu.memory_space<vmem>>) dst(%dma_wait3A_88 : memref<64x128xf32, #tpu.memory_space<vmem_shared>>)
      tpu.yield
    }) : () -> ()
    %add3A_19 = arith.constant 192 : i32
    %add3A_20 = arith.addi %multiple_of3A, %add3A_19 : i32
    "tpu.region"() ({
      %run_scoped3A = tpu.sem_alloc : memref<!tpu.dma_semaphore, #tpu.memory_space<semaphore_mem>>
      %dma_start3A_81 = arith.constant 0 : i32
      %dma_start3A_82 = tpu.memref_slice %arg15[%add3A_20, %dma_start3A_81] : memref<10240x128xf32, #tpu.memory_space<vmem_shared>> -> memref<64x128xf32, #tpu.memory_space<vmem_shared>>
      %dma_start3A_83 = arith.constant 0 : i32
      %dma_start3A_84 = tpu.memref_slice %arg15[%add3A_20, %dma_start3A_83] : memref<10240x128xf32, #tpu.memory_space<vmem_shared>> -> memref<64x128xf32, #tpu.memory_space<vmem_shared>>
      tpu.enqueue_dma source(%arg12 : memref<64x128xf32, #tpu.memory_space<vmem>>) target(%dma_start3A_84 : memref<64x128xf32, #tpu.memory_space<vmem_shared>>) target_semaphore(%run_scoped3A : memref<!tpu.dma_semaphore, #tpu.memory_space<semaphore_mem>>)
      %dma_wait3A_85 = arith.constant 0 : i32
      %dma_wait3A_86 = tpu.memref_slice %arg15[%add3A_20, %dma_wait3A_85] : memref<10240x128xf32, #tpu.memory_space<vmem_shared>> -> memref<64x128xf32, #tpu.memory_space<vmem_shared>>
      %dma_wait3A_87 = arith.constant 0 : i32
      %dma_wait3A_88 = tpu.memref_slice %arg15[%add3A_20, %dma_wait3A_87] : memref<10240x128xf32, #tpu.memory_space<vmem_shared>> -> memref<64x128xf32, #tpu.memory_space<vmem_shared>>
      tpu.wait_dma2 semaphore(%run_scoped3A : memref<!tpu.dma_semaphore, #tpu.memory_space<semaphore_mem>>) src(%arg12 : memref<64x128xf32, #tpu.memory_space<vmem>>) dst(%dma_wait3A_88 : memref<64x128xf32, #tpu.memory_space<vmem_shared>>)
      tpu.yield
    }) : () -> ()
    %add3A_21 = arith.constant 256 : i32
    %add3A_22 = arith.addi %multiple_of3A, %add3A_21 : i32
    "tpu.region"() ({
      %run_scoped3A = tpu.sem_alloc : memref<!tpu.dma_semaphore, #tpu.memory_space<semaphore_mem>>
      %dma_start3A_81 = arith.constant 0 : i32
      %dma_start3A_82 = tpu.memref_slice %arg15[%add3A_22, %dma_start3A_81] : memref<10240x128xf32, #tpu.memory_space<vmem_shared>> -> memref<64x128xf32, #tpu.memory_space<vmem_shared>>
      %dma_start3A_83 = arith.constant 0 : i32
      %dma_start3A_84 = tpu.memref_slice %arg15[%add3A_22, %dma_start3A_83] : memref<10240x128xf32, #tpu.memory_space<vmem_shared>> -> memref<64x128xf32, #tpu.memory_space<vmem_shared>>
      tpu.enqueue_dma source(%arg12 : memref<64x128xf32, #tpu.memory_space<vmem>>) target(%dma_start3A_84 : memref<64x128xf32, #tpu.memory_space<vmem_shared>>) target_semaphore(%run_scoped3A : memref<!tpu.dma_semaphore, #tpu.memory_space<semaphore_mem>>)
      %dma_wait3A_85 = arith.constant 0 : i32
      %dma_wait3A_86 = tpu.memref_slice %arg15[%add3A_22, %dma_wait3A_85] : memref<10240x128xf32, #tpu.memory_space<vmem_shared>> -> memref<64x128xf32, #tpu.memory_space<vmem_shared>>
      %dma_wait3A_87 = arith.constant 0 : i32
      %dma_wait3A_88 = tpu.memref_slice %arg15[%add3A_22, %dma_wait3A_87] : memref<10240x128xf32, #tpu.memory_space<vmem_shared>> -> memref<64x128xf32, #tpu.memory_space<vmem_shared>>
      tpu.wait_dma2 semaphore(%run_scoped3A : memref<!tpu.dma_semaphore, #tpu.memory_space<semaphore_mem>>) src(%arg12 : memref<64x128xf32, #tpu.memory_space<vmem>>) dst(%dma_wait3A_88 : memref<64x128xf32, #tpu.memory_space<vmem_shared>>)
      tpu.yield
    }) : () -> ()
    %add3A_23 = arith.constant 320 : i32
    %add3A_24 = arith.addi %multiple_of3A, %add3A_23 : i32
    "tpu.region"() ({
      %run_scoped3A = tpu.sem_alloc : memref<!tpu.dma_semaphore, #tpu.memory_space<semaphore_mem>>
      %dma_start3A_81 = arith.constant 0 : i32
      %dma_start3A_82 = tpu.memref_slice %arg15[%add3A_24, %dma_start3A_81] : memref<10240x128xf32, #tpu.memory_space<vmem_shared>> -> memref<64x128xf32, #tpu.memory_space<vmem_shared>>
      %dma_start3A_83 = arith.constant 0 : i32
      %dma_start3A_84 = tpu.memref_slice %arg15[%add3A_24, %dma_start3A_83] : memref<10240x128xf32, #tpu.memory_space<vmem_shared>> -> memref<64x128xf32, #tpu.memory_space<vmem_shared>>
      tpu.enqueue_dma source(%arg12 : memref<64x128xf32, #tpu.memory_space<vmem>>) target(%dma_start3A_84 : memref<64x128xf32, #tpu.memory_space<vmem_shared>>) target_semaphore(%run_scoped3A : memref<!tpu.dma_semaphore, #tpu.memory_space<semaphore_mem>>)
      %dma_wait3A_85 = arith.constant 0 : i32
      %dma_wait3A_86 = tpu.memref_slice %arg15[%add3A_24, %dma_wait3A_85] : memref<10240x128xf32, #tpu.memory_space<vmem_shared>> -> memref<64x128xf32, #tpu.memory_space<vmem_shared>>
      %dma_wait3A_87 = arith.constant 0 : i32
      %dma_wait3A_88 = tpu.memref_slice %arg15[%add3A_24, %dma_wait3A_87] : memref<10240x128xf32, #tpu.memory_space<vmem_shared>> -> memref<64x128xf32, #tpu.memory_space<vmem_shared>>
      tpu.wait_dma2 semaphore(%run_scoped3A : memref<!tpu.dma_semaphore, #tpu.memory_space<semaphore_mem>>) src(%arg12 : memref<64x128xf32, #tpu.memory_space<vmem>>) dst(%dma_wait3A_88 : memref<64x128xf32, #tpu.memory_space<vmem_shared>>)
      tpu.yield
    }) : () -> ()
    %add3A_25 = arith.constant 384 : i32
    %add3A_26 = arith.addi %multiple_of3A, %add3A_25 : i32
    "tpu.region"() ({
      %run_scoped3A = tpu.sem_alloc : memref<!tpu.dma_semaphore, #tpu.memory_space<semaphore_mem>>
      %dma_start3A_81 = arith.constant 0 : i32
      %dma_start3A_82 = tpu.memref_slice %arg15[%add3A_26, %dma_start3A_81] : memref<10240x128xf32, #tpu.memory_space<vmem_shared>> -> memref<64x128xf32, #tpu.memory_space<vmem_shared>>
      %dma_start3A_83 = arith.constant 0 : i32
      %dma_start3A_84 = tpu.memref_slice %arg15[%add3A_26, %dma_start3A_83] : memref<10240x128xf32, #tpu.memory_space<vmem_shared>> -> memref<64x128xf32, #tpu.memory_space<vmem_shared>>
      tpu.enqueue_dma source(%arg12 : memref<64x128xf32, #tpu.memory_space<vmem>>) target(%dma_start3A_84 : memref<64x128xf32, #tpu.memory_space<vmem_shared>>) target_semaphore(%run_scoped3A : memref<!tpu.dma_semaphore, #tpu.memory_space<semaphore_mem>>)
      %dma_wait3A_85 = arith.constant 0 : i32
      %dma_wait3A_86 = tpu.memref_slice %arg15[%add3A_26, %dma_wait3A_85] : memref<10240x128xf32, #tpu.memory_space<vmem_shared>> -> memref<64x128xf32, #tpu.memory_space<vmem_shared>>
      %dma_wait3A_87 = arith.constant 0 : i32
      %dma_wait3A_88 = tpu.memref_slice %arg15[%add3A_26, %dma_wait3A_87] : memref<10240x128xf32, #tpu.memory_space<vmem_shared>> -> memref<64x128xf32, #tpu.memory_space<vmem_shared>>
      tpu.wait_dma2 semaphore(%run_scoped3A : memref<!tpu.dma_semaphore, #tpu.memory_space<semaphore_mem>>) src(%arg12 : memref<64x128xf32, #tpu.memory_space<vmem>>) dst(%dma_wait3A_88 : memref<64x128xf32, #tpu.memory_space<vmem_shared>>)
      tpu.yield
    }) : () -> ()
    %add3A_27 = arith.constant 448 : i32
    %add3A_28 = arith.addi %multiple_of3A, %add3A_27 : i32
    "tpu.region"() ({
      %run_scoped3A = tpu.sem_alloc : memref<!tpu.dma_semaphore, #tpu.memory_space<semaphore_mem>>
      %dma_start3A_81 = arith.constant 0 : i32
      %dma_start3A_82 = tpu.memref_slice %arg15[%add3A_28, %dma_start3A_81] : memref<10240x128xf32, #tpu.memory_space<vmem_shared>> -> memref<64x128xf32, #tpu.memory_space<vmem_shared>>
      %dma_start3A_83 = arith.constant 0 : i32
      %dma_start3A_84 = tpu.memref_slice %arg15[%add3A_28, %dma_start3A_83] : memref<10240x128xf32, #tpu.memory_space<vmem_shared>> -> memref<64x128xf32, #tpu.memory_space<vmem_shared>>
      tpu.enqueue_dma source(%arg12 : memref<64x128xf32, #tpu.memory_space<vmem>>) target(%dma_start3A_84 : memref<64x128xf32, #tpu.memory_space<vmem_shared>>) target_semaphore(%run_scoped3A : memref<!tpu.dma_semaphore, #tpu.memory_space<semaphore_mem>>)
      %dma_wait3A_85 = arith.constant 0 : i32
      %dma_wait3A_86 = tpu.memref_slice %arg15[%add3A_28, %dma_wait3A_85] : memref<10240x128xf32, #tpu.memory_space<vmem_shared>> -> memref<64x128xf32, #tpu.memory_space<vmem_shared>>
      %dma_wait3A_87 = arith.constant 0 : i32
      %dma_wait3A_88 = tpu.memref_slice %arg15[%add3A_28, %dma_wait3A_87] : memref<10240x128xf32, #tpu.memory_space<vmem_shared>> -> memref<64x128xf32, #tpu.memory_space<vmem_shared>>
      tpu.wait_dma2 semaphore(%run_scoped3A : memref<!tpu.dma_semaphore, #tpu.memory_space<semaphore_mem>>) src(%arg12 : memref<64x128xf32, #tpu.memory_space<vmem>>) dst(%dma_wait3A_88 : memref<64x128xf32, #tpu.memory_space<vmem_shared>>)
      tpu.yield
    }) : () -> ()
    %add3A_29 = arith.constant 512 : i32
    %add3A_30 = arith.addi %multiple_of3A, %add3A_29 : i32
    "tpu.region"() ({
      %run_scoped3A = tpu.sem_alloc : memref<!tpu.dma_semaphore, #tpu.memory_space<semaphore_mem>>
      %dma_start3A_81 = arith.constant 0 : i32
      %dma_start3A_82 = tpu.memref_slice %arg15[%add3A_30, %dma_start3A_81] : memref<10240x128xf32, #tpu.memory_space<vmem_shared>> -> memref<64x128xf32, #tpu.memory_space<vmem_shared>>
      %dma_start3A_83 = arith.constant 0 : i32
      %dma_start3A_84 = tpu.memref_slice %arg15[%add3A_30, %dma_start3A_83] : memref<10240x128xf32, #tpu.memory_space<vmem_shared>> -> memref<64x128xf32, #tpu.memory_space<vmem_shared>>
      tpu.enqueue_dma source(%arg12 : memref<64x128xf32, #tpu.memory_space<vmem>>) target(%dma_start3A_84 : memref<64x128xf32, #tpu.memory_space<vmem_shared>>) target_semaphore(%run_scoped3A : memref<!tpu.dma_semaphore, #tpu.memory_space<semaphore_mem>>)
      %dma_wait3A_85 = arith.constant 0 : i32
      %dma_wait3A_86 = tpu.memref_slice %arg15[%add3A_30, %dma_wait3A_85] : memref<10240x128xf32, #tpu.memory_space<vmem_shared>> -> memref<64x128xf32, #tpu.memory_space<vmem_shared>>
      %dma_wait3A_87 = arith.constant 0 : i32
      %dma_wait3A_88 = tpu.memref_slice %arg15[%add3A_30, %dma_wait3A_87] : memref<10240x128xf32, #tpu.memory_space<vmem_shared>> -> memref<64x128xf32, #tpu.memory_space<vmem_shared>>
      tpu.wait_dma2 semaphore(%run_scoped3A : memref<!tpu.dma_semaphore, #tpu.memory_space<semaphore_mem>>) src(%arg12 : memref<64x128xf32, #tpu.memory_space<vmem>>) dst(%dma_wait3A_88 : memref<64x128xf32, #tpu.memory_space<vmem_shared>>)
      tpu.yield
    }) : () -> ()
    %add3A_31 = arith.constant 576 : i32
    %add3A_32 = arith.addi %multiple_of3A, %add3A_31 : i32
    "tpu.region"() ({
      %run_scoped3A = tpu.sem_alloc : memref<!tpu.dma_semaphore, #tpu.memory_space<semaphore_mem>>
      %dma_start3A_81 = arith.constant 0 : i32
      %dma_start3A_82 = tpu.memref_slice %arg15[%add3A_32, %dma_start3A_81] : memref<10240x128xf32, #tpu.memory_space<vmem_shared>> -> memref<64x128xf32, #tpu.memory_space<vmem_shared>>
      %dma_start3A_83 = arith.constant 0 : i32
      %dma_start3A_84 = tpu.memref_slice %arg15[%add3A_32, %dma_start3A_83] : memref<10240x128xf32, #tpu.memory_space<vmem_shared>> -> memref<64x128xf32, #tpu.memory_space<vmem_shared>>
      tpu.enqueue_dma source(%arg12 : memref<64x128xf32, #tpu.memory_space<vmem>>) target(%dma_start3A_84 : memref<64x128xf32, #tpu.memory_space<vmem_shared>>) target_semaphore(%run_scoped3A : memref<!tpu.dma_semaphore, #tpu.memory_space<semaphore_mem>>)
      %dma_wait3A_85 = arith.constant 0 : i32
      %dma_wait3A_86 = tpu.memref_slice %arg15[%add3A_32, %dma_wait3A_85] : memref<10240x128xf32, #tpu.memory_space<vmem_shared>> -> memref<64x128xf32, #tpu.memory_space<vmem_shared>>
      %dma_wait3A_87 = arith.constant 0 : i32
      %dma_wait3A_88 = tpu.memref_slice %arg15[%add3A_32, %dma_wait3A_87] : memref<10240x128xf32, #tpu.memory_space<vmem_shared>> -> memref<64x128xf32, #tpu.memory_space<vmem_shared>>
      tpu.wait_dma2 semaphore(%run_scoped3A : memref<!tpu.dma_semaphore, #tpu.memory_space<semaphore_mem>>) src(%arg12 : memref<64x128xf32, #tpu.memory_space<vmem>>) dst(%dma_wait3A_88 : memref<64x128xf32, #tpu.memory_space<vmem_shared>>)
      tpu.yield
    }) : () -> ()
    %barrier3A = arith.constant 0 : index
    tpu.barrier barrier_id(%barrier3A)
    %add3A_33 = arith.constant 0 : i32
    %add3A_34 = arith.addi %select_n3A, %add3A_33 : i32
    %multiple_of3A_35 = tpu.assume_multiple %add3A_34, 64 : i32
    %dma_start3A = tpu.memref_slice %arg4[%multiple_of3A_35] : memref<327680xi32, #tpu.memory_space<hbm>> -> memref<64xi32, #tpu.memory_space<hbm>>
    %dma_start3A_36 = tpu.memref_slice %arg4[%multiple_of3A_35] : memref<327680xi32, #tpu.memory_space<hbm>> -> memref<64xi32, #tpu.memory_space<hbm>>
    tpu.enqueue_dma source(%dma_start3A_36 : memref<64xi32, #tpu.memory_space<hbm>>) target(%arg7 : memref<64xi32, #tpu.memory_space<vmem>>) target_semaphore(%arg16 : memref<!tpu.dma_semaphore, #tpu.memory_space<semaphore_mem>>)
    %add3A_37 = arith.constant 0 : i32
    %add3A_38 = arith.addi %select_n3A, %add3A_37 : i32
    %multiple_of3A_39 = tpu.assume_multiple %add3A_38, 64 : i32
    %dma_start3A_40 = tpu.memref_slice %arg5[%multiple_of3A_39] : memref<327680xi32, #tpu.memory_space<hbm>> -> memref<64xi32, #tpu.memory_space<hbm>>
    %dma_start3A_41 = tpu.memref_slice %arg5[%multiple_of3A_39] : memref<327680xi32, #tpu.memory_space<hbm>> -> memref<64xi32, #tpu.memory_space<hbm>>
    tpu.enqueue_dma source(%dma_start3A_41 : memref<64xi32, #tpu.memory_space<hbm>>) target(%arg8 : memref<64xi32, #tpu.memory_space<vmem>>) target_semaphore(%arg16 : memref<!tpu.dma_semaphore, #tpu.memory_space<semaphore_mem>>)
    %add3A_42 = arith.constant 64 : i32
    %add3A_43 = arith.addi %select_n3A, %add3A_42 : i32
    %multiple_of3A_44 = tpu.assume_multiple %add3A_43, 64 : i32
    %dma_start3A_45 = tpu.memref_slice %arg4[%multiple_of3A_44] : memref<327680xi32, #tpu.memory_space<hbm>> -> memref<64xi32, #tpu.memory_space<hbm>>
    %dma_start3A_46 = tpu.memref_slice %arg4[%multiple_of3A_44] : memref<327680xi32, #tpu.memory_space<hbm>> -> memref<64xi32, #tpu.memory_space<hbm>>
    tpu.enqueue_dma source(%dma_start3A_46 : memref<64xi32, #tpu.memory_space<hbm>>) target(%arg9 : memref<64xi32, #tpu.memory_space<vmem>>) target_semaphore(%arg17 : memref<!tpu.dma_semaphore, #tpu.memory_space<semaphore_mem>>)
    %add3A_47 = arith.constant 64 : i32
    %add3A_48 = arith.addi %select_n3A, %add3A_47 : i32
    %multiple_of3A_49 = tpu.assume_multiple %add3A_48, 64 : i32
    %dma_start3A_50 = tpu.memref_slice %arg5[%multiple_of3A_49] : memref<327680xi32, #tpu.memory_space<hbm>> -> memref<64xi32, #tpu.memory_space<hbm>>
    %dma_start3A_51 = tpu.memref_slice %arg5[%multiple_of3A_49] : memref<327680xi32, #tpu.memory_space<hbm>> -> memref<64xi32, #tpu.memory_space<hbm>>
    tpu.enqueue_dma source(%dma_start3A_51 : memref<64xi32, #tpu.memory_space<hbm>>) target(%arg10 : memref<64xi32, #tpu.memory_space<vmem>>) target_semaphore(%arg17 : memref<!tpu.dma_semaphore, #tpu.memory_space<semaphore_mem>>)
    %add3A_52 = arith.constant 0 : i32
    %add3A_53 = arith.addi %select_n3A, %add3A_52 : i32
    %multiple_of3A_54 = tpu.assume_multiple %add3A_53, 64 : i32
    %dma_wait3A = tpu.memref_slice %arg4[%multiple_of3A_54] : memref<327680xi32, #tpu.memory_space<hbm>> -> memref<64xi32, #tpu.memory_space<hbm>>
    %dma_wait3A_55 = tpu.memref_slice %arg4[%multiple_of3A_54] : memref<327680xi32, #tpu.memory_space<hbm>> -> memref<64xi32, #tpu.memory_space<hbm>>
    tpu.wait_dma2 semaphore(%arg16 : memref<!tpu.dma_semaphore, #tpu.memory_space<semaphore_mem>>) src(%dma_wait3A_55 : memref<64xi32, #tpu.memory_space<hbm>>) dst(%arg7 : memref<64xi32, #tpu.memory_space<vmem>>)
    %add3A_56 = arith.constant 0 : i32
    %add3A_57 = arith.addi %select_n3A, %add3A_56 : i32
    %multiple_of3A_58 = tpu.assume_multiple %add3A_57, 64 : i32
    %dma_wait3A_59 = tpu.memref_slice %arg5[%multiple_of3A_58] : memref<327680xi32, #tpu.memory_space<hbm>> -> memref<64xi32, #tpu.memory_space<hbm>>
    %dma_wait3A_60 = tpu.memref_slice %arg5[%multiple_of3A_58] : memref<327680xi32, #tpu.memory_space<hbm>> -> memref<64xi32, #tpu.memory_space<hbm>>
    tpu.wait_dma2 semaphore(%arg16 : memref<!tpu.dma_semaphore, #tpu.memory_space<semaphore_mem>>) src(%dma_wait3A_60 : memref<64xi32, #tpu.memory_space<hbm>>) dst(%arg8 : memref<64xi32, #tpu.memory_space<vmem>>)
    %dma_start3A_61 = arith.constant 0 : i32
    %dma_start3A_62 = arith.constant 0 : i32
    %dma_start3A_63 = tpu.memref_slice %arg2[%dma_start3A_61, %dma_start3A_62] : memref<10240x128xf32, #tpu.memory_space<hbm>> -> memref<10240x128xf32, #tpu.memory_space<hbm>>
    tpu.enqueue_indirect_dma source(%dma_start3A_63 : memref<10240x128xf32, #tpu.memory_space<hbm>>) target(%arg11 : memref<64x128xf32, #tpu.memory_space<vmem>>) offsets(%arg7 : memref<64xi32, #tpu.memory_space<vmem>>) semaphore(%arg18 : memref<!tpu.dma_semaphore, #tpu.memory_space<semaphore_mem>>)
    %add3A_64 = arith.constant 0 : i32
    %add3A_65 = arith.addi %select_n3A, %add3A_64 : i32
    %multiple_of3A_66 = tpu.assume_multiple %add3A_65, 64 : i32
    %dma_start3A_67 = arith.constant 0 : i32
    %dma_start3A_68 = tpu.memref_slice %arg3[%multiple_of3A_66, %dma_start3A_67] : memref<327680x128xf32, #tpu.memory_space<hbm>> -> memref<64x128xf32, #tpu.memory_space<hbm>>
    %dma_start3A_69 = arith.constant 0 : i32
    %dma_start3A_70 = tpu.memref_slice %arg3[%multiple_of3A_66, %dma_start3A_69] : memref<327680x128xf32, #tpu.memory_space<hbm>> -> memref<64x128xf32, #tpu.memory_space<hbm>>
    tpu.enqueue_dma source(%dma_start3A_70 : memref<64x128xf32, #tpu.memory_space<hbm>>) target(%arg12 : memref<64x128xf32, #tpu.memory_space<vmem>>) target_semaphore(%arg20 : memref<!tpu.dma_semaphore, #tpu.memory_space<semaphore_mem>>)
    %while3A = arith.constant 0 : i32
    %while3A_71 = arith.constant 0 : i32
    %while3A_72 = arith.subi %select_n3A_8, %while3A_71 : i32
    %while3A_73 = arith.addi %while3A_71, %while3A_72 : i32
    %while3A_74 = arith.constant 1 : i32
    %while3A_75 = arith.divsi %while3A_72, %while3A_74 : i32
    %while3A_76 = arith.muli %while3A_75, %while3A_74 : i32
    %while3A_77 = arith.addi %while3A_71, %while3A_76 : i32
    %while3A_78 = arith.constant 1 : i32
    scf.for %while3A_81 = %while3A_71 to %while3A_77 step %while3A_78  : i32 {
      %mul3A_82 = arith.constant 2 : i32
      %mul3A_83 = arith.muli %mul3A_82, %while3A_81 : i32
      %add3A_84 = arith.constant 0 : i32
      %add3A_85 = arith.addi %select_n3A, %add3A_84 : i32
      %multiple_of3A_86 = tpu.assume_multiple %add3A_85, 64 : i32
      %dma_wait3A_87 = tpu.memref_slice %arg4[%multiple_of3A_86] : memref<327680xi32, #tpu.memory_space<hbm>> -> memref<64xi32, #tpu.memory_space<hbm>>
      %dma_wait3A_88 = tpu.memref_slice %arg4[%multiple_of3A_86] : memref<327680xi32, #tpu.memory_space<hbm>> -> memref<64xi32, #tpu.memory_space<hbm>>
      tpu.wait_dma2 semaphore(%arg17 : memref<!tpu.dma_semaphore, #tpu.memory_space<semaphore_mem>>) src(%dma_wait3A_88 : memref<64xi32, #tpu.memory_space<hbm>>) dst(%arg9 : memref<64xi32, #tpu.memory_space<vmem>>)
      %add3A_89 = arith.constant 0 : i32
      %add3A_90 = arith.addi %select_n3A, %add3A_89 : i32
      %multiple_of3A_91 = tpu.assume_multiple %add3A_90, 64 : i32
      %dma_wait3A_92 = tpu.memref_slice %arg5[%multiple_of3A_91] : memref<327680xi32, #tpu.memory_space<hbm>> -> memref<64xi32, #tpu.memory_space<hbm>>
      %dma_wait3A_93 = tpu.memref_slice %arg5[%multiple_of3A_91] : memref<327680xi32, #tpu.memory_space<hbm>> -> memref<64xi32, #tpu.memory_space<hbm>>
      tpu.wait_dma2 semaphore(%arg17 : memref<!tpu.dma_semaphore, #tpu.memory_space<semaphore_mem>>) src(%dma_wait3A_93 : memref<64xi32, #tpu.memory_space<hbm>>) dst(%arg10 : memref<64xi32, #tpu.memory_space<vmem>>)
      %add3A_94 = arith.constant 1 : i32
      %add3A_95 = arith.addi %mul3A_83, %add3A_94 : i32
      %dma_start3A_96 = arith.constant 0 : i32
      %dma_start3A_97 = arith.constant 0 : i32
      %dma_start3A_98 = tpu.memref_slice %arg2[%dma_start3A_96, %dma_start3A_97] : memref<10240x128xf32, #tpu.memory_space<hbm>> -> memref<10240x128xf32, #tpu.memory_space<hbm>>
      tpu.enqueue_indirect_dma source(%dma_start3A_98 : memref<10240x128xf32, #tpu.memory_space<hbm>>) target(%arg13 : memref<64x128xf32, #tpu.memory_space<vmem>>) offsets(%arg9 : memref<64xi32, #tpu.memory_space<vmem>>) semaphore(%arg19 : memref<!tpu.dma_semaphore, #tpu.memory_space<semaphore_mem>>)
      %mul3A_99 = arith.constant 64 : i32
      %mul3A_100 = arith.muli %add3A_95, %mul3A_99 : i32
      %add3A_101 = arith.addi %select_n3A, %mul3A_100 : i32
      %multiple_of3A_102 = tpu.assume_multiple %add3A_101, 64 : i32
      %dma_start3A_103 = arith.constant 0 : i32
      %dma_start3A_104 = tpu.memref_slice %arg3[%multiple_of3A_102, %dma_start3A_103] : memref<327680x128xf32, #tpu.memory_space<hbm>> -> memref<64x128xf32, #tpu.memory_space<hbm>>
      %dma_start3A_105 = arith.constant 0 : i32
      %dma_start3A_106 = tpu.memref_slice %arg3[%multiple_of3A_102, %dma_start3A_105] : memref<327680x128xf32, #tpu.memory_space<hbm>> -> memref<64x128xf32, #tpu.memory_space<hbm>>
      tpu.enqueue_dma source(%dma_start3A_106 : memref<64x128xf32, #tpu.memory_space<hbm>>) target(%arg14 : memref<64x128xf32, #tpu.memory_space<vmem>>) target_semaphore(%arg21 : memref<!tpu.dma_semaphore, #tpu.memory_space<semaphore_mem>>)
      %dma_wait3A_107 = arith.constant 0 : i32
      %dma_wait3A_108 = arith.constant 0 : i32
      %dma_wait3A_109 = tpu.memref_slice %arg2[%dma_wait3A_107, %dma_wait3A_108] : memref<10240x128xf32, #tpu.memory_space<hbm>> -> memref<10240x128xf32, #tpu.memory_space<hbm>>
      tpu.wait_indirect_dma semaphore(%arg18 : memref<!tpu.dma_semaphore, #tpu.memory_space<semaphore_mem>>) src(%dma_wait3A_109 : memref<10240x128xf32, #tpu.memory_space<hbm>>) dst(%arg11 : memref<64x128xf32, #tpu.memory_space<vmem>>)
      %add3A_110 = arith.constant 0 : i32
      %add3A_111 = arith.addi %select_n3A, %add3A_110 : i32
      %multiple_of3A_112 = tpu.assume_multiple %add3A_111, 64 : i32
      %dma_wait3A_113 = arith.constant 0 : i32
      %dma_wait3A_114 = tpu.memref_slice %arg3[%multiple_of3A_112, %dma_wait3A_113] : memref<327680x128xf32, #tpu.memory_space<hbm>> -> memref<64x128xf32, #tpu.memory_space<hbm>>
      %dma_wait3A_115 = arith.constant 0 : i32
      %dma_wait3A_116 = tpu.memref_slice %arg3[%multiple_of3A_112, %dma_wait3A_115] : memref<327680x128xf32, #tpu.memory_space<hbm>> -> memref<64x128xf32, #tpu.memory_space<hbm>>
      tpu.wait_dma2 semaphore(%arg20 : memref<!tpu.dma_semaphore, #tpu.memory_space<semaphore_mem>>) src(%dma_wait3A_116 : memref<64x128xf32, #tpu.memory_space<hbm>>) dst(%arg12 : memref<64x128xf32, #tpu.memory_space<vmem>>)
      %parallel_loop3A_117 = arith.constant 0 : i32
      %parallel_loop3A_118 = arith.constant 64 : i32
      %parallel_loop3A_119 = arith.constant 1 : i32
      scf.for %parallel_loop3A_142 = %parallel_loop3A_117 to %parallel_loop3A_118 step %parallel_loop3A_119  : i32 {
        %parallel_loop3A_143 = arith.index_cast %parallel_loop3A_142 : i32 to index
        %parallel_loop3A_144 = arith.constant 0 : index
        %parallel_loop3A_145 = tpu.vector_load %arg12[%parallel_loop3A_143, %parallel_loop3A_144] {strides = array<i32>} : memref<64x128xf32, #tpu.memory_space<vmem>>, vector<1x16xf32>,
        %parallel_loop3A_146 = vector.shape_cast %parallel_loop3A_145 : vector<1x16xf32> to vector<16xf32>
        %parallel_loop3A_147 = arith.index_cast %parallel_loop3A_142 : i32 to index
        %parallel_loop3A_148 = arith.constant 0 : index
        %parallel_loop3A_149 = tpu.vector_load %arg11[%parallel_loop3A_147, %parallel_loop3A_148] {strides = array<i32>} : memref<64x128xf32, #tpu.memory_space<vmem>>, vector<1x16xf32>,
        %parallel_loop3A_150 = vector.shape_cast %parallel_loop3A_149 : vector<1x16xf32> to vector<16xf32>
        %parallel_loop3A_151 = arith.mulf %parallel_loop3A_146, %parallel_loop3A_150 : vector<16xf32>
        %parallel_loop3A_152 = arith.index_cast %parallel_loop3A_142 : i32 to index
        %parallel_loop3A_153 = arith.constant 0 : index
        %parallel_loop3A_154 = tpu.vector_load %arg12[%parallel_loop3A_152, %parallel_loop3A_153] {strides = array<i32>} : memref<64x128xf32, #tpu.memory_space<vmem>>, vector<1x16xf32>,
        %parallel_loop3A_155 = vector.shape_cast %parallel_loop3A_154 : vector<1x16xf32> to vector<16xf32>
        %parallel_loop3A_156 = vector.shape_cast %parallel_loop3A_151 : vector<16xf32> to vector<1x16xf32>
        tpu.vector_store %arg12[%parallel_loop3A_152, %parallel_loop3A_153], %parallel_loop3A_156 {strides = array<i32>} : memref<64x128xf32, #tpu.memory_space<vmem>>, vector<1x16xf32>,
        %parallel_loop3A_157 = arith.index_cast %parallel_loop3A_142 : i32 to index
        %parallel_loop3A_158 = arith.constant 16 : index
        %parallel_loop3A_159 = tpu.vector_load %arg12[%parallel_loop3A_157, %parallel_loop3A_158] {strides = array<i32>} : memref<64x128xf32, #tpu.memory_space<vmem>>, vector<1x16xf32>,
        %parallel_loop3A_160 = vector.shape_cast %parallel_loop3A_159 : vector<1x16xf32> to vector<16xf32>
        %parallel_loop3A_161 = arith.index_cast %parallel_loop3A_142 : i32 to index
        %parallel_loop3A_162 = arith.constant 16 : index
        %parallel_loop3A_163 = tpu.vector_load %arg11[%parallel_loop3A_161, %parallel_loop3A_162] {strides = array<i32>} : memref<64x128xf32, #tpu.memory_space<vmem>>, vector<1x16xf32>,
        %parallel_loop3A_164 = vector.shape_cast %parallel_loop3A_163 : vector<1x16xf32> to vector<16xf32>
        %parallel_loop3A_165 = arith.mulf %parallel_loop3A_160, %parallel_loop3A_164 : vector<16xf32>
        %parallel_loop3A_166 = arith.index_cast %parallel_loop3A_142 : i32 to index
        %parallel_loop3A_167 = arith.constant 16 : index
        %parallel_loop3A_168 = tpu.vector_load %arg12[%parallel_loop3A_166, %parallel_loop3A_167] {strides = array<i32>} : memref<64x128xf32, #tpu.memory_space<vmem>>, vector<1x16xf32>,
        %parallel_loop3A_169 = vector.shape_cast %parallel_loop3A_168 : vector<1x16xf32> to vector<16xf32>
        %parallel_loop3A_170 = vector.shape_cast %parallel_loop3A_165 : vector<16xf32> to vector<1x16xf32>
        tpu.vector_store %arg12[%parallel_loop3A_166, %parallel_loop3A_167], %parallel_loop3A_170 {strides = array<i32>} : memref<64x128xf32, #tpu.memory_space<vmem>>, vector<1x16xf32>,
        %parallel_loop3A_171 = arith.index_cast %parallel_loop3A_142 : i32 to index
        %parallel_loop3A_172 = arith.constant 32 : index
        %parallel_loop3A_173 = tpu.vector_load %arg12[%parallel_loop3A_171, %parallel_loop3A_172] {strides = array<i32>} : memref<64x128xf32, #tpu.memory_space<vmem>>, vector<1x16xf32>,
        %parallel_loop3A_174 = vector.shape_cast %parallel_loop3A_173 : vector<1x16xf32> to vector<16xf32>
        %parallel_loop3A_175 = arith.index_cast %parallel_loop3A_142 : i32 to index
        %parallel_loop3A_176 = arith.constant 32 : index
        %parallel_loop3A_177 = tpu.vector_load %arg11[%parallel_loop3A_175, %parallel_loop3A_176] {strides = array<i32>} : memref<64x128xf32, #tpu.memory_space<vmem>>, vector<1x16xf32>,
        %parallel_loop3A_178 = vector.shape_cast %parallel_loop3A_177 : vector<1x16xf32> to vector<16xf32>
        %parallel_loop3A_179 = arith.mulf %parallel_loop3A_174, %parallel_loop3A_178 : vector<16xf32>
        %parallel_loop3A_180 = arith.index_cast %parallel_loop3A_142 : i32 to index
        %parallel_loop3A_181 = arith.constant 32 : index
        %parallel_loop3A_182 = tpu.vector_load %arg12[%parallel_loop3A_180, %parallel_loop3A_181] {strides = array<i32>} : memref<64x128xf32, #tpu.memory_space<vmem>>, vector<1x16xf32>,
        %parallel_loop3A_183 = vector.shape_cast %parallel_loop3A_182 : vector<1x16xf32> to vector<16xf32>
        %parallel_loop3A_184 = vector.shape_cast %parallel_loop3A_179 : vector<16xf32> to vector<1x16xf32>
        tpu.vector_store %arg12[%parallel_loop3A_180, %parallel_loop3A_181], %parallel_loop3A_184 {strides = array<i32>} : memref<64x128xf32, #tpu.memory_space<vmem>>, vector<1x16xf32>,
        %parallel_loop3A_185 = arith.index_cast %parallel_loop3A_142 : i32 to index
        %parallel_loop3A_186 = arith.constant 48 : index
        %parallel_loop3A_187 = tpu.vector_load %arg12[%parallel_loop3A_185, %parallel_loop3A_186] {strides = array<i32>} : memref<64x128xf32, #tpu.memory_space<vmem>>, vector<1x16xf32>,
        %parallel_loop3A_188 = vector.shape_cast %parallel_loop3A_187 : vector<1x16xf32> to vector<16xf32>
        %parallel_loop3A_189 = arith.index_cast %parallel_loop3A_142 : i32 to index
        %parallel_loop3A_190 = arith.constant 48 : index
        %parallel_loop3A_191 = tpu.vector_load %arg11[%parallel_loop3A_189, %parallel_loop3A_190] {strides = array<i32>} : memref<64x128xf32, #tpu.memory_space<vmem>>, vector<1x16xf32>,
        %parallel_loop3A_192 = vector.shape_cast %parallel_loop3A_191 : vector<1x16xf32> to vector<16xf32>
        %parallel_loop3A_193 = arith.mulf %parallel_loop3A_188, %parallel_loop3A_192 : vector<16xf32>
        %parallel_loop3A_194 = arith.index_cast %parallel_loop3A_142 : i32 to index
        %parallel_loop3A_195 = arith.constant 48 : index
        %parallel_loop3A_196 = tpu.vector_load %arg12[%parallel_loop3A_194, %parallel_loop3A_195] {strides = array<i32>} : memref<64x128xf32, #tpu.memory_space<vmem>>, vector<1x16xf32>,
        %parallel_loop3A_197 = vector.shape_cast %parallel_loop3A_196 : vector<1x16xf32> to vector<16xf32>
        %parallel_loop3A_198 = vector.shape_cast %parallel_loop3A_193 : vector<16xf32> to vector<1x16xf32>
        tpu.vector_store %arg12[%parallel_loop3A_194, %parallel_loop3A_195], %parallel_loop3A_198 {strides = array<i32>} : memref<64x128xf32, #tpu.memory_space<vmem>>, vector<1x16xf32>,
        %parallel_loop3A_199 = arith.index_cast %parallel_loop3A_142 : i32 to index
        %parallel_loop3A_200 = arith.constant 64 : index
        %parallel_loop3A_201 = tpu.vector_load %arg12[%parallel_loop3A_199, %parallel_loop3A_200] {strides = array<i32>} : memref<64x128xf32, #tpu.memory_space<vmem>>, vector<1x16xf32>,
        %parallel_loop3A_202 = vector.shape_cast %parallel_loop3A_201 : vector<1x16xf32> to vector<16xf32>
        %parallel_loop3A_203 = arith.index_cast %parallel_loop3A_142 : i32 to index
        %parallel_loop3A_204 = arith.constant 64 : index
        %parallel_loop3A_205 = tpu.vector_load %arg11[%parallel_loop3A_203, %parallel_loop3A_204] {strides = array<i32>} : memref<64x128xf32, #tpu.memory_space<vmem>>, vector<1x16xf32>,
        %parallel_loop3A_206 = vector.shape_cast %parallel_loop3A_205 : vector<1x16xf32> to vector<16xf32>
        %parallel_loop3A_207 = arith.mulf %parallel_loop3A_202, %parallel_loop3A_206 : vector<16xf32>
        %parallel_loop3A_208 = arith.index_cast %parallel_loop3A_142 : i32 to index
        %parallel_loop3A_209 = arith.constant 64 : index
        %parallel_loop3A_210 = tpu.vector_load %arg12[%parallel_loop3A_208, %parallel_loop3A_209] {strides = array<i32>} : memref<64x128xf32, #tpu.memory_space<vmem>>, vector<1x16xf32>,
        %parallel_loop3A_211 = vector.shape_cast %parallel_loop3A_210 : vector<1x16xf32> to vector<16xf32>
        %parallel_loop3A_212 = vector.shape_cast %parallel_loop3A_207 : vector<16xf32> to vector<1x16xf32>
        tpu.vector_store %arg12[%parallel_loop3A_208, %parallel_loop3A_209], %parallel_loop3A_212 {strides = array<i32>} : memref<64x128xf32, #tpu.memory_space<vmem>>, vector<1x16xf32>,
        %parallel_loop3A_213 = arith.index_cast %parallel_loop3A_142 : i32 to index
        %parallel_loop3A_214 = arith.constant 80 : index
        %parallel_loop3A_215 = tpu.vector_load %arg12[%parallel_loop3A_213, %parallel_loop3A_214] {strides = array<i32>} : memref<64x128xf32, #tpu.memory_space<vmem>>, vector<1x16xf32>,
        %parallel_loop3A_216 = vector.shape_cast %parallel_loop3A_215 : vector<1x16xf32> to vector<16xf32>
        %parallel_loop3A_217 = arith.index_cast %parallel_loop3A_142 : i32 to index
        %parallel_loop3A_218 = arith.constant 80 : index
        %parallel_loop3A_219 = tpu.vector_load %arg11[%parallel_loop3A_217, %parallel_loop3A_218] {strides = array<i32>} : memref<64x128xf32, #tpu.memory_space<vmem>>, vector<1x16xf32>,
        %parallel_loop3A_220 = vector.shape_cast %parallel_loop3A_219 : vector<1x16xf32> to vector<16xf32>
        %parallel_loop3A_221 = arith.mulf %parallel_loop3A_216, %parallel_loop3A_220 : vector<16xf32>
        %parallel_loop3A_222 = arith.index_cast %parallel_loop3A_142 : i32 to index
        %parallel_loop3A_223 = arith.constant 80 : index
        %parallel_loop3A_224 = tpu.vector_load %arg12[%parallel_loop3A_222, %parallel_loop3A_223] {strides = array<i32>} : memref<64x128xf32, #tpu.memory_space<vmem>>, vector<1x16xf32>,
        %parallel_loop3A_225 = vector.shape_cast %parallel_loop3A_224 : vector<1x16xf32> to vector<16xf32>
        %parallel_loop3A_226 = vector.shape_cast %parallel_loop3A_221 : vector<16xf32> to vector<1x16xf32>
        tpu.vector_store %arg12[%parallel_loop3A_222, %parallel_loop3A_223], %parallel_loop3A_226 {strides = array<i32>} : memref<64x128xf32, #tpu.memory_space<vmem>>, vector<1x16xf32>,
        %parallel_loop3A_227 = arith.index_cast %parallel_loop3A_142 : i32 to index
        %parallel_loop3A_228 = arith.constant 96 : index
        %parallel_loop3A_229 = tpu.vector_load %arg12[%parallel_loop3A_227, %parallel_loop3A_228] {strides = array<i32>} : memref<64x128xf32, #tpu.memory_space<vmem>>, vector<1x16xf32>,
        %parallel_loop3A_230 = vector.shape_cast %parallel_loop3A_229 : vector<1x16xf32> to vector<16xf32>
        %parallel_loop3A_231 = arith.index_cast %parallel_loop3A_142 : i32 to index
        %parallel_loop3A_232 = arith.constant 96 : index
        %parallel_loop3A_233 = tpu.vector_load %arg11[%parallel_loop3A_231, %parallel_loop3A_232] {strides = array<i32>} : memref<64x128xf32, #tpu.memory_space<vmem>>, vector<1x16xf32>,
        %parallel_loop3A_234 = vector.shape_cast %parallel_loop3A_233 : vector<1x16xf32> to vector<16xf32>
        %parallel_loop3A_235 = arith.mulf %parallel_loop3A_230, %parallel_loop3A_234 : vector<16xf32>
        %parallel_loop3A_236 = arith.index_cast %parallel_loop3A_142 : i32 to index
        %parallel_loop3A_237 = arith.constant 96 : index
        %parallel_loop3A_238 = tpu.vector_load %arg12[%parallel_loop3A_236, %parallel_loop3A_237] {strides = array<i32>} : memref<64x128xf32, #tpu.memory_space<vmem>>, vector<1x16xf32>,
        %parallel_loop3A_239 = vector.shape_cast %parallel_loop3A_238 : vector<1x16xf32> to vector<16xf32>
        %parallel_loop3A_240 = vector.shape_cast %parallel_loop3A_235 : vector<16xf32> to vector<1x16xf32>
        tpu.vector_store %arg12[%parallel_loop3A_236, %parallel_loop3A_237], %parallel_loop3A_240 {strides = array<i32>} : memref<64x128xf32, #tpu.memory_space<vmem>>, vector<1x16xf32>,
        %parallel_loop3A_241 = arith.index_cast %parallel_loop3A_142 : i32 to index
        %parallel_loop3A_242 = arith.constant 112 : index
        %parallel_loop3A_243 = tpu.vector_load %arg12[%parallel_loop3A_241, %parallel_loop3A_242] {strides = array<i32>} : memref<64x128xf32, #tpu.memory_space<vmem>>, vector<1x16xf32>,
        %parallel_loop3A_244 = vector.shape_cast %parallel_loop3A_243 : vector<1x16xf32> to vector<16xf32>
        %parallel_loop3A_245 = arith.index_cast %parallel_loop3A_142 : i32 to index
        %parallel_loop3A_246 = arith.constant 112 : index
        %parallel_loop3A_247 = tpu.vector_load %arg11[%parallel_loop3A_245, %parallel_loop3A_246] {strides = array<i32>} : memref<64x128xf32, #tpu.memory_space<vmem>>, vector<1x16xf32>,
        %parallel_loop3A_248 = vector.shape_cast %parallel_loop3A_247 : vector<1x16xf32> to vector<16xf32>
        %parallel_loop3A_249 = arith.mulf %parallel_loop3A_244, %parallel_loop3A_248 : vector<16xf32>
        %parallel_loop3A_250 = arith.index_cast %parallel_loop3A_142 : i32 to index
        %parallel_loop3A_251 = arith.constant 112 : index
        %parallel_loop3A_252 = tpu.vector_load %arg12[%parallel_loop3A_250, %parallel_loop3A_251] {strides = array<i32>} : memref<64x128xf32, #tpu.memory_space<vmem>>, vector<1x16xf32>,
        %parallel_loop3A_253 = vector.shape_cast %parallel_loop3A_252 : vector<1x16xf32> to vector<16xf32>
        %parallel_loop3A_254 = vector.shape_cast %parallel_loop3A_249 : vector<16xf32> to vector<1x16xf32>
        tpu.vector_store %arg12[%parallel_loop3A_250, %parallel_loop3A_251], %parallel_loop3A_254 {strides = array<i32>} : memref<64x128xf32, #tpu.memory_space<vmem>>, vector<1x16xf32>,
      } {sc.loop_unroll_factor = 4 : i64, sc.parallel_access}
      "tpu.region"() ({
        %run_scoped3A = tpu.sem_alloc : memref<!tpu.dma_semaphore, #tpu.memory_space<semaphore_mem>>
        %dma_start3A_142 = arith.constant 0 : i32
        %dma_start3A_143 = arith.constant 0 : i32
        %dma_start3A_144 = tpu.memref_slice %arg15[%dma_start3A_142, %dma_start3A_143] : memref<10240x128xf32, #tpu.memory_space<vmem_shared>> -> memref<10240x128xf32, #tpu.memory_space<vmem_shared>>
        tpu.enqueue_indirect_dma source(%arg12 : memref<64x128xf32, #tpu.memory_space<vmem>>) target(%dma_start3A_144 : memref<10240x128xf32, #tpu.memory_space<vmem_shared>>) offsets(%arg8 : memref<64xi32, #tpu.memory_space<vmem>>) semaphore(%run_scoped3A : memref<!tpu.dma_semaphore, #tpu.memory_space<semaphore_mem>>) {add = true}
        %dma_wait3A_145 = arith.constant 0 : i32
        %dma_wait3A_146 = arith.constant 0 : i32
        %dma_wait3A_147 = tpu.memref_slice %arg15[%dma_wait3A_145, %dma_wait3A_146] : memref<10240x128xf32, #tpu.memory_space<vmem_shared>> -> memref<10240x128xf32, #tpu.memory_space<vmem_shared>>
        tpu.wait_indirect_dma semaphore(%run_scoped3A : memref<!tpu.dma_semaphore, #tpu.memory_space<semaphore_mem>>) src(%arg12 : memref<64x128xf32, #tpu.memory_space<vmem>>) dst(%dma_wait3A_147 : memref<10240x128xf32, #tpu.memory_space<vmem_shared>>)
        tpu.yield
      }) : () -> ()
      %add3A_120 = arith.constant 1 : i32
      %add3A_121 = arith.addi %while3A_81, %add3A_120 : i32
      %lt3A = arith.cmpi slt, %add3A_121, %select_n3A_8 : i32
      %convert_element_type3A = arith.extui %lt3A : i1 to i32
      %cond3A = arith.constant 0 : i32
      %cond3A_122 = arith.cmpi ne, %convert_element_type3A, %cond3A : i32
      scf.if %cond3A_122 {
        %add3A_142 = arith.constant 2 : i32
        %add3A_143 = arith.addi %mul3A_83, %add3A_142 : i32
        %mul3A_144 = arith.constant 64 : i32
        %mul3A_145 = arith.muli %add3A_143, %mul3A_144 : i32
        %add3A_146 = arith.addi %select_n3A, %mul3A_145 : i32
        %multiple_of3A_147 = tpu.assume_multiple %add3A_146, 64 : i32
        %dma_start3A_148 = tpu.memref_slice %arg4[%multiple_of3A_147] : memref<327680xi32, #tpu.memory_space<hbm>> -> memref<64xi32, #tpu.memory_space<hbm>>
        %dma_start3A_149 = tpu.memref_slice %arg4[%multiple_of3A_147] : memref<327680xi32, #tpu.memory_space<hbm>> -> memref<64xi32, #tpu.memory_space<hbm>>
        tpu.enqueue_dma source(%dma_start3A_149 : memref<64xi32, #tpu.memory_space<hbm>>) target(%arg7 : memref<64xi32, #tpu.memory_space<vmem>>) target_semaphore(%arg16 : memref<!tpu.dma_semaphore, #tpu.memory_space<semaphore_mem>>)
        %mul3A_150 = arith.constant 64 : i32
        %mul3A_151 = arith.muli %add3A_143, %mul3A_150 : i32
        %add3A_152 = arith.addi %select_n3A, %mul3A_151 : i32
        %multiple_of3A_153 = tpu.assume_multiple %add3A_152, 64 : i32
        %dma_start3A_154 = tpu.memref_slice %arg5[%multiple_of3A_153] : memref<327680xi32, #tpu.memory_space<hbm>> -> memref<64xi32, #tpu.memory_space<hbm>>
        %dma_start3A_155 = tpu.memref_slice %arg5[%multiple_of3A_153] : memref<327680xi32, #tpu.memory_space<hbm>> -> memref<64xi32, #tpu.memory_space<hbm>>
        tpu.enqueue_dma source(%dma_start3A_155 : memref<64xi32, #tpu.memory_space<hbm>>) target(%arg8 : memref<64xi32, #tpu.memory_space<vmem>>) target_semaphore(%arg16 : memref<!tpu.dma_semaphore, #tpu.memory_space<semaphore_mem>>)
        %add3A_156 = arith.constant 0 : i32
        %add3A_157 = arith.addi %select_n3A, %add3A_156 : i32
        %multiple_of3A_158 = tpu.assume_multiple %add3A_157, 64 : i32
        %dma_wait3A_159 = tpu.memref_slice %arg4[%multiple_of3A_158] : memref<327680xi32, #tpu.memory_space<hbm>> -> memref<64xi32, #tpu.memory_space<hbm>>
        %dma_wait3A_160 = tpu.memref_slice %arg4[%multiple_of3A_158] : memref<327680xi32, #tpu.memory_space<hbm>> -> memref<64xi32, #tpu.memory_space<hbm>>
        tpu.wait_dma2 semaphore(%arg16 : memref<!tpu.dma_semaphore, #tpu.memory_space<semaphore_mem>>) src(%dma_wait3A_160 : memref<64xi32, #tpu.memory_space<hbm>>) dst(%arg7 : memref<64xi32, #tpu.memory_space<vmem>>)
        %add3A_161 = arith.constant 0 : i32
        %add3A_162 = arith.addi %select_n3A, %add3A_161 : i32
        %multiple_of3A_163 = tpu.assume_multiple %add3A_162, 64 : i32
        %dma_wait3A_164 = tpu.memref_slice %arg5[%multiple_of3A_163] : memref<327680xi32, #tpu.memory_space<hbm>> -> memref<64xi32, #tpu.memory_space<hbm>>
        %dma_wait3A_165 = tpu.memref_slice %arg5[%multiple_of3A_163] : memref<327680xi32, #tpu.memory_space<hbm>> -> memref<64xi32, #tpu.memory_space<hbm>>
        tpu.wait_dma2 semaphore(%arg16 : memref<!tpu.dma_semaphore, #tpu.memory_space<semaphore_mem>>) src(%dma_wait3A_165 : memref<64xi32, #tpu.memory_space<hbm>>) dst(%arg8 : memref<64xi32, #tpu.memory_space<vmem>>)
        %add3A_166 = arith.constant 2 : i32
        %add3A_167 = arith.addi %mul3A_83, %add3A_166 : i32
        %dma_start3A_168 = arith.constant 0 : i32
        %dma_start3A_169 = arith.constant 0 : i32
        %dma_start3A_170 = tpu.memref_slice %arg2[%dma_start3A_168, %dma_start3A_169] : memref<10240x128xf32, #tpu.memory_space<hbm>> -> memref<10240x128xf32, #tpu.memory_space<hbm>>
        tpu.enqueue_indirect_dma source(%dma_start3A_170 : memref<10240x128xf32, #tpu.memory_space<hbm>>) target(%arg11 : memref<64x128xf32, #tpu.memory_space<vmem>>) offsets(%arg7 : memref<64xi32, #tpu.memory_space<vmem>>) semaphore(%arg18 : memref<!tpu.dma_semaphore, #tpu.memory_space<semaphore_mem>>)
        %mul3A_171 = arith.constant 64 : i32
        %mul3A_172 = arith.muli %add3A_167, %mul3A_171 : i32
        %add3A_173 = arith.addi %select_n3A, %mul3A_172 : i32
        %multiple_of3A_174 = tpu.assume_multiple %add3A_173, 64 : i32
        %dma_start3A_175 = arith.constant 0 : i32
        %dma_start3A_176 = tpu.memref_slice %arg3[%multiple_of3A_174, %dma_start3A_175] : memref<327680x128xf32, #tpu.memory_space<hbm>> -> memref<64x128xf32, #tpu.memory_space<hbm>>
        %dma_start3A_177 = arith.constant 0 : i32
        %dma_start3A_178 = tpu.memref_slice %arg3[%multiple_of3A_174, %dma_start3A_177] : memref<327680x128xf32, #tpu.memory_space<hbm>> -> memref<64x128xf32, #tpu.memory_space<hbm>>
        tpu.enqueue_dma source(%dma_start3A_178 : memref<64x128xf32, #tpu.memory_space<hbm>>) target(%arg12 : memref<64x128xf32, #tpu.memory_space<vmem>>) target_semaphore(%arg20 : memref<!tpu.dma_semaphore, #tpu.memory_space<semaphore_mem>>)
      } else {
      }
      %dma_wait3A_123 = arith.constant 0 : i32
      %dma_wait3A_124 = arith.constant 0 : i32
      %dma_wait3A_125 = tpu.memref_slice %arg2[%dma_wait3A_123, %dma_wait3A_124] : memref<10240x128xf32, #tpu.memory_space<hbm>> -> memref<10240x128xf32, #tpu.memory_space<hbm>>
      tpu.wait_indirect_dma semaphore(%arg19 : memref<!tpu.dma_semaphore, #tpu.memory_space<semaphore_mem>>) src(%dma_wait3A_125 : memref<10240x128xf32, #tpu.memory_space<hbm>>) dst(%arg13 : memref<64x128xf32, #tpu.memory_space<vmem>>)
      %add3A_126 = arith.constant 0 : i32
      %add3A_127 = arith.addi %select_n3A, %add3A_126 : i32
      %multiple_of3A_128 = tpu.assume_multiple %add3A_127, 64 : i32
      %dma_wait3A_129 = arith.constant 0 : i32
      %dma_wait3A_130 = tpu.memref_slice %arg3[%multiple_of3A_128, %dma_wait3A_129] : memref<327680x128xf32, #tpu.memory_space<hbm>> -> memref<64x128xf32, #tpu.memory_space<hbm>>
      %dma_wait3A_131 = arith.constant 0 : i32
      %dma_wait3A_132 = tpu.memref_slice %arg3[%multiple_of3A_128, %dma_wait3A_131] : memref<327680x128xf32, #tpu.memory_space<hbm>> -> memref<64x128xf32, #tpu.memory_space<hbm>>
      tpu.wait_dma2 semaphore(%arg21 : memref<!tpu.dma_semaphore, #tpu.memory_space<semaphore_mem>>) src(%dma_wait3A_132 : memref<64x128xf32, #tpu.memory_space<hbm>>) dst(%arg14 : memref<64x128xf32, #tpu.memory_space<vmem>>)
      %parallel_loop3A_133 = arith.constant 0 : i32
      %parallel_loop3A_134 = arith.constant 64 : i32
      %parallel_loop3A_135 = arith.constant 1 : i32
      scf.for %parallel_loop3A_142 = %parallel_loop3A_133 to %parallel_loop3A_134 step %parallel_loop3A_135  : i32 {
        %parallel_loop3A_143 = arith.index_cast %parallel_loop3A_142 : i32 to index
        %parallel_loop3A_144 = arith.constant 0 : index
        %parallel_loop3A_145 = tpu.vector_load %arg14[%parallel_loop3A_143, %parallel_loop3A_144] {strides = array<i32>} : memref<64x128xf32, #tpu.memory_space<vmem>>, vector<1x16xf32>,
        %parallel_loop3A_146 = vector.shape_cast %parallel_loop3A_145 : vector<1x16xf32> to vector<16xf32>
        %parallel_loop3A_147 = arith.index_cast %parallel_loop3A_142 : i32 to index
        %parallel_loop3A_148 = arith.constant 0 : index
        %parallel_loop3A_149 = tpu.vector_load %arg13[%parallel_loop3A_147, %parallel_loop3A_148] {strides = array<i32>} : memref<64x128xf32, #tpu.memory_space<vmem>>, vector<1x16xf32>,
        %parallel_loop3A_150 = vector.shape_cast %parallel_loop3A_149 : vector<1x16xf32> to vector<16xf32>
        %parallel_loop3A_151 = arith.mulf %parallel_loop3A_146, %parallel_loop3A_150 : vector<16xf32>
        %parallel_loop3A_152 = arith.index_cast %parallel_loop3A_142 : i32 to index
        %parallel_loop3A_153 = arith.constant 0 : index
        %parallel_loop3A_154 = tpu.vector_load %arg14[%parallel_loop3A_152, %parallel_loop3A_153] {strides = array<i32>} : memref<64x128xf32, #tpu.memory_space<vmem>>, vector<1x16xf32>,
        %parallel_loop3A_155 = vector.shape_cast %parallel_loop3A_154 : vector<1x16xf32> to vector<16xf32>
        %parallel_loop3A_156 = vector.shape_cast %parallel_loop3A_151 : vector<16xf32> to vector<1x16xf32>
        tpu.vector_store %arg14[%parallel_loop3A_152, %parallel_loop3A_153], %parallel_loop3A_156 {strides = array<i32>} : memref<64x128xf32, #tpu.memory_space<vmem>>, vector<1x16xf32>,
        %parallel_loop3A_157 = arith.index_cast %parallel_loop3A_142 : i32 to index
        %parallel_loop3A_158 = arith.constant 16 : index
        %parallel_loop3A_159 = tpu.vector_load %arg14[%parallel_loop3A_157, %parallel_loop3A_158] {strides = array<i32>} : memref<64x128xf32, #tpu.memory_space<vmem>>, vector<1x16xf32>,
        %parallel_loop3A_160 = vector.shape_cast %parallel_loop3A_159 : vector<1x16xf32> to vector<16xf32>
        %parallel_loop3A_161 = arith.index_cast %parallel_loop3A_142 : i32 to index
        %parallel_loop3A_162 = arith.constant 16 : index
        %parallel_loop3A_163 = tpu.vector_load %arg13[%parallel_loop3A_161, %parallel_loop3A_162] {strides = array<i32>} : memref<64x128xf32, #tpu.memory_space<vmem>>, vector<1x16xf32>,
        %parallel_loop3A_164 = vector.shape_cast %parallel_loop3A_163 : vector<1x16xf32> to vector<16xf32>
        %parallel_loop3A_165 = arith.mulf %parallel_loop3A_160, %parallel_loop3A_164 : vector<16xf32>
        %parallel_loop3A_166 = arith.index_cast %parallel_loop3A_142 : i32 to index
        %parallel_loop3A_167 = arith.constant 16 : index
        %parallel_loop3A_168 = tpu.vector_load %arg14[%parallel_loop3A_166, %parallel_loop3A_167] {strides = array<i32>} : memref<64x128xf32, #tpu.memory_space<vmem>>, vector<1x16xf32>,
        %parallel_loop3A_169 = vector.shape_cast %parallel_loop3A_168 : vector<1x16xf32> to vector<16xf32>
        %parallel_loop3A_170 = vector.shape_cast %parallel_loop3A_165 : vector<16xf32> to vector<1x16xf32>
        tpu.vector_store %arg14[%parallel_loop3A_166, %parallel_loop3A_167], %parallel_loop3A_170 {strides = array<i32>} : memref<64x128xf32, #tpu.memory_space<vmem>>, vector<1x16xf32>,
        %parallel_loop3A_171 = arith.index_cast %parallel_loop3A_142 : i32 to index
        %parallel_loop3A_172 = arith.constant 32 : index
        %parallel_loop3A_173 = tpu.vector_load %arg14[%parallel_loop3A_171, %parallel_loop3A_172] {strides = array<i32>} : memref<64x128xf32, #tpu.memory_space<vmem>>, vector<1x16xf32>,
        %parallel_loop3A_174 = vector.shape_cast %parallel_loop3A_173 : vector<1x16xf32> to vector<16xf32>
        %parallel_loop3A_175 = arith.index_cast %parallel_loop3A_142 : i32 to index
        %parallel_loop3A_176 = arith.constant 32 : index
        %parallel_loop3A_177 = tpu.vector_load %arg13[%parallel_loop3A_175, %parallel_loop3A_176] {strides = array<i32>} : memref<64x128xf32, #tpu.memory_space<vmem>>, vector<1x16xf32>,
        %parallel_loop3A_178 = vector.shape_cast %parallel_loop3A_177 : vector<1x16xf32> to vector<16xf32>
        %parallel_loop3A_179 = arith.mulf %parallel_loop3A_174, %parallel_loop3A_178 : vector<16xf32>
        %parallel_loop3A_180 = arith.index_cast %parallel_loop3A_142 : i32 to index
        %parallel_loop3A_181 = arith.constant 32 : index
        %parallel_loop3A_182 = tpu.vector_load %arg14[%parallel_loop3A_180, %parallel_loop3A_181] {strides = array<i32>} : memref<64x128xf32, #tpu.memory_space<vmem>>, vector<1x16xf32>,
        %parallel_loop3A_183 = vector.shape_cast %parallel_loop3A_182 : vector<1x16xf32> to vector<16xf32>
        %parallel_loop3A_184 = vector.shape_cast %parallel_loop3A_179 : vector<16xf32> to vector<1x16xf32>
        tpu.vector_store %arg14[%parallel_loop3A_180, %parallel_loop3A_181], %parallel_loop3A_184 {strides = array<i32>} : memref<64x128xf32, #tpu.memory_space<vmem>>, vector<1x16xf32>,
        %parallel_loop3A_185 = arith.index_cast %parallel_loop3A_142 : i32 to index
        %parallel_loop3A_186 = arith.constant 48 : index
        %parallel_loop3A_187 = tpu.vector_load %arg14[%parallel_loop3A_185, %parallel_loop3A_186] {strides = array<i32>} : memref<64x128xf32, #tpu.memory_space<vmem>>, vector<1x16xf32>,
        %parallel_loop3A_188 = vector.shape_cast %parallel_loop3A_187 : vector<1x16xf32> to vector<16xf32>
        %parallel_loop3A_189 = arith.index_cast %parallel_loop3A_142 : i32 to index
        %parallel_loop3A_190 = arith.constant 48 : index
        %parallel_loop3A_191 = tpu.vector_load %arg13[%parallel_loop3A_189, %parallel_loop3A_190] {strides = array<i32>} : memref<64x128xf32, #tpu.memory_space<vmem>>, vector<1x16xf32>,
        %parallel_loop3A_192 = vector.shape_cast %parallel_loop3A_191 : vector<1x16xf32> to vector<16xf32>
        %parallel_loop3A_193 = arith.mulf %parallel_loop3A_188, %parallel_loop3A_192 : vector<16xf32>
        %parallel_loop3A_194 = arith.index_cast %parallel_loop3A_142 : i32 to index
        %parallel_loop3A_195 = arith.constant 48 : index
        %parallel_loop3A_196 = tpu.vector_load %arg14[%parallel_loop3A_194, %parallel_loop3A_195] {strides = array<i32>} : memref<64x128xf32, #tpu.memory_space<vmem>>, vector<1x16xf32>,
        %parallel_loop3A_197 = vector.shape_cast %parallel_loop3A_196 : vector<1x16xf32> to vector<16xf32>
        %parallel_loop3A_198 = vector.shape_cast %parallel_loop3A_193 : vector<16xf32> to vector<1x16xf32>
        tpu.vector_store %arg14[%parallel_loop3A_194, %parallel_loop3A_195], %parallel_loop3A_198 {strides = array<i32>} : memref<64x128xf32, #tpu.memory_space<vmem>>, vector<1x16xf32>,
        %parallel_loop3A_199 = arith.index_cast %parallel_loop3A_142 : i32 to index
        %parallel_loop3A_200 = arith.constant 64 : index
        %parallel_loop3A_201 = tpu.vector_load %arg14[%parallel_loop3A_199, %parallel_loop3A_200] {strides = array<i32>} : memref<64x128xf32, #tpu.memory_space<vmem>>, vector<1x16xf32>,
        %parallel_loop3A_202 = vector.shape_cast %parallel_loop3A_201 : vector<1x16xf32> to vector<16xf32>
        %parallel_loop3A_203 = arith.index_cast %parallel_loop3A_142 : i32 to index
        %parallel_loop3A_204 = arith.constant 64 : index
        %parallel_loop3A_205 = tpu.vector_load %arg13[%parallel_loop3A_203, %parallel_loop3A_204] {strides = array<i32>} : memref<64x128xf32, #tpu.memory_space<vmem>>, vector<1x16xf32>,
        %parallel_loop3A_206 = vector.shape_cast %parallel_loop3A_205 : vector<1x16xf32> to vector<16xf32>
        %parallel_loop3A_207 = arith.mulf %parallel_loop3A_202, %parallel_loop3A_206 : vector<16xf32>
        %parallel_loop3A_208 = arith.index_cast %parallel_loop3A_142 : i32 to index
        %parallel_loop3A_209 = arith.constant 64 : index
        %parallel_loop3A_210 = tpu.vector_load %arg14[%parallel_loop3A_208, %parallel_loop3A_209] {strides = array<i32>} : memref<64x128xf32, #tpu.memory_space<vmem>>, vector<1x16xf32>,
        %parallel_loop3A_211 = vector.shape_cast %parallel_loop3A_210 : vector<1x16xf32> to vector<16xf32>
        %parallel_loop3A_212 = vector.shape_cast %parallel_loop3A_207 : vector<16xf32> to vector<1x16xf32>
        tpu.vector_store %arg14[%parallel_loop3A_208, %parallel_loop3A_209], %parallel_loop3A_212 {strides = array<i32>} : memref<64x128xf32, #tpu.memory_space<vmem>>, vector<1x16xf32>,
        %parallel_loop3A_213 = arith.index_cast %parallel_loop3A_142 : i32 to index
        %parallel_loop3A_214 = arith.constant 80 : index
        %parallel_loop3A_215 = tpu.vector_load %arg14[%parallel_loop3A_213, %parallel_loop3A_214] {strides = array<i32>} : memref<64x128xf32, #tpu.memory_space<vmem>>, vector<1x16xf32>,
        %parallel_loop3A_216 = vector.shape_cast %parallel_loop3A_215 : vector<1x16xf32> to vector<16xf32>
        %parallel_loop3A_217 = arith.index_cast %parallel_loop3A_142 : i32 to index
        %parallel_loop3A_218 = arith.constant 80 : index
        %parallel_loop3A_219 = tpu.vector_load %arg13[%parallel_loop3A_217, %parallel_loop3A_218] {strides = array<i32>} : memref<64x128xf32, #tpu.memory_space<vmem>>, vector<1x16xf32>,
        %parallel_loop3A_220 = vector.shape_cast %parallel_loop3A_219 : vector<1x16xf32> to vector<16xf32>
        %parallel_loop3A_221 = arith.mulf %parallel_loop3A_216, %parallel_loop3A_220 : vector<16xf32>
        %parallel_loop3A_222 = arith.index_cast %parallel_loop3A_142 : i32 to index
        %parallel_loop3A_223 = arith.constant 80 : index
        %parallel_loop3A_224 = tpu.vector_load %arg14[%parallel_loop3A_222, %parallel_loop3A_223] {strides = array<i32>} : memref<64x128xf32, #tpu.memory_space<vmem>>, vector<1x16xf32>,
        %parallel_loop3A_225 = vector.shape_cast %parallel_loop3A_224 : vector<1x16xf32> to vector<16xf32>
        %parallel_loop3A_226 = vector.shape_cast %parallel_loop3A_221 : vector<16xf32> to vector<1x16xf32>
        tpu.vector_store %arg14[%parallel_loop3A_222, %parallel_loop3A_223], %parallel_loop3A_226 {strides = array<i32>} : memref<64x128xf32, #tpu.memory_space<vmem>>, vector<1x16xf32>,
        %parallel_loop3A_227 = arith.index_cast %parallel_loop3A_142 : i32 to index
        %parallel_loop3A_228 = arith.constant 96 : index
        %parallel_loop3A_229 = tpu.vector_load %arg14[%parallel_loop3A_227, %parallel_loop3A_228] {strides = array<i32>} : memref<64x128xf32, #tpu.memory_space<vmem>>, vector<1x16xf32>,
        %parallel_loop3A_230 = vector.shape_cast %parallel_loop3A_229 : vector<1x16xf32> to vector<16xf32>
        %parallel_loop3A_231 = arith.index_cast %parallel_loop3A_142 : i32 to index
        %parallel_loop3A_232 = arith.constant 96 : index
        %parallel_loop3A_233 = tpu.vector_load %arg13[%parallel_loop3A_231, %parallel_loop3A_232] {strides = array<i32>} : memref<64x128xf32, #tpu.memory_space<vmem>>, vector<1x16xf32>,
        %parallel_loop3A_234 = vector.shape_cast %parallel_loop3A_233 : vector<1x16xf32> to vector<16xf32>
        %parallel_loop3A_235 = arith.mulf %parallel_loop3A_230, %parallel_loop3A_234 : vector<16xf32>
        %parallel_loop3A_236 = arith.index_cast %parallel_loop3A_142 : i32 to index
        %parallel_loop3A_237 = arith.constant 96 : index
        %parallel_loop3A_238 = tpu.vector_load %arg14[%parallel_loop3A_236, %parallel_loop3A_237] {strides = array<i32>} : memref<64x128xf32, #tpu.memory_space<vmem>>, vector<1x16xf32>,
        %parallel_loop3A_239 = vector.shape_cast %parallel_loop3A_238 : vector<1x16xf32> to vector<16xf32>
        %parallel_loop3A_240 = vector.shape_cast %parallel_loop3A_235 : vector<16xf32> to vector<1x16xf32>
        tpu.vector_store %arg14[%parallel_loop3A_236, %parallel_loop3A_237], %parallel_loop3A_240 {strides = array<i32>} : memref<64x128xf32, #tpu.memory_space<vmem>>, vector<1x16xf32>,
        %parallel_loop3A_241 = arith.index_cast %parallel_loop3A_142 : i32 to index
        %parallel_loop3A_242 = arith.constant 112 : index
        %parallel_loop3A_243 = tpu.vector_load %arg14[%parallel_loop3A_241, %parallel_loop3A_242] {strides = array<i32>} : memref<64x128xf32, #tpu.memory_space<vmem>>, vector<1x16xf32>,
        %parallel_loop3A_244 = vector.shape_cast %parallel_loop3A_243 : vector<1x16xf32> to vector<16xf32>
        %parallel_loop3A_245 = arith.index_cast %parallel_loop3A_142 : i32 to index
        %parallel_loop3A_246 = arith.constant 112 : index
        %parallel_loop3A_247 = tpu.vector_load %arg13[%parallel_loop3A_245, %parallel_loop3A_246] {strides = array<i32>} : memref<64x128xf32, #tpu.memory_space<vmem>>, vector<1x16xf32>,
        %parallel_loop3A_248 = vector.shape_cast %parallel_loop3A_247 : vector<1x16xf32> to vector<16xf32>
        %parallel_loop3A_249 = arith.mulf %parallel_loop3A_244, %parallel_loop3A_248 : vector<16xf32>
        %parallel_loop3A_250 = arith.index_cast %parallel_loop3A_142 : i32 to index
        %parallel_loop3A_251 = arith.constant 112 : index
        %parallel_loop3A_252 = tpu.vector_load %arg14[%parallel_loop3A_250, %parallel_loop3A_251] {strides = array<i32>} : memref<64x128xf32, #tpu.memory_space<vmem>>, vector<1x16xf32>,
        %parallel_loop3A_253 = vector.shape_cast %parallel_loop3A_252 : vector<1x16xf32> to vector<16xf32>
        %parallel_loop3A_254 = vector.shape_cast %parallel_loop3A_249 : vector<16xf32> to vector<1x16xf32>
        tpu.vector_store %arg14[%parallel_loop3A_250, %parallel_loop3A_251], %parallel_loop3A_254 {strides = array<i32>} : memref<64x128xf32, #tpu.memory_space<vmem>>, vector<1x16xf32>,
      } {sc.loop_unroll_factor = 4 : i64, sc.parallel_access}
      "tpu.region"() ({
        %run_scoped3A = tpu.sem_alloc : memref<!tpu.dma_semaphore, #tpu.memory_space<semaphore_mem>>
        %dma_start3A_142 = arith.constant 0 : i32
        %dma_start3A_143 = arith.constant 0 : i32
        %dma_start3A_144 = tpu.memref_slice %arg15[%dma_start3A_142, %dma_start3A_143] : memref<10240x128xf32, #tpu.memory_space<vmem_shared>> -> memref<10240x128xf32, #tpu.memory_space<vmem_shared>>
        tpu.enqueue_indirect_dma source(%arg14 : memref<64x128xf32, #tpu.memory_space<vmem>>) target(%dma_start3A_144 : memref<10240x128xf32, #tpu.memory_space<vmem_shared>>) offsets(%arg10 : memref<64xi32, #tpu.memory_space<vmem>>) semaphore(%run_scoped3A : memref<!tpu.dma_semaphore, #tpu.memory_space<semaphore_mem>>) {add = true}
        %dma_wait3A_145 = arith.constant 0 : i32
        %dma_wait3A_146 = arith.constant 0 : i32
        %dma_wait3A_147 = tpu.memref_slice %arg15[%dma_wait3A_145, %dma_wait3A_146] : memref<10240x128xf32, #tpu.memory_space<vmem_shared>> -> memref<10240x128xf32, #tpu.memory_space<vmem_shared>>
        tpu.wait_indirect_dma semaphore(%run_scoped3A : memref<!tpu.dma_semaphore, #tpu.memory_space<semaphore_mem>>) src(%arg14 : memref<64x128xf32, #tpu.memory_space<vmem>>) dst(%dma_wait3A_147 : memref<10240x128xf32, #tpu.memory_space<vmem_shared>>)
        tpu.yield
      }) : () -> ()
      %add3A_136 = arith.constant 1 : i32
      %add3A_137 = arith.addi %while3A_81, %add3A_136 : i32
      %lt3A_138 = arith.cmpi slt, %add3A_137, %select_n3A_8 : i32
      %convert_element_type3A_139 = arith.extui %lt3A_138 : i1 to i32
      %cond3A_140 = arith.constant 0 : i32
      %cond3A_141 = arith.cmpi ne, %convert_element_type3A_139, %cond3A_140 : i32
      scf.if %cond3A_141 {
        %add3A_142 = arith.constant 3 : i32
        %add3A_143 = arith.addi %mul3A_83, %add3A_142 : i32
        %mul3A_144 = arith.constant 64 : i32
        %mul3A_145 = arith.muli %add3A_143, %mul3A_144 : i32
        %add3A_146 = arith.addi %select_n3A, %mul3A_145 : i32
        %multiple_of3A_147 = tpu.assume_multiple %add3A_146, 64 : i32
        %dma_start3A_148 = tpu.memref_slice %arg4[%multiple_of3A_147] : memref<327680xi32, #tpu.memory_space<hbm>> -> memref<64xi32, #tpu.memory_space<hbm>>
        %dma_start3A_149 = tpu.memref_slice %arg4[%multiple_of3A_147] : memref<327680xi32, #tpu.memory_space<hbm>> -> memref<64xi32, #tpu.memory_space<hbm>>
        tpu.enqueue_dma source(%dma_start3A_149 : memref<64xi32, #tpu.memory_space<hbm>>) target(%arg9 : memref<64xi32, #tpu.memory_space<vmem>>) target_semaphore(%arg17 : memref<!tpu.dma_semaphore, #tpu.memory_space<semaphore_mem>>)
        %mul3A_150 = arith.constant 64 : i32
        %mul3A_151 = arith.muli %add3A_143, %mul3A_150 : i32
        %add3A_152 = arith.addi %select_n3A, %mul3A_151 : i32
        %multiple_of3A_153 = tpu.assume_multiple %add3A_152, 64 : i32
        %dma_start3A_154 = tpu.memref_slice %arg5[%multiple_of3A_153] : memref<327680xi32, #tpu.memory_space<hbm>> -> memref<64xi32, #tpu.memory_space<hbm>>
        %dma_start3A_155 = tpu.memref_slice %arg5[%multiple_of3A_153] : memref<327680xi32, #tpu.memory_space<hbm>> -> memref<64xi32, #tpu.memory_space<hbm>>
        tpu.enqueue_dma source(%dma_start3A_155 : memref<64xi32, #tpu.memory_space<hbm>>) target(%arg10 : memref<64xi32, #tpu.memory_space<vmem>>) target_semaphore(%arg17 : memref<!tpu.dma_semaphore, #tpu.memory_space<semaphore_mem>>)
      } else {
      }
    }
    %while3A_79 = arith.constant 1 : i32
    scf.for %while3A_81 = %while3A_77 to %while3A_73 step %while3A_79  : i32 {
      %mul3A_82 = arith.constant 2 : i32
      %mul3A_83 = arith.muli %mul3A_82, %while3A_81 : i32
      %add3A_84 = arith.constant 0 : i32
      %add3A_85 = arith.addi %select_n3A, %add3A_84 : i32
      %multiple_of3A_86 = tpu.assume_multiple %add3A_85, 64 : i32
      %dma_wait3A_87 = tpu.memref_slice %arg4[%multiple_of3A_86] : memref<327680xi32, #tpu.memory_space<hbm>> -> memref<64xi32, #tpu.memory_space<hbm>>
      %dma_wait3A_88 = tpu.memref_slice %arg4[%multiple_of3A_86] : memref<327680xi32, #tpu.memory_space<hbm>> -> memref<64xi32, #tpu.memory_space<hbm>>
      tpu.wait_dma2 semaphore(%arg17 : memref<!tpu.dma_semaphore, #tpu.memory_space<semaphore_mem>>) src(%dma_wait3A_88 : memref<64xi32, #tpu.memory_space<hbm>>) dst(%arg9 : memref<64xi32, #tpu.memory_space<vmem>>)
      %add3A_89 = arith.constant 0 : i32
      %add3A_90 = arith.addi %select_n3A, %add3A_89 : i32
      %multiple_of3A_91 = tpu.assume_multiple %add3A_90, 64 : i32
      %dma_wait3A_92 = tpu.memref_slice %arg5[%multiple_of3A_91] : memref<327680xi32, #tpu.memory_space<hbm>> -> memref<64xi32, #tpu.memory_space<hbm>>
      %dma_wait3A_93 = tpu.memref_slice %arg5[%multiple_of3A_91] : memref<327680xi32, #tpu.memory_space<hbm>> -> memref<64xi32, #tpu.memory_space<hbm>>
      tpu.wait_dma2 semaphore(%arg17 : memref<!tpu.dma_semaphore, #tpu.memory_space<semaphore_mem>>) src(%dma_wait3A_93 : memref<64xi32, #tpu.memory_space<hbm>>) dst(%arg10 : memref<64xi32, #tpu.memory_space<vmem>>)
      %add3A_94 = arith.constant 1 : i32
      %add3A_95 = arith.addi %mul3A_83, %add3A_94 : i32
      %dma_start3A_96 = arith.constant 0 : i32
      %dma_start3A_97 = arith.constant 0 : i32
      %dma_start3A_98 = tpu.memref_slice %arg2[%dma_start3A_96, %dma_start3A_97] : memref<10240x128xf32, #tpu.memory_space<hbm>> -> memref<10240x128xf32, #tpu.memory_space<hbm>>
      tpu.enqueue_indirect_dma source(%dma_start3A_98 : memref<10240x128xf32, #tpu.memory_space<hbm>>) target(%arg13 : memref<64x128xf32, #tpu.memory_space<vmem>>) offsets(%arg9 : memref<64xi32, #tpu.memory_space<vmem>>) semaphore(%arg19 : memref<!tpu.dma_semaphore, #tpu.memory_space<semaphore_mem>>)
      %mul3A_99 = arith.constant 64 : i32
      %mul3A_100 = arith.muli %add3A_95, %mul3A_99 : i32
      %add3A_101 = arith.addi %select_n3A, %mul3A_100 : i32
      %multiple_of3A_102 = tpu.assume_multiple %add3A_101, 64 : i32
      %dma_start3A_103 = arith.constant 0 : i32
      %dma_start3A_104 = tpu.memref_slice %arg3[%multiple_of3A_102, %dma_start3A_103] : memref<327680x128xf32, #tpu.memory_space<hbm>> -> memref<64x128xf32, #tpu.memory_space<hbm>>
      %dma_start3A_105 = arith.constant 0 : i32
      %dma_start3A_106 = tpu.memref_slice %arg3[%multiple_of3A_102, %dma_start3A_105] : memref<327680x128xf32, #tpu.memory_space<hbm>> -> memref<64x128xf32, #tpu.memory_space<hbm>>
      tpu.enqueue_dma source(%dma_start3A_106 : memref<64x128xf32, #tpu.memory_space<hbm>>) target(%arg14 : memref<64x128xf32, #tpu.memory_space<vmem>>) target_semaphore(%arg21 : memref<!tpu.dma_semaphore, #tpu.memory_space<semaphore_mem>>)
      %dma_wait3A_107 = arith.constant 0 : i32
      %dma_wait3A_108 = arith.constant 0 : i32
      %dma_wait3A_109 = tpu.memref_slice %arg2[%dma_wait3A_107, %dma_wait3A_108] : memref<10240x128xf32, #tpu.memory_space<hbm>> -> memref<10240x128xf32, #tpu.memory_space<hbm>>
      tpu.wait_indirect_dma semaphore(%arg18 : memref<!tpu.dma_semaphore, #tpu.memory_space<semaphore_mem>>) src(%dma_wait3A_109 : memref<10240x128xf32, #tpu.memory_space<hbm>>) dst(%arg11 : memref<64x128xf32, #tpu.memory_space<vmem>>)
      %add3A_110 = arith.constant 0 : i32
      %add3A_111 = arith.addi %select_n3A, %add3A_110 : i32
      %multiple_of3A_112 = tpu.assume_multiple %add3A_111, 64 : i32
      %dma_wait3A_113 = arith.constant 0 : i32
      %dma_wait3A_114 = tpu.memref_slice %arg3[%multiple_of3A_112, %dma_wait3A_113] : memref<327680x128xf32, #tpu.memory_space<hbm>> -> memref<64x128xf32, #tpu.memory_space<hbm>>
      %dma_wait3A_115 = arith.constant 0 : i32
      %dma_wait3A_116 = tpu.memref_slice %arg3[%multiple_of3A_112, %dma_wait3A_115] : memref<327680x128xf32, #tpu.memory_space<hbm>> -> memref<64x128xf32, #tpu.memory_space<hbm>>
      tpu.wait_dma2 semaphore(%arg20 : memref<!tpu.dma_semaphore, #tpu.memory_space<semaphore_mem>>) src(%dma_wait3A_116 : memref<64x128xf32, #tpu.memory_space<hbm>>) dst(%arg12 : memref<64x128xf32, #tpu.memory_space<vmem>>)
      %parallel_loop3A_117 = arith.constant 0 : i32
      %parallel_loop3A_118 = arith.constant 64 : i32
      %parallel_loop3A_119 = arith.constant 1 : i32
      scf.for %parallel_loop3A_142 = %parallel_loop3A_117 to %parallel_loop3A_118 step %parallel_loop3A_119  : i32 {
        %parallel_loop3A_143 = arith.index_cast %parallel_loop3A_142 : i32 to index
        %parallel_loop3A_144 = arith.constant 0 : index
        %parallel_loop3A_145 = tpu.vector_load %arg12[%parallel_loop3A_143, %parallel_loop3A_144] {strides = array<i32>} : memref<64x128xf32, #tpu.memory_space<vmem>>, vector<1x16xf32>,
        %parallel_loop3A_146 = vector.shape_cast %parallel_loop3A_145 : vector<1x16xf32> to vector<16xf32>
        %parallel_loop3A_147 = arith.index_cast %parallel_loop3A_142 : i32 to index
        %parallel_loop3A_148 = arith.constant 0 : index
        %parallel_loop3A_149 = tpu.vector_load %arg11[%parallel_loop3A_147, %parallel_loop3A_148] {strides = array<i32>} : memref<64x128xf32, #tpu.memory_space<vmem>>, vector<1x16xf32>,
        %parallel_loop3A_150 = vector.shape_cast %parallel_loop3A_149 : vector<1x16xf32> to vector<16xf32>
        %parallel_loop3A_151 = arith.mulf %parallel_loop3A_146, %parallel_loop3A_150 : vector<16xf32>
        %parallel_loop3A_152 = arith.index_cast %parallel_loop3A_142 : i32 to index
        %parallel_loop3A_153 = arith.constant 0 : index
        %parallel_loop3A_154 = tpu.vector_load %arg12[%parallel_loop3A_152, %parallel_loop3A_153] {strides = array<i32>} : memref<64x128xf32, #tpu.memory_space<vmem>>, vector<1x16xf32>,
        %parallel_loop3A_155 = vector.shape_cast %parallel_loop3A_154 : vector<1x16xf32> to vector<16xf32>
        %parallel_loop3A_156 = vector.shape_cast %parallel_loop3A_151 : vector<16xf32> to vector<1x16xf32>
        tpu.vector_store %arg12[%parallel_loop3A_152, %parallel_loop3A_153], %parallel_loop3A_156 {strides = array<i32>} : memref<64x128xf32, #tpu.memory_space<vmem>>, vector<1x16xf32>,
        %parallel_loop3A_157 = arith.index_cast %parallel_loop3A_142 : i32 to index
        %parallel_loop3A_158 = arith.constant 16 : index
        %parallel_loop3A_159 = tpu.vector_load %arg12[%parallel_loop3A_157, %parallel_loop3A_158] {strides = array<i32>} : memref<64x128xf32, #tpu.memory_space<vmem>>, vector<1x16xf32>,
        %parallel_loop3A_160 = vector.shape_cast %parallel_loop3A_159 : vector<1x16xf32> to vector<16xf32>
        %parallel_loop3A_161 = arith.index_cast %parallel_loop3A_142 : i32 to index
        %parallel_loop3A_162 = arith.constant 16 : index
        %parallel_loop3A_163 = tpu.vector_load %arg11[%parallel_loop3A_161, %parallel_loop3A_162] {strides = array<i32>} : memref<64x128xf32, #tpu.memory_space<vmem>>, vector<1x16xf32>,
        %parallel_loop3A_164 = vector.shape_cast %parallel_loop3A_163 : vector<1x16xf32> to vector<16xf32>
        %parallel_loop3A_165 = arith.mulf %parallel_loop3A_160, %parallel_loop3A_164 : vector<16xf32>
        %parallel_loop3A_166 = arith.index_cast %parallel_loop3A_142 : i32 to index
        %parallel_loop3A_167 = arith.constant 16 : index
        %parallel_loop3A_168 = tpu.vector_load %arg12[%parallel_loop3A_166, %parallel_loop3A_167] {strides = array<i32>} : memref<64x128xf32, #tpu.memory_space<vmem>>, vector<1x16xf32>,
        %parallel_loop3A_169 = vector.shape_cast %parallel_loop3A_168 : vector<1x16xf32> to vector<16xf32>
        %parallel_loop3A_170 = vector.shape_cast %parallel_loop3A_165 : vector<16xf32> to vector<1x16xf32>
        tpu.vector_store %arg12[%parallel_loop3A_166, %parallel_loop3A_167], %parallel_loop3A_170 {strides = array<i32>} : memref<64x128xf32, #tpu.memory_space<vmem>>, vector<1x16xf32>,
        %parallel_loop3A_171 = arith.index_cast %parallel_loop3A_142 : i32 to index
        %parallel_loop3A_172 = arith.constant 32 : index
        %parallel_loop3A_173 = tpu.vector_load %arg12[%parallel_loop3A_171, %parallel_loop3A_172] {strides = array<i32>} : memref<64x128xf32, #tpu.memory_space<vmem>>, vector<1x16xf32>,
        %parallel_loop3A_174 = vector.shape_cast %parallel_loop3A_173 : vector<1x16xf32> to vector<16xf32>
        %parallel_loop3A_175 = arith.index_cast %parallel_loop3A_142 : i32 to index
        %parallel_loop3A_176 = arith.constant 32 : index
        %parallel_loop3A_177 = tpu.vector_load %arg11[%parallel_loop3A_175, %parallel_loop3A_176] {strides = array<i32>} : memref<64x128xf32, #tpu.memory_space<vmem>>, vector<1x16xf32>,
        %parallel_loop3A_178 = vector.shape_cast %parallel_loop3A_177 : vector<1x16xf32> to vector<16xf32>
        %parallel_loop3A_179 = arith.mulf %parallel_loop3A_174, %parallel_loop3A_178 : vector<16xf32>
        %parallel_loop3A_180 = arith.index_cast %parallel_loop3A_142 : i32 to index
        %parallel_loop3A_181 = arith.constant 32 : index
        %parallel_loop3A_182 = tpu.vector_load %arg12[%parallel_loop3A_180, %parallel_loop3A_181] {strides = array<i32>} : memref<64x128xf32, #tpu.memory_space<vmem>>, vector<1x16xf32>,
        %parallel_loop3A_183 = vector.shape_cast %parallel_loop3A_182 : vector<1x16xf32> to vector<16xf32>
        %parallel_loop3A_184 = vector.shape_cast %parallel_loop3A_179 : vector<16xf32> to vector<1x16xf32>
        tpu.vector_store %arg12[%parallel_loop3A_180, %parallel_loop3A_181], %parallel_loop3A_184 {strides = array<i32>} : memref<64x128xf32, #tpu.memory_space<vmem>>, vector<1x16xf32>,
        %parallel_loop3A_185 = arith.index_cast %parallel_loop3A_142 : i32 to index
        %parallel_loop3A_186 = arith.constant 48 : index
        %parallel_loop3A_187 = tpu.vector_load %arg12[%parallel_loop3A_185, %parallel_loop3A_186] {strides = array<i32>} : memref<64x128xf32, #tpu.memory_space<vmem>>, vector<1x16xf32>,
        %parallel_loop3A_188 = vector.shape_cast %parallel_loop3A_187 : vector<1x16xf32> to vector<16xf32>
        %parallel_loop3A_189 = arith.index_cast %parallel_loop3A_142 : i32 to index
        %parallel_loop3A_190 = arith.constant 48 : index
        %parallel_loop3A_191 = tpu.vector_load %arg11[%parallel_loop3A_189, %parallel_loop3A_190] {strides = array<i32>} : memref<64x128xf32, #tpu.memory_space<vmem>>, vector<1x16xf32>,
        %parallel_loop3A_192 = vector.shape_cast %parallel_loop3A_191 : vector<1x16xf32> to vector<16xf32>
        %parallel_loop3A_193 = arith.mulf %parallel_loop3A_188, %parallel_loop3A_192 : vector<16xf32>
        %parallel_loop3A_194 = arith.index_cast %parallel_loop3A_142 : i32 to index
        %parallel_loop3A_195 = arith.constant 48 : index
        %parallel_loop3A_196 = tpu.vector_load %arg12[%parallel_loop3A_194, %parallel_loop3A_195] {strides = array<i32>} : memref<64x128xf32, #tpu.memory_space<vmem>>, vector<1x16xf32>,
        %parallel_loop3A_197 = vector.shape_cast %parallel_loop3A_196 : vector<1x16xf32> to vector<16xf32>
        %parallel_loop3A_198 = vector.shape_cast %parallel_loop3A_193 : vector<16xf32> to vector<1x16xf32>
        tpu.vector_store %arg12[%parallel_loop3A_194, %parallel_loop3A_195], %parallel_loop3A_198 {strides = array<i32>} : memref<64x128xf32, #tpu.memory_space<vmem>>, vector<1x16xf32>,
        %parallel_loop3A_199 = arith.index_cast %parallel_loop3A_142 : i32 to index
        %parallel_loop3A_200 = arith.constant 64 : index
        %parallel_loop3A_201 = tpu.vector_load %arg12[%parallel_loop3A_199, %parallel_loop3A_200] {strides = array<i32>} : memref<64x128xf32, #tpu.memory_space<vmem>>, vector<1x16xf32>,
        %parallel_loop3A_202 = vector.shape_cast %parallel_loop3A_201 : vector<1x16xf32> to vector<16xf32>
        %parallel_loop3A_203 = arith.index_cast %parallel_loop3A_142 : i32 to index
        %parallel_loop3A_204 = arith.constant 64 : index
        %parallel_loop3A_205 = tpu.vector_load %arg11[%parallel_loop3A_203, %parallel_loop3A_204] {strides = array<i32>} : memref<64x128xf32, #tpu.memory_space<vmem>>, vector<1x16xf32>,
        %parallel_loop3A_206 = vector.shape_cast %parallel_loop3A_205 : vector<1x16xf32> to vector<16xf32>
        %parallel_loop3A_207 = arith.mulf %parallel_loop3A_202, %parallel_loop3A_206 : vector<16xf32>
        %parallel_loop3A_208 = arith.index_cast %parallel_loop3A_142 : i32 to index
        %parallel_loop3A_209 = arith.constant 64 : index
        %parallel_loop3A_210 = tpu.vector_load %arg12[%parallel_loop3A_208, %parallel_loop3A_209] {strides = array<i32>} : memref<64x128xf32, #tpu.memory_space<vmem>>, vector<1x16xf32>,
        %parallel_loop3A_211 = vector.shape_cast %parallel_loop3A_210 : vector<1x16xf32> to vector<16xf32>
        %parallel_loop3A_212 = vector.shape_cast %parallel_loop3A_207 : vector<16xf32> to vector<1x16xf32>
        tpu.vector_store %arg12[%parallel_loop3A_208, %parallel_loop3A_209], %parallel_loop3A_212 {strides = array<i32>} : memref<64x128xf32, #tpu.memory_space<vmem>>, vector<1x16xf32>,
        %parallel_loop3A_213 = arith.index_cast %parallel_loop3A_142 : i32 to index
        %parallel_loop3A_214 = arith.constant 80 : index
        %parallel_loop3A_215 = tpu.vector_load %arg12[%parallel_loop3A_213, %parallel_loop3A_214] {strides = array<i32>} : memref<64x128xf32, #tpu.memory_space<vmem>>, vector<1x16xf32>,
        %parallel_loop3A_216 = vector.shape_cast %parallel_loop3A_215 : vector<1x16xf32> to vector<16xf32>
        %parallel_loop3A_217 = arith.index_cast %parallel_loop3A_142 : i32 to index
        %parallel_loop3A_218 = arith.constant 80 : index
        %parallel_loop3A_219 = tpu.vector_load %arg11[%parallel_loop3A_217, %parallel_loop3A_218] {strides = array<i32>} : memref<64x128xf32, #tpu.memory_space<vmem>>, vector<1x16xf32>,
        %parallel_loop3A_220 = vector.shape_cast %parallel_loop3A_219 : vector<1x16xf32> to vector<16xf32>
        %parallel_loop3A_221 = arith.mulf %parallel_loop3A_216, %parallel_loop3A_220 : vector<16xf32>
        %parallel_loop3A_222 = arith.index_cast %parallel_loop3A_142 : i32 to index
        %parallel_loop3A_223 = arith.constant 80 : index
        %parallel_loop3A_224 = tpu.vector_load %arg12[%parallel_loop3A_222, %parallel_loop3A_223] {strides = array<i32>} : memref<64x128xf32, #tpu.memory_space<vmem>>, vector<1x16xf32>,
        %parallel_loop3A_225 = vector.shape_cast %parallel_loop3A_224 : vector<1x16xf32> to vector<16xf32>
        %parallel_loop3A_226 = vector.shape_cast %parallel_loop3A_221 : vector<16xf32> to vector<1x16xf32>
        tpu.vector_store %arg12[%parallel_loop3A_222, %parallel_loop3A_223], %parallel_loop3A_226 {strides = array<i32>} : memref<64x128xf32, #tpu.memory_space<vmem>>, vector<1x16xf32>,
        %parallel_loop3A_227 = arith.index_cast %parallel_loop3A_142 : i32 to index
        %parallel_loop3A_228 = arith.constant 96 : index
        %parallel_loop3A_229 = tpu.vector_load %arg12[%parallel_loop3A_227, %parallel_loop3A_228] {strides = array<i32>} : memref<64x128xf32, #tpu.memory_space<vmem>>, vector<1x16xf32>,
        %parallel_loop3A_230 = vector.shape_cast %parallel_loop3A_229 : vector<1x16xf32> to vector<16xf32>
        %parallel_loop3A_231 = arith.index_cast %parallel_loop3A_142 : i32 to index
        %parallel_loop3A_232 = arith.constant 96 : index
        %parallel_loop3A_233 = tpu.vector_load %arg11[%parallel_loop3A_231, %parallel_loop3A_232] {strides = array<i32>} : memref<64x128xf32, #tpu.memory_space<vmem>>, vector<1x16xf32>,
        %parallel_loop3A_234 = vector.shape_cast %parallel_loop3A_233 : vector<1x16xf32> to vector<16xf32>
        %parallel_loop3A_235 = arith.mulf %parallel_loop3A_230, %parallel_loop3A_234 : vector<16xf32>
        %parallel_loop3A_236 = arith.index_cast %parallel_loop3A_142 : i32 to index
        %parallel_loop3A_237 = arith.constant 96 : index
        %parallel_loop3A_238 = tpu.vector_load %arg12[%parallel_loop3A_236, %parallel_loop3A_237] {strides = array<i32>} : memref<64x128xf32, #tpu.memory_space<vmem>>, vector<1x16xf32>,
        %parallel_loop3A_239 = vector.shape_cast %parallel_loop3A_238 : vector<1x16xf32> to vector<16xf32>
        %parallel_loop3A_240 = vector.shape_cast %parallel_loop3A_235 : vector<16xf32> to vector<1x16xf32>
        tpu.vector_store %arg12[%parallel_loop3A_236, %parallel_loop3A_237], %parallel_loop3A_240 {strides = array<i32>} : memref<64x128xf32, #tpu.memory_space<vmem>>, vector<1x16xf32>,
        %parallel_loop3A_241 = arith.index_cast %parallel_loop3A_142 : i32 to index
        %parallel_loop3A_242 = arith.constant 112 : index
        %parallel_loop3A_243 = tpu.vector_load %arg12[%parallel_loop3A_241, %parallel_loop3A_242] {strides = array<i32>} : memref<64x128xf32, #tpu.memory_space<vmem>>, vector<1x16xf32>,
        %parallel_loop3A_244 = vector.shape_cast %parallel_loop3A_243 : vector<1x16xf32> to vector<16xf32>
        %parallel_loop3A_245 = arith.index_cast %parallel_loop3A_142 : i32 to index
        %parallel_loop3A_246 = arith.constant 112 : index
        %parallel_loop3A_247 = tpu.vector_load %arg11[%parallel_loop3A_245, %parallel_loop3A_246] {strides = array<i32>} : memref<64x128xf32, #tpu.memory_space<vmem>>, vector<1x16xf32>,
        %parallel_loop3A_248 = vector.shape_cast %parallel_loop3A_247 : vector<1x16xf32> to vector<16xf32>
        %parallel_loop3A_249 = arith.mulf %parallel_loop3A_244, %parallel_loop3A_248 : vector<16xf32>
        %parallel_loop3A_250 = arith.index_cast %parallel_loop3A_142 : i32 to index
        %parallel_loop3A_251 = arith.constant 112 : index
        %parallel_loop3A_252 = tpu.vector_load %arg12[%parallel_loop3A_250, %parallel_loop3A_251] {strides = array<i32>} : memref<64x128xf32, #tpu.memory_space<vmem>>, vector<1x16xf32>,
        %parallel_loop3A_253 = vector.shape_cast %parallel_loop3A_252 : vector<1x16xf32> to vector<16xf32>
        %parallel_loop3A_254 = vector.shape_cast %parallel_loop3A_249 : vector<16xf32> to vector<1x16xf32>
        tpu.vector_store %arg12[%parallel_loop3A_250, %parallel_loop3A_251], %parallel_loop3A_254 {strides = array<i32>} : memref<64x128xf32, #tpu.memory_space<vmem>>, vector<1x16xf32>,
      } {sc.loop_unroll_factor = 4 : i64, sc.parallel_access}
      "tpu.region"() ({
        %run_scoped3A = tpu.sem_alloc : memref<!tpu.dma_semaphore, #tpu.memory_space<semaphore_mem>>
        %dma_start3A_142 = arith.constant 0 : i32
        %dma_start3A_143 = arith.constant 0 : i32
        %dma_start3A_144 = tpu.memref_slice %arg15[%dma_start3A_142, %dma_start3A_143] : memref<10240x128xf32, #tpu.memory_space<vmem_shared>> -> memref<10240x128xf32, #tpu.memory_space<vmem_shared>>
        tpu.enqueue_indirect_dma source(%arg12 : memref<64x128xf32, #tpu.memory_space<vmem>>) target(%dma_start3A_144 : memref<10240x128xf32, #tpu.memory_space<vmem_shared>>) offsets(%arg8 : memref<64xi32, #tpu.memory_space<vmem>>) semaphore(%run_scoped3A : memref<!tpu.dma_semaphore, #tpu.memory_space<semaphore_mem>>) {add = true}
        %dma_wait3A_145 = arith.constant 0 : i32
        %dma_wait3A_146 = arith.constant 0 : i32
        %dma_wait3A_147 = tpu.memref_slice %arg15[%dma_wait3A_145, %dma_wait3A_146] : memref<10240x128xf32, #tpu.memory_space<vmem_shared>> -> memref<10240x128xf32, #tpu.memory_space<vmem_shared>>
        tpu.wait_indirect_dma semaphore(%run_scoped3A : memref<!tpu.dma_semaphore, #tpu.memory_space<semaphore_mem>>) src(%arg12 : memref<64x128xf32, #tpu.memory_space<vmem>>) dst(%dma_wait3A_147 : memref<10240x128xf32, #tpu.memory_space<vmem_shared>>)
        tpu.yield
      }) : () -> ()
      %add3A_120 = arith.constant 1 : i32
      %add3A_121 = arith.addi %while3A_81, %add3A_120 : i32
      %lt3A = arith.cmpi slt, %add3A_121, %select_n3A_8 : i32
      %convert_element_type3A = arith.extui %lt3A : i1 to i32
      %cond3A = arith.constant 0 : i32
      %cond3A_122 = arith.cmpi ne, %convert_element_type3A, %cond3A : i32
      scf.if %cond3A_122 {
        %add3A_142 = arith.constant 2 : i32
        %add3A_143 = arith.addi %mul3A_83, %add3A_142 : i32
        %mul3A_144 = arith.constant 64 : i32
        %mul3A_145 = arith.muli %add3A_143, %mul3A_144 : i32
        %add3A_146 = arith.addi %select_n3A, %mul3A_145 : i32
        %multiple_of3A_147 = tpu.assume_multiple %add3A_146, 64 : i32
        %dma_start3A_148 = tpu.memref_slice %arg4[%multiple_of3A_147] : memref<327680xi32, #tpu.memory_space<hbm>> -> memref<64xi32, #tpu.memory_space<hbm>>
        %dma_start3A_149 = tpu.memref_slice %arg4[%multiple_of3A_147] : memref<327680xi32, #tpu.memory_space<hbm>> -> memref<64xi32, #tpu.memory_space<hbm>>
        tpu.enqueue_dma source(%dma_start3A_149 : memref<64xi32, #tpu.memory_space<hbm>>) target(%arg7 : memref<64xi32, #tpu.memory_space<vmem>>) target_semaphore(%arg16 : memref<!tpu.dma_semaphore, #tpu.memory_space<semaphore_mem>>)
        %mul3A_150 = arith.constant 64 : i32
        %mul3A_151 = arith.muli %add3A_143, %mul3A_150 : i32
        %add3A_152 = arith.addi %select_n3A, %mul3A_151 : i32
        %multiple_of3A_153 = tpu.assume_multiple %add3A_152, 64 : i32
        %dma_start3A_154 = tpu.memref_slice %arg5[%multiple_of3A_153] : memref<327680xi32, #tpu.memory_space<hbm>> -> memref<64xi32, #tpu.memory_space<hbm>>
        %dma_start3A_155 = tpu.memref_slice %arg5[%multiple_of3A_153] : memref<327680xi32, #tpu.memory_space<hbm>> -> memref<64xi32, #tpu.memory_space<hbm>>
        tpu.enqueue_dma source(%dma_start3A_155 : memref<64xi32, #tpu.memory_space<hbm>>) target(%arg8 : memref<64xi32, #tpu.memory_space<vmem>>) target_semaphore(%arg16 : memref<!tpu.dma_semaphore, #tpu.memory_space<semaphore_mem>>)
        %add3A_156 = arith.constant 0 : i32
        %add3A_157 = arith.addi %select_n3A, %add3A_156 : i32
        %multiple_of3A_158 = tpu.assume_multiple %add3A_157, 64 : i32
        %dma_wait3A_159 = tpu.memref_slice %arg4[%multiple_of3A_158] : memref<327680xi32, #tpu.memory_space<hbm>> -> memref<64xi32, #tpu.memory_space<hbm>>
        %dma_wait3A_160 = tpu.memref_slice %arg4[%multiple_of3A_158] : memref<327680xi32, #tpu.memory_space<hbm>> -> memref<64xi32, #tpu.memory_space<hbm>>
        tpu.wait_dma2 semaphore(%arg16 : memref<!tpu.dma_semaphore, #tpu.memory_space<semaphore_mem>>) src(%dma_wait3A_160 : memref<64xi32, #tpu.memory_space<hbm>>) dst(%arg7 : memref<64xi32, #tpu.memory_space<vmem>>)
        %add3A_161 = arith.constant 0 : i32
        %add3A_162 = arith.addi %select_n3A, %add3A_161 : i32
        %multiple_of3A_163 = tpu.assume_multiple %add3A_162, 64 : i32
        %dma_wait3A_164 = tpu.memref_slice %arg5[%multiple_of3A_163] : memref<327680xi32, #tpu.memory_space<hbm>> -> memref<64xi32, #tpu.memory_space<hbm>>
        %dma_wait3A_165 = tpu.memref_slice %arg5[%multiple_of3A_163] : memref<327680xi32, #tpu.memory_space<hbm>> -> memref<64xi32, #tpu.memory_space<hbm>>
        tpu.wait_dma2 semaphore(%arg16 : memref<!tpu.dma_semaphore, #tpu.memory_space<semaphore_mem>>) src(%dma_wait3A_165 : memref<64xi32, #tpu.memory_space<hbm>>) dst(%arg8 : memref<64xi32, #tpu.memory_space<vmem>>)
        %add3A_166 = arith.constant 2 : i32
        %add3A_167 = arith.addi %mul3A_83, %add3A_166 : i32
        %dma_start3A_168 = arith.constant 0 : i32
        %dma_start3A_169 = arith.constant 0 : i32
        %dma_start3A_170 = tpu.memref_slice %arg2[%dma_start3A_168, %dma_start3A_169] : memref<10240x128xf32, #tpu.memory_space<hbm>> -> memref<10240x128xf32, #tpu.memory_space<hbm>>
        tpu.enqueue_indirect_dma source(%dma_start3A_170 : memref<10240x128xf32, #tpu.memory_space<hbm>>) target(%arg11 : memref<64x128xf32, #tpu.memory_space<vmem>>) offsets(%arg7 : memref<64xi32, #tpu.memory_space<vmem>>) semaphore(%arg18 : memref<!tpu.dma_semaphore, #tpu.memory_space<semaphore_mem>>)
        %mul3A_171 = arith.constant 64 : i32
        %mul3A_172 = arith.muli %add3A_167, %mul3A_171 : i32
        %add3A_173 = arith.addi %select_n3A, %mul3A_172 : i32
        %multiple_of3A_174 = tpu.assume_multiple %add3A_173, 64 : i32
        %dma_start3A_175 = arith.constant 0 : i32
        %dma_start3A_176 = tpu.memref_slice %arg3[%multiple_of3A_174, %dma_start3A_175] : memref<327680x128xf32, #tpu.memory_space<hbm>> -> memref<64x128xf32, #tpu.memory_space<hbm>>
        %dma_start3A_177 = arith.constant 0 : i32
        %dma_start3A_178 = tpu.memref_slice %arg3[%multiple_of3A_174, %dma_start3A_177] : memref<327680x128xf32, #tpu.memory_space<hbm>> -> memref<64x128xf32, #tpu.memory_space<hbm>>
        tpu.enqueue_dma source(%dma_start3A_178 : memref<64x128xf32, #tpu.memory_space<hbm>>) target(%arg12 : memref<64x128xf32, #tpu.memory_space<vmem>>) target_semaphore(%arg20 : memref<!tpu.dma_semaphore, #tpu.memory_space<semaphore_mem>>)
      } else {
      }
      %dma_wait3A_123 = arith.constant 0 : i32
      %dma_wait3A_124 = arith.constant 0 : i32
      %dma_wait3A_125 = tpu.memref_slice %arg2[%dma_wait3A_123, %dma_wait3A_124] : memref<10240x128xf32, #tpu.memory_space<hbm>> -> memref<10240x128xf32, #tpu.memory_space<hbm>>
      tpu.wait_indirect_dma semaphore(%arg19 : memref<!tpu.dma_semaphore, #tpu.memory_space<semaphore_mem>>) src(%dma_wait3A_125 : memref<10240x128xf32, #tpu.memory_space<hbm>>) dst(%arg13 : memref<64x128xf32, #tpu.memory_space<vmem>>)
      %add3A_126 = arith.constant 0 : i32
      %add3A_127 = arith.addi %select_n3A, %add3A_126 : i32
      %multiple_of3A_128 = tpu.assume_multiple %add3A_127, 64 : i32
      %dma_wait3A_129 = arith.constant 0 : i32
      %dma_wait3A_130 = tpu.memref_slice %arg3[%multiple_of3A_128, %dma_wait3A_129] : memref<327680x128xf32, #tpu.memory_space<hbm>> -> memref<64x128xf32, #tpu.memory_space<hbm>>
      %dma_wait3A_131 = arith.constant 0 : i32
      %dma_wait3A_132 = tpu.memref_slice %arg3[%multiple_of3A_128, %dma_wait3A_131] : memref<327680x128xf32, #tpu.memory_space<hbm>> -> memref<64x128xf32, #tpu.memory_space<hbm>>
      tpu.wait_dma2 semaphore(%arg21 : memref<!tpu.dma_semaphore, #tpu.memory_space<semaphore_mem>>) src(%dma_wait3A_132 : memref<64x128xf32, #tpu.memory_space<hbm>>) dst(%arg14 : memref<64x128xf32, #tpu.memory_space<vmem>>)
      %parallel_loop3A_133 = arith.constant 0 : i32
      %parallel_loop3A_134 = arith.constant 64 : i32
      %parallel_loop3A_135 = arith.constant 1 : i32
      scf.for %parallel_loop3A_142 = %parallel_loop3A_133 to %parallel_loop3A_134 step %parallel_loop3A_135  : i32 {
        %parallel_loop3A_143 = arith.index_cast %parallel_loop3A_142 : i32 to index
        %parallel_loop3A_144 = arith.constant 0 : index
        %parallel_loop3A_145 = tpu.vector_load %arg14[%parallel_loop3A_143, %parallel_loop3A_144] {strides = array<i32>} : memref<64x128xf32, #tpu.memory_space<vmem>>, vector<1x16xf32>,
        %parallel_loop3A_146 = vector.shape_cast %parallel_loop3A_145 : vector<1x16xf32> to vector<16xf32>
        %parallel_loop3A_147 = arith.index_cast %parallel_loop3A_142 : i32 to index
        %parallel_loop3A_148 = arith.constant 0 : index
        %parallel_loop3A_149 = tpu.vector_load %arg13[%parallel_loop3A_147, %parallel_loop3A_148] {strides = array<i32>} : memref<64x128xf32, #tpu.memory_space<vmem>>, vector<1x16xf32>,
        %parallel_loop3A_150 = vector.shape_cast %parallel_loop3A_149 : vector<1x16xf32> to vector<16xf32>
        %parallel_loop3A_151 = arith.mulf %parallel_loop3A_146, %parallel_loop3A_150 : vector<16xf32>
        %parallel_loop3A_152 = arith.index_cast %parallel_loop3A_142 : i32 to index
        %parallel_loop3A_153 = arith.constant 0 : index
        %parallel_loop3A_154 = tpu.vector_load %arg14[%parallel_loop3A_152, %parallel_loop3A_153] {strides = array<i32>} : memref<64x128xf32, #tpu.memory_space<vmem>>, vector<1x16xf32>,
        %parallel_loop3A_155 = vector.shape_cast %parallel_loop3A_154 : vector<1x16xf32> to vector<16xf32>
        %parallel_loop3A_156 = vector.shape_cast %parallel_loop3A_151 : vector<16xf32> to vector<1x16xf32>
        tpu.vector_store %arg14[%parallel_loop3A_152, %parallel_loop3A_153], %parallel_loop3A_156 {strides = array<i32>} : memref<64x128xf32, #tpu.memory_space<vmem>>, vector<1x16xf32>,
        %parallel_loop3A_157 = arith.index_cast %parallel_loop3A_142 : i32 to index
        %parallel_loop3A_158 = arith.constant 16 : index
        %parallel_loop3A_159 = tpu.vector_load %arg14[%parallel_loop3A_157, %parallel_loop3A_158] {strides = array<i32>} : memref<64x128xf32, #tpu.memory_space<vmem>>, vector<1x16xf32>,
        %parallel_loop3A_160 = vector.shape_cast %parallel_loop3A_159 : vector<1x16xf32> to vector<16xf32>
        %parallel_loop3A_161 = arith.index_cast %parallel_loop3A_142 : i32 to index
        %parallel_loop3A_162 = arith.constant 16 : index
        %parallel_loop3A_163 = tpu.vector_load %arg13[%parallel_loop3A_161, %parallel_loop3A_162] {strides = array<i32>} : memref<64x128xf32, #tpu.memory_space<vmem>>, vector<1x16xf32>,
        %parallel_loop3A_164 = vector.shape_cast %parallel_loop3A_163 : vector<1x16xf32> to vector<16xf32>
        %parallel_loop3A_165 = arith.mulf %parallel_loop3A_160, %parallel_loop3A_164 : vector<16xf32>
        %parallel_loop3A_166 = arith.index_cast %parallel_loop3A_142 : i32 to index
        %parallel_loop3A_167 = arith.constant 16 : index
        %parallel_loop3A_168 = tpu.vector_load %arg14[%parallel_loop3A_166, %parallel_loop3A_167] {strides = array<i32>} : memref<64x128xf32, #tpu.memory_space<vmem>>, vector<1x16xf32>,
        %parallel_loop3A_169 = vector.shape_cast %parallel_loop3A_168 : vector<1x16xf32> to vector<16xf32>
        %parallel_loop3A_170 = vector.shape_cast %parallel_loop3A_165 : vector<16xf32> to vector<1x16xf32>
        tpu.vector_store %arg14[%parallel_loop3A_166, %parallel_loop3A_167], %parallel_loop3A_170 {strides = array<i32>} : memref<64x128xf32, #tpu.memory_space<vmem>>, vector<1x16xf32>,
        %parallel_loop3A_171 = arith.index_cast %parallel_loop3A_142 : i32 to index
        %parallel_loop3A_172 = arith.constant 32 : index
        %parallel_loop3A_173 = tpu.vector_load %arg14[%parallel_loop3A_171, %parallel_loop3A_172] {strides = array<i32>} : memref<64x128xf32, #tpu.memory_space<vmem>>, vector<1x16xf32>,
        %parallel_loop3A_174 = vector.shape_cast %parallel_loop3A_173 : vector<1x16xf32> to vector<16xf32>
        %parallel_loop3A_175 = arith.index_cast %parallel_loop3A_142 : i32 to index
        %parallel_loop3A_176 = arith.constant 32 : index
        %parallel_loop3A_177 = tpu.vector_load %arg13[%parallel_loop3A_175, %parallel_loop3A_176] {strides = array<i32>} : memref<64x128xf32, #tpu.memory_space<vmem>>, vector<1x16xf32>,
        %parallel_loop3A_178 = vector.shape_cast %parallel_loop3A_177 : vector<1x16xf32> to vector<16xf32>
        %parallel_loop3A_179 = arith.mulf %parallel_loop3A_174, %parallel_loop3A_178 : vector<16xf32>
        %parallel_loop3A_180 = arith.index_cast %parallel_loop3A_142 : i32 to index
        %parallel_loop3A_181 = arith.constant 32 : index
        %parallel_loop3A_182 = tpu.vector_load %arg14[%parallel_loop3A_180, %parallel_loop3A_181] {strides = array<i32>} : memref<64x128xf32, #tpu.memory_space<vmem>>, vector<1x16xf32>,
        %parallel_loop3A_183 = vector.shape_cast %parallel_loop3A_182 : vector<1x16xf32> to vector<16xf32>
        %parallel_loop3A_184 = vector.shape_cast %parallel_loop3A_179 : vector<16xf32> to vector<1x16xf32>
        tpu.vector_store %arg14[%parallel_loop3A_180, %parallel_loop3A_181], %parallel_loop3A_184 {strides = array<i32>} : memref<64x128xf32, #tpu.memory_space<vmem>>, vector<1x16xf32>,
        %parallel_loop3A_185 = arith.index_cast %parallel_loop3A_142 : i32 to index
        %parallel_loop3A_186 = arith.constant 48 : index
        %parallel_loop3A_187 = tpu.vector_load %arg14[%parallel_loop3A_185, %parallel_loop3A_186] {strides = array<i32>} : memref<64x128xf32, #tpu.memory_space<vmem>>, vector<1x16xf32>,
        %parallel_loop3A_188 = vector.shape_cast %parallel_loop3A_187 : vector<1x16xf32> to vector<16xf32>
        %parallel_loop3A_189 = arith.index_cast %parallel_loop3A_142 : i32 to index
        %parallel_loop3A_190 = arith.constant 48 : index
        %parallel_loop3A_191 = tpu.vector_load %arg13[%parallel_loop3A_189, %parallel_loop3A_190] {strides = array<i32>} : memref<64x128xf32, #tpu.memory_space<vmem>>, vector<1x16xf32>,
        %parallel_loop3A_192 = vector.shape_cast %parallel_loop3A_191 : vector<1x16xf32> to vector<16xf32>
        %parallel_loop3A_193 = arith.mulf %parallel_loop3A_188, %parallel_loop3A_192 : vector<16xf32>
        %parallel_loop3A_194 = arith.index_cast %parallel_loop3A_142 : i32 to index
        %parallel_loop3A_195 = arith.constant 48 : index
        %parallel_loop3A_196 = tpu.vector_load %arg14[%parallel_loop3A_194, %parallel_loop3A_195] {strides = array<i32>} : memref<64x128xf32, #tpu.memory_space<vmem>>, vector<1x16xf32>,
        %parallel_loop3A_197 = vector.shape_cast %parallel_loop3A_196 : vector<1x16xf32> to vector<16xf32>
        %parallel_loop3A_198 = vector.shape_cast %parallel_loop3A_193 : vector<16xf32> to vector<1x16xf32>
        tpu.vector_store %arg14[%parallel_loop3A_194, %parallel_loop3A_195], %parallel_loop3A_198 {strides = array<i32>} : memref<64x128xf32, #tpu.memory_space<vmem>>, vector<1x16xf32>,
        %parallel_loop3A_199 = arith.index_cast %parallel_loop3A_142 : i32 to index
        %parallel_loop3A_200 = arith.constant 64 : index
        %parallel_loop3A_201 = tpu.vector_load %arg14[%parallel_loop3A_199, %parallel_loop3A_200] {strides = array<i32>} : memref<64x128xf32, #tpu.memory_space<vmem>>, vector<1x16xf32>,
        %parallel_loop3A_202 = vector.shape_cast %parallel_loop3A_201 : vector<1x16xf32> to vector<16xf32>
        %parallel_loop3A_203 = arith.index_cast %parallel_loop3A_142 : i32 to index
        %parallel_loop3A_204 = arith.constant 64 : index
        %parallel_loop3A_205 = tpu.vector_load %arg13[%parallel_loop3A_203, %parallel_loop3A_204] {strides = array<i32>} : memref<64x128xf32, #tpu.memory_space<vmem>>, vector<1x16xf32>,
        %parallel_loop3A_206 = vector.shape_cast %parallel_loop3A_205 : vector<1x16xf32> to vector<16xf32>
        %parallel_loop3A_207 = arith.mulf %parallel_loop3A_202, %parallel_loop3A_206 : vector<16xf32>
        %parallel_loop3A_208 = arith.index_cast %parallel_loop3A_142 : i32 to index
        %parallel_loop3A_209 = arith.constant 64 : index
        %parallel_loop3A_210 = tpu.vector_load %arg14[%parallel_loop3A_208, %parallel_loop3A_209] {strides = array<i32>} : memref<64x128xf32, #tpu.memory_space<vmem>>, vector<1x16xf32>,
        %parallel_loop3A_211 = vector.shape_cast %parallel_loop3A_210 : vector<1x16xf32> to vector<16xf32>
        %parallel_loop3A_212 = vector.shape_cast %parallel_loop3A_207 : vector<16xf32> to vector<1x16xf32>
        tpu.vector_store %arg14[%parallel_loop3A_208, %parallel_loop3A_209], %parallel_loop3A_212 {strides = array<i32>} : memref<64x128xf32, #tpu.memory_space<vmem>>, vector<1x16xf32>,
        %parallel_loop3A_213 = arith.index_cast %parallel_loop3A_142 : i32 to index
        %parallel_loop3A_214 = arith.constant 80 : index
        %parallel_loop3A_215 = tpu.vector_load %arg14[%parallel_loop3A_213, %parallel_loop3A_214] {strides = array<i32>} : memref<64x128xf32, #tpu.memory_space<vmem>>, vector<1x16xf32>,
        %parallel_loop3A_216 = vector.shape_cast %parallel_loop3A_215 : vector<1x16xf32> to vector<16xf32>
        %parallel_loop3A_217 = arith.index_cast %parallel_loop3A_142 : i32 to index
        %parallel_loop3A_218 = arith.constant 80 : index
        %parallel_loop3A_219 = tpu.vector_load %arg13[%parallel_loop3A_217, %parallel_loop3A_218] {strides = array<i32>} : memref<64x128xf32, #tpu.memory_space<vmem>>, vector<1x16xf32>,
        %parallel_loop3A_220 = vector.shape_cast %parallel_loop3A_219 : vector<1x16xf32> to vector<16xf32>
        %parallel_loop3A_221 = arith.mulf %parallel_loop3A_216, %parallel_loop3A_220 : vector<16xf32>
        %parallel_loop3A_222 = arith.index_cast %parallel_loop3A_142 : i32 to index
        %parallel_loop3A_223 = arith.constant 80 : index
        %parallel_loop3A_224 = tpu.vector_load %arg14[%parallel_loop3A_222, %parallel_loop3A_223] {strides = array<i32>} : memref<64x128xf32, #tpu.memory_space<vmem>>, vector<1x16xf32>,
        %parallel_loop3A_225 = vector.shape_cast %parallel_loop3A_224 : vector<1x16xf32> to vector<16xf32>
        %parallel_loop3A_226 = vector.shape_cast %parallel_loop3A_221 : vector<16xf32> to vector<1x16xf32>
        tpu.vector_store %arg14[%parallel_loop3A_222, %parallel_loop3A_223], %parallel_loop3A_226 {strides = array<i32>} : memref<64x128xf32, #tpu.memory_space<vmem>>, vector<1x16xf32>,
        %parallel_loop3A_227 = arith.index_cast %parallel_loop3A_142 : i32 to index
        %parallel_loop3A_228 = arith.constant 96 : index
        %parallel_loop3A_229 = tpu.vector_load %arg14[%parallel_loop3A_227, %parallel_loop3A_228] {strides = array<i32>} : memref<64x128xf32, #tpu.memory_space<vmem>>, vector<1x16xf32>,
        %parallel_loop3A_230 = vector.shape_cast %parallel_loop3A_229 : vector<1x16xf32> to vector<16xf32>
        %parallel_loop3A_231 = arith.index_cast %parallel_loop3A_142 : i32 to index
        %parallel_loop3A_232 = arith.constant 96 : index
        %parallel_loop3A_233 = tpu.vector_load %arg13[%parallel_loop3A_231, %parallel_loop3A_232] {strides = array<i32>} : memref<64x128xf32, #tpu.memory_space<vmem>>, vector<1x16xf32>,
        %parallel_loop3A_234 = vector.shape_cast %parallel_loop3A_233 : vector<1x16xf32> to vector<16xf32>
        %parallel_loop3A_235 = arith.mulf %parallel_loop3A_230, %parallel_loop3A_234 : vector<16xf32>
        %parallel_loop3A_236 = arith.index_cast %parallel_loop3A_142 : i32 to index
        %parallel_loop3A_237 = arith.constant 96 : index
        %parallel_loop3A_238 = tpu.vector_load %arg14[%parallel_loop3A_236, %parallel_loop3A_237] {strides = array<i32>} : memref<64x128xf32, #tpu.memory_space<vmem>>, vector<1x16xf32>,
        %parallel_loop3A_239 = vector.shape_cast %parallel_loop3A_238 : vector<1x16xf32> to vector<16xf32>
        %parallel_loop3A_240 = vector.shape_cast %parallel_loop3A_235 : vector<16xf32> to vector<1x16xf32>
        tpu.vector_store %arg14[%parallel_loop3A_236, %parallel_loop3A_237], %parallel_loop3A_240 {strides = array<i32>} : memref<64x128xf32, #tpu.memory_space<vmem>>, vector<1x16xf32>,
        %parallel_loop3A_241 = arith.index_cast %parallel_loop3A_142 : i32 to index
        %parallel_loop3A_242 = arith.constant 112 : index
        %parallel_loop3A_243 = tpu.vector_load %arg14[%parallel_loop3A_241, %parallel_loop3A_242] {strides = array<i32>} : memref<64x128xf32, #tpu.memory_space<vmem>>, vector<1x16xf32>,
        %parallel_loop3A_244 = vector.shape_cast %parallel_loop3A_243 : vector<1x16xf32> to vector<16xf32>
        %parallel_loop3A_245 = arith.index_cast %parallel_loop3A_142 : i32 to index
        %parallel_loop3A_246 = arith.constant 112 : index
        %parallel_loop3A_247 = tpu.vector_load %arg13[%parallel_loop3A_245, %parallel_loop3A_246] {strides = array<i32>} : memref<64x128xf32, #tpu.memory_space<vmem>>, vector<1x16xf32>,
        %parallel_loop3A_248 = vector.shape_cast %parallel_loop3A_247 : vector<1x16xf32> to vector<16xf32>
        %parallel_loop3A_249 = arith.mulf %parallel_loop3A_244, %parallel_loop3A_248 : vector<16xf32>
        %parallel_loop3A_250 = arith.index_cast %parallel_loop3A_142 : i32 to index
        %parallel_loop3A_251 = arith.constant 112 : index
        %parallel_loop3A_252 = tpu.vector_load %arg14[%parallel_loop3A_250, %parallel_loop3A_251] {strides = array<i32>} : memref<64x128xf32, #tpu.memory_space<vmem>>, vector<1x16xf32>,
        %parallel_loop3A_253 = vector.shape_cast %parallel_loop3A_252 : vector<1x16xf32> to vector<16xf32>
        %parallel_loop3A_254 = vector.shape_cast %parallel_loop3A_249 : vector<16xf32> to vector<1x16xf32>
        tpu.vector_store %arg14[%parallel_loop3A_250, %parallel_loop3A_251], %parallel_loop3A_254 {strides = array<i32>} : memref<64x128xf32, #tpu.memory_space<vmem>>, vector<1x16xf32>,
      } {sc.loop_unroll_factor = 4 : i64, sc.parallel_access}
      "tpu.region"() ({
        %run_scoped3A = tpu.sem_alloc : memref<!tpu.dma_semaphore, #tpu.memory_space<semaphore_mem>>
        %dma_start3A_142 = arith.constant 0 : i32
        %dma_start3A_143 = arith.constant 0 : i32
        %dma_start3A_144 = tpu.memref_slice %arg15[%dma_start3A_142, %dma_start3A_143] : memref<10240x128xf32, #tpu.memory_space<vmem_shared>> -> memref<10240x128xf32, #tpu.memory_space<vmem_shared>>
        tpu.enqueue_indirect_dma source(%arg14 : memref<64x128xf32, #tpu.memory_space<vmem>>) target(%dma_start3A_144 : memref<10240x128xf32, #tpu.memory_space<vmem_shared>>) offsets(%arg10 : memref<64xi32, #tpu.memory_space<vmem>>) semaphore(%run_scoped3A : memref<!tpu.dma_semaphore, #tpu.memory_space<semaphore_mem>>) {add = true}
        %dma_wait3A_145 = arith.constant 0 : i32
        %dma_wait3A_146 = arith.constant 0 : i32
        %dma_wait3A_147 = tpu.memref_slice %arg15[%dma_wait3A_145, %dma_wait3A_146] : memref<10240x128xf32, #tpu.memory_space<vmem_shared>> -> memref<10240x128xf32, #tpu.memory_space<vmem_shared>>
        tpu.wait_indirect_dma semaphore(%run_scoped3A : memref<!tpu.dma_semaphore, #tpu.memory_space<semaphore_mem>>) src(%arg14 : memref<64x128xf32, #tpu.memory_space<vmem>>) dst(%dma_wait3A_147 : memref<10240x128xf32, #tpu.memory_space<vmem_shared>>)
        tpu.yield
      }) : () -> ()
      %add3A_136 = arith.constant 1 : i32
      %add3A_137 = arith.addi %while3A_81, %add3A_136 : i32
      %lt3A_138 = arith.cmpi slt, %add3A_137, %select_n3A_8 : i32
      %convert_element_type3A_139 = arith.extui %lt3A_138 : i1 to i32
      %cond3A_140 = arith.constant 0 : i32
      %cond3A_141 = arith.cmpi ne, %convert_element_type3A_139, %cond3A_140 : i32
      scf.if %cond3A_141 {
        %add3A_142 = arith.constant 3 : i32
        %add3A_143 = arith.addi %mul3A_83, %add3A_142 : i32
        %mul3A_144 = arith.constant 64 : i32
        %mul3A_145 = arith.muli %add3A_143, %mul3A_144 : i32
        %add3A_146 = arith.addi %select_n3A, %mul3A_145 : i32
        %multiple_of3A_147 = tpu.assume_multiple %add3A_146, 64 : i32
        %dma_start3A_148 = tpu.memref_slice %arg4[%multiple_of3A_147] : memref<327680xi32, #tpu.memory_space<hbm>> -> memref<64xi32, #tpu.memory_space<hbm>>
        %dma_start3A_149 = tpu.memref_slice %arg4[%multiple_of3A_147] : memref<327680xi32, #tpu.memory_space<hbm>> -> memref<64xi32, #tpu.memory_space<hbm>>
        tpu.enqueue_dma source(%dma_start3A_149 : memref<64xi32, #tpu.memory_space<hbm>>) target(%arg9 : memref<64xi32, #tpu.memory_space<vmem>>) target_semaphore(%arg17 : memref<!tpu.dma_semaphore, #tpu.memory_space<semaphore_mem>>)
        %mul3A_150 = arith.constant 64 : i32
        %mul3A_151 = arith.muli %add3A_143, %mul3A_150 : i32
        %add3A_152 = arith.addi %select_n3A, %mul3A_151 : i32
        %multiple_of3A_153 = tpu.assume_multiple %add3A_152, 64 : i32
        %dma_start3A_154 = tpu.memref_slice %arg5[%multiple_of3A_153] : memref<327680xi32, #tpu.memory_space<hbm>> -> memref<64xi32, #tpu.memory_space<hbm>>
        %dma_start3A_155 = tpu.memref_slice %arg5[%multiple_of3A_153] : memref<327680xi32, #tpu.memory_space<hbm>> -> memref<64xi32, #tpu.memory_space<hbm>>
        tpu.enqueue_dma source(%dma_start3A_155 : memref<64xi32, #tpu.memory_space<hbm>>) target(%arg10 : memref<64xi32, #tpu.memory_space<vmem>>) target_semaphore(%arg17 : memref<!tpu.dma_semaphore, #tpu.memory_space<semaphore_mem>>)
      } else {
      }
    }
    %barrier3A_80 = arith.constant 0 : index
    tpu.barrier barrier_id(%barrier3A_80)
    "tpu.region"() ({
      %run_scoped3A = tpu.sem_alloc : memref<!tpu.dma_semaphore, #tpu.memory_space<semaphore_mem>>
      %dma_start3A_81 = arith.constant 0 : i32
      %dma_start3A_82 = arith.constant 0 : i32
      %dma_start3A_83 = tpu.memref_slice %arg6[%arg0, %dma_start3A_81, %dma_start3A_82] : memref<2x10240x128xf32, #tpu.memory_space<hbm>> -> memref<1x10240x128xf32, #tpu.memory_space<hbm>>
      %dma_start3A_84 = tpu.memref_squeeze %dma_start3A_83 : memref<1x10240x128xf32, #tpu.memory_space<hbm>> -> memref<10240x128xf32, #tpu.memory_space<hbm>>
      %dma_start3A_85 = arith.constant 0 : i32
      %dma_start3A_86 = tpu.memref_slice %dma_start3A_84[%multiple_of3A, %dma_start3A_85] : memref<10240x128xf32, #tpu.memory_space<hbm>> -> memref<640x128xf32, #tpu.memory_space<hbm>>
      %dma_start3A_87 = arith.constant 0 : i32
      %dma_start3A_88 = tpu.memref_slice %arg15[%multiple_of3A, %dma_start3A_87] : memref<10240x128xf32, #tpu.memory_space<vmem_shared>> -> memref<640x128xf32, #tpu.memory_space<vmem_shared>>
      tpu.enqueue_dma source(%dma_start3A_88 : memref<640x128xf32, #tpu.memory_space<vmem_shared>>) target(%dma_start3A_86 : memref<640x128xf32, #tpu.memory_space<hbm>>) target_semaphore(%run_scoped3A : memref<!tpu.dma_semaphore, #tpu.memory_space<semaphore_mem>>)
      %dma_wait3A_89 = arith.constant 0 : i32
      %dma_wait3A_90 = arith.constant 0 : i32
      %dma_wait3A_91 = tpu.memref_slice %arg6[%arg0, %dma_wait3A_89, %dma_wait3A_90] : memref<2x10240x128xf32, #tpu.memory_space<hbm>> -> memref<1x10240x128xf32, #tpu.memory_space<hbm>>
      %dma_wait3A_92 = tpu.memref_squeeze %dma_wait3A_91 : memref<1x10240x128xf32, #tpu.memory_space<hbm>> -> memref<10240x128xf32, #tpu.memory_space<hbm>>
      %dma_wait3A_93 = arith.constant 0 : i32
      %dma_wait3A_94 = tpu.memref_slice %dma_wait3A_92[%multiple_of3A, %dma_wait3A_93] : memref<10240x128xf32, #tpu.memory_space<hbm>> -> memref<640x128xf32, #tpu.memory_space<hbm>>
      %dma_wait3A_95 = arith.constant 0 : i32
      %dma_wait3A_96 = tpu.memref_slice %arg15[%multiple_of3A, %dma_wait3A_95] : memref<10240x128xf32, #tpu.memory_space<vmem_shared>> -> memref<640x128xf32, #tpu.memory_space<vmem_shared>>
      tpu.wait_dma2 semaphore(%run_scoped3A : memref<!tpu.dma_semaphore, #tpu.memory_space<semaphore_mem>>) src(%dma_wait3A_96 : memref<640x128xf32, #tpu.memory_space<vmem_shared>>) dst(%dma_wait3A_94 : memref<640x128xf32, #tpu.memory_space<hbm>>)
      tpu.yield
    }) : () -> ()
    return
  }
}

module attributes {stable_mosaic.version = 14 : i64} {
  func.func @body(%arg0: i32, %arg1: memref<2048x16xf32, #tpu.memory_space<vmem>>, %arg2: memref<16x128xf32, #tpu.memory_space<vmem>>, %arg3: memref<1x128xf32, #tpu.memory_space<vmem>>, %arg4: memref<1x128xf32, #tpu.memory_space<vmem>>, %arg5: memref<1x128xf32, #tpu.memory_space<vmem>>, %arg6: memref<128x128xf32, #tpu.memory_space<vmem>>, %arg7: memref<1x128xf32, #tpu.memory_space<vmem>>, %arg8: memref<16x128xf32, #tpu.memory_space<vmem>>, %arg9: memref<1x128xf32, #tpu.memory_space<vmem>>, %arg10: memref<1x128xf32, #tpu.memory_space<vmem>>, %arg11: memref<1x128xf32, #tpu.memory_space<vmem>>, %arg12: memref<128x128xf32, #tpu.memory_space<vmem>>, %arg13: memref<1x128xf32, #tpu.memory_space<vmem>>, %arg14: memref<2048x128xf32, #tpu.memory_space<vmem>>, %arg15: memref<2048x128xf32, #tpu.memory_space<vmem>>) attributes {dimension_semantics = [#tpu.dimension_semantics<arbitrary>], iteration_bounds = array<i64: 160>, scalar_prefetch = 0 : i64, scratch_operands = 0 : i64, tpu.core_type = #tpu.core_type<tc>, window_params = [{transform_indices = @transform_0, window_bounds = array<i64: 2048, 16>}, {pipeline_mode = #tpu.pipeline_mode<synchronous>, transform_indices = @transform_1, window_bounds = array<i64: 16, 128>}, {pipeline_mode = #tpu.pipeline_mode<synchronous>, transform_indices = @transform_2, window_bounds = array<i64: 1, 128>}, {pipeline_mode = #tpu.pipeline_mode<synchronous>, transform_indices = @transform_3, window_bounds = array<i64: 1, 128>}, {pipeline_mode = #tpu.pipeline_mode<synchronous>, transform_indices = @transform_4, window_bounds = array<i64: 1, 128>}, {pipeline_mode = #tpu.pipeline_mode<synchronous>, transform_indices = @transform_5, window_bounds = array<i64: 128, 128>}, {pipeline_mode = #tpu.pipeline_mode<synchronous>, transform_indices = @transform_6, window_bounds = array<i64: 1, 128>}, {pipeline_mode = #tpu.pipeline_mode<synchronous>, transform_indices = @transform_7, window_bounds = array<i64: 16, 128>}, {pipeline_mode = #tpu.pipeline_mode<synchronous>, transform_indices = @transform_8, window_bounds = array<i64: 1, 128>}, {pipeline_mode = #tpu.pipeline_mode<synchronous>, transform_indices = @transform_9, window_bounds = array<i64: 1, 128>}, {pipeline_mode = #tpu.pipeline_mode<synchronous>, transform_indices = @transform_10, window_bounds = array<i64: 1, 128>}, {pipeline_mode = #tpu.pipeline_mode<synchronous>, transform_indices = @transform_11, window_bounds = array<i64: 128, 128>}, {pipeline_mode = #tpu.pipeline_mode<synchronous>, transform_indices = @transform_12, window_bounds = array<i64: 1, 128>}, {transform_indices = @transform_13, window_bounds = array<i64: 2048, 128>}, {transform_indices = @transform_14, window_bounds = array<i64: 2048, 128>}]} {
    %get3A = arith.constant 0 : index
    %get3A_0 = arith.constant 0 : index
    %get3A_1 = vector.load %arg1[%get3A, %get3A_0] : memref<2048x16xf32, #tpu.memory_space<vmem>>, vector<2048x16xf32>
    %reduce_sum3A = arith.constant dense<0.000000e+00> : vector<2048xf32>
    %reduce_sum3A_2 = vector.multi_reduction <add>, %get3A_1, %reduce_sum3A [1] : vector<2048x16xf32> to vector<2048xf32>
    %broadcast_in_dim3A = vector.shape_cast %reduce_sum3A_2 : vector<2048xf32> to vector<2048x1xf32>
    %sqrt3A = math.sqrt %broadcast_in_dim3A : vector<2048x1xf32>
    %iota3A = tpu.iota {dimensions = array<i32: 1>} : vector<2048x16xi32>
    %convert_element_type3A = arith.sitofp %iota3A : vector<2048x16xi32> to vector<2048x16xf32>
    %mul3A = arith.constant 0.666666686 : f32
    %mul3A_3 = vector.broadcast %mul3A : f32 to vector<2048x16xf32>
    %mul3A_4 = arith.mulf %convert_element_type3A, %mul3A_3 : vector<2048x16xf32>
    %sub3A = vector.broadcast %sqrt3A : vector<2048x1xf32> to vector<2048x16xf32>
    %sub3A_5 = arith.subf %sub3A, %mul3A_4 : vector<2048x16xf32>
    %mul3A_6 = arith.mulf %sub3A_5, %sub3A_5 : vector<2048x16xf32>
    %mul3A_7 = arith.constant -1.12499988 : f32
    %mul3A_8 = vector.broadcast %mul3A_7 : f32 to vector<2048x16xf32>
    %mul3A_9 = arith.mulf %mul3A_8, %mul3A_6 : vector<2048x16xf32>
    %exp3A = math.exp %mul3A_9 : vector<2048x16xf32>
    %convert_element_type3A_10 = arith.truncf %exp3A : vector<2048x16xf32> to vector<2048x16xbf16>
    %get3A_11 = arith.constant 0 : index
    %get3A_12 = arith.constant 0 : index
    %get3A_13 = vector.load %arg2[%get3A_11, %get3A_12] : memref<16x128xf32, #tpu.memory_space<vmem>>, vector<16x128xf32>
    %convert_element_type3A_14 = arith.truncf %get3A_13 : vector<16x128xf32> to vector<16x128xbf16>
    %dot_general3A = arith.constant dense<0.000000e+00> : vector<2048x128xf32>
    %dot_general3A_15 = tpu.matmul %convert_element_type3A_10, %convert_element_type3A_14, %dot_general3A {dimension_numbers = #tpu.dot_dimension_numbers<[1], [0], [0], [1], [0, 0, 1, 1], [], []>, transpose_lhs_hint = false} : vector<2048x16xbf16>, vector<16x128xbf16>, vector<2048x128xf32> -> vector<2048x128xf32>
    %get3A_16 = arith.constant 0 : index
    %get3A_17 = arith.constant 0 : index
    %get3A_18 = vector.load %arg3[%get3A_16, %get3A_17] : memref<1x128xf32, #tpu.memory_space<vmem>>, vector<1x128xf32>
    %add3A = vector.broadcast %get3A_18 : vector<1x128xf32> to vector<2048x128xf32>
    %add3A_19 = arith.addf %dot_general3A_15, %add3A : vector<2048x128xf32>
    %reduce_sum3A_20 = arith.constant dense<0.000000e+00> : vector<2048xf32>
    %reduce_sum3A_21 = vector.multi_reduction <add>, %add3A_19, %reduce_sum3A_20 [1] : vector<2048x128xf32> to vector<2048xf32>
    %broadcast_in_dim3A_22 = vector.shape_cast %reduce_sum3A_21 : vector<2048xf32> to vector<2048x1xf32>
    %div3A = arith.constant 1.280000e+02 : f32
    %div3A_23 = vector.broadcast %div3A : f32 to vector<2048x1xf32>
    %div3A_24 = arith.divf %broadcast_in_dim3A_22, %div3A_23 : vector<2048x1xf32>
    %sub3A_25 = vector.broadcast %div3A_24 : vector<2048x1xf32> to vector<2048x128xf32>
    %sub3A_26 = arith.subf %add3A_19, %sub3A_25 : vector<2048x128xf32>
    %integer_pow3A = arith.mulf %sub3A_26, %sub3A_26 : vector<2048x128xf32>
    %reduce_sum3A_27 = arith.constant dense<0.000000e+00> : vector<2048xf32>
    %reduce_sum3A_28 = vector.multi_reduction <add>, %integer_pow3A, %reduce_sum3A_27 [1] : vector<2048x128xf32> to vector<2048xf32>
    %broadcast_in_dim3A_29 = vector.shape_cast %reduce_sum3A_28 : vector<2048xf32> to vector<2048x1xf32>
    %div3A_30 = arith.constant 1.280000e+02 : f32
    %div3A_31 = vector.broadcast %div3A_30 : f32 to vector<2048x1xf32>
    %div3A_32 = arith.divf %broadcast_in_dim3A_29, %div3A_31 : vector<2048x1xf32>
    %sub3A_33 = vector.broadcast %div3A_24 : vector<2048x1xf32> to vector<2048x128xf32>
    %sub3A_34 = arith.subf %add3A_19, %sub3A_33 : vector<2048x128xf32>
    %add3A_35 = arith.constant 9.99999974E-6 : f32
    %add3A_36 = vector.broadcast %add3A_35 : f32 to vector<2048x1xf32>
    %add3A_37 = arith.addf %div3A_32, %add3A_36 : vector<2048x1xf32>
    %sqrt3A_38 = math.sqrt %add3A_37 : vector<2048x1xf32>
    %div3A_39 = vector.broadcast %sqrt3A_38 : vector<2048x1xf32> to vector<2048x128xf32>
    %div3A_40 = arith.divf %sub3A_34, %div3A_39 : vector<2048x128xf32>
    %get3A_41 = arith.constant 0 : index
    %get3A_42 = arith.constant 0 : index
    %get3A_43 = vector.load %arg4[%get3A_41, %get3A_42] : memref<1x128xf32, #tpu.memory_space<vmem>>, vector<1x128xf32>
    %mul3A_44 = vector.broadcast %get3A_43 : vector<1x128xf32> to vector<2048x128xf32>
    %mul3A_45 = arith.mulf %div3A_40, %mul3A_44 : vector<2048x128xf32>
    %get3A_46 = arith.constant 0 : index
    %get3A_47 = arith.constant 0 : index
    %get3A_48 = vector.load %arg5[%get3A_46, %get3A_47] : memref<1x128xf32, #tpu.memory_space<vmem>>, vector<1x128xf32>
    %add3A_49 = vector.broadcast %get3A_48 : vector<1x128xf32> to vector<2048x128xf32>
    %add3A_50 = arith.addf %mul3A_45, %add3A_49 : vector<2048x128xf32>
    %logistic3A = arith.negf %add3A_50 : vector<2048x128xf32>
    %logistic3A_51 = math.exp %logistic3A : vector<2048x128xf32>
    %logistic3A_52 = arith.constant 1.000000e+00 : f32
    %logistic3A_53 = vector.broadcast %logistic3A_52 : f32 to vector<2048x128xf32>
    %logistic3A_54 = arith.addf %logistic3A_53, %logistic3A_51 : vector<2048x128xf32>
    %logistic3A_55 = arith.divf %logistic3A_53, %logistic3A_54 : vector<2048x128xf32>
    %mul3A_56 = arith.mulf %add3A_50, %logistic3A_55 : vector<2048x128xf32>
    %convert_element_type3A_57 = arith.truncf %mul3A_56 : vector<2048x128xf32> to vector<2048x128xbf16>
    %get3A_58 = arith.constant 0 : index
    %get3A_59 = arith.constant 0 : index
    %get3A_60 = vector.load %arg6[%get3A_58, %get3A_59] : memref<128x128xf32, #tpu.memory_space<vmem>>, vector<128x128xf32>
    %convert_element_type3A_61 = arith.truncf %get3A_60 : vector<128x128xf32> to vector<128x128xbf16>
    %dot_general3A_62 = arith.constant dense<0.000000e+00> : vector<2048x128xf32>
    %dot_general3A_63 = tpu.matmul %convert_element_type3A_57, %convert_element_type3A_61, %dot_general3A_62 {dimension_numbers = #tpu.dot_dimension_numbers<[1], [0], [0], [1], [0, 0, 1, 1], [], []>, transpose_lhs_hint = false} : vector<2048x128xbf16>, vector<128x128xbf16>, vector<2048x128xf32> -> vector<2048x128xf32>
    %get3A_64 = arith.constant 0 : index
    %get3A_65 = arith.constant 0 : index
    %get3A_66 = vector.load %arg7[%get3A_64, %get3A_65] : memref<1x128xf32, #tpu.memory_space<vmem>>, vector<1x128xf32>
    %add3A_67 = vector.broadcast %get3A_66 : vector<1x128xf32> to vector<2048x128xf32>
    %add3A_68 = arith.addf %dot_general3A_63, %add3A_67 : vector<2048x128xf32>
    %swap3A = arith.constant 0 : index
    %swap3A_69 = arith.constant 0 : index
    %swap3A_70 = vector.load %arg14[%swap3A, %swap3A_69] : memref<2048x128xf32, #tpu.memory_space<vmem>>, vector<2048x128xf32>
    tpu.vector_store %arg14[%swap3A, %swap3A_69], %add3A_68 {strides = array<i32>} : memref<2048x128xf32, #tpu.memory_space<vmem>>, vector<2048x128xf32>,
    %convert_element_type3A_71 = arith.truncf %exp3A : vector<2048x16xf32> to vector<2048x16xbf16>
    %get3A_72 = arith.constant 0 : index
    %get3A_73 = arith.constant 0 : index
    %get3A_74 = vector.load %arg8[%get3A_72, %get3A_73] : memref<16x128xf32, #tpu.memory_space<vmem>>, vector<16x128xf32>
    %convert_element_type3A_75 = arith.truncf %get3A_74 : vector<16x128xf32> to vector<16x128xbf16>
    %dot_general3A_76 = arith.constant dense<0.000000e+00> : vector<2048x128xf32>
    %dot_general3A_77 = tpu.matmul %convert_element_type3A_71, %convert_element_type3A_75, %dot_general3A_76 {dimension_numbers = #tpu.dot_dimension_numbers<[1], [0], [0], [1], [0, 0, 1, 1], [], []>, transpose_lhs_hint = false} : vector<2048x16xbf16>, vector<16x128xbf16>, vector<2048x128xf32> -> vector<2048x128xf32>
    %get3A_78 = arith.constant 0 : index
    %get3A_79 = arith.constant 0 : index
    %get3A_80 = vector.load %arg9[%get3A_78, %get3A_79] : memref<1x128xf32, #tpu.memory_space<vmem>>, vector<1x128xf32>
    %add3A_81 = vector.broadcast %get3A_80 : vector<1x128xf32> to vector<2048x128xf32>
    %add3A_82 = arith.addf %dot_general3A_77, %add3A_81 : vector<2048x128xf32>
    %reduce_sum3A_83 = arith.constant dense<0.000000e+00> : vector<2048xf32>
    %reduce_sum3A_84 = vector.multi_reduction <add>, %add3A_82, %reduce_sum3A_83 [1] : vector<2048x128xf32> to vector<2048xf32>
    %broadcast_in_dim3A_85 = vector.shape_cast %reduce_sum3A_84 : vector<2048xf32> to vector<2048x1xf32>
    %div3A_86 = arith.constant 1.280000e+02 : f32
    %div3A_87 = vector.broadcast %div3A_86 : f32 to vector<2048x1xf32>
    %div3A_88 = arith.divf %broadcast_in_dim3A_85, %div3A_87 : vector<2048x1xf32>
    %sub3A_89 = vector.broadcast %div3A_88 : vector<2048x1xf32> to vector<2048x128xf32>
    %sub3A_90 = arith.subf %add3A_82, %sub3A_89 : vector<2048x128xf32>
    %integer_pow3A_91 = arith.mulf %sub3A_90, %sub3A_90 : vector<2048x128xf32>
    %reduce_sum3A_92 = arith.constant dense<0.000000e+00> : vector<2048xf32>
    %reduce_sum3A_93 = vector.multi_reduction <add>, %integer_pow3A_91, %reduce_sum3A_92 [1] : vector<2048x128xf32> to vector<2048xf32>
    %broadcast_in_dim3A_94 = vector.shape_cast %reduce_sum3A_93 : vector<2048xf32> to vector<2048x1xf32>
    %div3A_95 = arith.constant 1.280000e+02 : f32
    %div3A_96 = vector.broadcast %div3A_95 : f32 to vector<2048x1xf32>
    %div3A_97 = arith.divf %broadcast_in_dim3A_94, %div3A_96 : vector<2048x1xf32>
    %sub3A_98 = vector.broadcast %div3A_88 : vector<2048x1xf32> to vector<2048x128xf32>
    %sub3A_99 = arith.subf %add3A_82, %sub3A_98 : vector<2048x128xf32>
    %add3A_100 = arith.constant 9.99999974E-6 : f32
    %add3A_101 = vector.broadcast %add3A_100 : f32 to vector<2048x1xf32>
    %add3A_102 = arith.addf %div3A_97, %add3A_101 : vector<2048x1xf32>
    %sqrt3A_103 = math.sqrt %add3A_102 : vector<2048x1xf32>
    %div3A_104 = vector.broadcast %sqrt3A_103 : vector<2048x1xf32> to vector<2048x128xf32>
    %div3A_105 = arith.divf %sub3A_99, %div3A_104 : vector<2048x128xf32>
    %get3A_106 = arith.constant 0 : index
    %get3A_107 = arith.constant 0 : index
    %get3A_108 = vector.load %arg10[%get3A_106, %get3A_107] : memref<1x128xf32, #tpu.memory_space<vmem>>, vector<1x128xf32>
    %mul3A_109 = vector.broadcast %get3A_108 : vector<1x128xf32> to vector<2048x128xf32>
    %mul3A_110 = arith.mulf %div3A_105, %mul3A_109 : vector<2048x128xf32>
    %get3A_111 = arith.constant 0 : index
    %get3A_112 = arith.constant 0 : index
    %get3A_113 = vector.load %arg11[%get3A_111, %get3A_112] : memref<1x128xf32, #tpu.memory_space<vmem>>, vector<1x128xf32>
    %add3A_114 = vector.broadcast %get3A_113 : vector<1x128xf32> to vector<2048x128xf32>
    %add3A_115 = arith.addf %mul3A_110, %add3A_114 : vector<2048x128xf32>
    %logistic3A_116 = arith.negf %add3A_115 : vector<2048x128xf32>
    %logistic3A_117 = math.exp %logistic3A_116 : vector<2048x128xf32>
    %logistic3A_118 = arith.constant 1.000000e+00 : f32
    %logistic3A_119 = vector.broadcast %logistic3A_118 : f32 to vector<2048x128xf32>
    %logistic3A_120 = arith.addf %logistic3A_119, %logistic3A_117 : vector<2048x128xf32>
    %logistic3A_121 = arith.divf %logistic3A_119, %logistic3A_120 : vector<2048x128xf32>
    %mul3A_122 = arith.mulf %add3A_115, %logistic3A_121 : vector<2048x128xf32>
    %convert_element_type3A_123 = arith.truncf %mul3A_122 : vector<2048x128xf32> to vector<2048x128xbf16>
    %get3A_124 = arith.constant 0 : index
    %get3A_125 = arith.constant 0 : index
    %get3A_126 = vector.load %arg12[%get3A_124, %get3A_125] : memref<128x128xf32, #tpu.memory_space<vmem>>, vector<128x128xf32>
    %convert_element_type3A_127 = arith.truncf %get3A_126 : vector<128x128xf32> to vector<128x128xbf16>
    %dot_general3A_128 = arith.constant dense<0.000000e+00> : vector<2048x128xf32>
    %dot_general3A_129 = tpu.matmul %convert_element_type3A_123, %convert_element_type3A_127, %dot_general3A_128 {dimension_numbers = #tpu.dot_dimension_numbers<[1], [0], [0], [1], [0, 0, 1, 1], [], []>, transpose_lhs_hint = false} : vector<2048x128xbf16>, vector<128x128xbf16>, vector<2048x128xf32> -> vector<2048x128xf32>
    %get3A_130 = arith.constant 0 : index
    %get3A_131 = arith.constant 0 : index
    %get3A_132 = vector.load %arg13[%get3A_130, %get3A_131] : memref<1x128xf32, #tpu.memory_space<vmem>>, vector<1x128xf32>
    %add3A_133 = vector.broadcast %get3A_132 : vector<1x128xf32> to vector<2048x128xf32>
    %add3A_134 = arith.addf %dot_general3A_129, %add3A_133 : vector<2048x128xf32>
    %swap3A_135 = arith.constant 0 : index
    %swap3A_136 = arith.constant 0 : index
    %swap3A_137 = vector.load %arg15[%swap3A_135, %swap3A_136] : memref<2048x128xf32, #tpu.memory_space<vmem>>, vector<2048x128xf32>
    tpu.vector_store %arg15[%swap3A_135, %swap3A_136], %add3A_134 {strides = array<i32>} : memref<2048x128xf32, #tpu.memory_space<vmem>>, vector<2048x128xf32>,
    return
  }
  func.func @transform_0(%arg0: i32) -> (i32, i32) {
    %c0_i32 = arith.constant 0 : i32
    %c0_i32_0 = arith.constant 0 : i32
    return %arg0, %c0_i32 : i32, i32
  }
  func.func @transform_1(%arg0: i32) -> (i32, i32) {
    %c0_i32 = arith.constant 0 : i32
    %c0_i32_0 = arith.constant 0 : i32
    %c0_i32_1 = arith.constant 0 : i32
    return %c0_i32, %c0_i32_0 : i32, i32
  }
  func.func @transform_2(%arg0: i32) -> (i32, i32) {
    %c0_i32 = arith.constant 0 : i32
    %c0_i32_0 = arith.constant 0 : i32
    %c0_i32_1 = arith.constant 0 : i32
    return %c0_i32, %c0_i32_0 : i32, i32
  }
  func.func @transform_3(%arg0: i32) -> (i32, i32) {
    %c0_i32 = arith.constant 0 : i32
    %c0_i32_0 = arith.constant 0 : i32
    %c0_i32_1 = arith.constant 0 : i32
    return %c0_i32, %c0_i32_0 : i32, i32
  }
  func.func @transform_4(%arg0: i32) -> (i32, i32) {
    %c0_i32 = arith.constant 0 : i32
    %c0_i32_0 = arith.constant 0 : i32
    %c0_i32_1 = arith.constant 0 : i32
    return %c0_i32, %c0_i32_0 : i32, i32
  }
  func.func @transform_5(%arg0: i32) -> (i32, i32) {
    %c0_i32 = arith.constant 0 : i32
    %c0_i32_0 = arith.constant 0 : i32
    %c0_i32_1 = arith.constant 0 : i32
    return %c0_i32, %c0_i32_0 : i32, i32
  }
  func.func @transform_6(%arg0: i32) -> (i32, i32) {
    %c0_i32 = arith.constant 0 : i32
    %c0_i32_0 = arith.constant 0 : i32
    %c0_i32_1 = arith.constant 0 : i32
    return %c0_i32, %c0_i32_0 : i32, i32
  }
  func.func @transform_7(%arg0: i32) -> (i32, i32) {
    %c0_i32 = arith.constant 0 : i32
    %c0_i32_0 = arith.constant 0 : i32
    %c0_i32_1 = arith.constant 0 : i32
    return %c0_i32, %c0_i32_0 : i32, i32
  }
  func.func @transform_8(%arg0: i32) -> (i32, i32) {
    %c0_i32 = arith.constant 0 : i32
    %c0_i32_0 = arith.constant 0 : i32
    %c0_i32_1 = arith.constant 0 : i32
    return %c0_i32, %c0_i32_0 : i32, i32
  }
  func.func @transform_9(%arg0: i32) -> (i32, i32) {
    %c0_i32 = arith.constant 0 : i32
    %c0_i32_0 = arith.constant 0 : i32
    %c0_i32_1 = arith.constant 0 : i32
    return %c0_i32, %c0_i32_0 : i32, i32
  }
  func.func @transform_10(%arg0: i32) -> (i32, i32) {
    %c0_i32 = arith.constant 0 : i32
    %c0_i32_0 = arith.constant 0 : i32
    %c0_i32_1 = arith.constant 0 : i32
    return %c0_i32, %c0_i32_0 : i32, i32
  }
  func.func @transform_11(%arg0: i32) -> (i32, i32) {
    %c0_i32 = arith.constant 0 : i32
    %c0_i32_0 = arith.constant 0 : i32
    %c0_i32_1 = arith.constant 0 : i32
    return %c0_i32, %c0_i32_0 : i32, i32
  }
  func.func @transform_12(%arg0: i32) -> (i32, i32) {
    %c0_i32 = arith.constant 0 : i32
    %c0_i32_0 = arith.constant 0 : i32
    %c0_i32_1 = arith.constant 0 : i32
    return %c0_i32, %c0_i32_0 : i32, i32
  }
  func.func @transform_13(%arg0: i32) -> (i32, i32) {
    %c0_i32 = arith.constant 0 : i32
    %c0_i32_0 = arith.constant 0 : i32
    return %arg0, %c0_i32 : i32, i32
  }
  func.func @transform_14(%arg0: i32) -> (i32, i32) {
    %c0_i32 = arith.constant 0 : i32
    %c0_i32_0 = arith.constant 0 : i32
    return %arg0, %c0_i32 : i32, i32
  }
}

module attributes {stable_mosaic.version = 14 : i64} {
  func.func @body(%arg0: i32, %arg1: memref<1024x128xf32, #tpu.memory_space<vmem>>, %arg2: memref<1024x128xf32, #tpu.memory_space<vmem>>, %arg3: memref<1024x128xf32, #tpu.memory_space<vmem>>, %arg4: memref<1x128xf32, #tpu.memory_space<vmem>>, %arg5: memref<128x128xf32, #tpu.memory_space<vmem>>, %arg6: memref<1x128xf32, #tpu.memory_space<vmem>>, %arg7: memref<1x128xf32, #tpu.memory_space<vmem>>, %arg8: memref<1x128xf32, #tpu.memory_space<vmem>>, %arg9: memref<128x128xf32, #tpu.memory_space<vmem>>, %arg10: memref<1x128xf32, #tpu.memory_space<vmem>>, %arg11: memref<1x128xf32, #tpu.memory_space<vmem>>, %arg12: memref<1x128xf32, #tpu.memory_space<vmem>>, %arg13: memref<1024x128xf32, #tpu.memory_space<vmem>>, %arg14: memref<8x128xf32, #tpu.memory_space<vmem>>) attributes {dimension_semantics = [#tpu.dimension_semantics<arbitrary>], iteration_bounds = array<i64: 10>, scalar_prefetch = 0 : i64, scratch_operands = 0 : i64, tpu.core_type = #tpu.core_type<tc>, window_params = [{transform_indices = @transform_0, window_bounds = array<i64: 1024, 128>}, {transform_indices = @transform_1, window_bounds = array<i64: 1024, 128>}, {transform_indices = @transform_2, window_bounds = array<i64: 1024, 128>}, {pipeline_mode = #tpu.pipeline_mode<synchronous>, transform_indices = @transform_3, window_bounds = array<i64: 1, 128>}, {pipeline_mode = #tpu.pipeline_mode<synchronous>, transform_indices = @transform_4, window_bounds = array<i64: 128, 128>}, {pipeline_mode = #tpu.pipeline_mode<synchronous>, transform_indices = @transform_5, window_bounds = array<i64: 1, 128>}, {pipeline_mode = #tpu.pipeline_mode<synchronous>, transform_indices = @transform_6, window_bounds = array<i64: 1, 128>}, {pipeline_mode = #tpu.pipeline_mode<synchronous>, transform_indices = @transform_7, window_bounds = array<i64: 1, 128>}, {pipeline_mode = #tpu.pipeline_mode<synchronous>, transform_indices = @transform_8, window_bounds = array<i64: 128, 128>}, {pipeline_mode = #tpu.pipeline_mode<synchronous>, transform_indices = @transform_9, window_bounds = array<i64: 1, 128>}, {pipeline_mode = #tpu.pipeline_mode<synchronous>, transform_indices = @transform_10, window_bounds = array<i64: 1, 128>}, {pipeline_mode = #tpu.pipeline_mode<synchronous>, transform_indices = @transform_11, window_bounds = array<i64: 1, 128>}, {transform_indices = @transform_12, window_bounds = array<i64: 1024, 128>}, {pipeline_mode = #tpu.pipeline_mode<synchronous>, transform_indices = @transform_13, window_bounds = array<i64: 8, 128>}]} {
    %get3A = arith.constant 0 : index
    %get3A_0 = arith.constant 0 : index
    %get3A_1 = vector.load %arg4[%get3A, %get3A_0] : memref<1x128xf32, #tpu.memory_space<vmem>>, vector<1x128xf32>
    %get3A_2 = arith.constant 0 : index
    %get3A_3 = arith.constant 0 : index
    %get3A_4 = vector.load %arg1[%get3A_2, %get3A_3] : memref<1024x128xf32, #tpu.memory_space<vmem>>, vector<1024x128xf32>
    %get3A_5 = arith.constant 0 : index
    %get3A_6 = arith.constant 0 : index
    %get3A_7 = vector.load %arg2[%get3A_5, %get3A_6] : memref<1024x128xf32, #tpu.memory_space<vmem>>, vector<1024x128xf32>
    %add3A = arith.addf %get3A_4, %get3A_7 : vector<1024x128xf32>
    %mul3A = vector.broadcast %get3A_1 : vector<1x128xf32> to vector<1024x128xf32>
    %mul3A_8 = arith.mulf %mul3A, %add3A : vector<1024x128xf32>
    %get3A_9 = arith.constant 0 : index
    %get3A_10 = arith.constant 0 : index
    %get3A_11 = vector.load %arg3[%get3A_9, %get3A_10] : memref<1024x128xf32, #tpu.memory_space<vmem>>, vector<1024x128xf32>
    %add3A_12 = arith.addf %mul3A_8, %get3A_11 : vector<1024x128xf32>
    %get3A_13 = arith.constant 0 : index
    %get3A_14 = arith.constant 0 : index
    %get3A_15 = vector.load %arg5[%get3A_13, %get3A_14] : memref<128x128xf32, #tpu.memory_space<vmem>>, vector<128x128xf32>
    %dot_general3A = arith.constant dense<0.000000e+00> : vector<1024x128xf32>
    %dot_general3A_16 = tpu.matmul %add3A_12, %get3A_15, %dot_general3A {dimension_numbers = #tpu.dot_dimension_numbers<[1], [0], [0], [1], [0, 0, 1, 1], [], []>, transpose_lhs_hint = false} : vector<1024x128xf32>, vector<128x128xf32>, vector<1024x128xf32> -> vector<1024x128xf32>
    %get3A_17 = arith.constant 0 : index
    %get3A_18 = arith.constant 0 : index
    %get3A_19 = vector.load %arg6[%get3A_17, %get3A_18] : memref<1x128xf32, #tpu.memory_space<vmem>>, vector<1x128xf32>
    %add3A_20 = vector.broadcast %get3A_19 : vector<1x128xf32> to vector<1024x128xf32>
    %add3A_21 = arith.addf %dot_general3A_16, %add3A_20 : vector<1024x128xf32>
    %reduce_sum3A = arith.constant dense<0.000000e+00> : vector<1024xf32>
    %reduce_sum3A_22 = vector.multi_reduction <add>, %add3A_21, %reduce_sum3A [1] : vector<1024x128xf32> to vector<1024xf32>
    %broadcast_in_dim3A = vector.shape_cast %reduce_sum3A_22 : vector<1024xf32> to vector<1024x1xf32>
    %div3A = arith.constant 1.280000e+02 : f32
    %div3A_23 = vector.broadcast %div3A : f32 to vector<1024x1xf32>
    %div3A_24 = arith.divf %broadcast_in_dim3A, %div3A_23 : vector<1024x1xf32>
    %sub3A = vector.broadcast %div3A_24 : vector<1024x1xf32> to vector<1024x128xf32>
    %sub3A_25 = arith.subf %add3A_21, %sub3A : vector<1024x128xf32>
    %integer_pow3A = arith.mulf %sub3A_25, %sub3A_25 : vector<1024x128xf32>
    %reduce_sum3A_26 = arith.constant dense<0.000000e+00> : vector<1024xf32>
    %reduce_sum3A_27 = vector.multi_reduction <add>, %integer_pow3A, %reduce_sum3A_26 [1] : vector<1024x128xf32> to vector<1024xf32>
    %broadcast_in_dim3A_28 = vector.shape_cast %reduce_sum3A_27 : vector<1024xf32> to vector<1024x1xf32>
    %div3A_29 = arith.constant 1.280000e+02 : f32
    %div3A_30 = vector.broadcast %div3A_29 : f32 to vector<1024x1xf32>
    %div3A_31 = arith.divf %broadcast_in_dim3A_28, %div3A_30 : vector<1024x1xf32>
    %sub3A_32 = vector.broadcast %div3A_24 : vector<1024x1xf32> to vector<1024x128xf32>
    %sub3A_33 = arith.subf %add3A_21, %sub3A_32 : vector<1024x128xf32>
    %add3A_34 = arith.constant 9.99999974E-6 : f32
    %add3A_35 = vector.broadcast %add3A_34 : f32 to vector<1024x1xf32>
    %add3A_36 = arith.addf %div3A_31, %add3A_35 : vector<1024x1xf32>
    %sqrt3A = math.sqrt %add3A_36 : vector<1024x1xf32>
    %div3A_37 = vector.broadcast %sqrt3A : vector<1024x1xf32> to vector<1024x128xf32>
    %div3A_38 = arith.divf %sub3A_33, %div3A_37 : vector<1024x128xf32>
    %get3A_39 = arith.constant 0 : index
    %get3A_40 = arith.constant 0 : index
    %get3A_41 = vector.load %arg7[%get3A_39, %get3A_40] : memref<1x128xf32, #tpu.memory_space<vmem>>, vector<1x128xf32>
    %mul3A_42 = vector.broadcast %get3A_41 : vector<1x128xf32> to vector<1024x128xf32>
    %mul3A_43 = arith.mulf %div3A_38, %mul3A_42 : vector<1024x128xf32>
    %get3A_44 = arith.constant 0 : index
    %get3A_45 = arith.constant 0 : index
    %get3A_46 = vector.load %arg8[%get3A_44, %get3A_45] : memref<1x128xf32, #tpu.memory_space<vmem>>, vector<1x128xf32>
    %add3A_47 = vector.broadcast %get3A_46 : vector<1x128xf32> to vector<1024x128xf32>
    %add3A_48 = arith.addf %mul3A_43, %add3A_47 : vector<1024x128xf32>
    %logistic3A = arith.negf %add3A_48 : vector<1024x128xf32>
    %logistic3A_49 = math.exp %logistic3A : vector<1024x128xf32>
    %logistic3A_50 = arith.constant 1.000000e+00 : f32
    %logistic3A_51 = vector.broadcast %logistic3A_50 : f32 to vector<1024x128xf32>
    %logistic3A_52 = arith.addf %logistic3A_51, %logistic3A_49 : vector<1024x128xf32>
    %logistic3A_53 = arith.divf %logistic3A_51, %logistic3A_52 : vector<1024x128xf32>
    %mul3A_54 = arith.mulf %add3A_48, %logistic3A_53 : vector<1024x128xf32>
    %get3A_55 = arith.constant 0 : index
    %get3A_56 = arith.constant 0 : index
    %get3A_57 = vector.load %arg9[%get3A_55, %get3A_56] : memref<128x128xf32, #tpu.memory_space<vmem>>, vector<128x128xf32>
    %dot_general3A_58 = arith.constant dense<0.000000e+00> : vector<1024x128xf32>
    %dot_general3A_59 = tpu.matmul %mul3A_54, %get3A_57, %dot_general3A_58 {dimension_numbers = #tpu.dot_dimension_numbers<[1], [0], [0], [1], [0, 0, 1, 1], [], []>, transpose_lhs_hint = false} : vector<1024x128xf32>, vector<128x128xf32>, vector<1024x128xf32> -> vector<1024x128xf32>
    %get3A_60 = arith.constant 0 : index
    %get3A_61 = arith.constant 0 : index
    %get3A_62 = vector.load %arg10[%get3A_60, %get3A_61] : memref<1x128xf32, #tpu.memory_space<vmem>>, vector<1x128xf32>
    %add3A_63 = vector.broadcast %get3A_62 : vector<1x128xf32> to vector<1024x128xf32>
    %add3A_64 = arith.addf %dot_general3A_59, %add3A_63 : vector<1024x128xf32>
    %reduce_sum3A_65 = arith.constant dense<0.000000e+00> : vector<1024xf32>
    %reduce_sum3A_66 = vector.multi_reduction <add>, %add3A_64, %reduce_sum3A_65 [1] : vector<1024x128xf32> to vector<1024xf32>
    %broadcast_in_dim3A_67 = vector.shape_cast %reduce_sum3A_66 : vector<1024xf32> to vector<1024x1xf32>
    %div3A_68 = arith.constant 1.280000e+02 : f32
    %div3A_69 = vector.broadcast %div3A_68 : f32 to vector<1024x1xf32>
    %div3A_70 = arith.divf %broadcast_in_dim3A_67, %div3A_69 : vector<1024x1xf32>
    %sub3A_71 = vector.broadcast %div3A_70 : vector<1024x1xf32> to vector<1024x128xf32>
    %sub3A_72 = arith.subf %add3A_64, %sub3A_71 : vector<1024x128xf32>
    %integer_pow3A_73 = arith.mulf %sub3A_72, %sub3A_72 : vector<1024x128xf32>
    %reduce_sum3A_74 = arith.constant dense<0.000000e+00> : vector<1024xf32>
    %reduce_sum3A_75 = vector.multi_reduction <add>, %integer_pow3A_73, %reduce_sum3A_74 [1] : vector<1024x128xf32> to vector<1024xf32>
    %broadcast_in_dim3A_76 = vector.shape_cast %reduce_sum3A_75 : vector<1024xf32> to vector<1024x1xf32>
    %div3A_77 = arith.constant 1.280000e+02 : f32
    %div3A_78 = vector.broadcast %div3A_77 : f32 to vector<1024x1xf32>
    %div3A_79 = arith.divf %broadcast_in_dim3A_76, %div3A_78 : vector<1024x1xf32>
    %sub3A_80 = vector.broadcast %div3A_70 : vector<1024x1xf32> to vector<1024x128xf32>
    %sub3A_81 = arith.subf %add3A_64, %sub3A_80 : vector<1024x128xf32>
    %add3A_82 = arith.constant 9.99999974E-6 : f32
    %add3A_83 = vector.broadcast %add3A_82 : f32 to vector<1024x1xf32>
    %add3A_84 = arith.addf %div3A_79, %add3A_83 : vector<1024x1xf32>
    %sqrt3A_85 = math.sqrt %add3A_84 : vector<1024x1xf32>
    %div3A_86 = vector.broadcast %sqrt3A_85 : vector<1024x1xf32> to vector<1024x128xf32>
    %div3A_87 = arith.divf %sub3A_81, %div3A_86 : vector<1024x128xf32>
    %get3A_88 = arith.constant 0 : index
    %get3A_89 = arith.constant 0 : index
    %get3A_90 = vector.load %arg11[%get3A_88, %get3A_89] : memref<1x128xf32, #tpu.memory_space<vmem>>, vector<1x128xf32>
    %mul3A_91 = vector.broadcast %get3A_90 : vector<1x128xf32> to vector<1024x128xf32>
    %mul3A_92 = arith.mulf %div3A_87, %mul3A_91 : vector<1024x128xf32>
    %get3A_93 = arith.constant 0 : index
    %get3A_94 = arith.constant 0 : index
    %get3A_95 = vector.load %arg12[%get3A_93, %get3A_94] : memref<1x128xf32, #tpu.memory_space<vmem>>, vector<1x128xf32>
    %add3A_96 = vector.broadcast %get3A_95 : vector<1x128xf32> to vector<1024x128xf32>
    %add3A_97 = arith.addf %mul3A_92, %add3A_96 : vector<1024x128xf32>
    %logistic3A_98 = arith.negf %add3A_97 : vector<1024x128xf32>
    %logistic3A_99 = math.exp %logistic3A_98 : vector<1024x128xf32>
    %logistic3A_100 = arith.constant 1.000000e+00 : f32
    %logistic3A_101 = vector.broadcast %logistic3A_100 : f32 to vector<1024x128xf32>
    %logistic3A_102 = arith.addf %logistic3A_101, %logistic3A_99 : vector<1024x128xf32>
    %logistic3A_103 = arith.divf %logistic3A_101, %logistic3A_102 : vector<1024x128xf32>
    %mul3A_104 = arith.mulf %add3A_97, %logistic3A_103 : vector<1024x128xf32>
    %swap3A = arith.constant 0 : index
    %swap3A_105 = arith.constant 0 : index
    %swap3A_106 = vector.load %arg13[%swap3A, %swap3A_105] : memref<1024x128xf32, #tpu.memory_space<vmem>>, vector<1024x128xf32>
    tpu.vector_store %arg13[%swap3A, %swap3A_105], %mul3A_104 {strides = array<i32>} : memref<1024x128xf32, #tpu.memory_space<vmem>>, vector<1024x128xf32>,
    %mul3A_107 = arith.constant 1024 : i32
    %mul3A_108 = arith.muli %arg0, %mul3A_107 : i32
    %iota3A = tpu.iota {dimensions = array<i32: 0>} : vector<1024x128xi32>
    %add3A_109 = vector.broadcast %mul3A_108 : i32 to vector<1024x128xi32>
    %add3A_110 = arith.addi %add3A_109, %iota3A : vector<1024x128xi32>
    %lt3A = arith.constant 10000 : i32
    %lt3A_111 = vector.broadcast %lt3A : i32 to vector<1024x128xi32>
    %lt3A_112 = arith.cmpi slt, %add3A_110, %lt3A_111 : vector<1024x128xi32>
    %jit3A = arith.constant 0.000000e+00 : f32
    %broadcast_in_dim3A_113 = vector.broadcast %jit3A : f32 to vector<1024x128xf32>
    %select_n3A = arith.select %lt3A_112, %mul3A_104, %broadcast_in_dim3A_113 : vector<1024x128xi1>, vector<1024x128xf32>
    %reduce_sum3A_114 = arith.constant dense<0.000000e+00> : vector<128xf32>
    %reduce_sum3A_115 = vector.multi_reduction <add>, %select_n3A, %reduce_sum3A_114 [0] : vector<1024x128xf32> to vector<128xf32>
    %broadcast_in_dim3A_116 = vector.shape_cast %reduce_sum3A_115 : vector<128xf32> to vector<1x128xf32>
    %mul3A_117 = arith.mulf %select_n3A, %select_n3A : vector<1024x128xf32>
    %reduce_sum3A_118 = arith.constant dense<0.000000e+00> : vector<128xf32>
    %reduce_sum3A_119 = vector.multi_reduction <add>, %mul3A_117, %reduce_sum3A_118 [0] : vector<1024x128xf32> to vector<128xf32>
    %broadcast_in_dim3A_120 = vector.shape_cast %reduce_sum3A_119 : vector<128xf32> to vector<1x128xf32>
    %broadcast_in_dim3A_121 = arith.constant 0.000000e+00 : f32
    %broadcast_in_dim3A_122 = vector.broadcast %broadcast_in_dim3A_121 : f32 to vector<6x128xf32>
    %concatenate3A = tpu.concatenate %broadcast_in_dim3A_116, %broadcast_in_dim3A_120, %broadcast_in_dim3A_122 in 0 : vector<1x128xf32>, vector<1x128xf32>, vector<6x128xf32> -> vector<8x128xf32>
    %eq3A = arith.constant 0 : i32
    %eq3A_123 = arith.cmpi eq, %arg0, %eq3A : i32
    %convert_element_type3A = arith.extui %eq3A_123 : i1 to i32
    %cond3A = arith.constant 0 : i32
    %cond3A_124 = arith.cmpi ne, %convert_element_type3A, %cond3A : i32
    scf.if %cond3A_124 {
      %swap3A_129 = arith.constant 0 : index
      %swap3A_130 = arith.constant 0 : index
      %swap3A_131 = vector.load %arg14[%swap3A_129, %swap3A_130] : memref<8x128xf32, #tpu.memory_space<vmem>>, vector<8x128xf32>
      tpu.vector_store %arg14[%swap3A_129, %swap3A_130], %concatenate3A {strides = array<i32>} : memref<8x128xf32, #tpu.memory_space<vmem>>, vector<8x128xf32>,
    } else {
    }
    %ne3A = arith.constant 0 : i32
    %ne3A_125 = arith.cmpi ne, %arg0, %ne3A : i32
    %convert_element_type3A_126 = arith.extui %ne3A_125 : i1 to i32
    %cond3A_127 = arith.constant 0 : i32
    %cond3A_128 = arith.cmpi ne, %convert_element_type3A_126, %cond3A_127 : i32
    scf.if %cond3A_128 {
      %get3A_129 = arith.constant 0 : index
      %get3A_130 = arith.constant 0 : index
      %get3A_131 = vector.load %arg14[%get3A_129, %get3A_130] : memref<8x128xf32, #tpu.memory_space<vmem>>, vector<8x128xf32>
      %add3A_132 = arith.addf %get3A_131, %concatenate3A : vector<8x128xf32>
      %swap3A_133 = arith.constant 0 : index
      %swap3A_134 = arith.constant 0 : index
      %swap3A_135 = vector.load %arg14[%swap3A_133, %swap3A_134] : memref<8x128xf32, #tpu.memory_space<vmem>>, vector<8x128xf32>
      tpu.vector_store %arg14[%swap3A_133, %swap3A_134], %add3A_132 {strides = array<i32>} : memref<8x128xf32, #tpu.memory_space<vmem>>, vector<8x128xf32>,
    } else {
    }
    return
  }
  func.func @transform_0(%arg0: i32) -> (i32, i32) {
    %c0_i32 = arith.constant 0 : i32
    %c0_i32_0 = arith.constant 0 : i32
    return %arg0, %c0_i32 : i32, i32
  }
  func.func @transform_1(%arg0: i32) -> (i32, i32) {
    %c0_i32 = arith.constant 0 : i32
    %c0_i32_0 = arith.constant 0 : i32
    return %arg0, %c0_i32 : i32, i32
  }
  func.func @transform_2(%arg0: i32) -> (i32, i32) {
    %c0_i32 = arith.constant 0 : i32
    %c0_i32_0 = arith.constant 0 : i32
    return %arg0, %c0_i32 : i32, i32
  }
  func.func @transform_3(%arg0: i32) -> (i32, i32) {
    %c0_i32 = arith.constant 0 : i32
    %c0_i32_0 = arith.constant 0 : i32
    %c0_i32_1 = arith.constant 0 : i32
    return %c0_i32, %c0_i32_0 : i32, i32
  }
  func.func @transform_4(%arg0: i32) -> (i32, i32) {
    %c0_i32 = arith.constant 0 : i32
    %c0_i32_0 = arith.constant 0 : i32
    %c0_i32_1 = arith.constant 0 : i32
    return %c0_i32, %c0_i32_0 : i32, i32
  }
  func.func @transform_5(%arg0: i32) -> (i32, i32) {
    %c0_i32 = arith.constant 0 : i32
    %c0_i32_0 = arith.constant 0 : i32
    %c0_i32_1 = arith.constant 0 : i32
    return %c0_i32, %c0_i32_0 : i32, i32
  }
  func.func @transform_6(%arg0: i32) -> (i32, i32) {
    %c0_i32 = arith.constant 0 : i32
    %c0_i32_0 = arith.constant 0 : i32
    %c0_i32_1 = arith.constant 0 : i32
    return %c0_i32, %c0_i32_0 : i32, i32
  }
  func.func @transform_7(%arg0: i32) -> (i32, i32) {
    %c0_i32 = arith.constant 0 : i32
    %c0_i32_0 = arith.constant 0 : i32
    %c0_i32_1 = arith.constant 0 : i32
    return %c0_i32, %c0_i32_0 : i32, i32
  }
  func.func @transform_8(%arg0: i32) -> (i32, i32) {
    %c0_i32 = arith.constant 0 : i32
    %c0_i32_0 = arith.constant 0 : i32
    %c0_i32_1 = arith.constant 0 : i32
    return %c0_i32, %c0_i32_0 : i32, i32
  }
  func.func @transform_9(%arg0: i32) -> (i32, i32) {
    %c0_i32 = arith.constant 0 : i32
    %c0_i32_0 = arith.constant 0 : i32
    %c0_i32_1 = arith.constant 0 : i32
    return %c0_i32, %c0_i32_0 : i32, i32
  }
  func.func @transform_10(%arg0: i32) -> (i32, i32) {
    %c0_i32 = arith.constant 0 : i32
    %c0_i32_0 = arith.constant 0 : i32
    %c0_i32_1 = arith.constant 0 : i32
    return %c0_i32, %c0_i32_0 : i32, i32
  }
  func.func @transform_11(%arg0: i32) -> (i32, i32) {
    %c0_i32 = arith.constant 0 : i32
    %c0_i32_0 = arith.constant 0 : i32
    %c0_i32_1 = arith.constant 0 : i32
    return %c0_i32, %c0_i32_0 : i32, i32
  }
  func.func @transform_12(%arg0: i32) -> (i32, i32) {
    %c0_i32 = arith.constant 0 : i32
    %c0_i32_0 = arith.constant 0 : i32
    return %arg0, %c0_i32 : i32, i32
  }
  func.func @transform_13(%arg0: i32) -> (i32, i32) {
    %c0_i32 = arith.constant 0 : i32
    %c0_i32_0 = arith.constant 0 : i32
    %c0_i32_1 = arith.constant 0 : i32
    return %c0_i32, %c0_i32_0 : i32, i32
  }
}

module attributes {stable_mosaic.version = 14 : i64} {
  func.func @body(%arg0: i32, %arg1: memref<1024x128xf32, #tpu.memory_space<vmem>>, %arg2: memref<8x128xf32, #tpu.memory_space<vmem>>, %arg3: memref<1024x128xf32, #tpu.memory_space<vmem>>, %arg4: memref<1x128xf32, #tpu.memory_space<vmem>>, %arg5: memref<1x128xf32, #tpu.memory_space<vmem>>, %arg6: memref<1x128xf32, #tpu.memory_space<vmem>>, %arg7: memref<1x128xf32, #tpu.memory_space<vmem>>, %arg8: memref<1024x128xf32, #tpu.memory_space<vmem>>) attributes {dimension_semantics = [#tpu.dimension_semantics<arbitrary>], iteration_bounds = array<i64: 10>, scalar_prefetch = 0 : i64, scratch_operands = 0 : i64, tpu.core_type = #tpu.core_type<tc>, window_params = [{transform_indices = @transform_0, window_bounds = array<i64: 1024, 128>}, {pipeline_mode = #tpu.pipeline_mode<synchronous>, transform_indices = @transform_1, window_bounds = array<i64: 8, 128>}, {transform_indices = @transform_2, window_bounds = array<i64: 1024, 128>}, {pipeline_mode = #tpu.pipeline_mode<synchronous>, transform_indices = @transform_3, window_bounds = array<i64: 1, 128>}, {pipeline_mode = #tpu.pipeline_mode<synchronous>, transform_indices = @transform_4, window_bounds = array<i64: 1, 128>}, {pipeline_mode = #tpu.pipeline_mode<synchronous>, transform_indices = @transform_5, window_bounds = array<i64: 1, 128>}, {pipeline_mode = #tpu.pipeline_mode<synchronous>, transform_indices = @transform_6, window_bounds = array<i64: 1, 128>}, {transform_indices = @transform_7, window_bounds = array<i64: 1024, 128>}]} {
    %get3A = arith.constant 0 : index
    %get3A_0 = arith.constant 0 : index
    %get3A_1 = vector.load %arg2[%get3A, %get3A_0] : memref<8x128xf32, #tpu.memory_space<vmem>>, vector<8x128xf32>
    %slice3A = vector.extract_strided_slice %get3A_1 {offsets = [0, 0], sizes = [1, 128], strides = [1, 1]} : vector<8x128xf32> to vector<1x128xf32>
    %mul3A = arith.constant 9.99999974E-5 : f32
    %mul3A_2 = vector.broadcast %mul3A : f32 to vector<1x128xf32>
    %mul3A_3 = arith.mulf %slice3A, %mul3A_2 : vector<1x128xf32>
    %slice3A_4 = vector.extract_strided_slice %get3A_1 {offsets = [1, 0], sizes = [1, 128], strides = [1, 1]} : vector<8x128xf32> to vector<1x128xf32>
    %mul3A_5 = arith.constant 9.99999974E-5 : f32
    %mul3A_6 = vector.broadcast %mul3A_5 : f32 to vector<1x128xf32>
    %mul3A_7 = arith.mulf %slice3A_4, %mul3A_6 : vector<1x128xf32>
    %get3A_8 = arith.constant 0 : index
    %get3A_9 = arith.constant 0 : index
    %get3A_10 = vector.load %arg6[%get3A_8, %get3A_9] : memref<1x128xf32, #tpu.memory_space<vmem>>, vector<1x128xf32>
    %mul3A_11 = arith.mulf %mul3A_3, %get3A_10 : vector<1x128xf32>
    %mul3A_12 = arith.constant 2.000000e+00 : f32
    %mul3A_13 = vector.broadcast %mul3A_12 : f32 to vector<1x128xf32>
    %mul3A_14 = arith.mulf %mul3A_13, %mul3A_11 : vector<1x128xf32>
    %mul3A_15 = arith.mulf %mul3A_14, %mul3A_3 : vector<1x128xf32>
    %sub3A = arith.subf %mul3A_7, %mul3A_15 : vector<1x128xf32>
    %mul3A_16 = arith.mulf %mul3A_11, %mul3A_11 : vector<1x128xf32>
    %add3A = arith.addf %sub3A, %mul3A_16 : vector<1x128xf32>
    %add3A_17 = arith.constant 9.99999974E-6 : f32
    %add3A_18 = vector.broadcast %add3A_17 : f32 to vector<1x128xf32>
    %add3A_19 = arith.addf %add3A, %add3A_18 : vector<1x128xf32>
    %sqrt3A = math.sqrt %add3A_19 : vector<1x128xf32>
    %div3A = arith.constant 1.000000e+00 : f32
    %div3A_20 = vector.broadcast %div3A : f32 to vector<1x128xf32>
    %div3A_21 = arith.divf %div3A_20, %sqrt3A : vector<1x128xf32>
    %get3A_22 = arith.constant 0 : index
    %get3A_23 = arith.constant 0 : index
    %get3A_24 = vector.load %arg1[%get3A_22, %get3A_23] : memref<1024x128xf32, #tpu.memory_space<vmem>>, vector<1024x128xf32>
    %sub3A_25 = vector.broadcast %mul3A_11 : vector<1x128xf32> to vector<1024x128xf32>
    %sub3A_26 = arith.subf %get3A_24, %sub3A_25 : vector<1024x128xf32>
    %get3A_27 = arith.constant 0 : index
    %get3A_28 = arith.constant 0 : index
    %get3A_29 = vector.load %arg4[%get3A_27, %get3A_28] : memref<1x128xf32, #tpu.memory_space<vmem>>, vector<1x128xf32>
    %mul3A_30 = arith.mulf %get3A_29, %div3A_21 : vector<1x128xf32>
    %mul3A_31 = vector.broadcast %mul3A_30 : vector<1x128xf32> to vector<1024x128xf32>
    %mul3A_32 = arith.mulf %sub3A_26, %mul3A_31 : vector<1024x128xf32>
    %get3A_33 = arith.constant 0 : index
    %get3A_34 = arith.constant 0 : index
    %get3A_35 = vector.load %arg5[%get3A_33, %get3A_34] : memref<1x128xf32, #tpu.memory_space<vmem>>, vector<1x128xf32>
    %add3A_36 = vector.broadcast %get3A_35 : vector<1x128xf32> to vector<1024x128xf32>
    %add3A_37 = arith.addf %mul3A_32, %add3A_36 : vector<1024x128xf32>
    %logistic3A = arith.negf %add3A_37 : vector<1024x128xf32>
    %logistic3A_38 = math.exp %logistic3A : vector<1024x128xf32>
    %logistic3A_39 = arith.constant 1.000000e+00 : f32
    %logistic3A_40 = vector.broadcast %logistic3A_39 : f32 to vector<1024x128xf32>
    %logistic3A_41 = arith.addf %logistic3A_40, %logistic3A_38 : vector<1024x128xf32>
    %logistic3A_42 = arith.divf %logistic3A_40, %logistic3A_41 : vector<1024x128xf32>
    %mul3A_43 = arith.mulf %add3A_37, %logistic3A_42 : vector<1024x128xf32>
    %get3A_44 = arith.constant 0 : index
    %get3A_45 = arith.constant 0 : index
    %get3A_46 = vector.load %arg7[%get3A_44, %get3A_45] : memref<1x128xf32, #tpu.memory_space<vmem>>, vector<1x128xf32>
    %mul3A_47 = vector.broadcast %get3A_46 : vector<1x128xf32> to vector<1024x128xf32>
    %mul3A_48 = arith.mulf %mul3A_47, %mul3A_43 : vector<1024x128xf32>
    %get3A_49 = arith.constant 0 : index
    %get3A_50 = arith.constant 0 : index
    %get3A_51 = vector.load %arg3[%get3A_49, %get3A_50] : memref<1024x128xf32, #tpu.memory_space<vmem>>, vector<1024x128xf32>
    %add3A_52 = arith.addf %mul3A_48, %get3A_51 : vector<1024x128xf32>
    %swap3A = arith.constant 0 : index
    %swap3A_53 = arith.constant 0 : index
    %swap3A_54 = vector.load %arg8[%swap3A, %swap3A_53] : memref<1024x128xf32, #tpu.memory_space<vmem>>, vector<1024x128xf32>
    tpu.vector_store %arg8[%swap3A, %swap3A_53], %add3A_52 {strides = array<i32>} : memref<1024x128xf32, #tpu.memory_space<vmem>>, vector<1024x128xf32>,
    return
  }
  func.func @transform_0(%arg0: i32) -> (i32, i32) {
    %c0_i32 = arith.constant 0 : i32
    %c0_i32_0 = arith.constant 0 : i32
    return %arg0, %c0_i32 : i32, i32
  }
  func.func @transform_1(%arg0: i32) -> (i32, i32) {
    %c0_i32 = arith.constant 0 : i32
    %c0_i32_0 = arith.constant 0 : i32
    %c0_i32_1 = arith.constant 0 : i32
    return %c0_i32, %c0_i32_0 : i32, i32
  }
  func.func @transform_2(%arg0: i32) -> (i32, i32) {
    %c0_i32 = arith.constant 0 : i32
    %c0_i32_0 = arith.constant 0 : i32
    return %arg0, %c0_i32 : i32, i32
  }
  func.func @transform_3(%arg0: i32) -> (i32, i32) {
    %c0_i32 = arith.constant 0 : i32
    %c0_i32_0 = arith.constant 0 : i32
    %c0_i32_1 = arith.constant 0 : i32
    return %c0_i32, %c0_i32_0 : i32, i32
  }
  func.func @transform_4(%arg0: i32) -> (i32, i32) {
    %c0_i32 = arith.constant 0 : i32
    %c0_i32_0 = arith.constant 0 : i32
    %c0_i32_1 = arith.constant 0 : i32
    return %c0_i32, %c0_i32_0 : i32, i32
  }
  func.func @transform_5(%arg0: i32) -> (i32, i32) {
    %c0_i32 = arith.constant 0 : i32
    %c0_i32_0 = arith.constant 0 : i32
    %c0_i32_1 = arith.constant 0 : i32
    return %c0_i32, %c0_i32_0 : i32, i32
  }
  func.func @transform_6(%arg0: i32) -> (i32, i32) {
    %c0_i32 = arith.constant 0 : i32
    %c0_i32_0 = arith.constant 0 : i32
    %c0_i32_1 = arith.constant 0 : i32
    return %c0_i32, %c0_i32_0 : i32, i32
  }
  func.func @transform_7(%arg0: i32) -> (i32, i32) {
    %c0_i32 = arith.constant 0 : i32
    %c0_i32_0 = arith.constant 0 : i32
    return %arg0, %c0_i32 : i32, i32
  }
}

module attributes {stable_mosaic.version = 14 : i64} {
  func.func @body(%arg0: i32, %arg1: memref<1024x128xf32, #tpu.memory_space<vmem>>, %arg2: memref<1024x128xf32, #tpu.memory_space<vmem>>, %arg3: memref<1024x128xf32, #tpu.memory_space<vmem>>, %arg4: memref<1x128xf32, #tpu.memory_space<vmem>>, %arg5: memref<128x128xf32, #tpu.memory_space<vmem>>, %arg6: memref<1x128xf32, #tpu.memory_space<vmem>>, %arg7: memref<1x128xf32, #tpu.memory_space<vmem>>, %arg8: memref<1x128xf32, #tpu.memory_space<vmem>>, %arg9: memref<128x128xf32, #tpu.memory_space<vmem>>, %arg10: memref<1x128xf32, #tpu.memory_space<vmem>>, %arg11: memref<1x128xf32, #tpu.memory_space<vmem>>, %arg12: memref<1x128xf32, #tpu.memory_space<vmem>>, %arg13: memref<1024x128xf32, #tpu.memory_space<vmem>>, %arg14: memref<8x128xf32, #tpu.memory_space<vmem>>) attributes {dimension_semantics = [#tpu.dimension_semantics<arbitrary>], iteration_bounds = array<i64: 10>, scalar_prefetch = 0 : i64, scratch_operands = 0 : i64, tpu.core_type = #tpu.core_type<tc>, window_params = [{transform_indices = @transform_0, window_bounds = array<i64: 1024, 128>}, {transform_indices = @transform_1, window_bounds = array<i64: 1024, 128>}, {transform_indices = @transform_2, window_bounds = array<i64: 1024, 128>}, {pipeline_mode = #tpu.pipeline_mode<synchronous>, transform_indices = @transform_3, window_bounds = array<i64: 1, 128>}, {pipeline_mode = #tpu.pipeline_mode<synchronous>, transform_indices = @transform_4, window_bounds = array<i64: 128, 128>}, {pipeline_mode = #tpu.pipeline_mode<synchronous>, transform_indices = @transform_5, window_bounds = array<i64: 1, 128>}, {pipeline_mode = #tpu.pipeline_mode<synchronous>, transform_indices = @transform_6, window_bounds = array<i64: 1, 128>}, {pipeline_mode = #tpu.pipeline_mode<synchronous>, transform_indices = @transform_7, window_bounds = array<i64: 1, 128>}, {pipeline_mode = #tpu.pipeline_mode<synchronous>, transform_indices = @transform_8, window_bounds = array<i64: 128, 128>}, {pipeline_mode = #tpu.pipeline_mode<synchronous>, transform_indices = @transform_9, window_bounds = array<i64: 1, 128>}, {pipeline_mode = #tpu.pipeline_mode<synchronous>, transform_indices = @transform_10, window_bounds = array<i64: 1, 128>}, {pipeline_mode = #tpu.pipeline_mode<synchronous>, transform_indices = @transform_11, window_bounds = array<i64: 1, 128>}, {transform_indices = @transform_12, window_bounds = array<i64: 1024, 128>}, {pipeline_mode = #tpu.pipeline_mode<synchronous>, transform_indices = @transform_13, window_bounds = array<i64: 8, 128>}]} {
    %get3A = arith.constant 0 : index
    %get3A_0 = arith.constant 0 : index
    %get3A_1 = vector.load %arg4[%get3A, %get3A_0] : memref<1x128xf32, #tpu.memory_space<vmem>>, vector<1x128xf32>
    %get3A_2 = arith.constant 0 : index
    %get3A_3 = arith.constant 0 : index
    %get3A_4 = vector.load %arg1[%get3A_2, %get3A_3] : memref<1024x128xf32, #tpu.memory_space<vmem>>, vector<1024x128xf32>
    %get3A_5 = arith.constant 0 : index
    %get3A_6 = arith.constant 0 : index
    %get3A_7 = vector.load %arg2[%get3A_5, %get3A_6] : memref<1024x128xf32, #tpu.memory_space<vmem>>, vector<1024x128xf32>
    %add3A = arith.addf %get3A_4, %get3A_7 : vector<1024x128xf32>
    %mul3A = vector.broadcast %get3A_1 : vector<1x128xf32> to vector<1024x128xf32>
    %mul3A_8 = arith.mulf %mul3A, %add3A : vector<1024x128xf32>
    %get3A_9 = arith.constant 0 : index
    %get3A_10 = arith.constant 0 : index
    %get3A_11 = vector.load %arg3[%get3A_9, %get3A_10] : memref<1024x128xf32, #tpu.memory_space<vmem>>, vector<1024x128xf32>
    %add3A_12 = arith.addf %mul3A_8, %get3A_11 : vector<1024x128xf32>
    %get3A_13 = arith.constant 0 : index
    %get3A_14 = arith.constant 0 : index
    %get3A_15 = vector.load %arg5[%get3A_13, %get3A_14] : memref<128x128xf32, #tpu.memory_space<vmem>>, vector<128x128xf32>
    %dot_general3A = arith.constant dense<0.000000e+00> : vector<1024x128xf32>
    %dot_general3A_16 = tpu.matmul %add3A_12, %get3A_15, %dot_general3A {dimension_numbers = #tpu.dot_dimension_numbers<[1], [0], [0], [1], [0, 0, 1, 1], [], []>, transpose_lhs_hint = false} : vector<1024x128xf32>, vector<128x128xf32>, vector<1024x128xf32> -> vector<1024x128xf32>
    %get3A_17 = arith.constant 0 : index
    %get3A_18 = arith.constant 0 : index
    %get3A_19 = vector.load %arg6[%get3A_17, %get3A_18] : memref<1x128xf32, #tpu.memory_space<vmem>>, vector<1x128xf32>
    %add3A_20 = vector.broadcast %get3A_19 : vector<1x128xf32> to vector<1024x128xf32>
    %add3A_21 = arith.addf %dot_general3A_16, %add3A_20 : vector<1024x128xf32>
    %reduce_sum3A = arith.constant dense<0.000000e+00> : vector<1024xf32>
    %reduce_sum3A_22 = vector.multi_reduction <add>, %add3A_21, %reduce_sum3A [1] : vector<1024x128xf32> to vector<1024xf32>
    %broadcast_in_dim3A = vector.shape_cast %reduce_sum3A_22 : vector<1024xf32> to vector<1024x1xf32>
    %div3A = arith.constant 1.280000e+02 : f32
    %div3A_23 = vector.broadcast %div3A : f32 to vector<1024x1xf32>
    %div3A_24 = arith.divf %broadcast_in_dim3A, %div3A_23 : vector<1024x1xf32>
    %sub3A = vector.broadcast %div3A_24 : vector<1024x1xf32> to vector<1024x128xf32>
    %sub3A_25 = arith.subf %add3A_21, %sub3A : vector<1024x128xf32>
    %integer_pow3A = arith.mulf %sub3A_25, %sub3A_25 : vector<1024x128xf32>
    %reduce_sum3A_26 = arith.constant dense<0.000000e+00> : vector<1024xf32>
    %reduce_sum3A_27 = vector.multi_reduction <add>, %integer_pow3A, %reduce_sum3A_26 [1] : vector<1024x128xf32> to vector<1024xf32>
    %broadcast_in_dim3A_28 = vector.shape_cast %reduce_sum3A_27 : vector<1024xf32> to vector<1024x1xf32>
    %div3A_29 = arith.constant 1.280000e+02 : f32
    %div3A_30 = vector.broadcast %div3A_29 : f32 to vector<1024x1xf32>
    %div3A_31 = arith.divf %broadcast_in_dim3A_28, %div3A_30 : vector<1024x1xf32>
    %sub3A_32 = vector.broadcast %div3A_24 : vector<1024x1xf32> to vector<1024x128xf32>
    %sub3A_33 = arith.subf %add3A_21, %sub3A_32 : vector<1024x128xf32>
    %add3A_34 = arith.constant 9.99999974E-6 : f32
    %add3A_35 = vector.broadcast %add3A_34 : f32 to vector<1024x1xf32>
    %add3A_36 = arith.addf %div3A_31, %add3A_35 : vector<1024x1xf32>
    %sqrt3A = math.sqrt %add3A_36 : vector<1024x1xf32>
    %div3A_37 = vector.broadcast %sqrt3A : vector<1024x1xf32> to vector<1024x128xf32>
    %div3A_38 = arith.divf %sub3A_33, %div3A_37 : vector<1024x128xf32>
    %get3A_39 = arith.constant 0 : index
    %get3A_40 = arith.constant 0 : index
    %get3A_41 = vector.load %arg7[%get3A_39, %get3A_40] : memref<1x128xf32, #tpu.memory_space<vmem>>, vector<1x128xf32>
    %mul3A_42 = vector.broadcast %get3A_41 : vector<1x128xf32> to vector<1024x128xf32>
    %mul3A_43 = arith.mulf %div3A_38, %mul3A_42 : vector<1024x128xf32>
    %get3A_44 = arith.constant 0 : index
    %get3A_45 = arith.constant 0 : index
    %get3A_46 = vector.load %arg8[%get3A_44, %get3A_45] : memref<1x128xf32, #tpu.memory_space<vmem>>, vector<1x128xf32>
    %add3A_47 = vector.broadcast %get3A_46 : vector<1x128xf32> to vector<1024x128xf32>
    %add3A_48 = arith.addf %mul3A_43, %add3A_47 : vector<1024x128xf32>
    %logistic3A = arith.negf %add3A_48 : vector<1024x128xf32>
    %logistic3A_49 = math.exp %logistic3A : vector<1024x128xf32>
    %logistic3A_50 = arith.constant 1.000000e+00 : f32
    %logistic3A_51 = vector.broadcast %logistic3A_50 : f32 to vector<1024x128xf32>
    %logistic3A_52 = arith.addf %logistic3A_51, %logistic3A_49 : vector<1024x128xf32>
    %logistic3A_53 = arith.divf %logistic3A_51, %logistic3A_52 : vector<1024x128xf32>
    %mul3A_54 = arith.mulf %add3A_48, %logistic3A_53 : vector<1024x128xf32>
    %get3A_55 = arith.constant 0 : index
    %get3A_56 = arith.constant 0 : index
    %get3A_57 = vector.load %arg9[%get3A_55, %get3A_56] : memref<128x128xf32, #tpu.memory_space<vmem>>, vector<128x128xf32>
    %dot_general3A_58 = arith.constant dense<0.000000e+00> : vector<1024x128xf32>
    %dot_general3A_59 = tpu.matmul %mul3A_54, %get3A_57, %dot_general3A_58 {dimension_numbers = #tpu.dot_dimension_numbers<[1], [0], [0], [1], [0, 0, 1, 1], [], []>, transpose_lhs_hint = false} : vector<1024x128xf32>, vector<128x128xf32>, vector<1024x128xf32> -> vector<1024x128xf32>
    %get3A_60 = arith.constant 0 : index
    %get3A_61 = arith.constant 0 : index
    %get3A_62 = vector.load %arg10[%get3A_60, %get3A_61] : memref<1x128xf32, #tpu.memory_space<vmem>>, vector<1x128xf32>
    %add3A_63 = vector.broadcast %get3A_62 : vector<1x128xf32> to vector<1024x128xf32>
    %add3A_64 = arith.addf %dot_general3A_59, %add3A_63 : vector<1024x128xf32>
    %swap3A = arith.constant 0 : index
    %swap3A_65 = arith.constant 0 : index
    %swap3A_66 = vector.load %arg13[%swap3A, %swap3A_65] : memref<1024x128xf32, #tpu.memory_space<vmem>>, vector<1024x128xf32>
    tpu.vector_store %arg13[%swap3A, %swap3A_65], %add3A_64 {strides = array<i32>} : memref<1024x128xf32, #tpu.memory_space<vmem>>, vector<1024x128xf32>,
    %mul3A_67 = arith.constant 1024 : i32
    %mul3A_68 = arith.muli %arg0, %mul3A_67 : i32
    %iota3A = tpu.iota {dimensions = array<i32: 0>} : vector<1024x128xi32>
    %add3A_69 = vector.broadcast %mul3A_68 : i32 to vector<1024x128xi32>
    %add3A_70 = arith.addi %add3A_69, %iota3A : vector<1024x128xi32>
    %lt3A = arith.constant 10000 : i32
    %lt3A_71 = vector.broadcast %lt3A : i32 to vector<1024x128xi32>
    %lt3A_72 = arith.cmpi slt, %add3A_70, %lt3A_71 : vector<1024x128xi32>
    %jit3A = arith.constant 0.000000e+00 : f32
    %broadcast_in_dim3A_73 = vector.broadcast %jit3A : f32 to vector<1024x128xf32>
    %select_n3A = arith.select %lt3A_72, %add3A_64, %broadcast_in_dim3A_73 : vector<1024x128xi1>, vector<1024x128xf32>
    %reduce_sum3A_74 = arith.constant dense<0.000000e+00> : vector<128xf32>
    %reduce_sum3A_75 = vector.multi_reduction <add>, %select_n3A, %reduce_sum3A_74 [0] : vector<1024x128xf32> to vector<128xf32>
    %broadcast_in_dim3A_76 = vector.shape_cast %reduce_sum3A_75 : vector<128xf32> to vector<1x128xf32>
    %mul3A_77 = arith.mulf %select_n3A, %select_n3A : vector<1024x128xf32>
    %reduce_sum3A_78 = arith.constant dense<0.000000e+00> : vector<128xf32>
    %reduce_sum3A_79 = vector.multi_reduction <add>, %mul3A_77, %reduce_sum3A_78 [0] : vector<1024x128xf32> to vector<128xf32>
    %broadcast_in_dim3A_80 = vector.shape_cast %reduce_sum3A_79 : vector<128xf32> to vector<1x128xf32>
    %broadcast_in_dim3A_81 = arith.constant 0.000000e+00 : f32
    %broadcast_in_dim3A_82 = vector.broadcast %broadcast_in_dim3A_81 : f32 to vector<6x128xf32>
    %concatenate3A = tpu.concatenate %broadcast_in_dim3A_76, %broadcast_in_dim3A_80, %broadcast_in_dim3A_82 in 0 : vector<1x128xf32>, vector<1x128xf32>, vector<6x128xf32> -> vector<8x128xf32>
    %eq3A = arith.constant 0 : i32
    %eq3A_83 = arith.cmpi eq, %arg0, %eq3A : i32
    %convert_element_type3A = arith.extui %eq3A_83 : i1 to i32
    %cond3A = arith.constant 0 : i32
    %cond3A_84 = arith.cmpi ne, %convert_element_type3A, %cond3A : i32
    scf.if %cond3A_84 {
      %swap3A_89 = arith.constant 0 : index
      %swap3A_90 = arith.constant 0 : index
      %swap3A_91 = vector.load %arg14[%swap3A_89, %swap3A_90] : memref<8x128xf32, #tpu.memory_space<vmem>>, vector<8x128xf32>
      tpu.vector_store %arg14[%swap3A_89, %swap3A_90], %concatenate3A {strides = array<i32>} : memref<8x128xf32, #tpu.memory_space<vmem>>, vector<8x128xf32>,
    } else {
    }
    %ne3A = arith.constant 0 : i32
    %ne3A_85 = arith.cmpi ne, %arg0, %ne3A : i32
    %convert_element_type3A_86 = arith.extui %ne3A_85 : i1 to i32
    %cond3A_87 = arith.constant 0 : i32
    %cond3A_88 = arith.cmpi ne, %convert_element_type3A_86, %cond3A_87 : i32
    scf.if %cond3A_88 {
      %get3A_89 = arith.constant 0 : index
      %get3A_90 = arith.constant 0 : index
      %get3A_91 = vector.load %arg14[%get3A_89, %get3A_90] : memref<8x128xf32, #tpu.memory_space<vmem>>, vector<8x128xf32>
      %add3A_92 = arith.addf %get3A_91, %concatenate3A : vector<8x128xf32>
      %swap3A_93 = arith.constant 0 : index
      %swap3A_94 = arith.constant 0 : index
      %swap3A_95 = vector.load %arg14[%swap3A_93, %swap3A_94] : memref<8x128xf32, #tpu.memory_space<vmem>>, vector<8x128xf32>
      tpu.vector_store %arg14[%swap3A_93, %swap3A_94], %add3A_92 {strides = array<i32>} : memref<8x128xf32, #tpu.memory_space<vmem>>, vector<8x128xf32>,
    } else {
    }
    return
  }
  func.func @transform_0(%arg0: i32) -> (i32, i32) {
    %c0_i32 = arith.constant 0 : i32
    %c0_i32_0 = arith.constant 0 : i32
    return %arg0, %c0_i32 : i32, i32
  }
  func.func @transform_1(%arg0: i32) -> (i32, i32) {
    %c0_i32 = arith.constant 0 : i32
    %c0_i32_0 = arith.constant 0 : i32
    return %arg0, %c0_i32 : i32, i32
  }
  func.func @transform_2(%arg0: i32) -> (i32, i32) {
    %c0_i32 = arith.constant 0 : i32
    %c0_i32_0 = arith.constant 0 : i32
    return %arg0, %c0_i32 : i32, i32
  }
  func.func @transform_3(%arg0: i32) -> (i32, i32) {
    %c0_i32 = arith.constant 0 : i32
    %c0_i32_0 = arith.constant 0 : i32
    %c0_i32_1 = arith.constant 0 : i32
    return %c0_i32, %c0_i32_0 : i32, i32
  }
  func.func @transform_4(%arg0: i32) -> (i32, i32) {
    %c0_i32 = arith.constant 0 : i32
    %c0_i32_0 = arith.constant 0 : i32
    %c0_i32_1 = arith.constant 0 : i32
    return %c0_i32, %c0_i32_0 : i32, i32
  }
  func.func @transform_5(%arg0: i32) -> (i32, i32) {
    %c0_i32 = arith.constant 0 : i32
    %c0_i32_0 = arith.constant 0 : i32
    %c0_i32_1 = arith.constant 0 : i32
    return %c0_i32, %c0_i32_0 : i32, i32
  }
  func.func @transform_6(%arg0: i32) -> (i32, i32) {
    %c0_i32 = arith.constant 0 : i32
    %c0_i32_0 = arith.constant 0 : i32
    %c0_i32_1 = arith.constant 0 : i32
    return %c0_i32, %c0_i32_0 : i32, i32
  }
  func.func @transform_7(%arg0: i32) -> (i32, i32) {
    %c0_i32 = arith.constant 0 : i32
    %c0_i32_0 = arith.constant 0 : i32
    %c0_i32_1 = arith.constant 0 : i32
    return %c0_i32, %c0_i32_0 : i32, i32
  }
  func.func @transform_8(%arg0: i32) -> (i32, i32) {
    %c0_i32 = arith.constant 0 : i32
    %c0_i32_0 = arith.constant 0 : i32
    %c0_i32_1 = arith.constant 0 : i32
    return %c0_i32, %c0_i32_0 : i32, i32
  }
  func.func @transform_9(%arg0: i32) -> (i32, i32) {
    %c0_i32 = arith.constant 0 : i32
    %c0_i32_0 = arith.constant 0 : i32
    %c0_i32_1 = arith.constant 0 : i32
    return %c0_i32, %c0_i32_0 : i32, i32
  }
  func.func @transform_10(%arg0: i32) -> (i32, i32) {
    %c0_i32 = arith.constant 0 : i32
    %c0_i32_0 = arith.constant 0 : i32
    %c0_i32_1 = arith.constant 0 : i32
    return %c0_i32, %c0_i32_0 : i32, i32
  }
  func.func @transform_11(%arg0: i32) -> (i32, i32) {
    %c0_i32 = arith.constant 0 : i32
    %c0_i32_0 = arith.constant 0 : i32
    %c0_i32_1 = arith.constant 0 : i32
    return %c0_i32, %c0_i32_0 : i32, i32
  }
  func.func @transform_12(%arg0: i32) -> (i32, i32) {
    %c0_i32 = arith.constant 0 : i32
    %c0_i32_0 = arith.constant 0 : i32
    return %arg0, %c0_i32 : i32, i32
  }
  func.func @transform_13(%arg0: i32) -> (i32, i32) {
    %c0_i32 = arith.constant 0 : i32
    %c0_i32_0 = arith.constant 0 : i32
    %c0_i32_1 = arith.constant 0 : i32
    return %c0_i32, %c0_i32_0 : i32, i32
  }
}

module attributes {stable_mosaic.version = 14 : i64} {
  func.func @body(%arg0: i32, %arg1: memref<1024x128xf32, #tpu.memory_space<vmem>>, %arg2: memref<8x128xf32, #tpu.memory_space<vmem>>, %arg3: memref<1024x128xf32, #tpu.memory_space<vmem>>, %arg4: memref<1x128xf32, #tpu.memory_space<vmem>>, %arg5: memref<1x128xf32, #tpu.memory_space<vmem>>, %arg6: memref<1x128xf32, #tpu.memory_space<vmem>>, %arg7: memref<1x128xf32, #tpu.memory_space<vmem>>, %arg8: memref<1024x128xf32, #tpu.memory_space<vmem>>) attributes {dimension_semantics = [#tpu.dimension_semantics<arbitrary>], iteration_bounds = array<i64: 10>, scalar_prefetch = 0 : i64, scratch_operands = 0 : i64, tpu.core_type = #tpu.core_type<tc>, window_params = [{transform_indices = @transform_0, window_bounds = array<i64: 1024, 128>}, {pipeline_mode = #tpu.pipeline_mode<synchronous>, transform_indices = @transform_1, window_bounds = array<i64: 8, 128>}, {transform_indices = @transform_2, window_bounds = array<i64: 1024, 128>}, {pipeline_mode = #tpu.pipeline_mode<synchronous>, transform_indices = @transform_3, window_bounds = array<i64: 1, 128>}, {pipeline_mode = #tpu.pipeline_mode<synchronous>, transform_indices = @transform_4, window_bounds = array<i64: 1, 128>}, {pipeline_mode = #tpu.pipeline_mode<synchronous>, transform_indices = @transform_5, window_bounds = array<i64: 1, 128>}, {pipeline_mode = #tpu.pipeline_mode<synchronous>, transform_indices = @transform_6, window_bounds = array<i64: 1, 128>}, {transform_indices = @transform_7, window_bounds = array<i64: 1024, 128>}]} {
    %get3A = arith.constant 0 : index
    %get3A_0 = arith.constant 0 : index
    %get3A_1 = vector.load %arg2[%get3A, %get3A_0] : memref<8x128xf32, #tpu.memory_space<vmem>>, vector<8x128xf32>
    %slice3A = vector.extract_strided_slice %get3A_1 {offsets = [0, 0], sizes = [1, 128], strides = [1, 1]} : vector<8x128xf32> to vector<1x128xf32>
    %mul3A = arith.constant 9.99999974E-5 : f32
    %mul3A_2 = vector.broadcast %mul3A : f32 to vector<1x128xf32>
    %mul3A_3 = arith.mulf %slice3A, %mul3A_2 : vector<1x128xf32>
    %slice3A_4 = vector.extract_strided_slice %get3A_1 {offsets = [1, 0], sizes = [1, 128], strides = [1, 1]} : vector<8x128xf32> to vector<1x128xf32>
    %mul3A_5 = arith.constant 9.99999974E-5 : f32
    %mul3A_6 = vector.broadcast %mul3A_5 : f32 to vector<1x128xf32>
    %mul3A_7 = arith.mulf %slice3A_4, %mul3A_6 : vector<1x128xf32>
    %get3A_8 = arith.constant 0 : index
    %get3A_9 = arith.constant 0 : index
    %get3A_10 = vector.load %arg6[%get3A_8, %get3A_9] : memref<1x128xf32, #tpu.memory_space<vmem>>, vector<1x128xf32>
    %mul3A_11 = arith.mulf %mul3A_3, %get3A_10 : vector<1x128xf32>
    %mul3A_12 = arith.constant 2.000000e+00 : f32
    %mul3A_13 = vector.broadcast %mul3A_12 : f32 to vector<1x128xf32>
    %mul3A_14 = arith.mulf %mul3A_13, %mul3A_11 : vector<1x128xf32>
    %mul3A_15 = arith.mulf %mul3A_14, %mul3A_3 : vector<1x128xf32>
    %sub3A = arith.subf %mul3A_7, %mul3A_15 : vector<1x128xf32>
    %mul3A_16 = arith.mulf %mul3A_11, %mul3A_11 : vector<1x128xf32>
    %add3A = arith.addf %sub3A, %mul3A_16 : vector<1x128xf32>
    %add3A_17 = arith.constant 9.99999974E-6 : f32
    %add3A_18 = vector.broadcast %add3A_17 : f32 to vector<1x128xf32>
    %add3A_19 = arith.addf %add3A, %add3A_18 : vector<1x128xf32>
    %sqrt3A = math.sqrt %add3A_19 : vector<1x128xf32>
    %div3A = arith.constant 1.000000e+00 : f32
    %div3A_20 = vector.broadcast %div3A : f32 to vector<1x128xf32>
    %div3A_21 = arith.divf %div3A_20, %sqrt3A : vector<1x128xf32>
    %get3A_22 = arith.constant 0 : index
    %get3A_23 = arith.constant 0 : index
    %get3A_24 = vector.load %arg1[%get3A_22, %get3A_23] : memref<1024x128xf32, #tpu.memory_space<vmem>>, vector<1024x128xf32>
    %sub3A_25 = vector.broadcast %mul3A_11 : vector<1x128xf32> to vector<1024x128xf32>
    %sub3A_26 = arith.subf %get3A_24, %sub3A_25 : vector<1024x128xf32>
    %get3A_27 = arith.constant 0 : index
    %get3A_28 = arith.constant 0 : index
    %get3A_29 = vector.load %arg4[%get3A_27, %get3A_28] : memref<1x128xf32, #tpu.memory_space<vmem>>, vector<1x128xf32>
    %mul3A_30 = arith.mulf %get3A_29, %div3A_21 : vector<1x128xf32>
    %mul3A_31 = vector.broadcast %mul3A_30 : vector<1x128xf32> to vector<1024x128xf32>
    %mul3A_32 = arith.mulf %sub3A_26, %mul3A_31 : vector<1024x128xf32>
    %get3A_33 = arith.constant 0 : index
    %get3A_34 = arith.constant 0 : index
    %get3A_35 = vector.load %arg5[%get3A_33, %get3A_34] : memref<1x128xf32, #tpu.memory_space<vmem>>, vector<1x128xf32>
    %add3A_36 = vector.broadcast %get3A_35 : vector<1x128xf32> to vector<1024x128xf32>
    %add3A_37 = arith.addf %mul3A_32, %add3A_36 : vector<1024x128xf32>
    %get3A_38 = arith.constant 0 : index
    %get3A_39 = arith.constant 0 : index
    %get3A_40 = vector.load %arg7[%get3A_38, %get3A_39] : memref<1x128xf32, #tpu.memory_space<vmem>>, vector<1x128xf32>
    %mul3A_41 = vector.broadcast %get3A_40 : vector<1x128xf32> to vector<1024x128xf32>
    %mul3A_42 = arith.mulf %mul3A_41, %add3A_37 : vector<1024x128xf32>
    %get3A_43 = arith.constant 0 : index
    %get3A_44 = arith.constant 0 : index
    %get3A_45 = vector.load %arg3[%get3A_43, %get3A_44] : memref<1024x128xf32, #tpu.memory_space<vmem>>, vector<1024x128xf32>
    %add3A_46 = arith.addf %mul3A_42, %get3A_45 : vector<1024x128xf32>
    %swap3A = arith.constant 0 : index
    %swap3A_47 = arith.constant 0 : index
    %swap3A_48 = vector.load %arg8[%swap3A, %swap3A_47] : memref<1024x128xf32, #tpu.memory_space<vmem>>, vector<1024x128xf32>
    tpu.vector_store %arg8[%swap3A, %swap3A_47], %add3A_46 {strides = array<i32>} : memref<1024x128xf32, #tpu.memory_space<vmem>>, vector<1024x128xf32>,
    return
  }
  func.func @transform_0(%arg0: i32) -> (i32, i32) {
    %c0_i32 = arith.constant 0 : i32
    %c0_i32_0 = arith.constant 0 : i32
    return %arg0, %c0_i32 : i32, i32
  }
  func.func @transform_1(%arg0: i32) -> (i32, i32) {
    %c0_i32 = arith.constant 0 : i32
    %c0_i32_0 = arith.constant 0 : i32
    %c0_i32_1 = arith.constant 0 : i32
    return %c0_i32, %c0_i32_0 : i32, i32
  }
  func.func @transform_2(%arg0: i32) -> (i32, i32) {
    %c0_i32 = arith.constant 0 : i32
    %c0_i32_0 = arith.constant 0 : i32
    return %arg0, %c0_i32 : i32, i32
  }
  func.func @transform_3(%arg0: i32) -> (i32, i32) {
    %c0_i32 = arith.constant 0 : i32
    %c0_i32_0 = arith.constant 0 : i32
    %c0_i32_1 = arith.constant 0 : i32
    return %c0_i32, %c0_i32_0 : i32, i32
  }
  func.func @transform_4(%arg0: i32) -> (i32, i32) {
    %c0_i32 = arith.constant 0 : i32
    %c0_i32_0 = arith.constant 0 : i32
    %c0_i32_1 = arith.constant 0 : i32
    return %c0_i32, %c0_i32_0 : i32, i32
  }
  func.func @transform_5(%arg0: i32) -> (i32, i32) {
    %c0_i32 = arith.constant 0 : i32
    %c0_i32_0 = arith.constant 0 : i32
    %c0_i32_1 = arith.constant 0 : i32
    return %c0_i32, %c0_i32_0 : i32, i32
  }
  func.func @transform_6(%arg0: i32) -> (i32, i32) {
    %c0_i32 = arith.constant 0 : i32
    %c0_i32_0 = arith.constant 0 : i32
    %c0_i32_1 = arith.constant 0 : i32
    return %c0_i32, %c0_i32_0 : i32, i32
  }
  func.func @transform_7(%arg0: i32) -> (i32, i32) {
    %c0_i32 = arith.constant 0 : i32
    %c0_i32_0 = arith.constant 0 : i32
    return %arg0, %c0_i32 : i32, i32
  }
}

</mosaic_0001>

<sc_bundles>
// kernel: kernel.10.cloned.1.call-start
scs
__scs_entry_jumppad:
0x0: {  	(pc) =	sbr.rel $0x88, $3  }
0x1: {  	(tag) =	ssettag $0x0;
	lr =	simm.s32 $0x1  }
0x2: {  	[smem:$0x3F7A] =	sst lr;
	_ =	strace $0xD0000000  }
0x3: {  	_ = 	snop  }
0x4: {  	_ = 	snop  }
0x5: {  	_ = 	snop  }
0x6: {  	_ = 	snop  }
0x7: {  	_ = 	snop  }
__scs_overlays_trampoline_lowered:
0x8: {  	[smem:$0x3F89] =	sst s0  }
0x9: {  	[smem:$0x3F8A] =	sst s1  }
0xa: {  	[smem:$0x3F8B] =	sst s2  }
0xb: {  	[smem:$0x3F8C] =	sst s3  }
0xc: {  	[smem:$0x3F8D] =	sst s4  }
0xd: {  	[smem:$0x3F8E] =	sst s5  }
0xe: {  	[smem:$0x3F8F] =	sst s6  }
0xf: {  	[smem:$0x3F90] =	sst s7  }
0x10: {  	[smem:$0x3F91] =	sst s8  }
0x11: {  	[smem:$0x3F92] =	sst s9;
	s0 =	simm.s32 @!p0 $0x0  }
0x12: {  	s1 =	sld [smem:$0x3F78];
	s0 =	simm.s32 @p0 $0x1  }
0x13: {  	[smem:$0x3F93] =	sst s0;
	s0 =	simm.s32 @!p1 $0x0  }
0x14: {  	s2 =	sld [smem:$0x3F77];
	s0 =	simm.s32 @p1 $0x1  }
0x15: {  	[smem:$0x3F94] =	sst s0;
	s0 =	simm.s32 @!p2 $0x0  }
0x16: {  	s3 =	sld [smem:$0x3FDB];
	s0 =	simm.s32 @p2 $0x1  }
0x17: {  	s4 =	simm.s32 $0x1BF5;
	[smem:$0x3F96] =	sst s0  }
0x18: {  	s0 =	sld [smem:$0x3F79];
	_ =	swait.ge [sflag:s4], $0x0  }
0x19: {  	s7 =	sld [smem:$0x3F7A]  }
0x1a: {  	s8 =	sadd.s32 $0xFFFFE003, lr  }
0x1b: {  	s9 =	sadd.s32 $0xFFFFFEF7, lr;
	s5 =	simm.s32 $0xFFFFFFFF;
	p2 =	slt.u32 s8, $0xFFFFF086  }
0x1c: {  	p1 =	slt.u32 s9, $0xF7A;
	s5 =	simm.s32 @!p2 $0x0  }
0x1d: {  	s5 =	simm.s32 @p1 $0x1;
	p0 =	seq.s32 s7, s2  }
0x1e: {  	s7 =	smul.u32 @!p0 $0xF7A, s2;
	p2 =	seq.s32 @!p0 s5, $0x0  }
0x1f: {  	s9 =	smul.u32 $0xF7A, s1;
	s8 =	simm.s32 @!p0 $0x1BF5;
	p2 =	por !p2, p0  }
0x20: {  	[sflag:s8] =	ssyncset.s32 @!p0 $0xFFFFF086;
	s6 =	sadd.s32 @!p0 s3, s7;
	s7 =	simm.s32 @!p0 $0x108  }
0x21: {  	s3 =	sadd.s32 s3, s9;
	s6 =	sadd.s32 @!p0 $0x88, s6;
	s7 =	simm.s32 @p2 $0x1082  }
0x22: {  	[simem:s7], [sflag:s8] =	dma.local @!p0 [hbm:s6], $0xF7A  }
0x23: {  	s9 =	sor.u32 $0xD0000000, s2;
	s6 =	simm.s32 $0x108;
	_ =	swait.ge @!p0 [sflag:s8], $0x0  }
0x24: {  	s3 =	sadd.s32 $0x88, s3;
	s6 =	simm.s32 @!p1 $0x1082;
	[sflag:s4] =	ssyncset.s32 $0xFFFFF086  }
0x25: {  	[simem:s6], [sflag:s4] =	dma.local [hbm:s3], $0xF7A  }
0x26: {  	[smem:$0x3F7A] =	sst s1;
	(tag) =	ssettag s2;
	_ =	strace s9  }
0x27: {  	s1 =	sld [smem:$0x3F8A]  }
0x28: {  	s2 =	sld [smem:$0x3F8B]  }
0x29: {  	s4 =	sld [smem:$0x3F8D]  }
0x2a: {  	p0 =	seq.s32 s5, $0x0;
	s5 =	sld [smem:$0x3F8E]  }
0x2b: {  	s6 =	sld [smem:$0x3F8F]  }
0x2c: {  	s7 =	sld [smem:$0x3F90]  }
0x2d: {  	s3 =	simm.s32 $0x108;
	s8 =	sld [smem:$0x3F91]  }
0x2e: {  	s3 =	simm.s32 @!p0 $0x1082;
	s9 =	sld [smem:$0x3F92]  }
0x2f: {  	lr =	sadd.s32 s0, s3;
	s0 =	sld [smem:$0x3F89]  }
0x30: {  	s3 =	sld [smem:$0x3F8C]  }
0x31: {  	[smem:$0x3F95] =	sst s10  }
0x32: {  	s10 =	sld [smem:$0x3F93];
	_ =	sdelay $0x3  }
0x33: {  	p0 =	seq.s32 s10, $0x1;
	s10 =	sld [smem:$0x3F95];
	_ =	sdelay $0x3  }
0x34: {  	[smem:$0x3F95] =	sst s10  }
0x35: {  	s10 =	sld [smem:$0x3F94];
	_ =	sdelay $0x3  }
0x36: {  	p1 =	seq.s32 s10, $0x1;
	s10 =	sld [smem:$0x3F95];
	_ =	sdelay $0x3  }
0x37: {  	[smem:$0x3F95] =	sst s10  }
0x38: {  	s10 =	sld [smem:$0x3F96]  }
0x39: {  	_ = 	snop;
	(pc) =	sbr.ind lr, $3  }
0x3a: {  	_ = 	snop  }
0x3b: {  	_ = 	snop  }
0x3c: {  	p2 =	seq.s32 s10, $0x1;
	s10 =	sld [smem:$0x3F95]  }
0x3d: {  	_ =	shalt  }
0x3e: {  	_ =	shalt  }
0x3f: {  	_ =	shalt  }
0x40: {  	_ =	shalt  }
0x41: {  	_ =	shalt  }
0x42: {  	_ =	shalt  }
0x43: {  	_ =	shalt  }
0x44: {  	_ =	shalt  }
0x45: {  	_ =	shalt  }
0x46: {  	_ =	shalt  }
0x47: {  	_ =	shalt  }
0x48: {  	_ =	shalt  }
0x49: {  	_ =	shalt  }
0x4a: {  	_ =	shalt  }
0x4b: {  	_ =	shalt  }
0x4c: {  	_ =	shalt  }
0x4d: {  	_ =	shalt  }
0x4e: {  	_ =	shalt  }
0x4f: {  	_ =	shalt  }
0x50: {  	_ =	shalt  }
0x51: {  	_ =	shalt  }
0x52: {  	_ =	shalt  }
0x53: {  	_ =	shalt  }
0x54: {  	_ =	shalt  }
0x55: {  	_ =	shalt  }
0x56: {  	_ =	shalt  }
0x57: {  	_ =	shalt  }
0x58: {  	_ =	shalt  }
0x59: {  	_ =	shalt  }
0x5a: {  	_ =	shalt  }
0x5b: {  	_ =	shalt  }
0x5c: {  	_ =	shalt  }
0x5d: {  	_ =	shalt  }
0x5e: {  	_ =	shalt  }
0x5f: {  	_ =	shalt  }
0x60: {  	_ =	shalt  }
0x61: {  	_ =	shalt  }
0x62: {  	_ =	shalt  }
0x63: {  	_ =	shalt  }
0x64: {  	_ =	shalt  }
0x65: {  	_ =	shalt  }
0x66: {  	_ =	shalt  }
0x67: {  	_ =	shalt  }
0x68: {  	_ =	shalt  }
0x69: {  	_ =	shalt  }
0x6a: {  	_ =	shalt  }
0x6b: {  	_ =	shalt  }
0x6c: {  	_ =	shalt  }
0x6d: {  	_ =	shalt  }
0x6e: {  	_ =	shalt  }
0x6f: {  	_ =	shalt  }
0x70: {  	_ =	shalt  }
0x71: {  	_ =	shalt  }
0x72: {  	_ =	shalt  }
0x73: {  	_ =	shalt  }
0x74: {  	_ =	shalt  }
0x75: {  	_ =	shalt  }
0x76: {  	_ =	shalt  }
0x77: {  	_ =	shalt  }
0x78: {  	_ =	shalt  }
0x79: {  	_ =	shalt  }
0x7a: {  	_ =	shalt  }
0x7b: {  	_ =	shalt  }
0x7c: {  	_ =	shalt  }
0x7d: {  	_ =	shalt  }
0x7e: {  	_ =	shalt  }
0x7f: {  	_ =	shalt  }
0x80: {  	_ =	shalt  }
0x81: {  	_ =	shalt  }
0x82: {  	_ =	shalt  }
0x83: {  	_ =	shalt  }
0x84: {  	_ =	shalt  }
0x85: {  	_ =	shalt  }
0x86: {  	_ =	shalt  }
0x87: {  	_ =	shalt  }
.Lfunc_end0:
.L_simem_size_0:
called_computation_lowered:
.L_overlay_start_0:
0x88: {  	s2 =	sld [smem:$0x3FD9]  }
0x89: {  	s3 =	sld [smem:$0x3FFE];
	_ =	sdelay $0x1  }
0x8a: {  	s1 =	srdreg.scid  }
0x8b: {  	s0 =	sand.u32 $0x1, s1  }
0x8c: {  	s17 =	sshll.u32 s0, $0xA;
	s2 =	sadd.s32 s3, s2  }
0x8d: {  	s2 =	sadd.s32 s2, s17  }
0x8e: {  	[smem:$0x3FA1] =	sst s2  }
0x8f: {  	_ = 	snop  }
0x90: {  	s2 =	sld [smem:$0x3FB8]  }
0x91: {  	s18 =	sld [smem:$0x3FD0];
	(tm) =	ssettm $0x1  }
0x92: {  	s4 =	sld [smem:$0x3FFB];
	_ =	sdelay $0x3  }
0x93: {  	_ =	strace s4  }
0x94: {  	s4 =	sld [smem:$0x3FFC];
	_ =	sdelay $0x3  }
0x95: {  	_ =	strace s4  }
0x96: {  	s4 =	sld [smem:$0x3FFD];
	_ =	sdelay $0x3  }
0x97: {  	_ =	strace s4  }
0x98: {  	_ =	strace $0x8FFFFFFF  }
0x99: {  	s19 =	sld [smem:$0x3FDB];
	_ =	sdelay $0x1  }
0x9a: {  	s5 =	simm.s32 $_scs_section_size  }
0x9b: {  	s6 =	simm.s32 $_size__tile_overlayer_lowered;
	s7 =	simm.s32 $_tile_overlayer_lowered  }
0x9c: {  	s22 =	simm.s32 $0x1BFF;
	s21 =	sshll.u32 s7, $0x1;
	s4 =	sadd.s32 s5, s19  }
0x9d: {  	s8 =	simm.s32 $0x0;
	s20 =	sshll.u32 s6, $0x1;
	s6 =	sadd.s32 s21, s4  }
0x9e: {  	[timem:s8], [sflag:s22] =	dma.local [hbm:s6], s20  }
0x9f: {  	_ =	swait.ge [sflag:s22], s20  }
0xa0: {  	s5 =	ssub.s32 $0x0, s20;
	[sflag:s22] =	ssyncset.done $0x0  }
0xa1: {  	[sflag:s22] =	ssyncadd.s32 s5;
	_ =	sdelay $0x1  }
0xa2: {  	s23 =	simm.s32 $0x1B8B  }
0xa3: {  	_ =	swait.ge [sflag:s23], $0x1  }
0xa4: {  	[sflag:s23] =	ssyncset.done $0x0  }
0xa5: {  	s25 =	simm.s32 $0x1B8E;
	s24 =	sld [smem:$0x3FFE];
	[sflag:s23] =	ssyncadd.s32 $0xFFFFFFFF  }
0xa6: {  	s26 =	simm.s32 $execute0_lowered;
	[smem:$0x3FD2] =	sst s25  }
0xa7: {  	s6 =	sshll.u32 s26, $0x1;
	_ =	strace $0x80000046;
	[dreg:$0x1] =	wrdreg $0xFFFFFFFF  }
0xa8: {  	s28 =	simm.s32 $_size_execute0_lowered;
	s4 =	sadd.s32 s4, s6;
	[dreg:$0x0] =	wrdreg $0x0  }
0xa9: {  	s6 =	sshll.u32 s28, $0x1;
	[dreg:$0x2] =	wrdreg s4  }
0xaa: {  	[dreg:$0x3] =	wrdreg s6  }
0xab: {  	[dreg:$0x4] =	wrdreg $0xC0  }
0xac: {  	_ =	task [dreg:s8], $0x5FFFF  }
0xad: {  	[dreg:$0x1] =	wrdreg $0xFFFFFFFF  }
0xae: {  	[dreg:$0x0] =	wrdreg $0x60  }
0xaf: {  	[dreg:$0x2] =	wrdreg s18  }
0xb0: {  	[dreg:$0x3] =	wrdreg s24  }
0xb1: {  	[dreg:$0x4] =	wrdreg s2  }
0xb2: {  	[dreg:$0x5] =	wrdreg $0x9  }
0xb3: {  	_ =	task.clear_ibuf [dreg:s8], $0x6FFFF;
	_ =	strace $0x90000046  }
0xb4: {  	s29 =	simm.s32 $0x9;
	_ =	strace $0x80000048  }
0xb5: {  	_ =	swait.ge [sflag:s29], $0x1  }
0xb6: {  	[sflag:s29] =	ssyncadd.s32 $0xFFFFFFFF  }
0xb7: {  	_ =	strace $0x90000048  }
0xb8: {  	_ =	sfence  }
0xb9: {  	s30 =	sld [smem:$0x0];
	_ =	sdelay $0x2  }
0xba: {  	s31 =	sshll.u32 s1, $0xD;
	s1 =	sshrl.u32 s1, $0x2  }
0xbb: {  	s3 =	sand.u32 $0x4000, s31;
	s1 =	sadd.s32 s1, s30  }
0xbc: {  	s0 =	sor.u32 s3, s0;
	s1 =	sshll.u32 s1, $0x11  }
0xbd: {  	s0 =	sor.u32 s1, s0  }
0xbe: {  	s0 =	sadd.s32 $0x8F2B, s0  }
0xbf: {  	[sflag:s0] =	ssyncadd.remote.s32 $0x1  }
0xc0: {  	_ =	sfence.sel $0xFFFF  }
0xc1: {  	[dreg:$0x0] =	wrdreg $0xFFFFFFFF;
	(pc) =	sbr.abs _section_cstart, $3  }
0xc2: {  	[dreg:$0x1] =	wrdreg $0xFFFFFFFF  }
0xc3: {  	_ =	task.clear_ibuf [dreg:s8], $0x2FFFF;
	_ =	strace $0x9FFFFFFF  }
0xc4: {  	(tm) =	ssettm $0x7FFFFFFF  }
0xc5: {  	_ =	shalt  }
tec
execute0_lowered:
.L_overlay_start_1:
0x0: {  	(tag) =	ssettag $0x1  }
0x1: {  	s1 =	rddreg [dreg:$0x0]  }
0x2: {  	s0 =	rddreg [dreg:$0x1]  }
0x3: {  	s2 =	srdreg.scid;
	s12 =	stileid.u32  }
0x4: {  	s4 =	simm.s32 $0x0;
	s28 =	simm.s32 $0xC380;
	s29 =	simm.s32 $0x100  }
0x5: {  	s30 =	simm.s32 $0x180;
	s13 =	simm.s32 $0x8200;
	s14 =	simm.s32 $0x4  }
0x6: {  	s15 =	simm.s32 $0x6;
	s16 =	simm.s32 $0xA200;
	s17 =	simm.s32 $0x0  }
0x7: {  	s2 =	sand.u32 $0x1, s2;
	s3 =	sshll.u32 s12, $0x1;
	[smem:$0x7FF] =	sst s4  }
0x8: {  	s6 =	sadd.s32 $0x7000, s0;
	s7 =	sadd.s32 $0x25600, s0;
	s10 =	smul.u32 $0x3800, s12  }
0x9: {  	s12 =	smul.u32 $0x1800, s12;
	s3 =	sor.u32 s2, s3;
	_ =	strace $0x80000047  }
0xa: {  	s8 =	ssub.s32 $0x2, s2;
	p0 =	seq.s32 s2, $0x0;
	s5 =	smul.u32 $0x28, s3  }
0xb: {  	s11 =	sshrl.u32 s8, $0x1;
	s20 =	smul.u32 $0xA000, s3;
	s12 =	sadd.s32 $0x38000, s12  }
0xc: {  	s3 =	smul.u32 $0x1400, s3;
	s11 =	ssub.s32 s8, s11;
	s8 =	simm.s32 $0x70  }
0xd: {  	s12 =	smov.u32 @p0 s10;
	s10 =	simm.s32 $0x6200;
	s9 =	sadd.s32 s5, s0  }
0xe: {  	s5 =	sadd.s32 $0x1B000, s0;
	s0 =	sadd.s32 $0x525600, s0;
	s8 =	simm.s32 @!p0 $0x30  }
0xf: {  	s2 =	sshrl.u32 s20, $0x3;
	s22 =	sshrl.u32 s12, $0x3;
	s31 =	smax.u32 s11, $0x1  }
0x10: {  	s19 =	sshll.u32 s12, $0x7;
	s9 =	sadd.s32 $0x25000, s9;
	[dreg:$0xe] =	wrdreg s31  }
0x11: {  	s20 =	sor.u32 $0x80, s12;
	s3 =	sadd.s32 s0, s3;
	[dreg:$0x4] =	wrdreg s9  }
0x12: {  	s0 =	sadd.s32 s0, s2;
	s25 =	sadd.s32 s5, s22;
	[dreg:$0x5] =	wrdreg s3  }
0x13: {  	s11 =	simm.s32 $0x3;
	s2 =	sadd.s32 $0x400, s0;
	[dreg:$0xa] =	wrdreg s25  }
0x14: {  	s24 =	sor.u32 $0x8, s22;
	s21 =	sadd.s32 $0x800, s0;
	[dreg:$0x6] =	wrdreg s2  }
0x15: {  	s23 =	sadd.s32 $0xC00, s0;
	s0 =	sadd.s32 $0x1000, s0;
	[dreg:$0x7] =	wrdreg s21  }
0x16: {  	s26 =	sadd.s32 s5, s24;
	s25 =	simm.s32 $0x7;
	[dreg:$0x8] =	wrdreg s23  }
0x17: {  	s9 =	simm.s32 $0x4200;
	[dreg:$0x9] =	wrdreg s0;
	s2 =	sadd.s32 s6, s22  }
0x18: {  	[dreg:$0xc] =	wrdreg s26;
	s0 =	sadd.s32 s6, s24;
	s21 =	sor.u32 $0x40, s12  }
0x19: {  	s22 =	sor.u32 $0xC0, s12;
	s26 =	simm.s32 $0x40;
	[dreg:$0xb] =	wrdreg s2  }
0x1a: {  	s12 =	simm.s32 $0x5;
	[dreg:$0xd] =	wrdreg s0;
	s2 =	simm.s32 $0x2  }
.LBB2_1:
0x1b: {  	s0 =	rddreg [dreg:$0x4];
	s3 =	simm.s32 $0xC200  }
0x1c: {  	[tilespmem:s3], [sflag:$0x7] =	stream.linear.gather [hbm4b:s0+s4], $0x140, $0x38;
	[tilespmem:$0xE380] =	vst v63  }
0x1d: {  	_ =	swait.ge [sflag:s25], $0x140  }
0x1e: {  	[sflag:s25] =	ssyncset.done $0x0  }
0x1f: {  	[sflag:s25] =	ssyncadd.s32 $0xFFFFFEC0  }
0x20: {  	s0 =	rddreg [dreg:$0x2]  }
0x21: {  	[tilespmem:s28], [sflag:$0x7] =	stream.indirect.gather [hbm4b:s0+s26], $0x80, s3, s26, $0xb8;
	[tilespmem:$0xE380] =	vst v63  }
0x22: {  	_ =	swait.ge [sflag:s25], $0x2000  }
0x23: {  	[sflag:s25] =	ssyncset.done $0x0  }
0x24: {  	s18 =	rddreg [dreg:$0x5];
	[sflag:s25] =	ssyncadd.s32 $0xFFFFE000  }
0x25: {  	[hbm4b:s18+s4] =	stream.linear.scatter [tilespmem:s28], [sflag:$0x7], $0x2000, $0x38;
	[tilespmem:$0xE380] =	vst v63  }
0x26: {  	_ =	swait.ge [sflag:s25], $0x2000  }
0x27: {  	[sflag:s25] =	ssyncset.done $0x0  }
0x28: {  	s23 =	simm.s32 $0xC240;
	[sflag:s25] =	ssyncadd.s32 $0xFFFFE000  }
0x29: {  	[tilespmem:s28], [sflag:$0x7] =	stream.indirect.gather [hbm4b:s0+s26], $0x80, s23, s26, $0xb8;
	[tilespmem:$0xE380] =	vst v63  }
0x2a: {  	_ =	swait.ge [sflag:s25], $0x2000  }
0x2b: {  	[sflag:s25] =	ssyncset.done $0x0  }
0x2c: {  	s24 =	rddreg [dreg:$0x6];
	[sflag:s25] =	ssyncadd.s32 $0xFFFFE000  }
0x2d: {  	[hbm4b:s24+s4] =	stream.linear.scatter [tilespmem:s28], [sflag:$0x7], $0x2000, $0x38;
	[tilespmem:$0xE380] =	vst v63  }
0x2e: {  	_ =	swait.ge [sflag:s25], $0x2000  }
0x2f: {  	[sflag:s25] =	ssyncset.done $0x0  }
0x30: {  	s31 =	simm.s32 $0xC280;
	[sflag:s25] =	ssyncadd.s32 $0xFFFFE000  }
0x31: {  	[tilespmem:s28], [sflag:$0x7] =	stream.indirect.gather [hbm4b:s0+s26], $0x80, s31, s26, $0xb8;
	[tilespmem:$0xE380] =	vst v63  }
0x32: {  	_ =	swait.ge [sflag:s25], $0x2000  }
0x33: {  	[sflag:s25] =	ssyncset.done $0x0  }
0x34: {  	s18 =	rddreg [dreg:$0x7];
	[sflag:s25] =	ssyncadd.s32 $0xFFFFE000  }
0x35: {  	[hbm4b:s18+s4] =	stream.linear.scatter [tilespmem:s28], [sflag:$0x7], $0x2000, $0x38;
	[tilespmem:$0xE380] =	vst v63  }
0x36: {  	_ =	swait.ge [sflag:s25], $0x2000  }
0x37: {  	[sflag:s25] =	ssyncset.done $0x0  }
0x38: {  	s23 =	simm.s32 $0xC2C0;
	[sflag:s25] =	ssyncadd.s32 $0xFFFFE000  }
0x39: {  	[tilespmem:s28], [sflag:$0x7] =	stream.indirect.gather [hbm4b:s0+s26], $0x80, s23, s26, $0xb8;
	[tilespmem:$0xE380] =	vst v63  }
0x3a: {  	_ =	swait.ge [sflag:s25], $0x2000  }
0x3b: {  	[sflag:s25] =	ssyncset.done $0x0  }
0x3c: {  	s24 =	rddreg [dreg:$0x8];
	[sflag:s25] =	ssyncadd.s32 $0xFFFFE000  }
0x3d: {  	[hbm4b:s24+s4] =	stream.linear.scatter [tilespmem:s28], [sflag:$0x7], $0x2000, $0x38;
	[tilespmem:$0xE380] =	vst v63  }
0x3e: {  	_ =	swait.ge [sflag:s25], $0x2000  }
0x3f: {  	[sflag:s25] =	ssyncset.done $0x0  }
0x40: {  	s31 =	simm.s32 $0xC300;
	[sflag:s25] =	ssyncadd.s32 $0xFFFFE000  }
0x41: {  	[tilespmem:s28], [sflag:$0x7] =	stream.indirect.gather [hbm4b:s0+s26], $0x80, s31, s26, $0xb8;
	[tilespmem:$0xE380] =	vst v63  }
0x42: {  	_ =	swait.ge [sflag:s25], $0x2000  }
0x43: {  	[sflag:s25] =	ssyncset.done $0x0  }
0x44: {  	s18 =	rddreg [dreg:$0x9];
	[sflag:s25] =	ssyncadd.s32 $0xFFFFE000  }
0x45: {  	[hbm4b:s18+s4] =	stream.linear.scatter [tilespmem:s28], [sflag:$0x7], $0x2000, $0x38;
	[tilespmem:$0xE380] =	vst v63  }
0x46: {  	_ =	swait.ge [sflag:s25], $0x2000  }
0x47: {  	[sflag:s25] =	ssyncset.done $0x0  }
0x48: {  	s23 =	rddreg [dreg:$0xa];
	[sflag:s25] =	ssyncadd.s32 $0xFFFFE000  }
0x49: {  	[tilespmem:s4], [sflag:$0x1] =	stream.linear.gather [hbm4b:s23+s4], $0x40, $0x38;
	[tilespmem:$0xE380] =	vst v63  }
0x4a: {  	s3 =	simm.s32 $0x80;
	s24 =	rddreg [dreg:$0xb]  }
0x4b: {  	[tilespmem:s3], [sflag:$0x1] =	stream.linear.gather [hbm4b:s24+s4], $0x40, $0x38;
	[tilespmem:$0xE380] =	vst v63  }
0x4c: {  	s31 =	rddreg [dreg:$0xc]  }
0x4d: {  	[tilespmem:s29], [sflag:$0x2] =	stream.linear.gather [hbm4b:s31+s4], $0x40, $0x38;
	[tilespmem:$0xE380] =	vst v63  }
0x4e: {  	s18 =	rddreg [dreg:$0xd];
	s23 =	simm.s32 $0x1  }
0x4f: {  	[tilespmem:s30], [sflag:$0x2] =	stream.linear.gather [hbm4b:s18+s4], $0x40, $0x38;
	[tilespmem:$0xE380] =	vst v63  }
0x50: {  	_ =	swait.ge [sflag:s23], $0x40  }
0x51: {  	[sflag:s23] =	ssyncset.done $0x0  }
0x52: {  	[sflag:s23] =	ssyncadd.s32 $0xFFFFFFC0  }
0x53: {  	_ =	swait.ge [sflag:s23], $0x40  }
0x54: {  	[sflag:s23] =	ssyncset.done $0x0  }
0x55: {  	s24 =	simm.s32 $0x200;
	[sflag:s23] =	ssyncadd.s32 $0xFFFFFFC0  }
0x56: {  	[tilespmem:s24], [sflag:$0x3] =	stream.indirect.gather [hbm4b:s1+s26], $0x80, s4, s26, $0xb8;
	[tilespmem:$0xE380] =	vst v63  }
0x57: {  	s31 =	simm.s32 $0x2200;
	s24 =	simm.s32 $0x0  }
0x58: {  	[tilespmem:s31], [sflag:$0x5] =	stream.indirect.gather [hbm4b:s1+s26], $0x80, s3, s26, $0xb8;
	[tilespmem:$0xE380] =	vst v63  }
.LBB2_2:
0x59: {  	_ =	swait.ge [sflag:s2], $0x40  }
0x5a: {  	[sflag:s2] =	ssyncset.done $0x0  }
0x5b: {  	[sflag:s2] =	ssyncadd.s32 $0xFFFFFFC0  }
0x5c: {  	_ =	swait.ge [sflag:s2], $0x40  }
0x5d: {  	[sflag:s2] =	ssyncset.done $0x0  }
0x5e: {  	[sflag:s2] =	ssyncadd.s32 $0xFFFFFFC0  }
0x5f: {  	[tilespmem:s9], [sflag:$0x4] =	stream.indirect.gather [hbm4b:s1+s26], $0x80, s29, s26, $0xb8;
	[tilespmem:$0xE380] =	vst v63  }
0x60: {  	_ = 	snop  }
0x61: {  	[tilespmem:s10], [sflag:$0x6] =	stream.indirect.gather [hbm4b:s1+s26], $0x80, s30, s26, $0xb8;
	[tilespmem:$0xE380] =	vst v63  }
0x62: {  	_ =	swait.ge [sflag:s11], $0x2000  }
0x63: {  	[sflag:s11] =	ssyncset.done $0x0  }
0x64: {  	[sflag:s11] =	ssyncadd.s32 $0xFFFFE000  }
0x65: {  	_ =	swait.ge [sflag:s12], $0x2000  }
0x66: {  	[sflag:s12] =	ssyncset.done $0x0  }
0x67: {  	s3 =	simm.s32 $0x400;
	[sflag:s12] =	ssyncadd.s32 $0xFFFFE000  }
0x68: {  	s18 =	simm.s32 $0x2400;
	v1 =	vld [tilespmem:s3+$0x180]  }
0x69: {  	v2 =	vld [tilespmem:s18+$0x180]  }
0x6a: {  	v0 =	vld [tilespmem:s18+$0xFFFFFE00]  }
0x6b: {  	v3 =	vld [tilespmem:s3+$0xFFFFFE80]  }
0x6c: {  	v4 =	vld [tilespmem:s18+$0xFFFFFE80]  }
0x6d: {  	v5 =	vld [tilespmem:s3+$0xFFFFFF00]  }
0x6e: {  	v6 =	vld [tilespmem:s18+$0xFFFFFF00]  }
0x6f: {  	v7 =	vld [tilespmem:s3+$0xFFFFFF80]  }
0x70: {  	v8 =	vld [tilespmem:s18+$0xFFFFFF80]  }
0x71: {  	v9 =	vld [tilespmem:s3+$0x0];
	v1 =	vsub.f32 v1, v2  }
0x72: {  	v10 =	vld [tilespmem:s18+$0x0];
	v2 =	vsub.f32 v3, v4  }
0x73: {  	v5 =	vsub.f32 v5, v6;
	v3 =	vld [tilespmem:s18+$0x80];
	v4 =	vmul.f32 v1, v1  }
0x74: {  	s23 =	simm.s32 $0x8400;
	v1 =	vld [tilespmem:s3+$0x80];
	v6 =	vmul.f32 v2, v2  }
0x75: {  	v7 =	vsub.f32 v7, v8;
	v11 =	vmul.f32 v5, v5;
	v2 =	vld [tilespmem:s3+$0x100];
	[tilespmem:s23+$0x180] =	vst v4  }
0x76: {  	v5 =	vld [tilespmem:s18+$0x100];
	[tilespmem:s23+$0xFFFFFE80] =	vst v6  }
0x77: {  	s0 =	simm.s32 $0x0;
	v4 =	vld [tilespmem:s3+$0xFFFFFE00];
	[tilespmem:s23+$0xFFFFFF00] =	vst v11;
	v6 =	vmul.f32 v7, v7;
	v7 =	vsub.f32 v9, v10;
	s3 =	simm.s32 $0x800  }
.LBB2_3:
0x78: {  	v8 =	vld [tilespmem:s3+$0x180];
	s18 =	sadd.s32 $0x400, s18  }
0x79: {  	s0 =	sadd.s32 $0x8, s0;
	v9 =	vld [tilespmem:s18+$0x180];
	[tilespmem:s23+$0xFFFFFF80] =	vst v6;
	v6 =	vmul.f32 v7, v7;
	v1 =	vsub.f32 v1, v3  }
0x7a: {  	p0 =	slt.u32 s0, $0x38;
	v3 =	vld [tilespmem:s18+$0xFFFFFE00]  }
0x7b: {  	v7 =	vld [tilespmem:s3+$0xFFFFFE80];
	[tilespmem:s23+$0x0] =	vst v6;
	v1 =	vmul.f32 v1, v1;
	v2 =	vsub.f32 v2, v5  }
0x7c: {  	v5 =	vld [tilespmem:s18+$0xFFFFFE80];
	v10 =	vsub.f32 v4, v0  }
0x7d: {  	v4 =	vld [tilespmem:s3+$0xFFFFFF00];
	[tilespmem:s23+$0x80] =	vst v1;
	v1 =	vmul.f32 v2, v2  }
0x7e: {  	v2 =	vld [tilespmem:s18+$0xFFFFFF00];
	v6 =	vsub.f32 v8, v9;
	v8 =	vmul.f32 v10, v10  }
0x7f: {  	v9 =	vld [tilespmem:s3+$0xFFFFFF80];
	[tilespmem:s23+$0x100] =	vst v1;
	v0 =	vmov v3  }
0x80: {  	v10 =	vld [tilespmem:s18+$0xFFFFFF80];
	v1 =	vmul.f32 v6, v6;
	[tilespmem:s23+$0xFFFFFE00] =	vst v8  }
0x81: {  	s23 =	sadd.s32 $0x400, s23;
	v3 =	vsub.f32 v7, v5;
	v7 =	vld [tilespmem:s3+$0x0]  }
0x82: {  	v8 =	vld [tilespmem:s18+$0x0];
	[tilespmem:s23+$0x180] =	vst v1  }
.Ltmp0:
0x83: {  	v5 =	vmul.f32 v3, v3;
	v2 =	vsub.f32 v4, v2;
	v1 =	vld [tilespmem:s3+$0x80];
	(pc) =	sbr.rel @p0 .LBB2_3-.Ltmp0, $4  }
0x84: {  	v3 =	vld [tilespmem:s18+$0x80]  }
0x85: {  	[tilespmem:s23+$0xFFFFFE80] =	vst v5;
	v6 =	vmul.f32 v2, v2;
	v9 =	vsub.f32 v9, v10;
	v2 =	vld [tilespmem:s3+$0x100]  }
0x86: {  	v5 =	vld [tilespmem:s18+$0x100]  }
0x87: {  	v4 =	vld [tilespmem:s3+$0xFFFFFE00];
	[tilespmem:s23+$0xFFFFFF00] =	vst v6;
	v6 =	vmul.f32 v9, v9;
	v7 =	vsub.f32 v7, v8;
	s3 =	sadd.s32 $0x400, s3  }
0x88: {  	_ =	sdelay $0x1  }
0x89: {  	v1 =	vsub.f32 v1, v3  }
0x8a: {  	v3 =	vmul.f32 v7, v7;
	v2 =	vsub.f32 v2, v5  }
0x8b: {  	[tilespmem:s23+$0xFFFFFF80] =	vst v6;
	v1 =	vmul.f32 v1, v1;
	v0 =	vsub.f32 v4, v0  }
0x8c: {  	s0 =	sshll.u32 s24, $0xE;
	[tilespmem:s23+$0x0] =	vst v3;
	v2 =	vmul.f32 v2, v2  }
0x8d: {  	s0 =	sadd.s32 s19, s0;
	[tilespmem:s23+$0x80] =	vst v1;
	v0 =	vmul.f32 v0, v0  }
0x8e: {  	s18 =	sshll.u32 s24, $0x7;
	s24 =	sadd.s32 $0x1, s24;
	s0 =	sshrl.u32 s0, $0x3;
	[tilespmem:s23+$0x100] =	vst v2  }
0x8f: {  	p0 =	sge.u32 s24, s8;
	s0 =	sadd.s32 s7, s0;
	[tilespmem:s23+$0xFFFFFE00] =	vst v0  }
0x90: {  	[hbm4b:s0+s4] =	stream.linear.scatter [tilespmem:s13], [sflag:$0x7], $0x2000, $0x38;
	[tilespmem:$0xE380] =	vst v63  }
0x91: {  	s0 =	sadd.s32 @!p0 s18, s20;
	_ =	swait.ge [sflag:s25], $0x2000  }
0x92: {  	s0 =	sshrl.u32 @!p0 s0, $0x3;
	[sflag:s25] =	ssyncset.done $0x0  }
0x93: {  	s23 =	simm.s32 @!p0 $0x0;
	s3 =	sadd.s32 @!p0 s5, s0;
	[sflag:s25] =	ssyncadd.s32 $0xFFFFE000  }
0x94: {  	[tilespmem:s23], [sflag:$0x1] =	stream.linear.gather @!p0 [hbm4b:s3+s23], $0x40, $0x38;
	[tilespmem:$0xE380] =	vst v63  }
0x95: {  	s0 =	sadd.s32 @!p0 s6, s0;
	s3 =	simm.s32 @!p0 $0x80  }
0x96: {  	[tilespmem:s3], [sflag:$0x1] =	stream.linear.gather @!p0 [hbm4b:s0+s23], $0x40, $0x38;
	[tilespmem:$0xE380] =	vst v63  }
0x97: {  	s0 =	simm.s32 @!p0 $0x1  }
0x98: {  	_ =	swait.ge @!p0 [sflag:s0], $0x40  }
0x99: {  	[sflag:s0] =	ssyncset.done @!p0 $0x0  }
0x9a: {  	[sflag:s0] =	ssyncadd.s32 @!p0 $0xFFFFFFC0  }
0x9b: {  	_ =	swait.ge @!p0 [sflag:s0], $0x40  }
0x9c: {  	[sflag:s0] =	ssyncset.done @!p0 $0x0  }
0x9d: {  	s31 =	simm.s32 @!p0 $0x200;
	[sflag:s0] =	ssyncadd.s32 @!p0 $0xFFFFFFC0;
	s0 =	simm.s32 @!p0 $0x40  }
0x9e: {  	[tilespmem:s31], [sflag:$0x3] =	stream.indirect.gather @!p0 [hbm4b:s1+s0], $0x80, s23, s0, $0xb8;
	[tilespmem:$0xE380] =	vst v63  }
0x9f: {  	s23 =	simm.s32 @!p0 $0x2200  }
0xa0: {  	[tilespmem:s23], [sflag:$0x5] =	stream.indirect.gather @!p0 [hbm4b:s1+s0], $0x80, s3, s0, $0xb8;
	[tilespmem:$0xE380] =	vst v63  }
0xa1: {  	_ =	swait.ge [sflag:s14], $0x2000  }
0xa2: {  	[sflag:s14] =	ssyncset.done $0x0  }
0xa3: {  	[sflag:s14] =	ssyncadd.s32 $0xFFFFE000  }
0xa4: {  	_ =	swait.ge [sflag:s15], $0x2000  }
0xa5: {  	[sflag:s15] =	ssyncset.done $0x0  }
0xa6: {  	s31 =	simm.s32 $0x4400;
	[sflag:s15] =	ssyncadd.s32 $0xFFFFE000  }
0xa7: {  	s23 =	simm.s32 $0x6400;
	v1 =	vld [tilespmem:s31+$0x180]  }
0xa8: {  	v2 =	vld [tilespmem:s23+$0x180]  }
0xa9: {  	v0 =	vld [tilespmem:s23+$0xFFFFFE00]  }
0xaa: {  	v3 =	vld [tilespmem:s31+$0xFFFFFE80]  }
0xab: {  	v4 =	vld [tilespmem:s23+$0xFFFFFE80]  }
0xac: {  	v5 =	vld [tilespmem:s31+$0xFFFFFF00]  }
0xad: {  	v6 =	vld [tilespmem:s23+$0xFFFFFF00]  }
0xae: {  	v7 =	vld [tilespmem:s31+$0xFFFFFF80]  }
0xaf: {  	v8 =	vld [tilespmem:s23+$0xFFFFFF80]  }
0xb0: {  	v9 =	vld [tilespmem:s31+$0x0];
	v1 =	vsub.f32 v1, v2  }
0xb1: {  	v10 =	vld [tilespmem:s23+$0x0];
	v2 =	vsub.f32 v3, v4  }
0xb2: {  	v5 =	vsub.f32 v5, v6;
	v3 =	vld [tilespmem:s23+$0x80];
	v4 =	vmul.f32 v1, v1  }
0xb3: {  	s0 =	simm.s32 $0xA400;
	v1 =	vld [tilespmem:s31+$0x80];
	v6 =	vmul.f32 v2, v2  }
0xb4: {  	v7 =	vsub.f32 v7, v8;
	v11 =	vmul.f32 v5, v5;
	v2 =	vld [tilespmem:s31+$0x100];
	[tilespmem:s0+$0x180] =	vst v4  }
0xb5: {  	v5 =	vld [tilespmem:s23+$0x100];
	[tilespmem:s0+$0xFFFFFE80] =	vst v6  }
0xb6: {  	s3 =	simm.s32 $0x0;
	v4 =	vld [tilespmem:s31+$0xFFFFFE00];
	[tilespmem:s0+$0xFFFFFF00] =	vst v11;
	v6 =	vmul.f32 v7, v7;
	v7 =	vsub.f32 v9, v10;
	s31 =	simm.s32 $0x4800  }
.LBB2_5:
0xb7: {  	v8 =	vld [tilespmem:s31+$0x180];
	s23 =	sadd.s32 $0x400, s23  }
0xb8: {  	s3 =	sadd.s32 $0x8, s3;
	v9 =	vld [tilespmem:s23+$0x180];
	[tilespmem:s0+$0xFFFFFF80] =	vst v6;
	v6 =	vmul.f32 v7, v7;
	v1 =	vsub.f32 v1, v3  }
0xb9: {  	p1 =	slt.u32 s3, $0x38;
	v3 =	vld [tilespmem:s23+$0xFFFFFE00]  }
0xba: {  	v7 =	vld [tilespmem:s31+$0xFFFFFE80];
	[tilespmem:s0+$0x0] =	vst v6;
	v1 =	vmul.f32 v1, v1;
	v2 =	vsub.f32 v2, v5  }
0xbb: {  	v5 =	vld [tilespmem:s23+$0xFFFFFE80];
	v10 =	vsub.f32 v4, v0  }
0xbc: {  	v4 =	vld [tilespmem:s31+$0xFFFFFF00];
	[tilespmem:s0+$0x80] =	vst v1;
	v1 =	vmul.f32 v2, v2  }
0xbd: {  	v2 =	vld [tilespmem:s23+$0xFFFFFF00];
	v6 =	vsub.f32 v8, v9;
	v8 =	vmul.f32 v10, v10  }
0xbe: {  	v9 =	vld [tilespmem:s31+$0xFFFFFF80];
	[tilespmem:s0+$0x100] =	vst v1;
	v0 =	vmov v3  }
0xbf: {  	v10 =	vld [tilespmem:s23+$0xFFFFFF80];
	v1 =	vmul.f32 v6, v6;
	[tilespmem:s0+$0xFFFFFE00] =	vst v8  }
0xc0: {  	s0 =	sadd.s32 $0x400, s0;
	v3 =	vsub.f32 v7, v5;
	v7 =	vld [tilespmem:s31+$0x0]  }
0xc1: {  	v8 =	vld [tilespmem:s23+$0x0];
	[tilespmem:s0+$0x180] =	vst v1  }
.Ltmp1:
0xc2: {  	v5 =	vmul.f32 v3, v3;
	v2 =	vsub.f32 v4, v2;
	v1 =	vld [tilespmem:s31+$0x80];
	(pc) =	sbr.rel @p1 .LBB2_5-.Ltmp1, $4  }
0xc3: {  	v3 =	vld [tilespmem:s23+$0x80]  }
0xc4: {  	[tilespmem:s0+$0xFFFFFE80] =	vst v5;
	v6 =	vmul.f32 v2, v2;
	v9 =	vsub.f32 v9, v10;
	v2 =	vld [tilespmem:s31+$0x100]  }
0xc5: {  	v5 =	vld [tilespmem:s23+$0x100]  }
0xc6: {  	v4 =	vld [tilespmem:s31+$0xFFFFFE00];
	[tilespmem:s0+$0xFFFFFF00] =	vst v6;
	v6 =	vmul.f32 v9, v9;
	v7 =	vsub.f32 v7, v8;
	s31 =	sadd.s32 $0x400, s31  }
0xc7: {  	_ =	sdelay $0x1  }
0xc8: {  	v1 =	vsub.f32 v1, v3  }
0xc9: {  	v63 =	vmul.f32 v7, v7;
	v2 =	vsub.f32 v2, v5  }
0xca: {  	[tilespmem:s0+$0xFFFFFF80] =	vst v6;
	v1 =	vmul.f32 v1, v1;
	v0 =	vsub.f32 v4, v0  }
0xcb: {  	[tilespmem:s0+$0x0] =	vst v63;
	v2 =	vmul.f32 v2, v2  }
0xcc: {  	s3 =	sadd.s32 s18, s21;
	[tilespmem:s0+$0x80] =	vst v1;
	v0 =	vmul.f32 v0, v0  }
0xcd: {  	s3 =	sshll.u32 s3, $0x4;
	[tilespmem:s0+$0x100] =	vst v2  }
0xce: {  	s31 =	sadd.s32 s7, s3;
	[tilespmem:s0+$0xFFFFFE00] =	vst v0  }
0xcf: {  	[hbm4b:s31+s4] =	stream.linear.scatter [tilespmem:s16], [sflag:$0x7], $0x2000, $0x38;
	[tilespmem:$0xE380] =	vst v63  }
0xd0: {  	s0 =	sadd.s32 @!p0 s18, s22;
	_ =	swait.ge [sflag:s25], $0x2000  }
0xd1: {  	s23 =	simm.s32 @!p0 $0x100;
	s0 =	sshrl.u32 @!p0 s0, $0x3;
	[sflag:s25] =	ssyncset.done $0x0  }
0xd2: {  	s18 =	simm.s32 @!p0 $0x0;
	s3 =	sadd.s32 @!p0 s5, s0;
	[sflag:s25] =	ssyncadd.s32 $0xFFFFE000  }
0xd3: {  	[tilespmem:s23], [sflag:$0x2] =	stream.linear.gather @!p0 [hbm4b:s3+s18], $0x40, $0x38;
	[tilespmem:$0xE380] =	vst v63  }
0xd4: {  	s0 =	sadd.s32 @!p0 s6, s0;
	s3 =	simm.s32 @!p0 $0x180  }
0xd5: {  	[tilespmem:s3], [sflag:$0x2] =	stream.linear.gather @!p0 [hbm4b:s0+s18], $0x40, $0x38;
	[tilespmem:$0xE380] =	vst v63  }
0xd6: {  	p0 =	sne.s32 s24, s8  }
.Ltmp2:
0xd7: {  	_ = 	snop;
	(pc) =	sbr.rel @p0 .LBB2_2-.Ltmp2, $1  }
0xd8: {  	_ =	sdelay $0x3  }
0xd9: {  	s17 =	sadd.s32 $0x1, s17;
	s0 =	rddreg [dreg:$0xe]  }
0xda: {  	p0 =	sne.s32 s17, s0  }
.Ltmp3:
0xdb: {  	_ = 	snop;
	(pc) =	sbr.rel @p0 .LBB2_1-.Ltmp3, $1  }
0xdc: {  	_ =	sdelay $0x3  }
0xdd: {  	_ =	sfence.sel $0x180000  }
0xde: {  	[bflag:$0x0] =	sbarrier.arrive $0xFFFF  }
0xdf: {  	_ =	strace $0x90000047  }
0xe0: {  	s0 =	stileid.u32;
	[bflag:$0x2] =	sbarrier.arrive $0xFFFF  }
0xe1: {  	p0 =	sne.s32 s0, $0x0;
	s0 =	rddreg [dreg:$0x3]  }
0xe2: {  	s0 =	sadd.s32 @!p0 $0x100000, s0  }
0xe3: {  	[sflag:s0] =	ssyncadd.tile.s32 @!p0 $0x1;
	_ =	shalt  }
.Lfunc_end2:
_tile_overlayer_lowered:
.L_overlay_start_2:
0xe4: {  	(tag) =	ssettag $0x2  }
0xe5: {  	s0 =	rddreg [dreg:$0x0];
	s2 =	stileid.u32  }
0xe6: {  	s1 =	rddreg [dreg:$0x1];
	p0 =	sne.s32 s2, $0x0  }
0xe7: {  	s3 =	rddreg [dreg:$0x2];
	[bflag:$0x3] =	sbarrier.arrive $0xFFFF;
	s2 =	simm.s32 @!p0 $0x1C07  }
0xe8: {  	[timem:s3], [sflag:s2] =	dma.local @!p0 [hbm:s0], s1  }
0xe9: {  	s0 =	simm.s32 @!p0 $0x7  }
0xea: {  	_ =	swait.ge @!p0 [sflag:s0], s1  }
0xeb: {  	s1 =	ssub.s32 @!p0 $0x0, s1;
	[sflag:s0] =	ssyncset.done @!p0 $0x0  }
0xec: {  	[sflag:s0] =	ssyncadd.s32 @!p0 s1  }
0xed: {  	[bflag:$0x3] =	sbarrier.arrive $0xFFFF  }
0xee: {  	_ =	shalt  }

// kernel: kernel.13.cloned.1.call-start
scs
__scs_entry_jumppad:
0x0: {  	(pc) =	sbr.rel $0x88, $3  }
0x1: {  	(tag) =	ssettag $0x0;
	lr =	simm.s32 $0x1  }
0x2: {  	[smem:$0x3F7A] =	sst lr;
	_ =	strace $0xD0000000  }
0x3: {  	_ = 	snop  }
0x4: {  	_ = 	snop  }
0x5: {  	_ = 	snop  }
0x6: {  	_ = 	snop  }
0x7: {  	_ = 	snop  }
__scs_overlays_trampoline_lowered:
0x8: {  	[smem:$0x3F89] =	sst s0  }
0x9: {  	[smem:$0x3F8A] =	sst s1  }
0xa: {  	[smem:$0x3F8B] =	sst s2  }
0xb: {  	[smem:$0x3F8C] =	sst s3  }
0xc: {  	[smem:$0x3F8D] =	sst s4  }
0xd: {  	[smem:$0x3F8E] =	sst s5  }
0xe: {  	[smem:$0x3F8F] =	sst s6  }
0xf: {  	[smem:$0x3F90] =	sst s7  }
0x10: {  	[smem:$0x3F91] =	sst s8  }
0x11: {  	[smem:$0x3F92] =	sst s9;
	s0 =	simm.s32 @!p0 $0x0  }
0x12: {  	s1 =	sld [smem:$0x3F78];
	s0 =	simm.s32 @p0 $0x1  }
0x13: {  	[smem:$0x3F93] =	sst s0;
	s0 =	simm.s32 @!p1 $0x0  }
0x14: {  	s2 =	sld [smem:$0x3F77];
	s0 =	simm.s32 @p1 $0x1  }
0x15: {  	[smem:$0x3F94] =	sst s0;
	s0 =	simm.s32 @!p2 $0x0  }
0x16: {  	s3 =	sld [smem:$0x3FDB];
	s0 =	simm.s32 @p2 $0x1  }
0x17: {  	s4 =	simm.s32 $0x1BF5;
	[smem:$0x3F96] =	sst s0  }
0x18: {  	s0 =	sld [smem:$0x3F79];
	_ =	swait.ge [sflag:s4], $0x0  }
0x19: {  	s7 =	sld [smem:$0x3F7A]  }
0x1a: {  	s8 =	sadd.s32 $0xFFFFE003, lr  }
0x1b: {  	s9 =	sadd.s32 $0xFFFFFEF7, lr;
	s5 =	simm.s32 $0xFFFFFFFF;
	p2 =	slt.u32 s8, $0xFFFFF086  }
0x1c: {  	p1 =	slt.u32 s9, $0xF7A;
	s5 =	simm.s32 @!p2 $0x0  }
0x1d: {  	s5 =	simm.s32 @p1 $0x1;
	p0 =	seq.s32 s7, s2  }
0x1e: {  	s7 =	smul.u32 @!p0 $0xF7A, s2;
	p2 =	seq.s32 @!p0 s5, $0x0  }
0x1f: {  	s9 =	smul.u32 $0xF7A, s1;
	s8 =	simm.s32 @!p0 $0x1BF5;
	p2 =	por !p2, p0  }
0x20: {  	[sflag:s8] =	ssyncset.s32 @!p0 $0xFFFFF086;
	s6 =	sadd.s32 @!p0 s3, s7;
	s7 =	simm.s32 @!p0 $0x108  }
0x21: {  	s3 =	sadd.s32 s3, s9;
	s6 =	sadd.s32 @!p0 $0x88, s6;
	s7 =	simm.s32 @p2 $0x1082  }
0x22: {  	[simem:s7], [sflag:s8] =	dma.local @!p0 [hbm:s6], $0xF7A  }
0x23: {  	s9 =	sor.u32 $0xD0000000, s2;
	s6 =	simm.s32 $0x108;
	_ =	swait.ge @!p0 [sflag:s8], $0x0  }
0x24: {  	s3 =	sadd.s32 $0x88, s3;
	s6 =	simm.s32 @!p1 $0x1082;
	[sflag:s4] =	ssyncset.s32 $0xFFFFF086  }
0x25: {  	[simem:s6], [sflag:s4] =	dma.local [hbm:s3], $0xF7A  }
0x26: {  	[smem:$0x3F7A] =	sst s1;
	(tag) =	ssettag s2;
	_ =	strace s9  }
0x27: {  	s1 =	sld [smem:$0x3F8A]  }
0x28: {  	s2 =	sld [smem:$0x3F8B]  }
0x29: {  	s4 =	sld [smem:$0x3F8D]  }
0x2a: {  	p0 =	seq.s32 s5, $0x0;
	s5 =	sld [smem:$0x3F8E]  }
0x2b: {  	s6 =	sld [smem:$0x3F8F]  }
0x2c: {  	s7 =	sld [smem:$0x3F90]  }
0x2d: {  	s3 =	simm.s32 $0x108;
	s8 =	sld [smem:$0x3F91]  }
0x2e: {  	s3 =	simm.s32 @!p0 $0x1082;
	s9 =	sld [smem:$0x3F92]  }
0x2f: {  	lr =	sadd.s32 s0, s3;
	s0 =	sld [smem:$0x3F89]  }
0x30: {  	s3 =	sld [smem:$0x3F8C]  }
0x31: {  	[smem:$0x3F95] =	sst s10  }
0x32: {  	s10 =	sld [smem:$0x3F93];
	_ =	sdelay $0x3  }
0x33: {  	p0 =	seq.s32 s10, $0x1;
	s10 =	sld [smem:$0x3F95];
	_ =	sdelay $0x3  }
0x34: {  	[smem:$0x3F95] =	sst s10  }
0x35: {  	s10 =	sld [smem:$0x3F94];
	_ =	sdelay $0x3  }
0x36: {  	p1 =	seq.s32 s10, $0x1;
	s10 =	sld [smem:$0x3F95];
	_ =	sdelay $0x3  }
0x37: {  	[smem:$0x3F95] =	sst s10  }
0x38: {  	s10 =	sld [smem:$0x3F96]  }
0x39: {  	_ = 	snop;
	(pc) =	sbr.ind lr, $3  }
0x3a: {  	_ = 	snop  }
0x3b: {  	_ = 	snop  }
0x3c: {  	p2 =	seq.s32 s10, $0x1;
	s10 =	sld [smem:$0x3F95]  }
0x3d: {  	_ =	shalt  }
0x3e: {  	_ =	shalt  }
0x3f: {  	_ =	shalt  }
0x40: {  	_ =	shalt  }
0x41: {  	_ =	shalt  }
0x42: {  	_ =	shalt  }
0x43: {  	_ =	shalt  }
0x44: {  	_ =	shalt  }
0x45: {  	_ =	shalt  }
0x46: {  	_ =	shalt  }
0x47: {  	_ =	shalt  }
0x48: {  	_ =	shalt  }
0x49: {  	_ =	shalt  }
0x4a: {  	_ =	shalt  }
0x4b: {  	_ =	shalt  }
0x4c: {  	_ =	shalt  }
0x4d: {  	_ =	shalt  }
0x4e: {  	_ =	shalt  }
0x4f: {  	_ =	shalt  }
0x50: {  	_ =	shalt  }
0x51: {  	_ =	shalt  }
0x52: {  	_ =	shalt  }
0x53: {  	_ =	shalt  }
0x54: {  	_ =	shalt  }
0x55: {  	_ =	shalt  }
0x56: {  	_ =	shalt  }
0x57: {  	_ =	shalt  }
0x58: {  	_ =	shalt  }
0x59: {  	_ =	shalt  }
0x5a: {  	_ =	shalt  }
0x5b: {  	_ =	shalt  }
0x5c: {  	_ =	shalt  }
0x5d: {  	_ =	shalt  }
0x5e: {  	_ =	shalt  }
0x5f: {  	_ =	shalt  }
0x60: {  	_ =	shalt  }
0x61: {  	_ =	shalt  }
0x62: {  	_ =	shalt  }
0x63: {  	_ =	shalt  }
0x64: {  	_ =	shalt  }
0x65: {  	_ =	shalt  }
0x66: {  	_ =	shalt  }
0x67: {  	_ =	shalt  }
0x68: {  	_ =	shalt  }
0x69: {  	_ =	shalt  }
0x6a: {  	_ =	shalt  }
0x6b: {  	_ =	shalt  }
0x6c: {  	_ =	shalt  }
0x6d: {  	_ =	shalt  }
0x6e: {  	_ =	shalt  }
0x6f: {  	_ =	shalt  }
0x70: {  	_ =	shalt  }
0x71: {  	_ =	shalt  }
0x72: {  	_ =	shalt  }
0x73: {  	_ =	shalt  }
0x74: {  	_ =	shalt  }
0x75: {  	_ =	shalt  }
0x76: {  	_ =	shalt  }
0x77: {  	_ =	shalt  }
0x78: {  	_ =	shalt  }
0x79: {  	_ =	shalt  }
0x7a: {  	_ =	shalt  }
0x7b: {  	_ =	shalt  }
0x7c: {  	_ =	shalt  }
0x7d: {  	_ =	shalt  }
0x7e: {  	_ =	shalt  }
0x7f: {  	_ =	shalt  }
0x80: {  	_ =	shalt  }
0x81: {  	_ =	shalt  }
0x82: {  	_ =	shalt  }
0x83: {  	_ =	shalt  }
0x84: {  	_ =	shalt  }
0x85: {  	_ =	shalt  }
0x86: {  	_ =	shalt  }
0x87: {  	_ =	shalt  }
.Lfunc_end0:
.L_simem_size_0:
called_computation.1_lowered:
.L_overlay_start_0:
0x88: {  	s2 =	sld [smem:$0x3FD9]  }
0x89: {  	s3 =	sld [smem:$0x3FFE];
	_ =	sdelay $0x1  }
0x8a: {  	s1 =	srdreg.scid  }
0x8b: {  	s0 =	sand.u32 $0x1, s1  }
0x8c: {  	s16 =	sshll.u32 s0, $0xA;
	s2 =	sadd.s32 s3, s2  }
0x8d: {  	s2 =	sadd.s32 s2, s16  }
0x8e: {  	[smem:$0x3FA1] =	sst s2  }
0x8f: {  	_ = 	snop  }
0x90: {  	(tm) =	ssettm $0x1  }
0x91: {  	s17 =	sld [smem:$0x3FFB];
	_ =	sdelay $0x3  }
0x92: {  	_ =	strace s17  }
0x93: {  	s2 =	sld [smem:$0x3FFC];
	_ =	sdelay $0x3  }
0x94: {  	_ =	strace s2  }
0x95: {  	s2 =	sld [smem:$0x3FFD];
	_ =	sdelay $0x3  }
0x96: {  	_ =	strace s2  }
0x97: {  	_ =	strace $0x8FFFFFFF  }
0x98: {  	s18 =	sld [smem:$0x3FDB];
	_ =	sdelay $0x1  }
0x99: {  	s19 =	simm.s32 $_scs_section_size  }
0x9a: {  	s4 =	simm.s32 $_size__tile_overlayer_lowered;
	s5 =	simm.s32 $_tile_overlayer_lowered  }
0x9b: {  	s22 =	simm.s32 $0x1BFF;
	s21 =	sshll.u32 s5, $0x1;
	s2 =	sadd.s32 s19, s18  }
0x9c: {  	s6 =	simm.s32 $0x0;
	s20 =	sshll.u32 s4, $0x1;
	s4 =	sadd.s32 s21, s2  }
0x9d: {  	[timem:s6], [sflag:s22] =	dma.local [hbm:s4], s20  }
0x9e: {  	_ =	swait.ge [sflag:s22], s20  }
0x9f: {  	s3 =	ssub.s32 $0x0, s20;
	[sflag:s22] =	ssyncset.done $0x0  }
0xa0: {  	[sflag:s22] =	ssyncadd.s32 s3;
	_ =	sdelay $0x1  }
0xa1: {  	s23 =	simm.s32 $0x1B8B  }
0xa2: {  	_ =	swait.ge [sflag:s23], $0x1  }
0xa3: {  	[sflag:s23] =	ssyncset.done $0x0  }
0xa4: {  	s25 =	simm.s32 $0x1B8E;
	s24 =	sld [smem:$0x3FFE];
	[sflag:s23] =	ssyncadd.s32 $0xFFFFFFFF  }
0xa5: {  	s26 =	simm.s32 $execute0_lowered;
	[smem:$0x3FD2] =	sst s25  }
0xa6: {  	s4 =	sshll.u32 s26, $0x1;
	_ =	strace $0x80000049;
	[dreg:$0x1] =	wrdreg $0xFFFFFFFF  }
0xa7: {  	s28 =	simm.s32 $_size_execute0_lowered;
	s2 =	sadd.s32 s2, s4;
	[dreg:$0x0] =	wrdreg $0x0  }
0xa8: {  	s4 =	sshll.u32 s28, $0x1;
	[dreg:$0x2] =	wrdreg s2  }
0xa9: {  	[dreg:$0x3] =	wrdreg s4  }
0xaa: {  	[dreg:$0x4] =	wrdreg $0xC0  }
0xab: {  	_ =	task [dreg:s6], $0x5FFFF  }
0xac: {  	[dreg:$0x1] =	wrdreg $0xFFFFFFFF  }
0xad: {  	[dreg:$0x0] =	wrdreg $0x60  }
0xae: {  	[dreg:$0x2] =	wrdreg s24  }
0xaf: {  	[dreg:$0x3] =	wrdreg $0x82000  }
0xb0: {  	[dreg:$0x4] =	wrdreg $0x9  }
0xb1: {  	_ =	task.clear_ibuf [dreg:s6], $0x5FFFF;
	_ =	strace $0x90000049  }
0xb2: {  	s29 =	simm.s32 $0x9;
	_ =	strace $0x8000004B  }
0xb3: {  	_ =	swait.ge [sflag:s29], $0x1  }
0xb4: {  	[sflag:s29] =	ssyncadd.s32 $0xFFFFFFFF  }
0xb5: {  	_ =	strace $0x9000004B  }
0xb6: {  	_ =	sfence  }
0xb7: {  	s30 =	sld [smem:$0x0];
	_ =	sdelay $0x2  }
0xb8: {  	s31 =	sshll.u32 s1, $0xD;
	s1 =	sshrl.u32 s1, $0x2  }
0xb9: {  	s3 =	sand.u32 $0x4000, s31;
	s1 =	sadd.s32 s1, s30  }
0xba: {  	s0 =	sor.u32 s3, s0;
	s1 =	sshll.u32 s1, $0x11  }
0xbb: {  	s0 =	sor.u32 s1, s0  }
0xbc: {  	s0 =	sadd.s32 $0x8F2B, s0  }
0xbd: {  	[sflag:s0] =	ssyncadd.remote.s32 $0x1  }
0xbe: {  	_ =	sfence.sel $0xFFFF  }
0xbf: {  	[dreg:$0x0] =	wrdreg $0xFFFFFFFF;
	(pc) =	sbr.abs _section_cstart, $3  }
0xc0: {  	[dreg:$0x1] =	wrdreg $0xFFFFFFFF  }
0xc1: {  	_ =	task.clear_ibuf [dreg:s6], $0x2FFFF;
	_ =	strace $0x9FFFFFFF  }
0xc2: {  	(tm) =	ssettm $0x7FFFFFFF  }
0xc3: {  	_ =	shalt  }
tec
execute0_lowered:
.L_overlay_start_1:
0x0: {  	(tag) =	ssettag $0x1  }
0x1: {  	s0 =	rddreg [dreg:$0x0]  }
0x2: {  	s1 =	rddreg [dreg:$0x1]  }
0x3: {  	s2 =	simm.s32 $0x0;
	s4 =	srdreg.scid;
	s12 =	stileid.u32  }
0x4: {  	s30 =	simm.s32 $0x2200;
	s31 =	simm.s32 $0x7;
	s3 =	sadd.s32 $0x525600, s0  }
0x5: {  	[smem:$0x7FF] =	sst s2;
	s5 =	sadd.s32 $0x54D600, s0;
	s11 =	smul.u32 $0x50000, s12  }
0x6: {  	s6 =	sadd.s32 $0x1B000, s0;
	s4 =	sand.u32 $0x1, s4;
	s25 =	smul.u32 $0x1800, s12  }
0x7: {  	s7 =	sadd.s32 $0x11000, s0;
	_ =	strace $0x8000004A;
	s8 =	smul.u32 $0x28000, s4  }
0x8: {  	s9 =	ssub.s32 $0x2, s4;
	p0 =	seq.s32 s4, $0x0;
	s4 =	smul.u32 $0x3800, s12  }
0x9: {  	s12 =	smul.u32 $0x2800, s12;
	s10 =	sshrl.u32 s9, $0x1;
	s26 =	sshrl.u32 s11, $0x2  }
0xa: {  	s11 =	sadd.s32 $0x38000, s25;
	s0 =	sadd.s32 s8, s0;
	s9 =	ssub.s32 s9, s10  }
0xb: {  	s8 =	simm.s32 $0x70;
	s25 =	sadd.s32 s26, s1;
	s11 =	smov.u32 @p0 s4  }
0xc: {  	s8 =	simm.s32 @!p0 $0x30;
	s28 =	sadd.s32 $0x2000, s25;
	[dreg:$0x3] =	wrdreg s25  }
0xd: {  	s29 =	sadd.s32 $0x4000, s25;
	s10 =	sadd.s32 $0x6000, s25;
	[dreg:$0x4] =	wrdreg s28  }
0xe: {  	s13 =	sadd.s32 $0x8000, s25;
	s14 =	sadd.s32 $0xA000, s25;
	[dreg:$0x5] =	wrdreg s29  }
0xf: {  	s15 =	sadd.s32 $0xC000, s25;
	s16 =	sshrl.u32 s11, $0x3;
	[dreg:$0x6] =	wrdreg s10  }
0x10: {  	s20 =	sshll.u32 s11, $0x4;
	s0 =	sadd.s32 $0x25000, s0;
	[dreg:$0x7] =	wrdreg s13  }
0x11: {  	s23 =	sor.u32 $0x80, s11;
	s24 =	sor.u32 $0xC0, s11;
	[dreg:$0x8] =	wrdreg s14  }
0x12: {  	s22 =	smax.u32 s9, $0x1;
	s26 =	sadd.s32 $0xE000, s25;
	[dreg:$0x9] =	wrdreg s15  }
0x13: {  	s17 =	sadd.s32 s6, s16;
	s18 =	sadd.s32 s7, s16;
	s4 =	sor.u32 $0x8, s16  }
0x14: {  	s21 =	sadd.s32 s5, s20;
	s0 =	sadd.s32 s12, s0;
	[dreg:$0x10] =	wrdreg s22  }
0x15: {  	[dreg:$0x11] =	wrdreg s26;
	s28 =	sadd.s32 $0x10000, s25;
	s29 =	sadd.s32 $0x12000, s25  }
0x16: {  	s10 =	simm.s32 $0x180;
	s12 =	simm.s32 $0x40;
	[dreg:$0xa] =	wrdreg s17  }
0x17: {  	s13 =	simm.s32 $0x2;
	s14 =	simm.s32 $0x4200;
	[dreg:$0xb] =	wrdreg s18  }
0x18: {  	s15 =	simm.s32 $0x6200;
	s16 =	simm.s32 $0x3;
	[dreg:$0xe] =	wrdreg s21  }
0x19: {  	s20 =	simm.s32 $0x0;
	s19 =	sadd.s32 s6, s4;
	[dreg:$0xf] =	wrdreg s0  }
0x1a: {  	s4 =	sadd.s32 s7, s4;
	s21 =	sor.u32 $0x40, s11;
	[dreg:$0x12] =	wrdreg s28  }
0x1b: {  	[dreg:$0x13] =	wrdreg s29;
	s0 =	simm.s32 $0x80;
	s11 =	simm.s32 $0x1  }
0x1c: {  	s17 =	simm.s32 $0x5;
	s18 =	simm.s32 $0x4;
	[dreg:$0xc] =	wrdreg s19  }
0x1d: {  	v0 =	vimm.f32 $0.0e+00;
	[dreg:$0xd] =	wrdreg s4;
	s4 =	simm.s32 $0x100;
	s19 =	simm.s32 $0x6  }
.LBB2_1:
0x1e: {  	s9 =	simm.s32 $0x2300  }
0x1f: {  	[tilespmem:s9+$0xFFFFFF00] =	vst v0  }
0x20: {  	[tilespmem:s9+$0xF0] =	vst v0  }
0x21: {  	[tilespmem:s9+$0xE0] =	vst v0  }
0x22: {  	[tilespmem:s9+$0xD0] =	vst v0  }
0x23: {  	[tilespmem:s9+$0xC0] =	vst v0  }
0x24: {  	[tilespmem:s9+$0xB0] =	vst v0  }
0x25: {  	[tilespmem:s9+$0xA0] =	vst v0  }
0x26: {  	[tilespmem:s9+$0x90] =	vst v0  }
0x27: {  	[tilespmem:s9+$0x80] =	vst v0  }
0x28: {  	[tilespmem:s9+$0x70] =	vst v0  }
0x29: {  	[tilespmem:s9+$0x60] =	vst v0  }
0x2a: {  	[tilespmem:s9+$0x50] =	vst v0  }
0x2b: {  	[tilespmem:s9+$0x40] =	vst v0  }
0x2c: {  	[tilespmem:s9+$0x30] =	vst v0  }
0x2d: {  	[tilespmem:s9+$0x20] =	vst v0  }
0x2e: {  	[tilespmem:s9+$0x10] =	vst v0  }
0x2f: {  	[tilespmem:s9+$0x0] =	vst v0  }
0x30: {  	[tilespmem:s9+$0xFFFFFFF0] =	vst v0  }
0x31: {  	[tilespmem:s9+$0xFFFFFFE0] =	vst v0  }
0x32: {  	[tilespmem:s9+$0xFFFFFFD0] =	vst v0  }
0x33: {  	[tilespmem:s9+$0xFFFFFFC0] =	vst v0  }
0x34: {  	[tilespmem:s9+$0xFFFFFFB0] =	vst v0  }
0x35: {  	[tilespmem:s9+$0xFFFFFFA0] =	vst v0  }
0x36: {  	[tilespmem:s9+$0xFFFFFF90] =	vst v0  }
0x37: {  	[tilespmem:s9+$0xFFFFFF80] =	vst v0  }
0x38: {  	[tilespmem:s9+$0xFFFFFF70] =	vst v0  }
0x39: {  	[tilespmem:s9+$0xFFFFFF60] =	vst v0  }
0x3a: {  	[tilespmem:s9+$0xFFFFFF50] =	vst v0  }
0x3b: {  	[tilespmem:s9+$0xFFFFFF40] =	vst v0  }
0x3c: {  	[tilespmem:s9+$0xFFFFFF30] =	vst v0  }
0x3d: {  	s22 =	simm.s32 $0x0;
	[tilespmem:s9+$0xFFFFFF20] =	vst v0  }
.LBB2_2:
0x3e: {  	s22 =	sadd.s32 $0x4, s22;
	[tilespmem:s9+$0xFFFFFF10] =	vst v0;
	s9 =	sadd.s32 $0x200, s9  }
0x3f: {  	[tilespmem:s9+$0xFFFFFF00] =	vst v0;
	p0 =	slt.u32 s22, $0x3C  }
0x40: {  	[tilespmem:s9+$0xF0] =	vst v0  }
0x41: {  	[tilespmem:s9+$0xE0] =	vst v0  }
0x42: {  	[tilespmem:s9+$0xD0] =	vst v0  }
0x43: {  	[tilespmem:s9+$0xC0] =	vst v0  }
0x44: {  	[tilespmem:s9+$0xB0] =	vst v0  }
0x45: {  	[tilespmem:s9+$0xA0] =	vst v0  }
0x46: {  	[tilespmem:s9+$0x90] =	vst v0  }
0x47: {  	[tilespmem:s9+$0x80] =	vst v0  }
0x48: {  	[tilespmem:s9+$0x70] =	vst v0  }
0x49: {  	[tilespmem:s9+$0x60] =	vst v0  }
0x4a: {  	[tilespmem:s9+$0x50] =	vst v0  }
0x4b: {  	[tilespmem:s9+$0x40] =	vst v0  }
0x4c: {  	[tilespmem:s9+$0x30] =	vst v0  }
0x4d: {  	[tilespmem:s9+$0x20] =	vst v0  }
0x4e: {  	[tilespmem:s9+$0x10] =	vst v0  }
0x4f: {  	[tilespmem:s9+$0x0] =	vst v0  }
0x50: {  	[tilespmem:s9+$0xFFFFFFF0] =	vst v0  }
0x51: {  	[tilespmem:s9+$0xFFFFFFE0] =	vst v0  }
0x52: {  	[tilespmem:s9+$0xFFFFFFD0] =	vst v0  }
0x53: {  	[tilespmem:s9+$0xFFFFFFC0] =	vst v0  }
0x54: {  	[tilespmem:s9+$0xFFFFFFB0] =	vst v0  }
0x55: {  	[tilespmem:s9+$0xFFFFFFA0] =	vst v0  }
0x56: {  	[tilespmem:s9+$0xFFFFFF90] =	vst v0  }
0x57: {  	[tilespmem:s9+$0xFFFFFF80] =	vst v0  }
0x58: {  	[tilespmem:s9+$0xFFFFFF70] =	vst v0  }
.Ltmp0:
0x59: {  	[tilespmem:s9+$0xFFFFFF60] =	vst v0;
	(pc) =	sbr.rel @p0 .LBB2_2-.Ltmp0, $4  }
0x5a: {  	[tilespmem:s9+$0xFFFFFF50] =	vst v0  }
0x5b: {  	[tilespmem:s9+$0xFFFFFF40] =	vst v0  }
0x5c: {  	[tilespmem:s9+$0xFFFFFF30] =	vst v0  }
0x5d: {  	[tilespmem:s9+$0xFFFFFF20] =	vst v0  }
0x5e: {  	[tilespmem:s9+$0xFFFFFF10] =	vst v0  }
0x5f: {  	[spmem:s25] =	stream.linear.scatter [tilespmem:s30], [sflag:$0x7], $0x2000, $0x38;
	[tilespmem:$0x1C200] =	vst v63  }
0x60: {  	_ =	swait.ge [sflag:s31], $0x2000  }
0x61: {  	[sflag:s31] =	ssyncset.done $0x0  }
0x62: {  	s29 =	rddreg [dreg:$0x4];
	[sflag:s31] =	ssyncadd.s32 $0xFFFFE000  }
0x63: {  	[spmem:s29] =	stream.linear.scatter [tilespmem:s30], [sflag:$0x7], $0x2000, $0x38;
	[tilespmem:$0x1C200] =	vst v63  }
0x64: {  	_ =	swait.ge [sflag:s31], $0x2000  }
0x65: {  	[sflag:s31] =	ssyncset.done $0x0  }
0x66: {  	s22 =	rddreg [dreg:$0x5];
	[sflag:s31] =	ssyncadd.s32 $0xFFFFE000  }
0x67: {  	[spmem:s22] =	stream.linear.scatter [tilespmem:s30], [sflag:$0x7], $0x2000, $0x38;
	[tilespmem:$0x1C200] =	vst v63  }
0x68: {  	_ =	swait.ge [sflag:s31], $0x2000  }
0x69: {  	[sflag:s31] =	ssyncset.done $0x0  }
0x6a: {  	s25 =	rddreg [dreg:$0x6];
	[sflag:s31] =	ssyncadd.s32 $0xFFFFE000  }
0x6b: {  	[spmem:s25] =	stream.linear.scatter [tilespmem:s30], [sflag:$0x7], $0x2000, $0x38;
	[tilespmem:$0x1C200] =	vst v63  }
0x6c: {  	_ =	swait.ge [sflag:s31], $0x2000  }
0x6d: {  	[sflag:s31] =	ssyncset.done $0x0  }
0x6e: {  	s26 =	rddreg [dreg:$0x7];
	[sflag:s31] =	ssyncadd.s32 $0xFFFFE000  }
0x6f: {  	[spmem:s26] =	stream.linear.scatter [tilespmem:s30], [sflag:$0x7], $0x2000, $0x38;
	[tilespmem:$0x1C200] =	vst v63  }
0x70: {  	_ =	swait.ge [sflag:s31], $0x2000  }
0x71: {  	[sflag:s31] =	ssyncset.done $0x0  }
0x72: {  	s28 =	rddreg [dreg:$0x8];
	[sflag:s31] =	ssyncadd.s32 $0xFFFFE000  }
0x73: {  	[spmem:s28] =	stream.linear.scatter [tilespmem:s30], [sflag:$0x7], $0x2000, $0x38;
	[tilespmem:$0x1C200] =	vst v63  }
0x74: {  	_ =	swait.ge [sflag:s31], $0x2000  }
0x75: {  	[sflag:s31] =	ssyncset.done $0x0  }
0x76: {  	s29 =	rddreg [dreg:$0x9];
	[sflag:s31] =	ssyncadd.s32 $0xFFFFE000  }
0x77: {  	[spmem:s29] =	stream.linear.scatter [tilespmem:s30], [sflag:$0x7], $0x2000, $0x38;
	[tilespmem:$0x1C200] =	vst v63  }
0x78: {  	_ =	swait.ge [sflag:s31], $0x2000  }
0x79: {  	[sflag:s31] =	ssyncset.done $0x0  }
0x7a: {  	s22 =	rddreg [dreg:$0x11];
	[sflag:s31] =	ssyncadd.s32 $0xFFFFE000  }
0x7b: {  	[spmem:s22] =	stream.linear.scatter [tilespmem:s30], [sflag:$0x7], $0x2000, $0x38;
	[tilespmem:$0x1C200] =	vst v63  }
0x7c: {  	_ =	swait.ge [sflag:s31], $0x2000  }
0x7d: {  	[sflag:s31] =	ssyncset.done $0x0  }
0x7e: {  	s25 =	rddreg [dreg:$0x12];
	[sflag:s31] =	ssyncadd.s32 $0xFFFFE000  }
0x7f: {  	[spmem:s25] =	stream.linear.scatter [tilespmem:s30], [sflag:$0x7], $0x2000, $0x38;
	[tilespmem:$0x1C200] =	vst v63  }
0x80: {  	_ =	swait.ge [sflag:s31], $0x2000  }
0x81: {  	[sflag:s31] =	ssyncset.done $0x0  }
0x82: {  	s26 =	rddreg [dreg:$0x13];
	[sflag:s31] =	ssyncadd.s32 $0xFFFFE000  }
0x83: {  	[spmem:s26] =	stream.linear.scatter [tilespmem:s30], [sflag:$0x7], $0x2000, $0x38;
	[tilespmem:$0x1C200] =	vst v63  }
0x84: {  	_ =	swait.ge [sflag:s31], $0x2000  }
0x85: {  	[sflag:s31] =	ssyncset.done $0x0  }
0x86: {  	[sflag:s31] =	ssyncadd.s32 $0xFFFFE000  }
0x87: {  	[bflag:$0x0] =	sbarrier.arrive $0xFFFF  }
0x88: {  	s22 =	simm.s32 $0x0;
	s28 =	rddreg [dreg:$0xa]  }
0x89: {  	[tilespmem:s22], [sflag:$0x1] =	stream.linear.gather [hbm4b:s28+s22], $0x40, $0x38;
	[tilespmem:$0x1C200] =	vst v63  }
0x8a: {  	s29 =	rddreg [dreg:$0xb]  }
0x8b: {  	[tilespmem:s0], [sflag:$0x1] =	stream.linear.gather [hbm4b:s29+s22], $0x40, $0x38;
	[tilespmem:$0x1C200] =	vst v63  }
0x8c: {  	s25 =	rddreg [dreg:$0xc]  }
0x8d: {  	[tilespmem:s4], [sflag:$0x2] =	stream.linear.gather [hbm4b:s25+s22], $0x40, $0x38;
	[tilespmem:$0x1C200] =	vst v63  }
0x8e: {  	s26 =	rddreg [dreg:$0xd]  }
0x8f: {  	[tilespmem:s10], [sflag:$0x2] =	stream.linear.gather [hbm4b:s26+s22], $0x40, $0x38;
	[tilespmem:$0x1C200] =	vst v63  }
0x90: {  	_ =	swait.ge [sflag:s11], $0x40  }
0x91: {  	[sflag:s11] =	ssyncset.done $0x0  }
0x92: {  	[sflag:s11] =	ssyncadd.s32 $0xFFFFFFC0  }
0x93: {  	_ =	swait.ge [sflag:s11], $0x40  }
0x94: {  	[sflag:s11] =	ssyncset.done $0x0  }
0x95: {  	s28 =	simm.s32 $0x200;
	[sflag:s11] =	ssyncadd.s32 $0xFFFFFFC0  }
0x96: {  	[tilespmem:s28], [sflag:$0x3] =	stream.indirect.gather [hbm4b:s3+s12], $0x80, s22, s12, $0xb8;
	[tilespmem:$0x1C200] =	vst v63  }
0x97: {  	s29 =	rddreg [dreg:$0xe]  }
0x98: {  	[tilespmem:s30], [sflag:$0x5] =	stream.linear.gather [hbm4b:s29+s22], $0x2000, $0x38;
	[tilespmem:$0x1C200] =	vst v63  }
.LBB2_4:
0x99: {  	_ =	swait.ge [sflag:s13], $0x40  }
0x9a: {  	[sflag:s13] =	ssyncset.done $0x0  }
0x9b: {  	[sflag:s13] =	ssyncadd.s32 $0xFFFFFFC0  }
0x9c: {  	s25 =	sshll.u32 s22, $0x7;
	_ =	swait.ge [sflag:s13], $0x40  }
0x9d: {  	s9 =	sadd.s32 s25, s21;
	[sflag:s13] =	ssyncset.done $0x0  }
0x9e: {  	s9 =	sshll.u32 s9, $0x4;
	[sflag:s13] =	ssyncadd.s32 $0xFFFFFFC0  }
0x9f: {  	[tilespmem:s14], [sflag:$0x4] =	stream.indirect.gather [hbm4b:s3+s12], $0x80, s4, s12, $0xb8;
	[tilespmem:$0x1C200] =	vst v63  }
0xa0: {  	s9 =	sadd.s32 s5, s9  }
0xa1: {  	[tilespmem:s15], [sflag:$0x6] =	stream.linear.gather [hbm4b:s9+s2], $0x2000, $0x38;
	[tilespmem:$0x1C200] =	vst v63  }
0xa2: {  	_ =	swait.ge [sflag:s16], $0x2000  }
0xa3: {  	[sflag:s16] =	ssyncset.done $0x0  }
0xa4: {  	[sflag:s16] =	ssyncadd.s32 $0xFFFFE000  }
0xa5: {  	_ =	swait.ge [sflag:s17], $0x2000  }
0xa6: {  	[sflag:s17] =	ssyncset.done $0x0  }
0xa7: {  	s26 =	simm.s32 $0x2300;
	[sflag:s17] =	ssyncadd.s32 $0xFFFFE000  }
0xa8: {  	s28 =	simm.s32 $0x300;
	v1 =	vld [tilespmem:s26+$0x80]  }
0xa9: {  	v2 =	vld [tilespmem:s28+$0x80]  }
0xaa: {  	v3 =	vld [tilespmem:s26+$0xFFFFFF80]  }
0xab: {  	v4 =	vld [tilespmem:s28+$0xFFFFFF80]  }
0xac: {  	v5 =	vld [tilespmem:s26+$0x0]  }
0xad: {  	v6 =	vld [tilespmem:s28+$0x0]  }
0xae: {  	v7 =	vld [tilespmem:s26+$0xFFFFFF00];
	v1 =	vmul.f32 v2, v1  }
0xaf: {  	v2 =	vld [tilespmem:s28+$0xFFFFFF00]  }
0xb0: {  	[tilespmem:s26+$0x80] =	vst v1;
	v1 =	vld [tilespmem:s26+$0x90]  }
0xb1: {  	v3 =	vmul.f32 v4, v3;
	v4 =	vld [tilespmem:s28+$0x90]  }
0xb2: {  	v8 =	vld [tilespmem:s26+$0xFFFFFF10]  }
0xb3: {  	[tilespmem:s26+$0xFFFFFF80] =	vst v3;
	v3 =	vmul.f32 v6, v5;
	v5 =	vld [tilespmem:s26+$0xFFFFFF90]  }
0xb4: {  	v6 =	vld [tilespmem:s28+$0xFFFFFF90];
	v2 =	vmul.f32 v2, v7  }
0xb5: {  	[tilespmem:s26+$0x0] =	vst v3;
	v3 =	vld [tilespmem:s26+$0x10]  }
0xb6: {  	v7 =	vld [tilespmem:s28+$0x10];
	[tilespmem:s26+$0xFFFFFF00] =	vst v2;
	v1 =	vmul.f32 v4, v1  }
0xb7: {  	v2 =	vld [tilespmem:s28+$0xFFFFFF10]  }
0xb8: {  	[tilespmem:s26+$0x90] =	vst v1;
	v1 =	vld [tilespmem:s26+$0xA0]  }
0xb9: {  	v4 =	vmul.f32 v6, v5;
	v5 =	vld [tilespmem:s28+$0xA0]  }
0xba: {  	v6 =	vld [tilespmem:s26+$0xFFFFFF20]  }
0xbb: {  	[tilespmem:s26+$0xFFFFFF90] =	vst v4;
	v3 =	vmul.f32 v7, v3;
	v4 =	vld [tilespmem:s26+$0xFFFFFFA0]  }
0xbc: {  	v7 =	vld [tilespmem:s28+$0xFFFFFFA0];
	v2 =	vmul.f32 v2, v8  }
0xbd: {  	[tilespmem:s26+$0x10] =	vst v3;
	v3 =	vld [tilespmem:s26+$0x20]  }
0xbe: {  	v8 =	vld [tilespmem:s28+$0x20];
	[tilespmem:s26+$0xFFFFFF10] =	vst v2;
	v1 =	vmul.f32 v5, v1  }
0xbf: {  	v2 =	vld [tilespmem:s28+$0xFFFFFF20]  }
0xc0: {  	[tilespmem:s26+$0xA0] =	vst v1;
	v1 =	vld [tilespmem:s26+$0xB0]  }
0xc1: {  	v4 =	vmul.f32 v7, v4;
	v5 =	vld [tilespmem:s28+$0xB0]  }
0xc2: {  	v7 =	vld [tilespmem:s26+$0xFFFFFF30]  }
0xc3: {  	[tilespmem:s26+$0xFFFFFFA0] =	vst v4;
	v3 =	vmul.f32 v8, v3;
	v4 =	vld [tilespmem:s26+$0xFFFFFFB0]  }
0xc4: {  	v8 =	vld [tilespmem:s28+$0xFFFFFFB0];
	v2 =	vmul.f32 v2, v6  }
0xc5: {  	[tilespmem:s26+$0x20] =	vst v3;
	v3 =	vld [tilespmem:s26+$0x30]  }
0xc6: {  	v6 =	vld [tilespmem:s28+$0x30];
	[tilespmem:s26+$0xFFFFFF20] =	vst v2;
	v1 =	vmul.f32 v5, v1  }
0xc7: {  	v2 =	vld [tilespmem:s28+$0xFFFFFF30]  }
0xc8: {  	[tilespmem:s26+$0xB0] =	vst v1;
	v1 =	vld [tilespmem:s26+$0xC0]  }
0xc9: {  	v4 =	vmul.f32 v8, v4;
	v5 =	vld [tilespmem:s28+$0xC0]  }
0xca: {  	v8 =	vld [tilespmem:s26+$0xFFFFFF40]  }
0xcb: {  	[tilespmem:s26+$0xFFFFFFB0] =	vst v4;
	v3 =	vmul.f32 v6, v3;
	v4 =	vld [tilespmem:s26+$0xFFFFFFC0]  }
0xcc: {  	v6 =	vld [tilespmem:s28+$0xFFFFFFC0];
	v2 =	vmul.f32 v2, v7  }
0xcd: {  	[tilespmem:s26+$0x30] =	vst v3;
	v3 =	vld [tilespmem:s26+$0x40]  }
0xce: {  	v7 =	vld [tilespmem:s28+$0x40];
	[tilespmem:s26+$0xFFFFFF30] =	vst v2;
	v1 =	vmul.f32 v5, v1  }
0xcf: {  	v2 =	vld [tilespmem:s28+$0xFFFFFF40]  }
0xd0: {  	[tilespmem:s26+$0xC0] =	vst v1;
	v1 =	vld [tilespmem:s26+$0xD0]  }
0xd1: {  	v4 =	vmul.f32 v6, v4;
	v5 =	vld [tilespmem:s28+$0xD0]  }
0xd2: {  	v6 =	vld [tilespmem:s26+$0xFFFFFF50]  }
0xd3: {  	[tilespmem:s26+$0xFFFFFFC0] =	vst v4;
	v3 =	vmul.f32 v7, v3;
	v4 =	vld [tilespmem:s26+$0xFFFFFFD0]  }
0xd4: {  	v7 =	vld [tilespmem:s28+$0xFFFFFFD0];
	v2 =	vmul.f32 v2, v8  }
0xd5: {  	[tilespmem:s26+$0x40] =	vst v3;
	v3 =	vld [tilespmem:s26+$0x50]  }
0xd6: {  	v8 =	vld [tilespmem:s28+$0x50];
	[tilespmem:s26+$0xFFFFFF40] =	vst v2;
	v1 =	vmul.f32 v5, v1  }
0xd7: {  	v2 =	vld [tilespmem:s28+$0xFFFFFF50]  }
0xd8: {  	[tilespmem:s26+$0xD0] =	vst v1;
	v1 =	vld [tilespmem:s26+$0xE0]  }
0xd9: {  	v4 =	vmul.f32 v7, v4;
	v5 =	vld [tilespmem:s28+$0xE0]  }
0xda: {  	v7 =	vld [tilespmem:s26+$0xFFFFFF60]  }
0xdb: {  	[tilespmem:s26+$0xFFFFFFD0] =	vst v4;
	v3 =	vmul.f32 v8, v3;
	v4 =	vld [tilespmem:s26+$0xFFFFFFE0]  }
0xdc: {  	v8 =	vld [tilespmem:s28+$0xFFFFFFE0];
	v2 =	vmul.f32 v2, v6  }
0xdd: {  	[tilespmem:s26+$0x50] =	vst v3;
	v3 =	vld [tilespmem:s26+$0x60]  }
0xde: {  	v6 =	vld [tilespmem:s28+$0x60];
	[tilespmem:s26+$0xFFFFFF50] =	vst v2;
	v1 =	vmul.f32 v5, v1  }
0xdf: {  	v5 =	vld [tilespmem:s28+$0xFFFFFF60]  }
0xe0: {  	v9 =	vld [tilespmem:s26+$0xF0];
	[tilespmem:s26+$0xE0] =	vst v1  }
0xe1: {  	v2 =	vmul.f32 v8, v4;
	v8 =	vld [tilespmem:s28+$0xF0]  }
0xe2: {  	v1 =	vld [tilespmem:s26+$0xFFFFFF70]  }
0xe3: {  	[tilespmem:s26+$0xFFFFFFE0] =	vst v2;
	v3 =	vmul.f32 v6, v3;
	v2 =	vld [tilespmem:s26+$0xFFFFFFF0]  }
0xe4: {  	v4 =	vld [tilespmem:s28+$0xFFFFFFF0];
	v5 =	vmul.f32 v5, v7  }
0xe5: {  	[tilespmem:s26+$0x60] =	vst v3;
	v3 =	vld [tilespmem:s26+$0x70]  }
0xe6: {  	[tilespmem:s26+$0xFFFFFF60] =	vst v5;
	v5 =	vld [tilespmem:s28+$0x70];
	v7 =	vmul.f32 v8, v9  }
0xe7: {  	s29 =	simm.s32 $0x0;
	s9 =	simm.s32 $0x2500;
	v6 =	vld [tilespmem:s28+$0xFFFFFF70]  }
.LBB2_5:
0xe8: {  	v8 =	vld [tilespmem:s9+$0x80];
	[tilespmem:s26+$0xF0] =	vst v7;
	s28 =	sadd.s32 $0x200, s28  }
0xe9: {  	s29 =	sadd.s32 $0x4, s29;
	v7 =	vld [tilespmem:s28+$0x80];
	v2 =	vmul.f32 v4, v2  }
0xea: {  	p0 =	slt.u32 s29, $0x3C;
	v4 =	vld [tilespmem:s28+$0xFFFFFF00]  }
0xeb: {  	v9 =	vld [tilespmem:s9+$0xFFFFFF80];
	[tilespmem:s26+$0xFFFFFFF0] =	vst v2;
	v2 =	vmul.f32 v5, v3  }
0xec: {  	v3 =	vld [tilespmem:s28+$0xFFFFFF80];
	v1 =	vmul.f32 v6, v1  }
0xed: {  	v5 =	vld [tilespmem:s9+$0x0];
	[tilespmem:s26+$0x70] =	vst v2  }
0xee: {  	v2 =	vld [tilespmem:s28+$0x0];
	v6 =	vmul.f32 v7, v8;
	[tilespmem:s26+$0xFFFFFF70] =	vst v1;
	s26 =	smov.u32 s9  }
0xef: {  	v1 =	vld [tilespmem:s9+$0xFFFFFF00]  }
0xf0: {  	[tilespmem:s9+$0x80] =	vst v6;
	v6 =	vld [tilespmem:s9+$0x90]  }
0xf1: {  	v3 =	vmul.f32 v3, v9;
	v7 =	vld [tilespmem:s28+$0x90]  }
0xf2: {  	v8 =	vld [tilespmem:s9+$0xFFFFFF10]  }
0xf3: {  	[tilespmem:s9+$0xFFFFFF80] =	vst v3;
	v3 =	vld [tilespmem:s9+$0xFFFFFF90];
	v2 =	vmul.f32 v2, v5  }
0xf4: {  	v1 =	vmul.f32 v4, v1;
	v4 =	vld [tilespmem:s28+$0xFFFFFF90]  }
0xf5: {  	[tilespmem:s9+$0x0] =	vst v2;
	v2 =	vld [tilespmem:s9+$0x10]  }
0xf6: {  	[tilespmem:s9+$0xFFFFFF00] =	vst v1;
	v1 =	vld [tilespmem:s28+$0x10];
	v5 =	vmul.f32 v7, v6  }
0xf7: {  	v6 =	vld [tilespmem:s28+$0xFFFFFF10]  }
0xf8: {  	[tilespmem:s9+$0x90] =	vst v5;
	v5 =	vld [tilespmem:s9+$0xA0]  }
0xf9: {  	v3 =	vmul.f32 v4, v3;
	v4 =	vld [tilespmem:s28+$0xA0]  }
0xfa: {  	v7 =	vld [tilespmem:s9+$0xFFFFFF20]  }
0xfb: {  	[tilespmem:s9+$0xFFFFFF90] =	vst v3;
	v3 =	vld [tilespmem:s9+$0xFFFFFFA0];
	v1 =	vmul.f32 v1, v2  }
0xfc: {  	v2 =	vmul.f32 v6, v8;
	v6 =	vld [tilespmem:s28+$0xFFFFFFA0]  }
0xfd: {  	[tilespmem:s9+$0x10] =	vst v1;
	v1 =	vld [tilespmem:s9+$0x20]  }
0xfe: {  	[tilespmem:s9+$0xFFFFFF10] =	vst v2;
	v2 =	vld [tilespmem:s28+$0x20];
	v4 =	vmul.f32 v4, v5  }
0xff: {  	v5 =	vld [tilespmem:s28+$0xFFFFFF20]  }
0x100: {  	[tilespmem:s9+$0xA0] =	vst v4;
	v4 =	vld [tilespmem:s9+$0xB0]  }
0x101: {  	v3 =	vmul.f32 v6, v3;
	v6 =	vld [tilespmem:s28+$0xB0]  }
0x102: {  	v8 =	vld [tilespmem:s9+$0xFFFFFF30]  }
0x103: {  	[tilespmem:s9+$0xFFFFFFA0] =	vst v3;
	v3 =	vld [tilespmem:s9+$0xFFFFFFB0];
	v1 =	vmul.f32 v2, v1  }
0x104: {  	v2 =	vmul.f32 v5, v7;
	v5 =	vld [tilespmem:s28+$0xFFFFFFB0]  }
0x105: {  	[tilespmem:s9+$0x20] =	vst v1;
	v1 =	vld [tilespmem:s9+$0x30]  }
0x106: {  	[tilespmem:s9+$0xFFFFFF20] =	vst v2;
	v2 =	vld [tilespmem:s28+$0x30];
	v4 =	vmul.f32 v6, v4  }
0x107: {  	v6 =	vld [tilespmem:s28+$0xFFFFFF30]  }
0x108: {  	[tilespmem:s9+$0xB0] =	vst v4;
	v4 =	vld [tilespmem:s9+$0xC0]  }
0x109: {  	v3 =	vmul.f32 v5, v3;
	v5 =	vld [tilespmem:s28+$0xC0]  }
0x10a: {  	v7 =	vld [tilespmem:s9+$0xFFFFFF40]  }
0x10b: {  	[tilespmem:s9+$0xFFFFFFB0] =	vst v3;
	v3 =	vld [tilespmem:s9+$0xFFFFFFC0];
	v1 =	vmul.f32 v2, v1  }
0x10c: {  	v2 =	vmul.f32 v6, v8;
	v6 =	vld [tilespmem:s28+$0xFFFFFFC0]  }
0x10d: {  	[tilespmem:s9+$0x30] =	vst v1;
	v1 =	vld [tilespmem:s9+$0x40]  }
0x10e: {  	[tilespmem:s9+$0xFFFFFF30] =	vst v2;
	v2 =	vld [tilespmem:s28+$0x40];
	v4 =	vmul.f32 v5, v4  }
0x10f: {  	v5 =	vld [tilespmem:s28+$0xFFFFFF40]  }
0x110: {  	[tilespmem:s9+$0xC0] =	vst v4;
	v4 =	vld [tilespmem:s9+$0xD0]  }
0x111: {  	v3 =	vmul.f32 v6, v3;
	v6 =	vld [tilespmem:s28+$0xD0]  }
0x112: {  	v8 =	vld [tilespmem:s9+$0xFFFFFF50]  }
0x113: {  	[tilespmem:s9+$0xFFFFFFC0] =	vst v3;
	v3 =	vld [tilespmem:s9+$0xFFFFFFD0];
	v1 =	vmul.f32 v2, v1  }
0x114: {  	v2 =	vmul.f32 v5, v7;
	v5 =	vld [tilespmem:s28+$0xFFFFFFD0]  }
0x115: {  	[tilespmem:s9+$0x40] =	vst v1;
	v1 =	vld [tilespmem:s9+$0x50]  }
0x116: {  	[tilespmem:s9+$0xFFFFFF40] =	vst v2;
	v2 =	vld [tilespmem:s28+$0x50];
	v4 =	vmul.f32 v6, v4  }
0x117: {  	v6 =	vld [tilespmem:s28+$0xFFFFFF50]  }
0x118: {  	[tilespmem:s9+$0xD0] =	vst v4;
	v4 =	vld [tilespmem:s9+$0xE0]  }
0x119: {  	v3 =	vmul.f32 v5, v3;
	v5 =	vld [tilespmem:s28+$0xE0]  }
0x11a: {  	v7 =	vld [tilespmem:s9+$0xFFFFFF60]  }
0x11b: {  	[tilespmem:s9+$0xFFFFFFD0] =	vst v3;
	v3 =	vld [tilespmem:s9+$0xFFFFFFE0];
	v1 =	vmul.f32 v2, v1  }
0x11c: {  	v2 =	vmul.f32 v6, v8;
	v6 =	vld [tilespmem:s28+$0xFFFFFFE0]  }
0x11d: {  	[tilespmem:s9+$0x50] =	vst v1;
	v8 =	vld [tilespmem:s9+$0x60]  }
0x11e: {  	[tilespmem:s9+$0xFFFFFF50] =	vst v2;
	v9 =	vld [tilespmem:s28+$0x60];
	v1 =	vmul.f32 v5, v4  }
0x11f: {  	v4 =	vld [tilespmem:s28+$0xFFFFFF60]  }
0x120: {  	[tilespmem:s9+$0xE0] =	vst v1;
	v10 =	vld [tilespmem:s9+$0xF0]  }
0x121: {  	v2 =	vmul.f32 v6, v3;
	v6 =	vld [tilespmem:s28+$0xF0]  }
0x122: {  	v1 =	vld [tilespmem:s9+$0xFFFFFF70]  }
.Ltmp1:
0x123: {  	[tilespmem:s9+$0xFFFFFFE0] =	vst v2;
	v2 =	vld [tilespmem:s9+$0xFFFFFFF0];
	v3 =	vmul.f32 v9, v8;
	(pc) =	sbr.rel @p0 .LBB2_5-.Ltmp1, $4  }
0x124: {  	v5 =	vmul.f32 v4, v7;
	v4 =	vld [tilespmem:s28+$0xFFFFFFF0]  }
0x125: {  	[tilespmem:s9+$0x60] =	vst v3;
	v3 =	vld [tilespmem:s9+$0x70]  }
0x126: {  	[tilespmem:s9+$0xFFFFFF60] =	vst v5;
	v5 =	vld [tilespmem:s28+$0x70];
	v7 =	vmul.f32 v6, v10  }
0x127: {  	s9 =	sadd.s32 $0x200, s9;
	v6 =	vld [tilespmem:s28+$0xFFFFFF70]  }
0x128: {  	_ =	sdelay $0x1  }
0x129: {  	v2 =	vmul.f32 v4, v2  }
0x12a: {  	[tilespmem:s26+$0xF0] =	vst v7;
	v3 =	vmul.f32 v5, v3  }
0x12b: {  	[tilespmem:s26+$0xFFFFFFF0] =	vst v2;
	v1 =	vmul.f32 v6, v1  }
0x12c: {  	s22 =	sadd.s32 $0x1, s22;
	[tilespmem:s26+$0x70] =	vst v3  }
0x12d: {  	p0 =	sge.u32 s22, s8;
	[tilespmem:s26+$0xFFFFFF70] =	vst v1  }
0x12e: {  	[spmem:s1] =	stream.indirect.scatter.add.f32 [tilespmem:s30], [sflag:$0x7], $0x80, s0, s12, $0xb8;
	[tilespmem:$0x1C200] =	vst v63  }
0x12f: {  	s9 =	sadd.s32 @!p0 s25, s23;
	_ =	swait.ge [sflag:s31], $0x2000  }
0x130: {  	s26 =	sshrl.u32 @!p0 s9, $0x3;
	[sflag:s31] =	ssyncset.done $0x0  }
0x131: {  	s29 =	simm.s32 @!p0 $0x0;
	s28 =	sadd.s32 @!p0 s6, s26;
	[sflag:s31] =	ssyncadd.s32 $0xFFFFE000  }
0x132: {  	[tilespmem:s29], [sflag:$0x1] =	stream.linear.gather @!p0 [hbm4b:s28+s29], $0x40, $0x38;
	[tilespmem:$0x1C200] =	vst v63  }
0x133: {  	s26 =	sadd.s32 @!p0 s7, s26;
	s28 =	simm.s32 @!p0 $0x80  }
0x134: {  	[tilespmem:s28], [sflag:$0x1] =	stream.linear.gather @!p0 [hbm4b:s26+s29], $0x40, $0x38;
	[tilespmem:$0x1C200] =	vst v63  }
0x135: {  	s26 =	simm.s32 @!p0 $0x1  }
0x136: {  	_ =	swait.ge @!p0 [sflag:s26], $0x40  }
0x137: {  	[sflag:s26] =	ssyncset.done @!p0 $0x0  }
0x138: {  	[sflag:s26] =	ssyncadd.s32 @!p0 $0xFFFFFFC0  }
0x139: {  	_ =	swait.ge @!p0 [sflag:s26], $0x40  }
0x13a: {  	s9 =	sshll.u32 @!p0 s9, $0x4;
	[sflag:s26] =	ssyncset.done @!p0 $0x0  }
0x13b: {  	s28 =	simm.s32 @!p0 $0x200;
	[sflag:s26] =	ssyncadd.s32 @!p0 $0xFFFFFFC0;
	s26 =	simm.s32 @!p0 $0x40  }
0x13c: {  	[tilespmem:s28], [sflag:$0x3] =	stream.indirect.gather @!p0 [hbm4b:s3+s26], $0x80, s29, s26, $0xb8;
	[tilespmem:$0x1C200] =	vst v63  }
0x13d: {  	s9 =	sadd.s32 @!p0 s5, s9;
	s26 =	simm.s32 @!p0 $0x2200  }
0x13e: {  	[tilespmem:s26], [sflag:$0x5] =	stream.linear.gather @!p0 [hbm4b:s9+s29], $0x2000, $0x38;
	[tilespmem:$0x1C200] =	vst v63  }
0x13f: {  	_ =	swait.ge [sflag:s18], $0x2000  }
0x140: {  	[sflag:s18] =	ssyncset.done $0x0  }
0x141: {  	[sflag:s18] =	ssyncadd.s32 $0xFFFFE000  }
0x142: {  	_ =	swait.ge [sflag:s19], $0x2000  }
0x143: {  	[sflag:s19] =	ssyncset.done $0x0  }
0x144: {  	s26 =	simm.s32 $0x6300;
	[sflag:s19] =	ssyncadd.s32 $0xFFFFE000  }
0x145: {  	s28 =	simm.s32 $0x4300;
	v1 =	vld [tilespmem:s26+$0x80]  }
0x146: {  	v2 =	vld [tilespmem:s28+$0x80]  }
0x147: {  	v3 =	vld [tilespmem:s26+$0xFFFFFF80]  }
0x148: {  	v4 =	vld [tilespmem:s28+$0xFFFFFF80]  }
0x149: {  	v5 =	vld [tilespmem:s26+$0x0]  }
0x14a: {  	v6 =	vld [tilespmem:s28+$0x0]  }
0x14b: {  	v7 =	vld [tilespmem:s26+$0xFFFFFF00];
	v1 =	vmul.f32 v2, v1  }
0x14c: {  	v2 =	vld [tilespmem:s28+$0xFFFFFF00]  }
0x14d: {  	[tilespmem:s26+$0x80] =	vst v1;
	v1 =	vld [tilespmem:s26+$0x90]  }
0x14e: {  	v3 =	vmul.f32 v4, v3;
	v4 =	vld [tilespmem:s28+$0x90]  }
0x14f: {  	v8 =	vld [tilespmem:s26+$0xFFFFFF10]  }
0x150: {  	[tilespmem:s26+$0xFFFFFF80] =	vst v3;
	v3 =	vmul.f32 v6, v5;
	v5 =	vld [tilespmem:s26+$0xFFFFFF90]  }
0x151: {  	v6 =	vld [tilespmem:s28+$0xFFFFFF90];
	v2 =	vmul.f32 v2, v7  }
0x152: {  	[tilespmem:s26+$0x0] =	vst v3;
	v3 =	vld [tilespmem:s26+$0x10]  }
0x153: {  	v7 =	vld [tilespmem:s28+$0x10];
	[tilespmem:s26+$0xFFFFFF00] =	vst v2;
	v1 =	vmul.f32 v4, v1  }
0x154: {  	v2 =	vld [tilespmem:s28+$0xFFFFFF10]  }
0x155: {  	[tilespmem:s26+$0x90] =	vst v1;
	v1 =	vld [tilespmem:s26+$0xA0]  }
0x156: {  	v4 =	vmul.f32 v6, v5;
	v5 =	vld [tilespmem:s28+$0xA0]  }
0x157: {  	v6 =	vld [tilespmem:s26+$0xFFFFFF20]  }
0x158: {  	[tilespmem:s26+$0xFFFFFF90] =	vst v4;
	v3 =	vmul.f32 v7, v3;
	v4 =	vld [tilespmem:s26+$0xFFFFFFA0]  }
0x159: {  	v7 =	vld [tilespmem:s28+$0xFFFFFFA0];
	v2 =	vmul.f32 v2, v8  }
0x15a: {  	[tilespmem:s26+$0x10] =	vst v3;
	v3 =	vld [tilespmem:s26+$0x20]  }
0x15b: {  	v8 =	vld [tilespmem:s28+$0x20];
	[tilespmem:s26+$0xFFFFFF10] =	vst v2;
	v1 =	vmul.f32 v5, v1  }
0x15c: {  	v2 =	vld [tilespmem:s28+$0xFFFFFF20]  }
0x15d: {  	[tilespmem:s26+$0xA0] =	vst v1;
	v1 =	vld [tilespmem:s26+$0xB0]  }
0x15e: {  	v4 =	vmul.f32 v7, v4;
	v5 =	vld [tilespmem:s28+$0xB0]  }
0x15f: {  	v7 =	vld [tilespmem:s26+$0xFFFFFF30]  }
0x160: {  	[tilespmem:s26+$0xFFFFFFA0] =	vst v4;
	v3 =	vmul.f32 v8, v3;
	v4 =	vld [tilespmem:s26+$0xFFFFFFB0]  }
0x161: {  	v8 =	vld [tilespmem:s28+$0xFFFFFFB0];
	v2 =	vmul.f32 v2, v6  }
0x162: {  	[tilespmem:s26+$0x20] =	vst v3;
	v3 =	vld [tilespmem:s26+$0x30]  }
0x163: {  	v6 =	vld [tilespmem:s28+$0x30];
	[tilespmem:s26+$0xFFFFFF20] =	vst v2;
	v1 =	vmul.f32 v5, v1  }
0x164: {  	v2 =	vld [tilespmem:s28+$0xFFFFFF30]  }
0x165: {  	[tilespmem:s26+$0xB0] =	vst v1;
	v1 =	vld [tilespmem:s26+$0xC0]  }
0x166: {  	v4 =	vmul.f32 v8, v4;
	v5 =	vld [tilespmem:s28+$0xC0]  }
0x167: {  	v8 =	vld [tilespmem:s26+$0xFFFFFF40]  }
0x168: {  	[tilespmem:s26+$0xFFFFFFB0] =	vst v4;
	v3 =	vmul.f32 v6, v3;
	v4 =	vld [tilespmem:s26+$0xFFFFFFC0]  }
0x169: {  	v6 =	vld [tilespmem:s28+$0xFFFFFFC0];
	v2 =	vmul.f32 v2, v7  }
0x16a: {  	[tilespmem:s26+$0x30] =	vst v3;
	v3 =	vld [tilespmem:s26+$0x40]  }
0x16b: {  	v7 =	vld [tilespmem:s28+$0x40];
	[tilespmem:s26+$0xFFFFFF30] =	vst v2;
	v1 =	vmul.f32 v5, v1  }
0x16c: {  	v2 =	vld [tilespmem:s28+$0xFFFFFF40]  }
0x16d: {  	[tilespmem:s26+$0xC0] =	vst v1;
	v1 =	vld [tilespmem:s26+$0xD0]  }
0x16e: {  	v4 =	vmul.f32 v6, v4;
	v5 =	vld [tilespmem:s28+$0xD0]  }
0x16f: {  	v6 =	vld [tilespmem:s26+$0xFFFFFF50]  }
0x170: {  	[tilespmem:s26+$0xFFFFFFC0] =	vst v4;
	v3 =	vmul.f32 v7, v3;
	v4 =	vld [tilespmem:s26+$0xFFFFFFD0]  }
0x171: {  	v7 =	vld [tilespmem:s28+$0xFFFFFFD0];
	v2 =	vmul.f32 v2, v8  }
0x172: {  	[tilespmem:s26+$0x40] =	vst v3;
	v3 =	vld [tilespmem:s26+$0x50]  }
0x173: {  	v8 =	vld [tilespmem:s28+$0x50];
	[tilespmem:s26+$0xFFFFFF40] =	vst v2;
	v1 =	vmul.f32 v5, v1  }
0x174: {  	v2 =	vld [tilespmem:s28+$0xFFFFFF50]  }
0x175: {  	[tilespmem:s26+$0xD0] =	vst v1;
	v1 =	vld [tilespmem:s26+$0xE0]  }
0x176: {  	v4 =	vmul.f32 v7, v4;
	v5 =	vld [tilespmem:s28+$0xE0]  }
0x177: {  	v7 =	vld [tilespmem:s26+$0xFFFFFF60]  }
0x178: {  	[tilespmem:s26+$0xFFFFFFD0] =	vst v4;
	v3 =	vmul.f32 v8, v3;
	v4 =	vld [tilespmem:s26+$0xFFFFFFE0]  }
0x179: {  	v8 =	vld [tilespmem:s28+$0xFFFFFFE0];
	v2 =	vmul.f32 v2, v6  }
0x17a: {  	[tilespmem:s26+$0x50] =	vst v3;
	v3 =	vld [tilespmem:s26+$0x60]  }
0x17b: {  	v6 =	vld [tilespmem:s28+$0x60];
	[tilespmem:s26+$0xFFFFFF50] =	vst v2;
	v1 =	vmul.f32 v5, v1  }
0x17c: {  	v5 =	vld [tilespmem:s28+$0xFFFFFF60]  }
0x17d: {  	v9 =	vld [tilespmem:s26+$0xF0];
	[tilespmem:s26+$0xE0] =	vst v1  }
0x17e: {  	v2 =	vmul.f32 v8, v4;
	v8 =	vld [tilespmem:s28+$0xF0]  }
0x17f: {  	v1 =	vld [tilespmem:s26+$0xFFFFFF70]  }
0x180: {  	[tilespmem:s26+$0xFFFFFFE0] =	vst v2;
	v3 =	vmul.f32 v6, v3;
	v2 =	vld [tilespmem:s26+$0xFFFFFFF0]  }
0x181: {  	v4 =	vld [tilespmem:s28+$0xFFFFFFF0];
	v5 =	vmul.f32 v5, v7  }
0x182: {  	[tilespmem:s26+$0x60] =	vst v3;
	v3 =	vld [tilespmem:s26+$0x70]  }
0x183: {  	[tilespmem:s26+$0xFFFFFF60] =	vst v5;
	v5 =	vld [tilespmem:s28+$0x70];
	v7 =	vmul.f32 v8, v9  }
0x184: {  	s29 =	simm.s32 $0x0;
	s9 =	simm.s32 $0x6500;
	v6 =	vld [tilespmem:s28+$0xFFFFFF70]  }
.LBB2_7:
0x185: {  	v8 =	vld [tilespmem:s9+$0x80];
	[tilespmem:s26+$0xF0] =	vst v7;
	s28 =	sadd.s32 $0x200, s28  }
0x186: {  	s29 =	sadd.s32 $0x4, s29;
	v7 =	vld [tilespmem:s28+$0x80];
	v2 =	vmul.f32 v4, v2  }
0x187: {  	p1 =	slt.u32 s29, $0x3C;
	v4 =	vld [tilespmem:s28+$0xFFFFFF00]  }
0x188: {  	v9 =	vld [tilespmem:s9+$0xFFFFFF80];
	[tilespmem:s26+$0xFFFFFFF0] =	vst v2;
	v2 =	vmul.f32 v5, v3  }
0x189: {  	v3 =	vld [tilespmem:s28+$0xFFFFFF80];
	v1 =	vmul.f32 v6, v1  }
0x18a: {  	v5 =	vld [tilespmem:s9+$0x0];
	[tilespmem:s26+$0x70] =	vst v2  }
0x18b: {  	v2 =	vld [tilespmem:s28+$0x0];
	v6 =	vmul.f32 v7, v8;
	[tilespmem:s26+$0xFFFFFF70] =	vst v1;
	s26 =	smov.u32 s9  }
0x18c: {  	v1 =	vld [tilespmem:s9+$0xFFFFFF00]  }
0x18d: {  	[tilespmem:s9+$0x80] =	vst v6;
	v6 =	vld [tilespmem:s9+$0x90]  }
0x18e: {  	v3 =	vmul.f32 v3, v9;
	v7 =	vld [tilespmem:s28+$0x90]  }
0x18f: {  	v8 =	vld [tilespmem:s9+$0xFFFFFF10]  }
0x190: {  	[tilespmem:s9+$0xFFFFFF80] =	vst v3;
	v3 =	vld [tilespmem:s9+$0xFFFFFF90];
	v2 =	vmul.f32 v2, v5  }
0x191: {  	v1 =	vmul.f32 v4, v1;
	v4 =	vld [tilespmem:s28+$0xFFFFFF90]  }
0x192: {  	[tilespmem:s9+$0x0] =	vst v2;
	v2 =	vld [tilespmem:s9+$0x10]  }
0x193: {  	[tilespmem:s9+$0xFFFFFF00] =	vst v1;
	v1 =	vld [tilespmem:s28+$0x10];
	v5 =	vmul.f32 v7, v6  }
0x194: {  	v6 =	vld [tilespmem:s28+$0xFFFFFF10]  }
0x195: {  	[tilespmem:s9+$0x90] =	vst v5;
	v5 =	vld [tilespmem:s9+$0xA0]  }
0x196: {  	v3 =	vmul.f32 v4, v3;
	v4 =	vld [tilespmem:s28+$0xA0]  }
0x197: {  	v7 =	vld [tilespmem:s9+$0xFFFFFF20]  }
0x198: {  	[tilespmem:s9+$0xFFFFFF90] =	vst v3;
	v3 =	vld [tilespmem:s9+$0xFFFFFFA0];
	v1 =	vmul.f32 v1, v2  }
0x199: {  	v2 =	vmul.f32 v6, v8;
	v6 =	vld [tilespmem:s28+$0xFFFFFFA0]  }
0x19a: {  	[tilespmem:s9+$0x10] =	vst v1;
	v1 =	vld [tilespmem:s9+$0x20]  }
0x19b: {  	[tilespmem:s9+$0xFFFFFF10] =	vst v2;
	v2 =	vld [tilespmem:s28+$0x20];
	v4 =	vmul.f32 v4, v5  }
0x19c: {  	v5 =	vld [tilespmem:s28+$0xFFFFFF20]  }
0x19d: {  	[tilespmem:s9+$0xA0] =	vst v4;
	v4 =	vld [tilespmem:s9+$0xB0]  }
0x19e: {  	v3 =	vmul.f32 v6, v3;
	v6 =	vld [tilespmem:s28+$0xB0]  }
0x19f: {  	v8 =	vld [tilespmem:s9+$0xFFFFFF30]  }
0x1a0: {  	[tilespmem:s9+$0xFFFFFFA0] =	vst v3;
	v3 =	vld [tilespmem:s9+$0xFFFFFFB0];
	v1 =	vmul.f32 v2, v1  }
0x1a1: {  	v2 =	vmul.f32 v5, v7;
	v5 =	vld [tilespmem:s28+$0xFFFFFFB0]  }
0x1a2: {  	[tilespmem:s9+$0x20] =	vst v1;
	v1 =	vld [tilespmem:s9+$0x30]  }
0x1a3: {  	[tilespmem:s9+$0xFFFFFF20] =	vst v2;
	v2 =	vld [tilespmem:s28+$0x30];
	v4 =	vmul.f32 v6, v4  }
0x1a4: {  	v6 =	vld [tilespmem:s28+$0xFFFFFF30]  }
0x1a5: {  	[tilespmem:s9+$0xB0] =	vst v4;
	v4 =	vld [tilespmem:s9+$0xC0]  }
0x1a6: {  	v3 =	vmul.f32 v5, v3;
	v5 =	vld [tilespmem:s28+$0xC0]  }
0x1a7: {  	v7 =	vld [tilespmem:s9+$0xFFFFFF40]  }
0x1a8: {  	[tilespmem:s9+$0xFFFFFFB0] =	vst v3;
	v3 =	vld [tilespmem:s9+$0xFFFFFFC0];
	v1 =	vmul.f32 v2, v1  }
0x1a9: {  	v2 =	vmul.f32 v6, v8;
	v6 =	vld [tilespmem:s28+$0xFFFFFFC0]  }
0x1aa: {  	[tilespmem:s9+$0x30] =	vst v1;
	v1 =	vld [tilespmem:s9+$0x40]  }
0x1ab: {  	[tilespmem:s9+$0xFFFFFF30] =	vst v2;
	v2 =	vld [tilespmem:s28+$0x40];
	v4 =	vmul.f32 v5, v4  }
0x1ac: {  	v5 =	vld [tilespmem:s28+$0xFFFFFF40]  }
0x1ad: {  	[tilespmem:s9+$0xC0] =	vst v4;
	v4 =	vld [tilespmem:s9+$0xD0]  }
0x1ae: {  	v3 =	vmul.f32 v6, v3;
	v6 =	vld [tilespmem:s28+$0xD0]  }
0x1af: {  	v8 =	vld [tilespmem:s9+$0xFFFFFF50]  }
0x1b0: {  	[tilespmem:s9+$0xFFFFFFC0] =	vst v3;
	v3 =	vld [tilespmem:s9+$0xFFFFFFD0];
	v1 =	vmul.f32 v2, v1  }
0x1b1: {  	v2 =	vmul.f32 v5, v7;
	v5 =	vld [tilespmem:s28+$0xFFFFFFD0]  }
0x1b2: {  	[tilespmem:s9+$0x40] =	vst v1;
	v1 =	vld [tilespmem:s9+$0x50]  }
0x1b3: {  	[tilespmem:s9+$0xFFFFFF40] =	vst v2;
	v2 =	vld [tilespmem:s28+$0x50];
	v4 =	vmul.f32 v6, v4  }
0x1b4: {  	v6 =	vld [tilespmem:s28+$0xFFFFFF50]  }
0x1b5: {  	[tilespmem:s9+$0xD0] =	vst v4;
	v4 =	vld [tilespmem:s9+$0xE0]  }
0x1b6: {  	v3 =	vmul.f32 v5, v3;
	v5 =	vld [tilespmem:s28+$0xE0]  }
0x1b7: {  	v7 =	vld [tilespmem:s9+$0xFFFFFF60]  }
0x1b8: {  	[tilespmem:s9+$0xFFFFFFD0] =	vst v3;
	v3 =	vld [tilespmem:s9+$0xFFFFFFE0];
	v1 =	vmul.f32 v2, v1  }
0x1b9: {  	v2 =	vmul.f32 v6, v8;
	v6 =	vld [tilespmem:s28+$0xFFFFFFE0]  }
0x1ba: {  	[tilespmem:s9+$0x50] =	vst v1;
	v8 =	vld [tilespmem:s9+$0x60]  }
0x1bb: {  	[tilespmem:s9+$0xFFFFFF50] =	vst v2;
	v9 =	vld [tilespmem:s28+$0x60];
	v1 =	vmul.f32 v5, v4  }
0x1bc: {  	v4 =	vld [tilespmem:s28+$0xFFFFFF60]  }
0x1bd: {  	[tilespmem:s9+$0xE0] =	vst v1;
	v10 =	vld [tilespmem:s9+$0xF0]  }
0x1be: {  	v2 =	vmul.f32 v6, v3;
	v6 =	vld [tilespmem:s28+$0xF0]  }
0x1bf: {  	v1 =	vld [tilespmem:s9+$0xFFFFFF70]  }
.Ltmp2:
0x1c0: {  	[tilespmem:s9+$0xFFFFFFE0] =	vst v2;
	v2 =	vld [tilespmem:s9+$0xFFFFFFF0];
	v3 =	vmul.f32 v9, v8;
	(pc) =	sbr.rel @p1 .LBB2_7-.Ltmp2, $4  }
0x1c1: {  	v5 =	vmul.f32 v4, v7;
	v4 =	vld [tilespmem:s28+$0xFFFFFFF0]  }
0x1c2: {  	[tilespmem:s9+$0x60] =	vst v3;
	v3 =	vld [tilespmem:s9+$0x70]  }
0x1c3: {  	[tilespmem:s9+$0xFFFFFF60] =	vst v5;
	v5 =	vld [tilespmem:s28+$0x70];
	v7 =	vmul.f32 v6, v10  }
0x1c4: {  	s9 =	sadd.s32 $0x200, s9;
	v6 =	vld [tilespmem:s28+$0xFFFFFF70]  }
0x1c5: {  	_ =	sdelay $0x1  }
0x1c6: {  	v2 =	vmul.f32 v4, v2  }
0x1c7: {  	[tilespmem:s26+$0xF0] =	vst v7;
	v3 =	vmul.f32 v5, v3  }
0x1c8: {  	[tilespmem:s26+$0xFFFFFFF0] =	vst v2;
	v1 =	vmul.f32 v6, v1  }
0x1c9: {  	[tilespmem:s26+$0x70] =	vst v3  }
0x1ca: {  	[tilespmem:s26+$0xFFFFFF70] =	vst v1  }
0x1cb: {  	[spmem:s1] =	stream.indirect.scatter.add.f32 [tilespmem:s15], [sflag:$0x7], $0x80, s10, s12, $0xb8;
	[tilespmem:$0x1C200] =	vst v63  }
0x1cc: {  	s9 =	sadd.s32 @!p0 s25, s24;
	_ =	swait.ge [sflag:s31], $0x2000  }
0x1cd: {  	s28 =	simm.s32 @!p0 $0x100;
	s9 =	sshrl.u32 @!p0 s9, $0x3;
	[sflag:s31] =	ssyncset.done $0x0  }
0x1ce: {  	s25 =	sadd.s32 @!p0 s6, s9;
	s26 =	simm.s32 @!p0 $0x0;
	[sflag:s31] =	ssyncadd.s32 $0xFFFFE000  }
0x1cf: {  	[tilespmem:s28], [sflag:$0x2] =	stream.linear.gather @!p0 [hbm4b:s25+s26], $0x40, $0x38;
	[tilespmem:$0x1C200] =	vst v63  }
0x1d0: {  	s9 =	sadd.s32 @!p0 s7, s9;
	s25 =	simm.s32 @!p0 $0x180  }
0x1d1: {  	[tilespmem:s25], [sflag:$0x2] =	stream.linear.gather @!p0 [hbm4b:s9+s26], $0x40, $0x38;
	[tilespmem:$0x1C200] =	vst v63  }
0x1d2: {  	p0 =	sne.s32 s22, s8  }
.Ltmp3:
0x1d3: {  	_ = 	snop;
	(pc) =	sbr.rel @p0 .LBB2_4-.Ltmp3, $1  }
0x1d4: {  	_ =	sdelay $0x3  }
0x1d5: {  	s9 =	stileid.u32;
	[bflag:$0x0] =	sbarrier.arrive $0xFFFF  }
0x1d6: {  	s9 =	sshll.u32 s9, $0x6;
	s25 =	rddreg [dreg:$0x3]  }
0x1d7: {  	s26 =	rddreg [dreg:$0xf];
	s9 =	sor.u32 $0x1C07, s9;
	s22 =	sshrl.u32 s25, $0x3  }
0x1d8: {  	[hbm:s26], [sflag:s9] =	dma.local [spmem:s22], $0x2800  }
0x1d9: {  	_ =	swait.ge [sflag:s31], $0x2800  }
0x1da: {  	s20 =	sadd.s32 $0x1, s20;
	s29 =	rddreg [dreg:$0x10]  }
0x1db: {  	p0 =	sne.s32 s20, s29  }
.Ltmp4:
0x1dc: {  	_ = 	snop;
	(pc) =	sbr.rel @p0 .LBB2_1-.Ltmp4, $3  }
0x1dd: {  	_ =	sdelay $0x1  }
0x1de: {  	[sflag:s31] =	ssyncset.done $0x0  }
0x1df: {  	[sflag:s31] =	ssyncadd.s32 $0xFFFFD800  }
0x1e0: {  	_ =	sfence.sel $0x180000  }
0x1e1: {  	[bflag:$0x0] =	sbarrier.arrive $0xFFFF  }
0x1e2: {  	_ =	strace $0x9000004A  }
0x1e3: {  	s0 =	stileid.u32;
	[bflag:$0x2] =	sbarrier.arrive $0xFFFF  }
0x1e4: {  	p0 =	sne.s32 s0, $0x0;
	s0 =	rddreg [dreg:$0x2]  }
0x1e5: {  	s0 =	sadd.s32 @!p0 $0x100000, s0  }
0x1e6: {  	[sflag:s0] =	ssyncadd.tile.s32 @!p0 $0x1;
	_ =	shalt  }
.Lfunc_end2:
_tile_overlayer_lowered:
.L_overlay_start_2:
0x1e7: {  	(tag) =	ssettag $0x2  }
0x1e8: {  	s0 =	rddreg [dreg:$0x0];
	s2 =	stileid.u32  }
0x1e9: {  	s1 =	rddreg [dreg:$0x1];
	p0 =	sne.s32 s2, $0x0  }
0x1ea: {  	s3 =	rddreg [dreg:$0x2];
	[bflag:$0x3] =	sbarrier.arrive $0xFFFF;
	s2 =	simm.s32 @!p0 $0x1C07  }
0x1eb: {  	[timem:s3], [sflag:s2] =	dma.local @!p0 [hbm:s0], s1  }
0x1ec: {  	s0 =	simm.s32 @!p0 $0x7  }
0x1ed: {  	_ =	swait.ge @!p0 [sflag:s0], s1  }
0x1ee: {  	s1 =	ssub.s32 @!p0 $0x0, s1;
	[sflag:s0] =	ssyncset.done @!p0 $0x0  }
0x1ef: {  	[sflag:s0] =	ssyncadd.s32 @!p0 s1  }
0x1f0: {  	[bflag:$0x3] =	sbarrier.arrive $0xFFFF  }
0x1f1: {  	_ =	shalt  }

// kernel: kernel.16.cloned.1.call-start
scs
__scs_entry_jumppad:
0x0: {  	(pc) =	sbr.rel $0x88, $3  }
0x1: {  	(tag) =	ssettag $0x0;
	lr =	simm.s32 $0x1  }
0x2: {  	[smem:$0x3F7A] =	sst lr;
	_ =	strace $0xD0000000  }
0x3: {  	_ = 	snop  }
0x4: {  	_ = 	snop  }
0x5: {  	_ = 	snop  }
0x6: {  	_ = 	snop  }
0x7: {  	_ = 	snop  }
__scs_overlays_trampoline_lowered:
0x8: {  	[smem:$0x3F89] =	sst s0  }
0x9: {  	[smem:$0x3F8A] =	sst s1  }
0xa: {  	[smem:$0x3F8B] =	sst s2  }
0xb: {  	[smem:$0x3F8C] =	sst s3  }
0xc: {  	[smem:$0x3F8D] =	sst s4  }
0xd: {  	[smem:$0x3F8E] =	sst s5  }
0xe: {  	[smem:$0x3F8F] =	sst s6  }
0xf: {  	[smem:$0x3F90] =	sst s7  }
0x10: {  	[smem:$0x3F91] =	sst s8  }
0x11: {  	[smem:$0x3F92] =	sst s9;
	s0 =	simm.s32 @!p0 $0x0  }
0x12: {  	s1 =	sld [smem:$0x3F78];
	s0 =	simm.s32 @p0 $0x1  }
0x13: {  	[smem:$0x3F93] =	sst s0;
	s0 =	simm.s32 @!p1 $0x0  }
0x14: {  	s2 =	sld [smem:$0x3F77];
	s0 =	simm.s32 @p1 $0x1  }
0x15: {  	[smem:$0x3F94] =	sst s0;
	s0 =	simm.s32 @!p2 $0x0  }
0x16: {  	s3 =	sld [smem:$0x3FDB];
	s0 =	simm.s32 @p2 $0x1  }
0x17: {  	s4 =	simm.s32 $0x1BF5;
	[smem:$0x3F96] =	sst s0  }
0x18: {  	s0 =	sld [smem:$0x3F79];
	_ =	swait.ge [sflag:s4], $0x0  }
0x19: {  	s7 =	sld [smem:$0x3F7A]  }
0x1a: {  	s8 =	sadd.s32 $0xFFFFE003, lr  }
0x1b: {  	s9 =	sadd.s32 $0xFFFFFEF7, lr;
	s5 =	simm.s32 $0xFFFFFFFF;
	p2 =	slt.u32 s8, $0xFFFFF086  }
0x1c: {  	p1 =	slt.u32 s9, $0xF7A;
	s5 =	simm.s32 @!p2 $0x0  }
0x1d: {  	s5 =	simm.s32 @p1 $0x1;
	p0 =	seq.s32 s7, s2  }
0x1e: {  	s7 =	smul.u32 @!p0 $0xF7A, s2;
	p2 =	seq.s32 @!p0 s5, $0x0  }
0x1f: {  	s9 =	smul.u32 $0xF7A, s1;
	s8 =	simm.s32 @!p0 $0x1BF5;
	p2 =	por !p2, p0  }
0x20: {  	[sflag:s8] =	ssyncset.s32 @!p0 $0xFFFFF086;
	s6 =	sadd.s32 @!p0 s3, s7;
	s7 =	simm.s32 @!p0 $0x108  }
0x21: {  	s3 =	sadd.s32 s3, s9;
	s6 =	sadd.s32 @!p0 $0x88, s6;
	s7 =	simm.s32 @p2 $0x1082  }
0x22: {  	[simem:s7], [sflag:s8] =	dma.local @!p0 [hbm:s6], $0xF7A  }
0x23: {  	s9 =	sor.u32 $0xD0000000, s2;
	s6 =	simm.s32 $0x108;
	_ =	swait.ge @!p0 [sflag:s8], $0x0  }
0x24: {  	s3 =	sadd.s32 $0x88, s3;
	s6 =	simm.s32 @!p1 $0x1082;
	[sflag:s4] =	ssyncset.s32 $0xFFFFF086  }
0x25: {  	[simem:s6], [sflag:s4] =	dma.local [hbm:s3], $0xF7A  }
0x26: {  	[smem:$0x3F7A] =	sst s1;
	(tag) =	ssettag s2;
	_ =	strace s9  }
0x27: {  	s1 =	sld [smem:$0x3F8A]  }
0x28: {  	s2 =	sld [smem:$0x3F8B]  }
0x29: {  	s4 =	sld [smem:$0x3F8D]  }
0x2a: {  	p0 =	seq.s32 s5, $0x0;
	s5 =	sld [smem:$0x3F8E]  }
0x2b: {  	s6 =	sld [smem:$0x3F8F]  }
0x2c: {  	s7 =	sld [smem:$0x3F90]  }
0x2d: {  	s3 =	simm.s32 $0x108;
	s8 =	sld [smem:$0x3F91]  }
0x2e: {  	s3 =	simm.s32 @!p0 $0x1082;
	s9 =	sld [smem:$0x3F92]  }
0x2f: {  	lr =	sadd.s32 s0, s3;
	s0 =	sld [smem:$0x3F89]  }
0x30: {  	s3 =	sld [smem:$0x3F8C]  }
0x31: {  	[smem:$0x3F95] =	sst s10  }
0x32: {  	s10 =	sld [smem:$0x3F93];
	_ =	sdelay $0x3  }
0x33: {  	p0 =	seq.s32 s10, $0x1;
	s10 =	sld [smem:$0x3F95];
	_ =	sdelay $0x3  }
0x34: {  	[smem:$0x3F95] =	sst s10  }
0x35: {  	s10 =	sld [smem:$0x3F94];
	_ =	sdelay $0x3  }
0x36: {  	p1 =	seq.s32 s10, $0x1;
	s10 =	sld [smem:$0x3F95];
	_ =	sdelay $0x3  }
0x37: {  	[smem:$0x3F95] =	sst s10  }
0x38: {  	s10 =	sld [smem:$0x3F96]  }
0x39: {  	_ = 	snop;
	(pc) =	sbr.ind lr, $3  }
0x3a: {  	_ = 	snop  }
0x3b: {  	_ = 	snop  }
0x3c: {  	p2 =	seq.s32 s10, $0x1;
	s10 =	sld [smem:$0x3F95]  }
0x3d: {  	_ =	shalt  }
0x3e: {  	_ =	shalt  }
0x3f: {  	_ =	shalt  }
0x40: {  	_ =	shalt  }
0x41: {  	_ =	shalt  }
0x42: {  	_ =	shalt  }
0x43: {  	_ =	shalt  }
0x44: {  	_ =	shalt  }
0x45: {  	_ =	shalt  }
0x46: {  	_ =	shalt  }
0x47: {  	_ =	shalt  }
0x48: {  	_ =	shalt  }
0x49: {  	_ =	shalt  }
0x4a: {  	_ =	shalt  }
0x4b: {  	_ =	shalt  }
0x4c: {  	_ =	shalt  }
0x4d: {  	_ =	shalt  }
0x4e: {  	_ =	shalt  }
0x4f: {  	_ =	shalt  }
0x50: {  	_ =	shalt  }
0x51: {  	_ =	shalt  }
0x52: {  	_ =	shalt  }
0x53: {  	_ =	shalt  }
0x54: {  	_ =	shalt  }
0x55: {  	_ =	shalt  }
0x56: {  	_ =	shalt  }
0x57: {  	_ =	shalt  }
0x58: {  	_ =	shalt  }
0x59: {  	_ =	shalt  }
0x5a: {  	_ =	shalt  }
0x5b: {  	_ =	shalt  }
0x5c: {  	_ =	shalt  }
0x5d: {  	_ =	shalt  }
0x5e: {  	_ =	shalt  }
0x5f: {  	_ =	shalt  }
0x60: {  	_ =	shalt  }
0x61: {  	_ =	shalt  }
0x62: {  	_ =	shalt  }
0x63: {  	_ =	shalt  }
0x64: {  	_ =	shalt  }
0x65: {  	_ =	shalt  }
0x66: {  	_ =	shalt  }
0x67: {  	_ =	shalt  }
0x68: {  	_ =	shalt  }
0x69: {  	_ =	shalt  }
0x6a: {  	_ =	shalt  }
0x6b: {  	_ =	shalt  }
0x6c: {  	_ =	shalt  }
0x6d: {  	_ =	shalt  }
0x6e: {  	_ =	shalt  }
0x6f: {  	_ =	shalt  }
0x70: {  	_ =	shalt  }
0x71: {  	_ =	shalt  }
0x72: {  	_ =	shalt  }
0x73: {  	_ =	shalt  }
0x74: {  	_ =	shalt  }
0x75: {  	_ =	shalt  }
0x76: {  	_ =	shalt  }
0x77: {  	_ =	shalt  }
0x78: {  	_ =	shalt  }
0x79: {  	_ =	shalt  }
0x7a: {  	_ =	shalt  }
0x7b: {  	_ =	shalt  }
0x7c: {  	_ =	shalt  }
0x7d: {  	_ =	shalt  }
0x7e: {  	_ =	shalt  }
0x7f: {  	_ =	shalt  }
0x80: {  	_ =	shalt  }
0x81: {  	_ =	shalt  }
0x82: {  	_ =	shalt  }
0x83: {  	_ =	shalt  }
0x84: {  	_ =	shalt  }
0x85: {  	_ =	shalt  }
0x86: {  	_ =	shalt  }
0x87: {  	_ =	shalt  }
.Lfunc_end0:
.L_simem_size_0:
called_computation.2_lowered:
.L_overlay_start_0:
0x88: {  	s2 =	sld [smem:$0x3FD9]  }
0x89: {  	s3 =	sld [smem:$0x3FFE];
	_ =	sdelay $0x1  }
0x8a: {  	s1 =	srdreg.scid  }
0x8b: {  	s0 =	sand.u32 $0x1, s1  }
0x8c: {  	s16 =	sshll.u32 s0, $0xA;
	s2 =	sadd.s32 s3, s2  }
0x8d: {  	s2 =	sadd.s32 s2, s16  }
0x8e: {  	[smem:$0x3FA1] =	sst s2  }
0x8f: {  	_ = 	snop  }
0x90: {  	(tm) =	ssettm $0x1  }
0x91: {  	s17 =	sld [smem:$0x3FFB];
	_ =	sdelay $0x3  }
0x92: {  	_ =	strace s17  }
0x93: {  	s2 =	sld [smem:$0x3FFC];
	_ =	sdelay $0x3  }
0x94: {  	_ =	strace s2  }
0x95: {  	s2 =	sld [smem:$0x3FFD];
	_ =	sdelay $0x3  }
0x96: {  	_ =	strace s2  }
0x97: {  	_ =	strace $0x8FFFFFFF  }
0x98: {  	s18 =	sld [smem:$0x3FDB];
	_ =	sdelay $0x1  }
0x99: {  	s19 =	simm.s32 $_scs_section_size  }
0x9a: {  	s4 =	simm.s32 $_size__tile_overlayer_lowered;
	s5 =	simm.s32 $_tile_overlayer_lowered  }
0x9b: {  	s22 =	simm.s32 $0x1BFF;
	s21 =	sshll.u32 s5, $0x1;
	s2 =	sadd.s32 s19, s18  }
0x9c: {  	s6 =	simm.s32 $0x0;
	s20 =	sshll.u32 s4, $0x1;
	s4 =	sadd.s32 s21, s2  }
0x9d: {  	[timem:s6], [sflag:s22] =	dma.local [hbm:s4], s20  }
0x9e: {  	_ =	swait.ge [sflag:s22], s20  }
0x9f: {  	s3 =	ssub.s32 $0x0, s20;
	[sflag:s22] =	ssyncset.done $0x0  }
0xa0: {  	[sflag:s22] =	ssyncadd.s32 s3;
	_ =	sdelay $0x1  }
0xa1: {  	s23 =	simm.s32 $0x1B8B  }
0xa2: {  	_ =	swait.ge [sflag:s23], $0x1  }
0xa3: {  	[sflag:s23] =	ssyncset.done $0x0  }
0xa4: {  	s25 =	simm.s32 $0x1B8E;
	s24 =	sld [smem:$0x3FFE];
	[sflag:s23] =	ssyncadd.s32 $0xFFFFFFFF  }
0xa5: {  	s26 =	simm.s32 $execute0_lowered;
	[smem:$0x3FD2] =	sst s25  }
0xa6: {  	s4 =	sshll.u32 s26, $0x1;
	_ =	strace $0x8000004C;
	[dreg:$0x1] =	wrdreg $0xFFFFFFFF  }
0xa7: {  	s28 =	simm.s32 $_size_execute0_lowered;
	s2 =	sadd.s32 s2, s4;
	[dreg:$0x0] =	wrdreg $0x0  }
0xa8: {  	s4 =	sshll.u32 s28, $0x1;
	[dreg:$0x2] =	wrdreg s2  }
0xa9: {  	[dreg:$0x3] =	wrdreg s4  }
0xaa: {  	[dreg:$0x4] =	wrdreg $0xC0  }
0xab: {  	_ =	task [dreg:s6], $0x5FFFF  }
0xac: {  	[dreg:$0x1] =	wrdreg $0xFFFFFFFF  }
0xad: {  	[dreg:$0x0] =	wrdreg $0x60  }
0xae: {  	[dreg:$0x2] =	wrdreg s24  }
0xaf: {  	[dreg:$0x3] =	wrdreg $0x82000  }
0xb0: {  	[dreg:$0x4] =	wrdreg $0x9  }
0xb1: {  	_ =	task.clear_ibuf [dreg:s6], $0x5FFFF;
	_ =	strace $0x9000004C  }
0xb2: {  	s29 =	simm.s32 $0x9;
	_ =	strace $0x8000004E  }
0xb3: {  	_ =	swait.ge [sflag:s29], $0x1  }
0xb4: {  	[sflag:s29] =	ssyncadd.s32 $0xFFFFFFFF  }
0xb5: {  	_ =	strace $0x9000004E  }
0xb6: {  	_ =	sfence  }
0xb7: {  	s30 =	sld [smem:$0x0];
	_ =	sdelay $0x2  }
0xb8: {  	s31 =	sshll.u32 s1, $0xD;
	s1 =	sshrl.u32 s1, $0x2  }
0xb9: {  	s3 =	sand.u32 $0x4000, s31;
	s1 =	sadd.s32 s1, s30  }
0xba: {  	s0 =	sor.u32 s3, s0;
	s1 =	sshll.u32 s1, $0x11  }
0xbb: {  	s0 =	sor.u32 s1, s0  }
0xbc: {  	s0 =	sadd.s32 $0x8F2B, s0  }
0xbd: {  	[sflag:s0] =	ssyncadd.remote.s32 $0x1  }
0xbe: {  	_ =	sfence.sel $0xFFFF  }
0xbf: {  	[dreg:$0x0] =	wrdreg $0xFFFFFFFF;
	(pc) =	sbr.abs _section_cstart, $3  }
0xc0: {  	[dreg:$0x1] =	wrdreg $0xFFFFFFFF  }
0xc1: {  	_ =	task.clear_ibuf [dreg:s6], $0x2FFFF;
	_ =	strace $0x9FFFFFFF  }
0xc2: {  	(tm) =	ssettm $0x7FFFFFFF  }
0xc3: {  	_ =	shalt  }
tec
execute0_lowered:
.L_overlay_start_1:
0x0: {  	(tag) =	ssettag $0x1  }
0x1: {  	s0 =	rddreg [dreg:$0x0]  }
0x2: {  	s1 =	rddreg [dreg:$0x1]  }
0x3: {  	s2 =	simm.s32 $0x0;
	s4 =	srdreg.scid;
	s12 =	stileid.u32  }
0x4: {  	s30 =	simm.s32 $0x2200;
	s31 =	simm.s32 $0x7;
	[smem:$0x7FF] =	sst s2  }
0x5: {  	s3 =	sadd.s32 $0x25000, s0;
	s5 =	sadd.s32 $0xA4D600, s0;
	s11 =	smul.u32 $0x50000, s12  }
0x6: {  	s6 =	sadd.s32 $0x1B000, s0;
	s4 =	sand.u32 $0x1, s4;
	s25 =	smul.u32 $0x1800, s12  }
0x7: {  	s7 =	sadd.s32 $0x11000, s0;
	_ =	strace $0x8000004D;
	s8 =	smul.u32 $0x28000, s4  }
0x8: {  	s9 =	ssub.s32 $0x2, s4;
	p0 =	seq.s32 s4, $0x0;
	s4 =	smul.u32 $0x3800, s12  }
0x9: {  	s12 =	smul.u32 $0x2800, s12;
	s10 =	sshrl.u32 s9, $0x1;
	s26 =	sshrl.u32 s11, $0x2  }
0xa: {  	s11 =	sadd.s32 $0x38000, s25;
	s0 =	sadd.s32 s8, s0;
	s9 =	ssub.s32 s9, s10  }
0xb: {  	s8 =	simm.s32 $0x70;
	s25 =	sadd.s32 s26, s1;
	s11 =	smov.u32 @p0 s4  }
0xc: {  	s8 =	simm.s32 @!p0 $0x30;
	s28 =	sadd.s32 $0x2000, s25;
	[dreg:$0x3] =	wrdreg s25  }
0xd: {  	s29 =	sadd.s32 $0x4000, s25;
	s10 =	sadd.s32 $0x6000, s25;
	[dreg:$0x4] =	wrdreg s28  }
0xe: {  	s13 =	sadd.s32 $0x8000, s25;
	s14 =	sadd.s32 $0xA000, s25;
	[dreg:$0x5] =	wrdreg s29  }
0xf: {  	s15 =	sadd.s32 $0xC000, s25;
	s16 =	sshrl.u32 s11, $0x3;
	[dreg:$0x6] =	wrdreg s10  }
0x10: {  	s20 =	sshll.u32 s11, $0x4;
	s0 =	sadd.s32 $0x4D000, s0;
	[dreg:$0x7] =	wrdreg s13  }
0x11: {  	s23 =	sor.u32 $0x80, s11;
	s24 =	sor.u32 $0xC0, s11;
	[dreg:$0x8] =	wrdreg s14  }
0x12: {  	s22 =	smax.u32 s9, $0x1;
	s26 =	sadd.s32 $0xE000, s25;
	[dreg:$0x9] =	wrdreg s15  }
0x13: {  	s17 =	sadd.s32 s6, s16;
	s18 =	sadd.s32 s7, s16;
	s4 =	sor.u32 $0x8, s16  }
0x14: {  	s21 =	sadd.s32 s5, s20;
	s0 =	sadd.s32 s12, s0;
	[dreg:$0x10] =	wrdreg s22  }
0x15: {  	[dreg:$0x11] =	wrdreg s26;
	s28 =	sadd.s32 $0x10000, s25;
	s29 =	sadd.s32 $0x12000, s25  }
0x16: {  	s10 =	simm.s32 $0x180;
	s12 =	simm.s32 $0x40;
	[dreg:$0xa] =	wrdreg s17  }
0x17: {  	s13 =	simm.s32 $0x2;
	s14 =	simm.s32 $0x4200;
	[dreg:$0xb] =	wrdreg s18  }
0x18: {  	s15 =	simm.s32 $0x6200;
	s16 =	simm.s32 $0x3;
	[dreg:$0xe] =	wrdreg s21  }
0x19: {  	s20 =	simm.s32 $0x0;
	s19 =	sadd.s32 s6, s4;
	[dreg:$0xf] =	wrdreg s0  }
0x1a: {  	s4 =	sadd.s32 s7, s4;
	s21 =	sor.u32 $0x40, s11;
	[dreg:$0x12] =	wrdreg s28  }
0x1b: {  	[dreg:$0x13] =	wrdreg s29;
	s0 =	simm.s32 $0x80;
	s11 =	simm.s32 $0x1  }
0x1c: {  	s17 =	simm.s32 $0x5;
	s18 =	simm.s32 $0x4;
	[dreg:$0xc] =	wrdreg s19  }
0x1d: {  	v0 =	vimm.f32 $0.0e+00;
	[dreg:$0xd] =	wrdreg s4;
	s4 =	simm.s32 $0x100;
	s19 =	simm.s32 $0x6  }
.LBB2_1:
0x1e: {  	s9 =	simm.s32 $0x2300  }
0x1f: {  	[tilespmem:s9+$0xFFFFFF00] =	vst v0  }
0x20: {  	[tilespmem:s9+$0xF0] =	vst v0  }
0x21: {  	[tilespmem:s9+$0xE0] =	vst v0  }
0x22: {  	[tilespmem:s9+$0xD0] =	vst v0  }
0x23: {  	[tilespmem:s9+$0xC0] =	vst v0  }
0x24: {  	[tilespmem:s9+$0xB0] =	vst v0  }
0x25: {  	[tilespmem:s9+$0xA0] =	vst v0  }
0x26: {  	[tilespmem:s9+$0x90] =	vst v0  }
0x27: {  	[tilespmem:s9+$0x80] =	vst v0  }
0x28: {  	[tilespmem:s9+$0x70] =	vst v0  }
0x29: {  	[tilespmem:s9+$0x60] =	vst v0  }
0x2a: {  	[tilespmem:s9+$0x50] =	vst v0  }
0x2b: {  	[tilespmem:s9+$0x40] =	vst v0  }
0x2c: {  	[tilespmem:s9+$0x30] =	vst v0  }
0x2d: {  	[tilespmem:s9+$0x20] =	vst v0  }
0x2e: {  	[tilespmem:s9+$0x10] =	vst v0  }
0x2f: {  	[tilespmem:s9+$0x0] =	vst v0  }
0x30: {  	[tilespmem:s9+$0xFFFFFFF0] =	vst v0  }
0x31: {  	[tilespmem:s9+$0xFFFFFFE0] =	vst v0  }
0x32: {  	[tilespmem:s9+$0xFFFFFFD0] =	vst v0  }
0x33: {  	[tilespmem:s9+$0xFFFFFFC0] =	vst v0  }
0x34: {  	[tilespmem:s9+$0xFFFFFFB0] =	vst v0  }
0x35: {  	[tilespmem:s9+$0xFFFFFFA0] =	vst v0  }
0x36: {  	[tilespmem:s9+$0xFFFFFF90] =	vst v0  }
0x37: {  	[tilespmem:s9+$0xFFFFFF80] =	vst v0  }
0x38: {  	[tilespmem:s9+$0xFFFFFF70] =	vst v0  }
0x39: {  	[tilespmem:s9+$0xFFFFFF60] =	vst v0  }
0x3a: {  	[tilespmem:s9+$0xFFFFFF50] =	vst v0  }
0x3b: {  	[tilespmem:s9+$0xFFFFFF40] =	vst v0  }
0x3c: {  	[tilespmem:s9+$0xFFFFFF30] =	vst v0  }
0x3d: {  	s22 =	simm.s32 $0x0;
	[tilespmem:s9+$0xFFFFFF20] =	vst v0  }
.LBB2_2:
0x3e: {  	s22 =	sadd.s32 $0x4, s22;
	[tilespmem:s9+$0xFFFFFF10] =	vst v0;
	s9 =	sadd.s32 $0x200, s9  }
0x3f: {  	[tilespmem:s9+$0xFFFFFF00] =	vst v0;
	p0 =	slt.u32 s22, $0x3C  }
0x40: {  	[tilespmem:s9+$0xF0] =	vst v0  }
0x41: {  	[tilespmem:s9+$0xE0] =	vst v0  }
0x42: {  	[tilespmem:s9+$0xD0] =	vst v0  }
0x43: {  	[tilespmem:s9+$0xC0] =	vst v0  }
0x44: {  	[tilespmem:s9+$0xB0] =	vst v0  }
0x45: {  	[tilespmem:s9+$0xA0] =	vst v0  }
0x46: {  	[tilespmem:s9+$0x90] =	vst v0  }
0x47: {  	[tilespmem:s9+$0x80] =	vst v0  }
0x48: {  	[tilespmem:s9+$0x70] =	vst v0  }
0x49: {  	[tilespmem:s9+$0x60] =	vst v0  }
0x4a: {  	[tilespmem:s9+$0x50] =	vst v0  }
0x4b: {  	[tilespmem:s9+$0x40] =	vst v0  }
0x4c: {  	[tilespmem:s9+$0x30] =	vst v0  }
0x4d: {  	[tilespmem:s9+$0x20] =	vst v0  }
0x4e: {  	[tilespmem:s9+$0x10] =	vst v0  }
0x4f: {  	[tilespmem:s9+$0x0] =	vst v0  }
0x50: {  	[tilespmem:s9+$0xFFFFFFF0] =	vst v0  }
0x51: {  	[tilespmem:s9+$0xFFFFFFE0] =	vst v0  }
0x52: {  	[tilespmem:s9+$0xFFFFFFD0] =	vst v0  }
0x53: {  	[tilespmem:s9+$0xFFFFFFC0] =	vst v0  }
0x54: {  	[tilespmem:s9+$0xFFFFFFB0] =	vst v0  }
0x55: {  	[tilespmem:s9+$0xFFFFFFA0] =	vst v0  }
0x56: {  	[tilespmem:s9+$0xFFFFFF90] =	vst v0  }
0x57: {  	[tilespmem:s9+$0xFFFFFF80] =	vst v0  }
0x58: {  	[tilespmem:s9+$0xFFFFFF70] =	vst v0  }
.Ltmp0:
0x59: {  	[tilespmem:s9+$0xFFFFFF60] =	vst v0;
	(pc) =	sbr.rel @p0 .LBB2_2-.Ltmp0, $4  }
0x5a: {  	[tilespmem:s9+$0xFFFFFF50] =	vst v0  }
0x5b: {  	[tilespmem:s9+$0xFFFFFF40] =	vst v0  }
0x5c: {  	[tilespmem:s9+$0xFFFFFF30] =	vst v0  }
0x5d: {  	[tilespmem:s9+$0xFFFFFF20] =	vst v0  }
0x5e: {  	[tilespmem:s9+$0xFFFFFF10] =	vst v0  }
0x5f: {  	[spmem:s25] =	stream.linear.scatter [tilespmem:s30], [sflag:$0x7], $0x2000, $0x38;
	[tilespmem:$0x1C200] =	vst v63  }
0x60: {  	_ =	swait.ge [sflag:s31], $0x2000  }
0x61: {  	[sflag:s31] =	ssyncset.done $0x0  }
0x62: {  	s29 =	rddreg [dreg:$0x4];
	[sflag:s31] =	ssyncadd.s32 $0xFFFFE000  }
0x63: {  	[spmem:s29] =	stream.linear.scatter [tilespmem:s30], [sflag:$0x7], $0x2000, $0x38;
	[tilespmem:$0x1C200] =	vst v63  }
0x64: {  	_ =	swait.ge [sflag:s31], $0x2000  }
0x65: {  	[sflag:s31] =	ssyncset.done $0x0  }
0x66: {  	s22 =	rddreg [dreg:$0x5];
	[sflag:s31] =	ssyncadd.s32 $0xFFFFE000  }
0x67: {  	[spmem:s22] =	stream.linear.scatter [tilespmem:s30], [sflag:$0x7], $0x2000, $0x38;
	[tilespmem:$0x1C200] =	vst v63  }
0x68: {  	_ =	swait.ge [sflag:s31], $0x2000  }
0x69: {  	[sflag:s31] =	ssyncset.done $0x0  }
0x6a: {  	s25 =	rddreg [dreg:$0x6];
	[sflag:s31] =	ssyncadd.s32 $0xFFFFE000  }
0x6b: {  	[spmem:s25] =	stream.linear.scatter [tilespmem:s30], [sflag:$0x7], $0x2000, $0x38;
	[tilespmem:$0x1C200] =	vst v63  }
0x6c: {  	_ =	swait.ge [sflag:s31], $0x2000  }
0x6d: {  	[sflag:s31] =	ssyncset.done $0x0  }
0x6e: {  	s26 =	rddreg [dreg:$0x7];
	[sflag:s31] =	ssyncadd.s32 $0xFFFFE000  }
0x6f: {  	[spmem:s26] =	stream.linear.scatter [tilespmem:s30], [sflag:$0x7], $0x2000, $0x38;
	[tilespmem:$0x1C200] =	vst v63  }
0x70: {  	_ =	swait.ge [sflag:s31], $0x2000  }
0x71: {  	[sflag:s31] =	ssyncset.done $0x0  }
0x72: {  	s28 =	rddreg [dreg:$0x8];
	[sflag:s31] =	ssyncadd.s32 $0xFFFFE000  }
0x73: {  	[spmem:s28] =	stream.linear.scatter [tilespmem:s30], [sflag:$0x7], $0x2000, $0x38;
	[tilespmem:$0x1C200] =	vst v63  }
0x74: {  	_ =	swait.ge [sflag:s31], $0x2000  }
0x75: {  	[sflag:s31] =	ssyncset.done $0x0  }
0x76: {  	s29 =	rddreg [dreg:$0x9];
	[sflag:s31] =	ssyncadd.s32 $0xFFFFE000  }
0x77: {  	[spmem:s29] =	stream.linear.scatter [tilespmem:s30], [sflag:$0x7], $0x2000, $0x38;
	[tilespmem:$0x1C200] =	vst v63  }
0x78: {  	_ =	swait.ge [sflag:s31], $0x2000  }
0x79: {  	[sflag:s31] =	ssyncset.done $0x0  }
0x7a: {  	s22 =	rddreg [dreg:$0x11];
	[sflag:s31] =	ssyncadd.s32 $0xFFFFE000  }
0x7b: {  	[spmem:s22] =	stream.linear.scatter [tilespmem:s30], [sflag:$0x7], $0x2000, $0x38;
	[tilespmem:$0x1C200] =	vst v63  }
0x7c: {  	_ =	swait.ge [sflag:s31], $0x2000  }
0x7d: {  	[sflag:s31] =	ssyncset.done $0x0  }
0x7e: {  	s25 =	rddreg [dreg:$0x12];
	[sflag:s31] =	ssyncadd.s32 $0xFFFFE000  }
0x7f: {  	[spmem:s25] =	stream.linear.scatter [tilespmem:s30], [sflag:$0x7], $0x2000, $0x38;
	[tilespmem:$0x1C200] =	vst v63  }
0x80: {  	_ =	swait.ge [sflag:s31], $0x2000  }
0x81: {  	[sflag:s31] =	ssyncset.done $0x0  }
0x82: {  	s26 =	rddreg [dreg:$0x13];
	[sflag:s31] =	ssyncadd.s32 $0xFFFFE000  }
0x83: {  	[spmem:s26] =	stream.linear.scatter [tilespmem:s30], [sflag:$0x7], $0x2000, $0x38;
	[tilespmem:$0x1C200] =	vst v63  }
0x84: {  	_ =	swait.ge [sflag:s31], $0x2000  }
0x85: {  	[sflag:s31] =	ssyncset.done $0x0  }
0x86: {  	[sflag:s31] =	ssyncadd.s32 $0xFFFFE000  }
0x87: {  	[bflag:$0x0] =	sbarrier.arrive $0xFFFF  }
0x88: {  	s22 =	simm.s32 $0x0;
	s28 =	rddreg [dreg:$0xa]  }
0x89: {  	[tilespmem:s22], [sflag:$0x1] =	stream.linear.gather [hbm4b:s28+s22], $0x40, $0x38;
	[tilespmem:$0x1C200] =	vst v63  }
0x8a: {  	s29 =	rddreg [dreg:$0xb]  }
0x8b: {  	[tilespmem:s0], [sflag:$0x1] =	stream.linear.gather [hbm4b:s29+s22], $0x40, $0x38;
	[tilespmem:$0x1C200] =	vst v63  }
0x8c: {  	s25 =	rddreg [dreg:$0xc]  }
0x8d: {  	[tilespmem:s4], [sflag:$0x2] =	stream.linear.gather [hbm4b:s25+s22], $0x40, $0x38;
	[tilespmem:$0x1C200] =	vst v63  }
0x8e: {  	s26 =	rddreg [dreg:$0xd]  }
0x8f: {  	[tilespmem:s10], [sflag:$0x2] =	stream.linear.gather [hbm4b:s26+s22], $0x40, $0x38;
	[tilespmem:$0x1C200] =	vst v63  }
0x90: {  	_ =	swait.ge [sflag:s11], $0x40  }
0x91: {  	[sflag:s11] =	ssyncset.done $0x0  }
0x92: {  	[sflag:s11] =	ssyncadd.s32 $0xFFFFFFC0  }
0x93: {  	_ =	swait.ge [sflag:s11], $0x40  }
0x94: {  	[sflag:s11] =	ssyncset.done $0x0  }
0x95: {  	s28 =	simm.s32 $0x200;
	[sflag:s11] =	ssyncadd.s32 $0xFFFFFFC0  }
0x96: {  	[tilespmem:s28], [sflag:$0x3] =	stream.indirect.gather [hbm4b:s3+s12], $0x80, s22, s12, $0xb8;
	[tilespmem:$0x1C200] =	vst v63  }
0x97: {  	s29 =	rddreg [dreg:$0xe]  }
0x98: {  	[tilespmem:s30], [sflag:$0x5] =	stream.linear.gather [hbm4b:s29+s22], $0x2000, $0x38;
	[tilespmem:$0x1C200] =	vst v63  }
.LBB2_4:
0x99: {  	_ =	swait.ge [sflag:s13], $0x40  }
0x9a: {  	[sflag:s13] =	ssyncset.done $0x0  }
0x9b: {  	[sflag:s13] =	ssyncadd.s32 $0xFFFFFFC0  }
0x9c: {  	s25 =	sshll.u32 s22, $0x7;
	_ =	swait.ge [sflag:s13], $0x40  }
0x9d: {  	s9 =	sadd.s32 s25, s21;
	[sflag:s13] =	ssyncset.done $0x0  }
0x9e: {  	s9 =	sshll.u32 s9, $0x4;
	[sflag:s13] =	ssyncadd.s32 $0xFFFFFFC0  }
0x9f: {  	[tilespmem:s14], [sflag:$0x4] =	stream.indirect.gather [hbm4b:s3+s12], $0x80, s4, s12, $0xb8;
	[tilespmem:$0x1C200] =	vst v63  }
0xa0: {  	s9 =	sadd.s32 s5, s9  }
0xa1: {  	[tilespmem:s15], [sflag:$0x6] =	stream.linear.gather [hbm4b:s9+s2], $0x2000, $0x38;
	[tilespmem:$0x1C200] =	vst v63  }
0xa2: {  	_ =	swait.ge [sflag:s16], $0x2000  }
0xa3: {  	[sflag:s16] =	ssyncset.done $0x0  }
0xa4: {  	[sflag:s16] =	ssyncadd.s32 $0xFFFFE000  }
0xa5: {  	_ =	swait.ge [sflag:s17], $0x2000  }
0xa6: {  	[sflag:s17] =	ssyncset.done $0x0  }
0xa7: {  	s26 =	simm.s32 $0x2300;
	[sflag:s17] =	ssyncadd.s32 $0xFFFFE000  }
0xa8: {  	s28 =	simm.s32 $0x300;
	v1 =	vld [tilespmem:s26+$0x80]  }
0xa9: {  	v2 =	vld [tilespmem:s28+$0x80]  }
0xaa: {  	v3 =	vld [tilespmem:s26+$0xFFFFFF80]  }
0xab: {  	v4 =	vld [tilespmem:s28+$0xFFFFFF80]  }
0xac: {  	v5 =	vld [tilespmem:s26+$0x0]  }
0xad: {  	v6 =	vld [tilespmem:s28+$0x0]  }
0xae: {  	v7 =	vld [tilespmem:s26+$0xFFFFFF00];
	v1 =	vmul.f32 v2, v1  }
0xaf: {  	v2 =	vld [tilespmem:s28+$0xFFFFFF00]  }
0xb0: {  	[tilespmem:s26+$0x80] =	vst v1;
	v1 =	vld [tilespmem:s26+$0x90]  }
0xb1: {  	v3 =	vmul.f32 v4, v3;
	v4 =	vld [tilespmem:s28+$0x90]  }
0xb2: {  	v8 =	vld [tilespmem:s26+$0xFFFFFF10]  }
0xb3: {  	[tilespmem:s26+$0xFFFFFF80] =	vst v3;
	v3 =	vmul.f32 v6, v5;
	v5 =	vld [tilespmem:s26+$0xFFFFFF90]  }
0xb4: {  	v6 =	vld [tilespmem:s28+$0xFFFFFF90];
	v2 =	vmul.f32 v2, v7  }
0xb5: {  	[tilespmem:s26+$0x0] =	vst v3;
	v3 =	vld [tilespmem:s26+$0x10]  }
0xb6: {  	v7 =	vld [tilespmem:s28+$0x10];
	[tilespmem:s26+$0xFFFFFF00] =	vst v2;
	v1 =	vmul.f32 v4, v1  }
0xb7: {  	v2 =	vld [tilespmem:s28+$0xFFFFFF10]  }
0xb8: {  	[tilespmem:s26+$0x90] =	vst v1;
	v1 =	vld [tilespmem:s26+$0xA0]  }
0xb9: {  	v4 =	vmul.f32 v6, v5;
	v5 =	vld [tilespmem:s28+$0xA0]  }
0xba: {  	v6 =	vld [tilespmem:s26+$0xFFFFFF20]  }
0xbb: {  	[tilespmem:s26+$0xFFFFFF90] =	vst v4;
	v3 =	vmul.f32 v7, v3;
	v4 =	vld [tilespmem:s26+$0xFFFFFFA0]  }
0xbc: {  	v7 =	vld [tilespmem:s28+$0xFFFFFFA0];
	v2 =	vmul.f32 v2, v8  }
0xbd: {  	[tilespmem:s26+$0x10] =	vst v3;
	v3 =	vld [tilespmem:s26+$0x20]  }
0xbe: {  	v8 =	vld [tilespmem:s28+$0x20];
	[tilespmem:s26+$0xFFFFFF10] =	vst v2;
	v1 =	vmul.f32 v5, v1  }
0xbf: {  	v2 =	vld [tilespmem:s28+$0xFFFFFF20]  }
0xc0: {  	[tilespmem:s26+$0xA0] =	vst v1;
	v1 =	vld [tilespmem:s26+$0xB0]  }
0xc1: {  	v4 =	vmul.f32 v7, v4;
	v5 =	vld [tilespmem:s28+$0xB0]  }
0xc2: {  	v7 =	vld [tilespmem:s26+$0xFFFFFF30]  }
0xc3: {  	[tilespmem:s26+$0xFFFFFFA0] =	vst v4;
	v3 =	vmul.f32 v8, v3;
	v4 =	vld [tilespmem:s26+$0xFFFFFFB0]  }
0xc4: {  	v8 =	vld [tilespmem:s28+$0xFFFFFFB0];
	v2 =	vmul.f32 v2, v6  }
0xc5: {  	[tilespmem:s26+$0x20] =	vst v3;
	v3 =	vld [tilespmem:s26+$0x30]  }
0xc6: {  	v6 =	vld [tilespmem:s28+$0x30];
	[tilespmem:s26+$0xFFFFFF20] =	vst v2;
	v1 =	vmul.f32 v5, v1  }
0xc7: {  	v2 =	vld [tilespmem:s28+$0xFFFFFF30]  }
0xc8: {  	[tilespmem:s26+$0xB0] =	vst v1;
	v1 =	vld [tilespmem:s26+$0xC0]  }
0xc9: {  	v4 =	vmul.f32 v8, v4;
	v5 =	vld [tilespmem:s28+$0xC0]  }
0xca: {  	v8 =	vld [tilespmem:s26+$0xFFFFFF40]  }
0xcb: {  	[tilespmem:s26+$0xFFFFFFB0] =	vst v4;
	v3 =	vmul.f32 v6, v3;
	v4 =	vld [tilespmem:s26+$0xFFFFFFC0]  }
0xcc: {  	v6 =	vld [tilespmem:s28+$0xFFFFFFC0];
	v2 =	vmul.f32 v2, v7  }
0xcd: {  	[tilespmem:s26+$0x30] =	vst v3;
	v3 =	vld [tilespmem:s26+$0x40]  }
0xce: {  	v7 =	vld [tilespmem:s28+$0x40];
	[tilespmem:s26+$0xFFFFFF30] =	vst v2;
	v1 =	vmul.f32 v5, v1  }
0xcf: {  	v2 =	vld [tilespmem:s28+$0xFFFFFF40]  }
0xd0: {  	[tilespmem:s26+$0xC0] =	vst v1;
	v1 =	vld [tilespmem:s26+$0xD0]  }
0xd1: {  	v4 =	vmul.f32 v6, v4;
	v5 =	vld [tilespmem:s28+$0xD0]  }
0xd2: {  	v6 =	vld [tilespmem:s26+$0xFFFFFF50]  }
0xd3: {  	[tilespmem:s26+$0xFFFFFFC0] =	vst v4;
	v3 =	vmul.f32 v7, v3;
	v4 =	vld [tilespmem:s26+$0xFFFFFFD0]  }
0xd4: {  	v7 =	vld [tilespmem:s28+$0xFFFFFFD0];
	v2 =	vmul.f32 v2, v8  }
0xd5: {  	[tilespmem:s26+$0x40] =	vst v3;
	v3 =	vld [tilespmem:s26+$0x50]  }
0xd6: {  	v8 =	vld [tilespmem:s28+$0x50];
	[tilespmem:s26+$0xFFFFFF40] =	vst v2;
	v1 =	vmul.f32 v5, v1  }
0xd7: {  	v2 =	vld [tilespmem:s28+$0xFFFFFF50]  }
0xd8: {  	[tilespmem:s26+$0xD0] =	vst v1;
	v1 =	vld [tilespmem:s26+$0xE0]  }
0xd9: {  	v4 =	vmul.f32 v7, v4;
	v5 =	vld [tilespmem:s28+$0xE0]  }
0xda: {  	v7 =	vld [tilespmem:s26+$0xFFFFFF60]  }
0xdb: {  	[tilespmem:s26+$0xFFFFFFD0] =	vst v4;
	v3 =	vmul.f32 v8, v3;
	v4 =	vld [tilespmem:s26+$0xFFFFFFE0]  }
0xdc: {  	v8 =	vld [tilespmem:s28+$0xFFFFFFE0];
	v2 =	vmul.f32 v2, v6  }
0xdd: {  	[tilespmem:s26+$0x50] =	vst v3;
	v3 =	vld [tilespmem:s26+$0x60]  }
0xde: {  	v6 =	vld [tilespmem:s28+$0x60];
	[tilespmem:s26+$0xFFFFFF50] =	vst v2;
	v1 =	vmul.f32 v5, v1  }
0xdf: {  	v5 =	vld [tilespmem:s28+$0xFFFFFF60]  }
0xe0: {  	v9 =	vld [tilespmem:s26+$0xF0];
	[tilespmem:s26+$0xE0] =	vst v1  }
0xe1: {  	v2 =	vmul.f32 v8, v4;
	v8 =	vld [tilespmem:s28+$0xF0]  }
0xe2: {  	v1 =	vld [tilespmem:s26+$0xFFFFFF70]  }
0xe3: {  	[tilespmem:s26+$0xFFFFFFE0] =	vst v2;
	v3 =	vmul.f32 v6, v3;
	v2 =	vld [tilespmem:s26+$0xFFFFFFF0]  }
0xe4: {  	v4 =	vld [tilespmem:s28+$0xFFFFFFF0];
	v5 =	vmul.f32 v5, v7  }
0xe5: {  	[tilespmem:s26+$0x60] =	vst v3;
	v3 =	vld [tilespmem:s26+$0x70]  }
0xe6: {  	[tilespmem:s26+$0xFFFFFF60] =	vst v5;
	v5 =	vld [tilespmem:s28+$0x70];
	v7 =	vmul.f32 v8, v9  }
0xe7: {  	s29 =	simm.s32 $0x0;
	s9 =	simm.s32 $0x2500;
	v6 =	vld [tilespmem:s28+$0xFFFFFF70]  }
.LBB2_5:
0xe8: {  	v8 =	vld [tilespmem:s9+$0x80];
	[tilespmem:s26+$0xF0] =	vst v7;
	s28 =	sadd.s32 $0x200, s28  }
0xe9: {  	s29 =	sadd.s32 $0x4, s29;
	v7 =	vld [tilespmem:s28+$0x80];
	v2 =	vmul.f32 v4, v2  }
0xea: {  	p0 =	slt.u32 s29, $0x3C;
	v4 =	vld [tilespmem:s28+$0xFFFFFF00]  }
0xeb: {  	v9 =	vld [tilespmem:s9+$0xFFFFFF80];
	[tilespmem:s26+$0xFFFFFFF0] =	vst v2;
	v2 =	vmul.f32 v5, v3  }
0xec: {  	v3 =	vld [tilespmem:s28+$0xFFFFFF80];
	v1 =	vmul.f32 v6, v1  }
0xed: {  	v5 =	vld [tilespmem:s9+$0x0];
	[tilespmem:s26+$0x70] =	vst v2  }
0xee: {  	v2 =	vld [tilespmem:s28+$0x0];
	v6 =	vmul.f32 v7, v8;
	[tilespmem:s26+$0xFFFFFF70] =	vst v1;
	s26 =	smov.u32 s9  }
0xef: {  	v1 =	vld [tilespmem:s9+$0xFFFFFF00]  }
0xf0: {  	[tilespmem:s9+$0x80] =	vst v6;
	v6 =	vld [tilespmem:s9+$0x90]  }
0xf1: {  	v3 =	vmul.f32 v3, v9;
	v7 =	vld [tilespmem:s28+$0x90]  }
0xf2: {  	v8 =	vld [tilespmem:s9+$0xFFFFFF10]  }
0xf3: {  	[tilespmem:s9+$0xFFFFFF80] =	vst v3;
	v3 =	vld [tilespmem:s9+$0xFFFFFF90];
	v2 =	vmul.f32 v2, v5  }
0xf4: {  	v1 =	vmul.f32 v4, v1;
	v4 =	vld [tilespmem:s28+$0xFFFFFF90]  }
0xf5: {  	[tilespmem:s9+$0x0] =	vst v2;
	v2 =	vld [tilespmem:s9+$0x10]  }
0xf6: {  	[tilespmem:s9+$0xFFFFFF00] =	vst v1;
	v1 =	vld [tilespmem:s28+$0x10];
	v5 =	vmul.f32 v7, v6  }
0xf7: {  	v6 =	vld [tilespmem:s28+$0xFFFFFF10]  }
0xf8: {  	[tilespmem:s9+$0x90] =	vst v5;
	v5 =	vld [tilespmem:s9+$0xA0]  }
0xf9: {  	v3 =	vmul.f32 v4, v3;
	v4 =	vld [tilespmem:s28+$0xA0]  }
0xfa: {  	v7 =	vld [tilespmem:s9+$0xFFFFFF20]  }
0xfb: {  	[tilespmem:s9+$0xFFFFFF90] =	vst v3;
	v3 =	vld [tilespmem:s9+$0xFFFFFFA0];
	v1 =	vmul.f32 v1, v2  }
0xfc: {  	v2 =	vmul.f32 v6, v8;
	v6 =	vld [tilespmem:s28+$0xFFFFFFA0]  }
0xfd: {  	[tilespmem:s9+$0x10] =	vst v1;
	v1 =	vld [tilespmem:s9+$0x20]  }
0xfe: {  	[tilespmem:s9+$0xFFFFFF10] =	vst v2;
	v2 =	vld [tilespmem:s28+$0x20];
	v4 =	vmul.f32 v4, v5  }
0xff: {  	v5 =	vld [tilespmem:s28+$0xFFFFFF20]  }
0x100: {  	[tilespmem:s9+$0xA0] =	vst v4;
	v4 =	vld [tilespmem:s9+$0xB0]  }
0x101: {  	v3 =	vmul.f32 v6, v3;
	v6 =	vld [tilespmem:s28+$0xB0]  }
0x102: {  	v8 =	vld [tilespmem:s9+$0xFFFFFF30]  }
0x103: {  	[tilespmem:s9+$0xFFFFFFA0] =	vst v3;
	v3 =	vld [tilespmem:s9+$0xFFFFFFB0];
	v1 =	vmul.f32 v2, v1  }
0x104: {  	v2 =	vmul.f32 v5, v7;
	v5 =	vld [tilespmem:s28+$0xFFFFFFB0]  }
0x105: {  	[tilespmem:s9+$0x20] =	vst v1;
	v1 =	vld [tilespmem:s9+$0x30]  }
0x106: {  	[tilespmem:s9+$0xFFFFFF20] =	vst v2;
	v2 =	vld [tilespmem:s28+$0x30];
	v4 =	vmul.f32 v6, v4  }
0x107: {  	v6 =	vld [tilespmem:s28+$0xFFFFFF30]  }
0x108: {  	[tilespmem:s9+$0xB0] =	vst v4;
	v4 =	vld [tilespmem:s9+$0xC0]  }
0x109: {  	v3 =	vmul.f32 v5, v3;
	v5 =	vld [tilespmem:s28+$0xC0]  }
0x10a: {  	v7 =	vld [tilespmem:s9+$0xFFFFFF40]  }
0x10b: {  	[tilespmem:s9+$0xFFFFFFB0] =	vst v3;
	v3 =	vld [tilespmem:s9+$0xFFFFFFC0];
	v1 =	vmul.f32 v2, v1  }
0x10c: {  	v2 =	vmul.f32 v6, v8;
	v6 =	vld [tilespmem:s28+$0xFFFFFFC0]  }
0x10d: {  	[tilespmem:s9+$0x30] =	vst v1;
	v1 =	vld [tilespmem:s9+$0x40]  }
0x10e: {  	[tilespmem:s9+$0xFFFFFF30] =	vst v2;
	v2 =	vld [tilespmem:s28+$0x40];
	v4 =	vmul.f32 v5, v4  }
0x10f: {  	v5 =	vld [tilespmem:s28+$0xFFFFFF40]  }
0x110: {  	[tilespmem:s9+$0xC0] =	vst v4;
	v4 =	vld [tilespmem:s9+$0xD0]  }
0x111: {  	v3 =	vmul.f32 v6, v3;
	v6 =	vld [tilespmem:s28+$0xD0]  }
0x112: {  	v8 =	vld [tilespmem:s9+$0xFFFFFF50]  }
0x113: {  	[tilespmem:s9+$0xFFFFFFC0] =	vst v3;
	v3 =	vld [tilespmem:s9+$0xFFFFFFD0];
	v1 =	vmul.f32 v2, v1  }
0x114: {  	v2 =	vmul.f32 v5, v7;
	v5 =	vld [tilespmem:s28+$0xFFFFFFD0]  }
0x115: {  	[tilespmem:s9+$0x40] =	vst v1;
	v1 =	vld [tilespmem:s9+$0x50]  }
0x116: {  	[tilespmem:s9+$0xFFFFFF40] =	vst v2;
	v2 =	vld [tilespmem:s28+$0x50];
	v4 =	vmul.f32 v6, v4  }
0x117: {  	v6 =	vld [tilespmem:s28+$0xFFFFFF50]  }
0x118: {  	[tilespmem:s9+$0xD0] =	vst v4;
	v4 =	vld [tilespmem:s9+$0xE0]  }
0x119: {  	v3 =	vmul.f32 v5, v3;
	v5 =	vld [tilespmem:s28+$0xE0]  }
0x11a: {  	v7 =	vld [tilespmem:s9+$0xFFFFFF60]  }
0x11b: {  	[tilespmem:s9+$0xFFFFFFD0] =	vst v3;
	v3 =	vld [tilespmem:s9+$0xFFFFFFE0];
	v1 =	vmul.f32 v2, v1  }
0x11c: {  	v2 =	vmul.f32 v6, v8;
	v6 =	vld [tilespmem:s28+$0xFFFFFFE0]  }
0x11d: {  	[tilespmem:s9+$0x50] =	vst v1;
	v8 =	vld [tilespmem:s9+$0x60]  }
0x11e: {  	[tilespmem:s9+$0xFFFFFF50] =	vst v2;
	v9 =	vld [tilespmem:s28+$0x60];
	v1 =	vmul.f32 v5, v4  }
0x11f: {  	v4 =	vld [tilespmem:s28+$0xFFFFFF60]  }
0x120: {  	[tilespmem:s9+$0xE0] =	vst v1;
	v10 =	vld [tilespmem:s9+$0xF0]  }
0x121: {  	v2 =	vmul.f32 v6, v3;
	v6 =	vld [tilespmem:s28+$0xF0]  }
0x122: {  	v1 =	vld [tilespmem:s9+$0xFFFFFF70]  }
.Ltmp1:
0x123: {  	[tilespmem:s9+$0xFFFFFFE0] =	vst v2;
	v2 =	vld [tilespmem:s9+$0xFFFFFFF0];
	v3 =	vmul.f32 v9, v8;
	(pc) =	sbr.rel @p0 .LBB2_5-.Ltmp1, $4  }
0x124: {  	v5 =	vmul.f32 v4, v7;
	v4 =	vld [tilespmem:s28+$0xFFFFFFF0]  }
0x125: {  	[tilespmem:s9+$0x60] =	vst v3;
	v3 =	vld [tilespmem:s9+$0x70]  }
0x126: {  	[tilespmem:s9+$0xFFFFFF60] =	vst v5;
	v5 =	vld [tilespmem:s28+$0x70];
	v7 =	vmul.f32 v6, v10  }
0x127: {  	s9 =	sadd.s32 $0x200, s9;
	v6 =	vld [tilespmem:s28+$0xFFFFFF70]  }
0x128: {  	_ =	sdelay $0x1  }
0x129: {  	v2 =	vmul.f32 v4, v2  }
0x12a: {  	[tilespmem:s26+$0xF0] =	vst v7;
	v3 =	vmul.f32 v5, v3  }
0x12b: {  	[tilespmem:s26+$0xFFFFFFF0] =	vst v2;
	v1 =	vmul.f32 v6, v1  }
0x12c: {  	s22 =	sadd.s32 $0x1, s22;
	[tilespmem:s26+$0x70] =	vst v3  }
0x12d: {  	p0 =	sge.u32 s22, s8;
	[tilespmem:s26+$0xFFFFFF70] =	vst v1  }
0x12e: {  	[spmem:s1] =	stream.indirect.scatter.add.f32 [tilespmem:s30], [sflag:$0x7], $0x80, s0, s12, $0xb8;
	[tilespmem:$0x1C200] =	vst v63  }
0x12f: {  	s9 =	sadd.s32 @!p0 s25, s23;
	_ =	swait.ge [sflag:s31], $0x2000  }
0x130: {  	s26 =	sshrl.u32 @!p0 s9, $0x3;
	[sflag:s31] =	ssyncset.done $0x0  }
0x131: {  	s29 =	simm.s32 @!p0 $0x0;
	s28 =	sadd.s32 @!p0 s6, s26;
	[sflag:s31] =	ssyncadd.s32 $0xFFFFE000  }
0x132: {  	[tilespmem:s29], [sflag:$0x1] =	stream.linear.gather @!p0 [hbm4b:s28+s29], $0x40, $0x38;
	[tilespmem:$0x1C200] =	vst v63  }
0x133: {  	s26 =	sadd.s32 @!p0 s7, s26;
	s28 =	simm.s32 @!p0 $0x80  }
0x134: {  	[tilespmem:s28], [sflag:$0x1] =	stream.linear.gather @!p0 [hbm4b:s26+s29], $0x40, $0x38;
	[tilespmem:$0x1C200] =	vst v63  }
0x135: {  	s26 =	simm.s32 @!p0 $0x1  }
0x136: {  	_ =	swait.ge @!p0 [sflag:s26], $0x40  }
0x137: {  	[sflag:s26] =	ssyncset.done @!p0 $0x0  }
0x138: {  	[sflag:s26] =	ssyncadd.s32 @!p0 $0xFFFFFFC0  }
0x139: {  	_ =	swait.ge @!p0 [sflag:s26], $0x40  }
0x13a: {  	s9 =	sshll.u32 @!p0 s9, $0x4;
	[sflag:s26] =	ssyncset.done @!p0 $0x0  }
0x13b: {  	s28 =	simm.s32 @!p0 $0x200;
	[sflag:s26] =	ssyncadd.s32 @!p0 $0xFFFFFFC0;
	s26 =	simm.s32 @!p0 $0x40  }
0x13c: {  	[tilespmem:s28], [sflag:$0x3] =	stream.indirect.gather @!p0 [hbm4b:s3+s26], $0x80, s29, s26, $0xb8;
	[tilespmem:$0x1C200] =	vst v63  }
0x13d: {  	s9 =	sadd.s32 @!p0 s5, s9;
	s26 =	simm.s32 @!p0 $0x2200  }
0x13e: {  	[tilespmem:s26], [sflag:$0x5] =	stream.linear.gather @!p0 [hbm4b:s9+s29], $0x2000, $0x38;
	[tilespmem:$0x1C200] =	vst v63  }
0x13f: {  	_ =	swait.ge [sflag:s18], $0x2000  }
0x140: {  	[sflag:s18] =	ssyncset.done $0x0  }
0x141: {  	[sflag:s18] =	ssyncadd.s32 $0xFFFFE000  }
0x142: {  	_ =	swait.ge [sflag:s19], $0x2000  }
0x143: {  	[sflag:s19] =	ssyncset.done $0x0  }
0x144: {  	s26 =	simm.s32 $0x6300;
	[sflag:s19] =	ssyncadd.s32 $0xFFFFE000  }
0x145: {  	s28 =	simm.s32 $0x4300;
	v1 =	vld [tilespmem:s26+$0x80]  }
0x146: {  	v2 =	vld [tilespmem:s28+$0x80]  }
0x147: {  	v3 =	vld [tilespmem:s26+$0xFFFFFF80]  }
0x148: {  	v4 =	vld [tilespmem:s28+$0xFFFFFF80]  }
0x149: {  	v5 =	vld [tilespmem:s26+$0x0]  }
0x14a: {  	v6 =	vld [tilespmem:s28+$0x0]  }
0x14b: {  	v7 =	vld [tilespmem:s26+$0xFFFFFF00];
	v1 =	vmul.f32 v2, v1  }
0x14c: {  	v2 =	vld [tilespmem:s28+$0xFFFFFF00]  }
0x14d: {  	[tilespmem:s26+$0x80] =	vst v1;
	v1 =	vld [tilespmem:s26+$0x90]  }
0x14e: {  	v3 =	vmul.f32 v4, v3;
	v4 =	vld [tilespmem:s28+$0x90]  }
0x14f: {  	v8 =	vld [tilespmem:s26+$0xFFFFFF10]  }
0x150: {  	[tilespmem:s26+$0xFFFFFF80] =	vst v3;
	v3 =	vmul.f32 v6, v5;
	v5 =	vld [tilespmem:s26+$0xFFFFFF90]  }
0x151: {  	v6 =	vld [tilespmem:s28+$0xFFFFFF90];
	v2 =	vmul.f32 v2, v7  }
0x152: {  	[tilespmem:s26+$0x0] =	vst v3;
	v3 =	vld [tilespmem:s26+$0x10]  }
0x153: {  	v7 =	vld [tilespmem:s28+$0x10];
	[tilespmem:s26+$0xFFFFFF00] =	vst v2;
	v1 =	vmul.f32 v4, v1  }
0x154: {  	v2 =	vld [tilespmem:s28+$0xFFFFFF10]  }
0x155: {  	[tilespmem:s26+$0x90] =	vst v1;
	v1 =	vld [tilespmem:s26+$0xA0]  }
0x156: {  	v4 =	vmul.f32 v6, v5;
	v5 =	vld [tilespmem:s28+$0xA0]  }
0x157: {  	v6 =	vld [tilespmem:s26+$0xFFFFFF20]  }
0x158: {  	[tilespmem:s26+$0xFFFFFF90] =	vst v4;
	v3 =	vmul.f32 v7, v3;
	v4 =	vld [tilespmem:s26+$0xFFFFFFA0]  }
0x159: {  	v7 =	vld [tilespmem:s28+$0xFFFFFFA0];
	v2 =	vmul.f32 v2, v8  }
0x15a: {  	[tilespmem:s26+$0x10] =	vst v3;
	v3 =	vld [tilespmem:s26+$0x20]  }
0x15b: {  	v8 =	vld [tilespmem:s28+$0x20];
	[tilespmem:s26+$0xFFFFFF10] =	vst v2;
	v1 =	vmul.f32 v5, v1  }
0x15c: {  	v2 =	vld [tilespmem:s28+$0xFFFFFF20]  }
0x15d: {  	[tilespmem:s26+$0xA0] =	vst v1;
	v1 =	vld [tilespmem:s26+$0xB0]  }
0x15e: {  	v4 =	vmul.f32 v7, v4;
	v5 =	vld [tilespmem:s28+$0xB0]  }
0x15f: {  	v7 =	vld [tilespmem:s26+$0xFFFFFF30]  }
0x160: {  	[tilespmem:s26+$0xFFFFFFA0] =	vst v4;
	v3 =	vmul.f32 v8, v3;
	v4 =	vld [tilespmem:s26+$0xFFFFFFB0]  }
0x161: {  	v8 =	vld [tilespmem:s28+$0xFFFFFFB0];
	v2 =	vmul.f32 v2, v6  }
0x162: {  	[tilespmem:s26+$0x20] =	vst v3;
	v3 =	vld [tilespmem:s26+$0x30]  }
0x163: {  	v6 =	vld [tilespmem:s28+$0x30];
	[tilespmem:s26+$0xFFFFFF20] =	vst v2;
	v1 =	vmul.f32 v5, v1  }
0x164: {  	v2 =	vld [tilespmem:s28+$0xFFFFFF30]  }
0x165: {  	[tilespmem:s26+$0xB0] =	vst v1;
	v1 =	vld [tilespmem:s26+$0xC0]  }
0x166: {  	v4 =	vmul.f32 v8, v4;
	v5 =	vld [tilespmem:s28+$0xC0]  }
0x167: {  	v8 =	vld [tilespmem:s26+$0xFFFFFF40]  }
0x168: {  	[tilespmem:s26+$0xFFFFFFB0] =	vst v4;
	v3 =	vmul.f32 v6, v3;
	v4 =	vld [tilespmem:s26+$0xFFFFFFC0]  }
0x169: {  	v6 =	vld [tilespmem:s28+$0xFFFFFFC0];
	v2 =	vmul.f32 v2, v7  }
0x16a: {  	[tilespmem:s26+$0x30] =	vst v3;
	v3 =	vld [tilespmem:s26+$0x40]  }
0x16b: {  	v7 =	vld [tilespmem:s28+$0x40];
	[tilespmem:s26+$0xFFFFFF30] =	vst v2;
	v1 =	vmul.f32 v5, v1  }
0x16c: {  	v2 =	vld [tilespmem:s28+$0xFFFFFF40]  }
0x16d: {  	[tilespmem:s26+$0xC0] =	vst v1;
	v1 =	vld [tilespmem:s26+$0xD0]  }
0x16e: {  	v4 =	vmul.f32 v6, v4;
	v5 =	vld [tilespmem:s28+$0xD0]  }
0x16f: {  	v6 =	vld [tilespmem:s26+$0xFFFFFF50]  }
0x170: {  	[tilespmem:s26+$0xFFFFFFC0] =	vst v4;
	v3 =	vmul.f32 v7, v3;
	v4 =	vld [tilespmem:s26+$0xFFFFFFD0]  }
0x171: {  	v7 =	vld [tilespmem:s28+$0xFFFFFFD0];
	v2 =	vmul.f32 v2, v8  }
0x172: {  	[tilespmem:s26+$0x40] =	vst v3;
	v3 =	vld [tilespmem:s26+$0x50]  }
0x173: {  	v8 =	vld [tilespmem:s28+$0x50];
	[tilespmem:s26+$0xFFFFFF40] =	vst v2;
	v1 =	vmul.f32 v5, v1  }
0x174: {  	v2 =	vld [tilespmem:s28+$0xFFFFFF50]  }
0x175: {  	[tilespmem:s26+$0xD0] =	vst v1;
	v1 =	vld [tilespmem:s26+$0xE0]  }
0x176: {  	v4 =	vmul.f32 v7, v4;
	v5 =	vld [tilespmem:s28+$0xE0]  }
0x177: {  	v7 =	vld [tilespmem:s26+$0xFFFFFF60]  }
0x178: {  	[tilespmem:s26+$0xFFFFFFD0] =	vst v4;
	v3 =	vmul.f32 v8, v3;
	v4 =	vld [tilespmem:s26+$0xFFFFFFE0]  }
0x179: {  	v8 =	vld [tilespmem:s28+$0xFFFFFFE0];
	v2 =	vmul.f32 v2, v6  }
0x17a: {  	[tilespmem:s26+$0x50] =	vst v3;
	v3 =	vld [tilespmem:s26+$0x60]  }
0x17b: {  	v6 =	vld [tilespmem:s28+$0x60];
	[tilespmem:s26+$0xFFFFFF50] =	vst v2;
	v1 =	vmul.f32 v5, v1  }
0x17c: {  	v5 =	vld [tilespmem:s28+$0xFFFFFF60]  }
0x17d: {  	v9 =	vld [tilespmem:s26+$0xF0];
	[tilespmem:s26+$0xE0] =	vst v1  }
0x17e: {  	v2 =	vmul.f32 v8, v4;
	v8 =	vld [tilespmem:s28+$0xF0]  }
0x17f: {  	v1 =	vld [tilespmem:s26+$0xFFFFFF70]  }
0x180: {  	[tilespmem:s26+$0xFFFFFFE0] =	vst v2;
	v3 =	vmul.f32 v6, v3;
	v2 =	vld [tilespmem:s26+$0xFFFFFFF0]  }
0x181: {  	v4 =	vld [tilespmem:s28+$0xFFFFFFF0];
	v5 =	vmul.f32 v5, v7  }
0x182: {  	[tilespmem:s26+$0x60] =	vst v3;
	v3 =	vld [tilespmem:s26+$0x70]  }
0x183: {  	[tilespmem:s26+$0xFFFFFF60] =	vst v5;
	v5 =	vld [tilespmem:s28+$0x70];
	v7 =	vmul.f32 v8, v9  }
0x184: {  	s29 =	simm.s32 $0x0;
	s9 =	simm.s32 $0x6500;
	v6 =	vld [tilespmem:s28+$0xFFFFFF70]  }
.LBB2_7:
0x185: {  	v8 =	vld [tilespmem:s9+$0x80];
	[tilespmem:s26+$0xF0] =	vst v7;
	s28 =	sadd.s32 $0x200, s28  }
0x186: {  	s29 =	sadd.s32 $0x4, s29;
	v7 =	vld [tilespmem:s28+$0x80];
	v2 =	vmul.f32 v4, v2  }
0x187: {  	p1 =	slt.u32 s29, $0x3C;
	v4 =	vld [tilespmem:s28+$0xFFFFFF00]  }
0x188: {  	v9 =	vld [tilespmem:s9+$0xFFFFFF80];
	[tilespmem:s26+$0xFFFFFFF0] =	vst v2;
	v2 =	vmul.f32 v5, v3  }
0x189: {  	v3 =	vld [tilespmem:s28+$0xFFFFFF80];
	v1 =	vmul.f32 v6, v1  }
0x18a: {  	v5 =	vld [tilespmem:s9+$0x0];
	[tilespmem:s26+$0x70] =	vst v2  }
0x18b: {  	v2 =	vld [tilespmem:s28+$0x0];
	v6 =	vmul.f32 v7, v8;
	[tilespmem:s26+$0xFFFFFF70] =	vst v1;
	s26 =	smov.u32 s9  }
0x18c: {  	v1 =	vld [tilespmem:s9+$0xFFFFFF00]  }
0x18d: {  	[tilespmem:s9+$0x80] =	vst v6;
	v6 =	vld [tilespmem:s9+$0x90]  }
0x18e: {  	v3 =	vmul.f32 v3, v9;
	v7 =	vld [tilespmem:s28+$0x90]  }
0x18f: {  	v8 =	vld [tilespmem:s9+$0xFFFFFF10]  }
0x190: {  	[tilespmem:s9+$0xFFFFFF80] =	vst v3;
	v3 =	vld [tilespmem:s9+$0xFFFFFF90];
	v2 =	vmul.f32 v2, v5  }
0x191: {  	v1 =	vmul.f32 v4, v1;
	v4 =	vld [tilespmem:s28+$0xFFFFFF90]  }
0x192: {  	[tilespmem:s9+$0x0] =	vst v2;
	v2 =	vld [tilespmem:s9+$0x10]  }
0x193: {  	[tilespmem:s9+$0xFFFFFF00] =	vst v1;
	v1 =	vld [tilespmem:s28+$0x10];
	v5 =	vmul.f32 v7, v6  }
0x194: {  	v6 =	vld [tilespmem:s28+$0xFFFFFF10]  }
0x195: {  	[tilespmem:s9+$0x90] =	vst v5;
	v5 =	vld [tilespmem:s9+$0xA0]  }
0x196: {  	v3 =	vmul.f32 v4, v3;
	v4 =	vld [tilespmem:s28+$0xA0]  }
0x197: {  	v7 =	vld [tilespmem:s9+$0xFFFFFF20]  }
0x198: {  	[tilespmem:s9+$0xFFFFFF90] =	vst v3;
	v3 =	vld [tilespmem:s9+$0xFFFFFFA0];
	v1 =	vmul.f32 v1, v2  }
0x199: {  	v2 =	vmul.f32 v6, v8;
	v6 =	vld [tilespmem:s28+$0xFFFFFFA0]  }
0x19a: {  	[tilespmem:s9+$0x10] =	vst v1;
	v1 =	vld [tilespmem:s9+$0x20]  }
0x19b: {  	[tilespmem:s9+$0xFFFFFF10] =	vst v2;
	v2 =	vld [tilespmem:s28+$0x20];
	v4 =	vmul.f32 v4, v5  }
0x19c: {  	v5 =	vld [tilespmem:s28+$0xFFFFFF20]  }
0x19d: {  	[tilespmem:s9+$0xA0] =	vst v4;
	v4 =	vld [tilespmem:s9+$0xB0]  }
0x19e: {  	v3 =	vmul.f32 v6, v3;
	v6 =	vld [tilespmem:s28+$0xB0]  }
0x19f: {  	v8 =	vld [tilespmem:s9+$0xFFFFFF30]  }
0x1a0: {  	[tilespmem:s9+$0xFFFFFFA0] =	vst v3;
	v3 =	vld [tilespmem:s9+$0xFFFFFFB0];
	v1 =	vmul.f32 v2, v1  }
0x1a1: {  	v2 =	vmul.f32 v5, v7;
	v5 =	vld [tilespmem:s28+$0xFFFFFFB0]  }
0x1a2: {  	[tilespmem:s9+$0x20] =	vst v1;
	v1 =	vld [tilespmem:s9+$0x30]  }
0x1a3: {  	[tilespmem:s9+$0xFFFFFF20] =	vst v2;
	v2 =	vld [tilespmem:s28+$0x30];
	v4 =	vmul.f32 v6, v4  }
0x1a4: {  	v6 =	vld [tilespmem:s28+$0xFFFFFF30]  }
0x1a5: {  	[tilespmem:s9+$0xB0] =	vst v4;
	v4 =	vld [tilespmem:s9+$0xC0]  }
0x1a6: {  	v3 =	vmul.f32 v5, v3;
	v5 =	vld [tilespmem:s28+$0xC0]  }
0x1a7: {  	v7 =	vld [tilespmem:s9+$0xFFFFFF40]  }
0x1a8: {  	[tilespmem:s9+$0xFFFFFFB0] =	vst v3;
	v3 =	vld [tilespmem:s9+$0xFFFFFFC0];
	v1 =	vmul.f32 v2, v1  }
0x1a9: {  	v2 =	vmul.f32 v6, v8;
	v6 =	vld [tilespmem:s28+$0xFFFFFFC0]  }
0x1aa: {  	[tilespmem:s9+$0x30] =	vst v1;
	v1 =	vld [tilespmem:s9+$0x40]  }
0x1ab: {  	[tilespmem:s9+$0xFFFFFF30] =	vst v2;
	v2 =	vld [tilespmem:s28+$0x40];
	v4 =	vmul.f32 v5, v4  }
0x1ac: {  	v5 =	vld [tilespmem:s28+$0xFFFFFF40]  }
0x1ad: {  	[tilespmem:s9+$0xC0] =	vst v4;
	v4 =	vld [tilespmem:s9+$0xD0]  }
0x1ae: {  	v3 =	vmul.f32 v6, v3;
	v6 =	vld [tilespmem:s28+$0xD0]  }
0x1af: {  	v8 =	vld [tilespmem:s9+$0xFFFFFF50]  }
0x1b0: {  	[tilespmem:s9+$0xFFFFFFC0] =	vst v3;
	v3 =	vld [tilespmem:s9+$0xFFFFFFD0];
	v1 =	vmul.f32 v2, v1  }
0x1b1: {  	v2 =	vmul.f32 v5, v7;
	v5 =	vld [tilespmem:s28+$0xFFFFFFD0]  }
0x1b2: {  	[tilespmem:s9+$0x40] =	vst v1;
	v1 =	vld [tilespmem:s9+$0x50]  }
0x1b3: {  	[tilespmem:s9+$0xFFFFFF40] =	vst v2;
	v2 =	vld [tilespmem:s28+$0x50];
	v4 =	vmul.f32 v6, v4  }
0x1b4: {  	v6 =	vld [tilespmem:s28+$0xFFFFFF50]  }
0x1b5: {  	[tilespmem:s9+$0xD0] =	vst v4;
	v4 =	vld [tilespmem:s9+$0xE0]  }
0x1b6: {  	v3 =	vmul.f32 v5, v3;
	v5 =	vld [tilespmem:s28+$0xE0]  }
0x1b7: {  	v7 =	vld [tilespmem:s9+$0xFFFFFF60]  }
0x1b8: {  	[tilespmem:s9+$0xFFFFFFD0] =	vst v3;
	v3 =	vld [tilespmem:s9+$0xFFFFFFE0];
	v1 =	vmul.f32 v2, v1  }
0x1b9: {  	v2 =	vmul.f32 v6, v8;
	v6 =	vld [tilespmem:s28+$0xFFFFFFE0]  }
0x1ba: {  	[tilespmem:s9+$0x50] =	vst v1;
	v8 =	vld [tilespmem:s9+$0x60]  }
0x1bb: {  	[tilespmem:s9+$0xFFFFFF50] =	vst v2;
	v9 =	vld [tilespmem:s28+$0x60];
	v1 =	vmul.f32 v5, v4  }
0x1bc: {  	v4 =	vld [tilespmem:s28+$0xFFFFFF60]  }
0x1bd: {  	[tilespmem:s9+$0xE0] =	vst v1;
	v10 =	vld [tilespmem:s9+$0xF0]  }
0x1be: {  	v2 =	vmul.f32 v6, v3;
	v6 =	vld [tilespmem:s28+$0xF0]  }
0x1bf: {  	v1 =	vld [tilespmem:s9+$0xFFFFFF70]  }
.Ltmp2:
0x1c0: {  	[tilespmem:s9+$0xFFFFFFE0] =	vst v2;
	v2 =	vld [tilespmem:s9+$0xFFFFFFF0];
	v3 =	vmul.f32 v9, v8;
	(pc) =	sbr.rel @p1 .LBB2_7-.Ltmp2, $4  }
0x1c1: {  	v5 =	vmul.f32 v4, v7;
	v4 =	vld [tilespmem:s28+$0xFFFFFFF0]  }
0x1c2: {  	[tilespmem:s9+$0x60] =	vst v3;
	v3 =	vld [tilespmem:s9+$0x70]  }
0x1c3: {  	[tilespmem:s9+$0xFFFFFF60] =	vst v5;
	v5 =	vld [tilespmem:s28+$0x70];
	v7 =	vmul.f32 v6, v10  }
0x1c4: {  	s9 =	sadd.s32 $0x200, s9;
	v6 =	vld [tilespmem:s28+$0xFFFFFF70]  }
0x1c5: {  	_ =	sdelay $0x1  }
0x1c6: {  	v2 =	vmul.f32 v4, v2  }
0x1c7: {  	[tilespmem:s26+$0xF0] =	vst v7;
	v3 =	vmul.f32 v5, v3  }
0x1c8: {  	[tilespmem:s26+$0xFFFFFFF0] =	vst v2;
	v1 =	vmul.f32 v6, v1  }
0x1c9: {  	[tilespmem:s26+$0x70] =	vst v3  }
0x1ca: {  	[tilespmem:s26+$0xFFFFFF70] =	vst v1  }
0x1cb: {  	[spmem:s1] =	stream.indirect.scatter.add.f32 [tilespmem:s15], [sflag:$0x7], $0x80, s10, s12, $0xb8;
	[tilespmem:$0x1C200] =	vst v63  }
0x1cc: {  	s9 =	sadd.s32 @!p0 s25, s24;
	_ =	swait.ge [sflag:s31], $0x2000  }
0x1cd: {  	s28 =	simm.s32 @!p0 $0x100;
	s9 =	sshrl.u32 @!p0 s9, $0x3;
	[sflag:s31] =	ssyncset.done $0x0  }
0x1ce: {  	s25 =	sadd.s32 @!p0 s6, s9;
	s26 =	simm.s32 @!p0 $0x0;
	[sflag:s31] =	ssyncadd.s32 $0xFFFFE000  }
0x1cf: {  	[tilespmem:s28], [sflag:$0x2] =	stream.linear.gather @!p0 [hbm4b:s25+s26], $0x40, $0x38;
	[tilespmem:$0x1C200] =	vst v63  }
0x1d0: {  	s9 =	sadd.s32 @!p0 s7, s9;
	s25 =	simm.s32 @!p0 $0x180  }
0x1d1: {  	[tilespmem:s25], [sflag:$0x2] =	stream.linear.gather @!p0 [hbm4b:s9+s26], $0x40, $0x38;
	[tilespmem:$0x1C200] =	vst v63  }
0x1d2: {  	p0 =	sne.s32 s22, s8  }
.Ltmp3:
0x1d3: {  	_ = 	snop;
	(pc) =	sbr.rel @p0 .LBB2_4-.Ltmp3, $1  }
0x1d4: {  	_ =	sdelay $0x3  }
0x1d5: {  	s9 =	stileid.u32;
	[bflag:$0x0] =	sbarrier.arrive $0xFFFF  }
0x1d6: {  	s9 =	sshll.u32 s9, $0x6;
	s25 =	rddreg [dreg:$0x3]  }
0x1d7: {  	s26 =	rddreg [dreg:$0xf];
	s9 =	sor.u32 $0x1C07, s9;
	s22 =	sshrl.u32 s25, $0x3  }
0x1d8: {  	[hbm:s26], [sflag:s9] =	dma.local [spmem:s22], $0x2800  }
0x1d9: {  	_ =	swait.ge [sflag:s31], $0x2800  }
0x1da: {  	s20 =	sadd.s32 $0x1, s20;
	s29 =	rddreg [dreg:$0x10]  }
0x1db: {  	p0 =	sne.s32 s20, s29  }
.Ltmp4:
0x1dc: {  	_ = 	snop;
	(pc) =	sbr.rel @p0 .LBB2_1-.Ltmp4, $3  }
0x1dd: {  	_ =	sdelay $0x1  }
0x1de: {  	[sflag:s31] =	ssyncset.done $0x0  }
0x1df: {  	[sflag:s31] =	ssyncadd.s32 $0xFFFFD800  }
0x1e0: {  	_ =	sfence.sel $0x180000  }
0x1e1: {  	[bflag:$0x0] =	sbarrier.arrive $0xFFFF  }
0x1e2: {  	_ =	strace $0x9000004D  }
0x1e3: {  	s0 =	stileid.u32;
	[bflag:$0x2] =	sbarrier.arrive $0xFFFF  }
0x1e4: {  	p0 =	sne.s32 s0, $0x0;
	s0 =	rddreg [dreg:$0x2]  }
0x1e5: {  	s0 =	sadd.s32 @!p0 $0x100000, s0  }
0x1e6: {  	[sflag:s0] =	ssyncadd.tile.s32 @!p0 $0x1;
	_ =	shalt  }
.Lfunc_end2:
_tile_overlayer_lowered:
.L_overlay_start_2:
0x1e7: {  	(tag) =	ssettag $0x2  }
0x1e8: {  	s0 =	rddreg [dreg:$0x0];
	s2 =	stileid.u32  }
0x1e9: {  	s1 =	rddreg [dreg:$0x1];
	p0 =	sne.s32 s2, $0x0  }
0x1ea: {  	s3 =	rddreg [dreg:$0x2];
	[bflag:$0x3] =	sbarrier.arrive $0xFFFF;
	s2 =	simm.s32 @!p0 $0x1C07  }
0x1eb: {  	[timem:s3], [sflag:s2] =	dma.local @!p0 [hbm:s0], s1  }
0x1ec: {  	s0 =	simm.s32 @!p0 $0x7  }
0x1ed: {  	_ =	swait.ge @!p0 [sflag:s0], s1  }
0x1ee: {  	s1 =	ssub.s32 @!p0 $0x0, s1;
	[sflag:s0] =	ssyncset.done @!p0 $0x0  }
0x1ef: {  	[sflag:s0] =	ssyncadd.s32 @!p0 s1  }
0x1f0: {  	[bflag:$0x3] =	sbarrier.arrive $0xFFFF  }
0x1f1: {  	_ =	shalt  }

</sc_bundles>
